<compile_context>
chip_gen: v7x
topology: tpu7x:2x2x1
jax: 0.10.2.dev20260603
libtpu: 0.0.44.dev20260713+nightly
codegen_flags: <defaults>
</compile_context>

<pallas_src>
import functools

import jax
import jax.numpy as jnp
from jax import lax
from jax.experimental import pallas as pl
from jax.experimental.pallas import tpu as pltpu
from jax.experimental.pallas import tpu_sc as plsc

N = 10000
DH = 256
NC = 2
NS = 16
L = 16
EB = 128
EBP = 104
TR = 624
TAIL0 = NS * TR
TAIL = N - TAIL0
DUMMY = N
ACC_ROWS = N + 16
F32 = jnp.float32


def _sc_mesh():
    return plsc.VectorSubcoreMesh(core_axis_name="c", subcore_axis_name="s")


@functools.lru_cache(maxsize=None)
def _make_deg(nblk):
    half = nblk // 2

    @functools.partial(
        pl.kernel,
        out_type=jax.ShapeDtypeStruct((2 * N, 128), F32),
        mesh=_sc_mesh(),
        scratch_types=[
            pltpu.VMEM((nblk, EB), jnp.int32),
            pltpu.VMEM((EB, 128), F32),
            pltpu.VMEM_SHARED((ACC_ROWS, 128), F32),
        ],
    )
    def deg_kernel(dst_hbm, ones_hbm, init_hbm, out_hbm, dst_v, ones_v, acc):
        c = lax.axis_index("c")
        s = lax.axis_index("s")
        base = s * TR
        pltpu.sync_copy(dst_hbm.at[s], dst_v)
        pltpu.sync_copy(ones_hbm, ones_v)
        pltpu.sync_copy(init_hbm.at[c, pl.ds(0, TR)], acc.at[pl.ds(base, TR)])

        @pl.when(s == 0)
        def _():
            pltpu.sync_copy(init_hbm.at[c, pl.ds(0, ACC_ROWS - TAIL0)],
                            acc.at[pl.ds(TAIL0, ACC_ROWS - TAIL0)])

        plsc.subcore_barrier()

        def blk(j, carry):
            pltpu.sync_copy(ones_v, acc.at[dst_v.at[j]], add=True)
            return carry

        lax.fori_loop(c * half, (c + 1) * half, blk, 0)
        plsc.subcore_barrier()
        pltpu.sync_copy(acc.at[pl.ds(base, TR)],
                        out_hbm.at[pl.ds(c * N + base, TR)])

        @pl.when(s == 0)
        def _():
            pltpu.sync_copy(acc.at[pl.ds(TAIL0, TAIL)],
                            out_hbm.at[pl.ds(c * N + TAIL0, TAIL)])

    return deg_kernel


@functools.lru_cache(maxsize=None)
def _make_prop(n_chunks, nblk):
    rows = n_chunks * N
    ept = nblk * EBP

    @functools.partial(
        pl.kernel,
        out_type=jax.ShapeDtypeStruct((rows, 128), F32),
        mesh=_sc_mesh(),
        scratch_types=[
            pltpu.VMEM((ept,), jnp.int32),
            pltpu.VMEM((nblk, EBP), jnp.int32),
            pltpu.VMEM((EBP, 128), F32),
            pltpu.VMEM((EBP, 128), F32),
            pltpu.VMEM_SHARED((ACC_ROWS, 128), F32),
            pltpu.SemaphoreType.DMA,
            pltpu.SemaphoreType.DMA,
        ],
    )
    def prop_kernel(src_hbm, dst_hbm, y_hbm, out_hbm,
                    src_v, dst_v, mb0, mb1, acc, sem0, sem1):
        c = lax.axis_index("c")
        s = lax.axis_index("s")
        base = s * TR
        last = nblk - 1
        pltpu.sync_copy(src_hbm.at[s], src_v)
        pltpu.sync_copy(dst_hbm.at[s], dst_v)
        for i in range(n_chunks // 2):
            delta = c * N if i == 0 else 2 * N

            def offs(t, carry):
                sl = pl.ds(t * L, L)
                src_v[sl] = src_v[sl] + delta
                return carry

            lax.fori_loop(0, ept // L, offs, 0)
            k = 2 * i + c
            row0 = k * N
            pltpu.sync_copy(y_hbm.at[pl.ds(row0 + base, TR)],
                            acc.at[pl.ds(base, TR)])

            @pl.when(s == 0)
            def _():
                pltpu.sync_copy(y_hbm.at[pl.ds(row0 + TAIL0, TAIL)],
                                acc.at[pl.ds(TAIL0, TAIL)])

            plsc.subcore_barrier()

            pltpu.async_copy(y_hbm.at[src_v.at[pl.ds(0, EBP)]], mb0, sem0)

            def blk(g, carry):
                j0 = 2 * g
                j1 = 2 * g + 1
                pltpu.async_copy(y_hbm.at[src_v.at[pl.ds(j1 * EBP, EBP)]],
                                 mb1, sem1)
                pltpu.make_async_copy(y_hbm.at[pl.ds(0, EBP)], mb0,
                                      sem0).wait()
                pltpu.sync_copy(mb0, acc.at[dst_v.at[j0]], add=True)
                jn = lax.min(j0 + 2, last)
                pltpu.async_copy(y_hbm.at[src_v.at[pl.ds(jn * EBP, EBP)]],
                                 mb0, sem0)
                pltpu.make_async_copy(y_hbm.at[pl.ds(0, EBP)], mb1,
                                      sem1).wait()
                pltpu.sync_copy(mb1, acc.at[dst_v.at[j1]], add=True)
                return carry

            lax.fori_loop(0, nblk // 2, blk, 0)
            pltpu.make_async_copy(y_hbm.at[pl.ds(0, EBP)], mb0, sem0).wait()
            plsc.subcore_barrier()
            pltpu.sync_copy(acc.at[pl.ds(base, TR)],
                            out_hbm.at[pl.ds(row0 + base, TR)])

            @pl.when(s == 0)
            def _():
                pltpu.sync_copy(acc.at[pl.ds(TAIL0, TAIL)],
                                out_hbm.at[pl.ds(row0 + TAIL0, TAIL)])

            plsc.subcore_barrier()

    return prop_kernel


RB = 2000


def _scale_body(degp1_ref, x_ref, h1_ref, h2_ref, dinv_ref, y_ref):
    dinv = lax.rsqrt(degp1_ref[0, :, :16] + degp1_ref[1, :, :16])
    dinv_ref[...] = dinv
    dv = dinv[:, 0:1]
    y_ref[0] = x_ref[:, :128] * dv
    y_ref[1] = x_ref[:, 128:] * dv
    y_ref[2] = h1_ref[:, :128] * dv
    y_ref[3] = h1_ref[:, 128:] * dv
    y_ref[4] = h2_ref[:, :128] * dv
    y_ref[5] = h2_ref[:, 128:] * dv


def _scale_call(degp1, x, h1, h2):
    return pl.pallas_call(
        _scale_body,
        grid=(N // RB,),
        in_specs=[
            pl.BlockSpec((2, RB, 128), lambda i: (0, i, 0)),
            pl.BlockSpec((RB, DH), lambda i: (i, 0)),
            pl.BlockSpec((RB, DH), lambda i: (i, 0)),
            pl.BlockSpec((RB, DH), lambda i: (i, 0)),
        ],
        out_specs=[
            pl.BlockSpec((RB, 16), lambda i: (i, 0)),
            pl.BlockSpec((6, RB, 128), lambda i: (0, i, 0)),
        ],
        out_shape=[
            jax.ShapeDtypeStruct((N, 16), F32),
            jax.ShapeDtypeStruct((6, N, 128), F32),
        ],
    )(degp1, x, h1, h2)


def _zr_body(dx_ref, dh_ref, dinv_ref, h_ref, wzr_ref, bzr_ref, wxh_ref,
             z_ref, yrh_ref, xh_ref):
    dv = dinv_ref[:, 0:1]
    u0 = dx_ref[0] * dv
    u1 = dx_ref[1] * dv
    v0 = dh_ref[0] * dv
    v1 = dh_ref[1] * dv
    zr = (jnp.dot(u0, wzr_ref[0], preferred_element_type=F32)
          + jnp.dot(u1, wzr_ref[1], preferred_element_type=F32)
          + jnp.dot(v0, wzr_ref[2], preferred_element_type=F32)
          + jnp.dot(v1, wzr_ref[3], preferred_element_type=F32)
          + bzr_ref[...])
    z = jax.nn.sigmoid(zr[:, :DH])
    r = jax.nn.sigmoid(zr[:, DH:])
    z_ref[...] = z
    rh = r * h_ref[...]
    yrh_ref[0] = rh[:, :128] * dv
    yrh_ref[1] = rh[:, 128:] * dv
    xh_ref[...] = (jnp.dot(u0, wxh_ref[0], preferred_element_type=F32)
                   + jnp.dot(u1, wxh_ref[1], preferred_element_type=F32))


def _zr_call(dx, dh, dinv16, hl, wzr, bzr, wxh):
    return pl.pallas_call(
        _zr_body,
        grid=(N // RB,),
        in_specs=[
            pl.BlockSpec((2, RB, 128), lambda i: (0, i, 0)),
            pl.BlockSpec((2, RB, 128), lambda i: (0, i, 0)),
            pl.BlockSpec((RB, 16), lambda i: (i, 0)),
            pl.BlockSpec((RB, DH), lambda i: (i, 0)),
            pl.BlockSpec((4, 128, 2 * DH), lambda i: (0, 0, 0)),
            pl.BlockSpec((1, 2 * DH), lambda i: (0, 0)),
            pl.BlockSpec((2, 128, DH), lambda i: (0, 0, 0)),
        ],
        out_specs=[
            pl.BlockSpec((RB, DH), lambda i: (i, 0)),
            pl.BlockSpec((2, RB, 128), lambda i: (0, i, 0)),
            pl.BlockSpec((RB, DH), lambda i: (i, 0)),
        ],
        out_shape=[
            jax.ShapeDtypeStruct((N, DH), F32),
            jax.ShapeDtypeStruct((2, N, 128), F32),
            jax.ShapeDtypeStruct((N, DH), F32),
        ],
    )(dx, dh, dinv16, hl, wzr, bzr, wxh)


def _h_body(drh_ref, dinv_ref, xh_ref, z_ref, h_ref, whh_ref, bh_ref,
            hp_ref, yx_ref):
    dv = dinv_ref[:, 0:1]
    w0 = drh_ref[0] * dv
    w1 = drh_ref[1] * dv
    ht = jnp.tanh(xh_ref[...]
                  + jnp.dot(w0, whh_ref[0], preferred_element_type=F32)
                  + jnp.dot(w1, whh_ref[1], preferred_element_type=F32)
                  + bh_ref[...])
    z = z_ref[...]
    hp = z * h_ref[...] + (1.0 - z) * ht
    hp_ref[...] = hp
    yx_ref[0] = hp[:, :128] * dv
    yx_ref[1] = hp[:, 128:] * dv


def _h_call(drh, dinv16, xh, z, hl, whh, bh):
    return pl.pallas_call(
        _h_body,
        grid=(N // RB,),
        in_specs=[
            pl.BlockSpec((2, RB, 128), lambda i: (0, i, 0)),
            pl.BlockSpec((RB, 16), lambda i: (i, 0)),
            pl.BlockSpec((RB, DH), lambda i: (i, 0)),
            pl.BlockSpec((RB, DH), lambda i: (i, 0)),
            pl.BlockSpec((RB, DH), lambda i: (i, 0)),
            pl.BlockSpec((2, 128, DH), lambda i: (0, 0, 0)),
            pl.BlockSpec((1, DH), lambda i: (0, 0)),
        ],
        out_specs=[
            pl.BlockSpec((RB, DH), lambda i: (i, 0)),
            pl.BlockSpec((2, RB, 128), lambda i: (0, i, 0)),
        ],
        out_shape=[
            jax.ShapeDtypeStruct((N, DH), F32),
            jax.ShapeDtypeStruct((2, N, 128), F32),
        ],
    )(drh, dinv16, xh, z, hl, whh, bh)


def _layer_weights(p):
    top = jnp.concatenate([p["Wxz"], p["Wxr"]], axis=1)
    bot = jnp.concatenate([p["Whz"], p["Whr"]], axis=1)
    wzr = jnp.concatenate([top, bot], axis=0).reshape(4, 128, 2 * DH)
    bzr = jnp.concatenate([p["bxz"] + p["bhz"],
                           p["bxr"] + p["bhr"]]).reshape(1, 2 * DH)
    wxh = p["Wxh"].reshape(2, 128, DH)
    whh = p["Whh"].reshape(2, 128, DH)
    bh = (p["bxh"] + p["bhh"]).reshape(1, DH)
    return wzr, bzr, wxh, whh, bh


def kernel(inp, edgidx, h, params):
    src = edgidx[0].astype(jnp.int32)
    dst = edgidx[1].astype(jnp.int32)
    e = src.shape[0]
    nblkd = 2 * (-(-e // (2 * NS * EB)))
    padd = NS * nblkd * EB - e
    dst3 = jnp.concatenate(
        [dst, jnp.full((padd,), DUMMY, jnp.int32)]).reshape(NS, nblkd, EB)
    nblkp = 2 * (-(-e // (2 * NS * EBP)))
    padp = NS * nblkp * EBP - e
    srcf = jnp.concatenate(
        [src, jnp.zeros((padp,), jnp.int32)]).reshape(NS, nblkp * EBP)
    dstp = jnp.concatenate(
        [dst, jnp.full((padp,), DUMMY, jnp.int32)]).reshape(NS, nblkp, EBP)

    prop6 = _make_prop(6, nblkp)
    prop2 = _make_prop(2, nblkp)

    ones = jnp.ones((EB, 128), F32)
    init = jnp.stack([jnp.ones((TR, 128), F32), jnp.zeros((TR, 128), F32)])
    degp1 = _make_deg(nblkd)(dst3, ones, init).reshape(2, N, 128)

    h1, h2 = h[0], h[1]
    dinv16, y6 = _scale_call(degp1, inp, h1, h2)

    d6 = prop6(srcf, dstp, y6.reshape(6 * N, 128)).reshape(6, N, 128)
    dx1, dh1, dh2 = d6[0:2], d6[2:4], d6[4:6]

    wzr1, bzr1, wxh1, whh1, bh1 = _layer_weights(params[0])
    wzr2, bzr2, wxh2, whh2, bh2 = _layer_weights(params[1])

    z1, yrh1, xh1 = _zr_call(dx1, dh1, dinv16, h1, wzr1, bzr1, wxh1)
    drh1 = prop2(srcf, dstp, yrh1.reshape(2 * N, 128)).reshape(2, N, 128)
    hp1, yx2 = _h_call(drh1, dinv16, xh1, z1, h1, whh1, bh1)

    dx2 = prop2(srcf, dstp, yx2.reshape(2 * N, 128)).reshape(2, N, 128)
    z2, yrh2, xh2 = _zr_call(dx2, dh2, dinv16, h2, wzr2, bzr2, wxh2)
    drh2 = prop2(srcf, dstp, yrh2.reshape(2 * N, 128)).reshape(2, N, 128)
    hp2, _ = _h_call(drh2, dinv16, xh2, z2, h2, whh2, bh2)

    h_out = jnp.stack([hp1, hp2], axis=0)
    return (h_out, h_out)

# --- scband reference (transcript-rebuilt; emitter-appended) ---
"""Pipeline reference for scband-graph-gru-gcn-58866821759297 (READ-ONLY COPY).

The authoritative reference and input builder live on the scoring server;
editing this copy changes nothing except your own understanding.
"""

import jax, jax.numpy as jnp
import numpy as np

N_NODES = 10000
N_LAYER = 2
D_IN = 256
D_H = 256


def _gcn_conv(x, W, b, src, dst, norm, n_nodes):
    # GCNConv: x -> D^{-1/2} (A + I) D^{-1/2} (x W) + b
    xw = x @ W
    msg = xw[src] * norm[:, None]
    out = jax.ops.segment_sum(msg, dst, num_segments=n_nodes)
    return out + b


def setup_inputs(seed: int = 0) -> dict:
    key = jax.random.key(seed)
    ks = jax.random.split(key, 8)
    inp = jax.random.normal(ks[0], (N_NODES, D_IN), dtype=jnp.float32)
    edgidx = jax.random.randint(ks[1], (2, 160000), 0, N_NODES).astype(jnp.int64)
    h = jax.random.normal(ks[2], (N_LAYER, N_NODES, D_H), dtype=jnp.float32)
    # learned GCNConv parameters: 6 convs per layer (xz, hz, xr, hr, xh, hh)
    params = []
    pk = ks[3]
    for l in range(N_LAYER):
        d_in = D_IN if l == 0 else D_H
        layer = {}
        for nm, di in [("xz", d_in), ("hz", D_H), ("xr", d_in), ("hr", D_H), ("xh", d_in), ("hh", D_H)]:
            pk, k1, k2 = jax.random.split(pk, 3)
            layer["W" + nm] = jax.random.normal(k1, (di, D_H), dtype=jnp.float32) * (1.0 / np.sqrt(di))
            layer["b" + nm] = jnp.zeros((D_H,), dtype=jnp.float32)
        params.append(layer)
    return {"inp": inp, "edgidx": edgidx, "h": h, "params": params}


def reference(inp, edgidx, h, params):
    n_nodes = inp.shape[0]
    # add self loops (GCNConv default)
    loop = jnp.arange(n_nodes, dtype=edgidx.dtype)
    src = jnp.concatenate([edgidx[0], loop])
    dst = jnp.concatenate([edgidx[1], loop])
    deg = jax.ops.segment_sum(jnp.ones_like(dst, dtype=jnp.float32), dst, num_segments=n_nodes)
    dinv = jnp.where(deg > 0, jax.lax.rsqrt(deg), 0.0)
    norm = dinv[src] * dinv[dst]

    h_outs = []
    x_in = inp
    for i in range(N_LAYER):
        p = params[i]
        gc = lambda x, W, b: _gcn_conv(x, W, b, src, dst, norm, n_nodes)
        z_g = jax.nn.sigmoid(gc(x_in, p["Wxz"], p["bxz"]) + gc(h[i], p["Whz"], p["bhz"]))
        r_g = jax.nn.sigmoid(gc(x_in, p["Wxr"], p["bxr"]) + gc(h[i], p["Whr"], p["bhr"]))
        h_tilde = jnp.tanh(gc(x_in, p["Wxh"], p["bxh"]) + gc(r_g * h[i], p["Whh"], p["bhh"]))
        h_i = z_g * h[i] + (1.0 - z_g) * h_tilde
        h_outs.append(h_i)
        x_in = h_i
    h_out = jnp.stack(h_outs, axis=0)
    return (h_out, h_out)

if __name__ == "__main__":
    import jax
    _d = setup_inputs()
    print(jax.jit(kernel)(*tuple(_d.values())))

</pallas_src>

<mosaic_0001>
#map = affine_map<(d0, d1) -> (0, 0)>
#map1 = affine_map<(d0, d1) -> (0, 0, 0)>
module attributes {stable_mosaic.version = 14 : i64} {
  func.func @prop_kernel(%arg0: i32, %arg1: i32, %arg2: memref<16x10192xi32, #tpu.memory_space<hbm>>, %arg3: memref<16x98x104xi32, #tpu.memory_space<hbm>>, %arg4: memref<20000x128xf32, #tpu.memory_space<hbm>>, %arg5: memref<20000x128xf32, #tpu.memory_space<hbm>>, %arg6: memref<10192xi32, #tpu.memory_space<vmem>>, %arg7: memref<98x104xi32, #tpu.memory_space<vmem>>, %arg8: memref<104x128xf32, #tpu.memory_space<vmem>>, %arg9: memref<104x128xf32, #tpu.memory_space<vmem>>, %arg10: memref<10016x128xf32, #tpu.memory_space<vmem_shared>>, %arg11: memref<!tpu.dma_semaphore, #tpu.memory_space<semaphore_mem>>, %arg12: memref<!tpu.dma_semaphore, #tpu.memory_space<semaphore_mem>>) attributes {dimension_semantics = [#tpu.dimension_semantics<core_parallel>, #tpu.dimension_semantics<subcore_parallel>], iteration_bounds = array<i64: 2, 16>, scalar_prefetch = 0 : i64, scratch_operands = 7 : i64, tpu.core_type = #tpu.core_type<sc_vector_subcore>, window_params = [{transform_indices = #map}, {transform_indices = #map1}, {transform_indices = #map}, {transform_indices = #map}]} {
    %mul3A = arith.constant 624 : i32
    %mul3A_0 = arith.muli %arg1, %mul3A : i32
    "tpu.region"() ({
      %run_scoped3A = tpu.sem_alloc : memref<!tpu.dma_semaphore, #tpu.memory_space<semaphore_mem>>
      %dma_start3A_37 = arith.constant 0 : i32
      %dma_start3A_38 = tpu.memref_slice %arg2[%arg1, %dma_start3A_37] : memref<16x10192xi32, #tpu.memory_space<hbm>> -> memref<1x10192xi32, #tpu.memory_space<hbm>>
      %dma_start3A_39 = tpu.memref_squeeze %dma_start3A_38 : memref<1x10192xi32, #tpu.memory_space<hbm>> -> memref<10192xi32, #tpu.memory_space<hbm>>
      %dma_start3A_40 = arith.constant 0 : i32
      %dma_start3A_41 = tpu.memref_slice %arg2[%arg1, %dma_start3A_40] : memref<16x10192xi32, #tpu.memory_space<hbm>> -> memref<1x10192xi32, #tpu.memory_space<hbm>>
      %dma_start3A_42 = tpu.memref_squeeze %dma_start3A_41 : memref<1x10192xi32, #tpu.memory_space<hbm>> -> memref<10192xi32, #tpu.memory_space<hbm>>
      tpu.enqueue_dma source(%dma_start3A_42 : memref<10192xi32, #tpu.memory_space<hbm>>) target(%arg6 : memref<10192xi32, #tpu.memory_space<vmem>>) target_semaphore(%run_scoped3A : memref<!tpu.dma_semaphore, #tpu.memory_space<semaphore_mem>>)
      %dma_wait3A_43 = arith.constant 0 : i32
      %dma_wait3A_44 = tpu.memref_slice %arg2[%arg1, %dma_wait3A_43] : memref<16x10192xi32, #tpu.memory_space<hbm>> -> memref<1x10192xi32, #tpu.memory_space<hbm>>
      %dma_wait3A_45 = tpu.memref_squeeze %dma_wait3A_44 : memref<1x10192xi32, #tpu.memory_space<hbm>> -> memref<10192xi32, #tpu.memory_space<hbm>>
      %dma_wait3A_46 = arith.constant 0 : i32
      %dma_wait3A_47 = tpu.memref_slice %arg2[%arg1, %dma_wait3A_46] : memref<16x10192xi32, #tpu.memory_space<hbm>> -> memref<1x10192xi32, #tpu.memory_space<hbm>>
      %dma_wait3A_48 = tpu.memref_squeeze %dma_wait3A_47 : memref<1x10192xi32, #tpu.memory_space<hbm>> -> memref<10192xi32, #tpu.memory_space<hbm>>
      tpu.wait_dma2 semaphore(%run_scoped3A : memref<!tpu.dma_semaphore, #tpu.memory_space<semaphore_mem>>) src(%dma_wait3A_48 : memref<10192xi32, #tpu.memory_space<hbm>>) dst(%arg6 : memref<10192xi32, #tpu.memory_space<vmem>>)
      tpu.yield
    }) : () -> ()
    "tpu.region"() ({
      %run_scoped3A = tpu.sem_alloc : memref<!tpu.dma_semaphore, #tpu.memory_space<semaphore_mem>>
      %dma_start3A_37 = arith.constant 0 : i32
      %dma_start3A_38 = arith.constant 0 : i32
      %dma_start3A_39 = tpu.memref_slice %arg3[%arg1, %dma_start3A_37, %dma_start3A_38] : memref<16x98x104xi32, #tpu.memory_space<hbm>> -> memref<1x98x104xi32, #tpu.memory_space<hbm>>
      %dma_start3A_40 = tpu.memref_squeeze %dma_start3A_39 : memref<1x98x104xi32, #tpu.memory_space<hbm>> -> memref<98x104xi32, #tpu.memory_space<hbm>>
      %dma_start3A_41 = arith.constant 0 : i32
      %dma_start3A_42 = arith.constant 0 : i32
      %dma_start3A_43 = tpu.memref_slice %arg3[%arg1, %dma_start3A_41, %dma_start3A_42] : memref<16x98x104xi32, #tpu.memory_space<hbm>> -> memref<1x98x104xi32, #tpu.memory_space<hbm>>
      %dma_start3A_44 = tpu.memref_squeeze %dma_start3A_43 : memref<1x98x104xi32, #tpu.memory_space<hbm>> -> memref<98x104xi32, #tpu.memory_space<hbm>>
      tpu.enqueue_dma source(%dma_start3A_44 : memref<98x104xi32, #tpu.memory_space<hbm>>) target(%arg7 : memref<98x104xi32, #tpu.memory_space<vmem>>) target_semaphore(%run_scoped3A : memref<!tpu.dma_semaphore, #tpu.memory_space<semaphore_mem>>)
      %dma_wait3A_45 = arith.constant 0 : i32
      %dma_wait3A_46 = arith.constant 0 : i32
      %dma_wait3A_47 = tpu.memref_slice %arg3[%arg1, %dma_wait3A_45, %dma_wait3A_46] : memref<16x98x104xi32, #tpu.memory_space<hbm>> -> memref<1x98x104xi32, #tpu.memory_space<hbm>>
      %dma_wait3A_48 = tpu.memref_squeeze %dma_wait3A_47 : memref<1x98x104xi32, #tpu.memory_space<hbm>> -> memref<98x104xi32, #tpu.memory_space<hbm>>
      %dma_wait3A_49 = arith.constant 0 : i32
      %dma_wait3A_50 = arith.constant 0 : i32
      %dma_wait3A_51 = tpu.memref_slice %arg3[%arg1, %dma_wait3A_49, %dma_wait3A_50] : memref<16x98x104xi32, #tpu.memory_space<hbm>> -> memref<1x98x104xi32, #tpu.memory_space<hbm>>
      %dma_wait3A_52 = tpu.memref_squeeze %dma_wait3A_51 : memref<1x98x104xi32, #tpu.memory_space<hbm>> -> memref<98x104xi32, #tpu.memory_space<hbm>>
      tpu.wait_dma2 semaphore(%run_scoped3A : memref<!tpu.dma_semaphore, #tpu.memory_space<semaphore_mem>>) src(%dma_wait3A_52 : memref<98x104xi32, #tpu.memory_space<hbm>>) dst(%arg7 : memref<98x104xi32, #tpu.memory_space<vmem>>)
      tpu.yield
    }) : () -> ()
    %mul3A_1 = arith.constant 10000 : i32
    %mul3A_2 = arith.muli %arg0, %mul3A_1 : i32
    %scan3A = arith.constant 0 : i32
    %scan3A_3 = arith.constant 0 : i32
    %scan3A_4 = arith.constant 637 : i32
    %scan3A_5 = arith.addi %scan3A_3, %scan3A_4 : i32
    %scan3A_6 = arith.constant 1 : i32
    scf.for %scan3A_37 = %scan3A_3 to %scan3A_5 step %scan3A_6  : i32 {
      %mul3A_38 = arith.constant 16 : i32
      %mul3A_39 = arith.muli %scan3A_37, %mul3A_38 : i32
      %get3A = arith.index_cast %mul3A_39 : i32 to index
      %get3A_40 = tpu.vector_load %arg6[%get3A] {strides = array<i32>} : memref<10192xi32, #tpu.memory_space<vmem>>, vector<16xi32>,
      %get3A_41 = vector.shape_cast %get3A_40 : vector<16xi32> to vector<16xi32>
      %add3A_42 = vector.broadcast %mul3A_2 : i32 to vector<16xi32>
      %add3A_43 = arith.addi %get3A_41, %add3A_42 : vector<16xi32>
      %swap3A = arith.index_cast %mul3A_39 : i32 to index
      %swap3A_44 = tpu.vector_load %arg6[%swap3A] {strides = array<i32>} : memref<10192xi32, #tpu.memory_space<vmem>>, vector<16xi32>,
      %swap3A_45 = vector.shape_cast %swap3A_44 : vector<16xi32> to vector<16xi32>
      %swap3A_46 = vector.shape_cast %add3A_43 : vector<16xi32> to vector<16xi32>
      tpu.vector_store %arg6[%swap3A], %swap3A_46 {strides = array<i32>} : memref<10192xi32, #tpu.memory_space<vmem>>, vector<16xi32>,
    }
    %scan3A_7 = arith.constant 637 : i32
    %add3A = arith.constant 0 : i32
    %add3A_8 = arith.addi %add3A, %arg0 : i32
    %mul3A_9 = arith.constant 10000 : i32
    %mul3A_10 = arith.muli %add3A_8, %mul3A_9 : i32
    %add3A_11 = arith.addi %mul3A_10, %mul3A_0 : i32
    "tpu.region"() ({
      %run_scoped3A = tpu.sem_alloc : memref<!tpu.dma_semaphore, #tpu.memory_space<semaphore_mem>>
      %dma_start3A_37 = arith.constant 0 : i32
      %dma_start3A_38 = tpu.memref_slice %arg10[%mul3A_0, %dma_start3A_37] : memref<10016x128xf32, #tpu.memory_space<vmem_shared>> -> memref<624x128xf32, #tpu.memory_space<vmem_shared>>
      %dma_start3A_39 = arith.constant 0 : i32
      %dma_start3A_40 = tpu.memref_slice %arg4[%add3A_11, %dma_start3A_39] : memref<20000x128xf32, #tpu.memory_space<hbm>> -> memref<624x128xf32, #tpu.memory_space<hbm>>
      tpu.enqueue_dma source(%dma_start3A_40 : memref<624x128xf32, #tpu.memory_space<hbm>>) target(%dma_start3A_38 : memref<624x128xf32, #tpu.memory_space<vmem_shared>>) target_semaphore(%run_scoped3A : memref<!tpu.dma_semaphore, #tpu.memory_space<semaphore_mem>>)
      %dma_wait3A_41 = arith.constant 0 : i32
      %dma_wait3A_42 = tpu.memref_slice %arg10[%mul3A_0, %dma_wait3A_41] : memref<10016x128xf32, #tpu.memory_space<vmem_shared>> -> memref<624x128xf32, #tpu.memory_space<vmem_shared>>
      %dma_wait3A_43 = arith.constant 0 : i32
      %dma_wait3A_44 = tpu.memref_slice %arg4[%add3A_11, %dma_wait3A_43] : memref<20000x128xf32, #tpu.memory_space<hbm>> -> memref<624x128xf32, #tpu.memory_space<hbm>>
      tpu.wait_dma2 semaphore(%run_scoped3A : memref<!tpu.dma_semaphore, #tpu.memory_space<semaphore_mem>>) src(%dma_wait3A_44 : memref<624x128xf32, #tpu.memory_space<hbm>>) dst(%dma_wait3A_42 : memref<624x128xf32, #tpu.memory_space<vmem_shared>>)
      tpu.yield
    }) : () -> ()
    %eq3A = arith.constant 0 : i32
    %eq3A_12 = arith.cmpi eq, %arg1, %eq3A : i32
    %convert_element_type3A = arith.extui %eq3A_12 : i1 to i32
    %cond3A = arith.constant 0 : i32
    %cond3A_13 = arith.cmpi ne, %convert_element_type3A, %cond3A : i32
    scf.if %cond3A_13 {
      %add3A_37 = arith.constant 9984 : i32
      %add3A_38 = arith.addi %mul3A_10, %add3A_37 : i32
      "tpu.region"() ({
        %run_scoped3A = tpu.sem_alloc : memref<!tpu.dma_semaphore, #tpu.memory_space<semaphore_mem>>
        %dma_start3A_39 = arith.constant 9984 : i32
        %dma_start3A_40 = arith.constant 0 : i32
        %dma_start3A_41 = tpu.memref_slice %arg10[%dma_start3A_39, %dma_start3A_40] : memref<10016x128xf32, #tpu.memory_space<vmem_shared>> -> memref<16x128xf32, #tpu.memory_space<vmem_shared>>
        %dma_start3A_42 = arith.constant 0 : i32
        %dma_start3A_43 = tpu.memref_slice %arg4[%add3A_38, %dma_start3A_42] : memref<20000x128xf32, #tpu.memory_space<hbm>> -> memref<16x128xf32, #tpu.memory_space<hbm>>
        tpu.enqueue_dma source(%dma_start3A_43 : memref<16x128xf32, #tpu.memory_space<hbm>>) target(%dma_start3A_41 : memref<16x128xf32, #tpu.memory_space<vmem_shared>>) target_semaphore(%run_scoped3A : memref<!tpu.dma_semaphore, #tpu.memory_space<semaphore_mem>>)
        %dma_wait3A_44 = arith.constant 9984 : i32
        %dma_wait3A_45 = arith.constant 0 : i32
        %dma_wait3A_46 = tpu.memref_slice %arg10[%dma_wait3A_44, %dma_wait3A_45] : memref<10016x128xf32, #tpu.memory_space<vmem_shared>> -> memref<16x128xf32, #tpu.memory_space<vmem_shared>>
        %dma_wait3A_47 = arith.constant 0 : i32
        %dma_wait3A_48 = tpu.memref_slice %arg4[%add3A_38, %dma_wait3A_47] : memref<20000x128xf32, #tpu.memory_space<hbm>> -> memref<16x128xf32, #tpu.memory_space<hbm>>
        tpu.wait_dma2 semaphore(%run_scoped3A : memref<!tpu.dma_semaphore, #tpu.memory_space<semaphore_mem>>) src(%dma_wait3A_48 : memref<16x128xf32, #tpu.memory_space<hbm>>) dst(%dma_wait3A_46 : memref<16x128xf32, #tpu.memory_space<vmem_shared>>)
        tpu.yield
      }) : () -> ()
    } else {
    }
    %barrier3A = arith.constant 0 : index
    tpu.barrier barrier_id(%barrier3A)
    %dma_start3A = arith.constant 0 : i32
    %dma_start3A_14 = tpu.memref_slice %arg6[%dma_start3A] : memref<10192xi32, #tpu.memory_space<vmem>> -> memref<104xi32, #tpu.memory_space<vmem>>
    %dma_start3A_15 = arith.constant 0 : i32
    %dma_start3A_16 = arith.constant 0 : i32
    %dma_start3A_17 = tpu.memref_slice %arg4[%dma_start3A_15, %dma_start3A_16] : memref<20000x128xf32, #tpu.memory_space<hbm>> -> memref<20000x128xf32, #tpu.memory_space<hbm>>
    tpu.enqueue_indirect_dma source(%dma_start3A_17 : memref<20000x128xf32, #tpu.memory_space<hbm>>) target(%arg8 : memref<104x128xf32, #tpu.memory_space<vmem>>) offsets(%dma_start3A_14 : memref<104xi32, #tpu.memory_space<vmem>>) semaphore(%arg11 : memref<!tpu.dma_semaphore, #tpu.memory_space<semaphore_mem>>)
    %scan3A_18 = arith.constant 0 : i32
    %scan3A_19 = arith.constant 0 : i32
    %scan3A_20 = arith.constant 49 : i32
    %scan3A_21 = arith.addi %scan3A_19, %scan3A_20 : i32
    %scan3A_22 = arith.constant 1 : i32
    scf.for %scan3A_37 = %scan3A_19 to %scan3A_21 step %scan3A_22  : i32 {
      %mul3A_38 = arith.constant 2 : i32
      %mul3A_39 = arith.muli %mul3A_38, %scan3A_37 : i32
      %mul3A_40 = arith.constant 2 : i32
      %mul3A_41 = arith.muli %mul3A_40, %scan3A_37 : i32
      %add3A_42 = arith.constant 1 : i32
      %add3A_43 = arith.addi %mul3A_41, %add3A_42 : i32
      %mul3A_44 = arith.constant 104 : i32
      %mul3A_45 = arith.muli %add3A_43, %mul3A_44 : i32
      %dma_start3A_46 = tpu.memref_slice %arg6[%mul3A_45] : memref<10192xi32, #tpu.memory_space<vmem>> -> memref<104xi32, #tpu.memory_space<vmem>>
      %dma_start3A_47 = arith.constant 0 : i32
      %dma_start3A_48 = arith.constant 0 : i32
      %dma_start3A_49 = tpu.memref_slice %arg4[%dma_start3A_47, %dma_start3A_48] : memref<20000x128xf32, #tpu.memory_space<hbm>> -> memref<20000x128xf32, #tpu.memory_space<hbm>>
      tpu.enqueue_indirect_dma source(%dma_start3A_49 : memref<20000x128xf32, #tpu.memory_space<hbm>>) target(%arg9 : memref<104x128xf32, #tpu.memory_space<vmem>>) offsets(%dma_start3A_46 : memref<104xi32, #tpu.memory_space<vmem>>) semaphore(%arg12 : memref<!tpu.dma_semaphore, #tpu.memory_space<semaphore_mem>>)
      %dma_wait3A_50 = arith.constant 0 : i32
      %dma_wait3A_51 = arith.constant 0 : i32
      %dma_wait3A_52 = tpu.memref_slice %arg4[%dma_wait3A_50, %dma_wait3A_51] : memref<20000x128xf32, #tpu.memory_space<hbm>> -> memref<104x128xf32, #tpu.memory_space<hbm>>
      %dma_wait3A_53 = arith.constant 0 : i32
      %dma_wait3A_54 = arith.constant 0 : i32
      %dma_wait3A_55 = tpu.memref_slice %arg4[%dma_wait3A_53, %dma_wait3A_54] : memref<20000x128xf32, #tpu.memory_space<hbm>> -> memref<104x128xf32, #tpu.memory_space<hbm>>
      tpu.wait_dma2 semaphore(%arg11 : memref<!tpu.dma_semaphore, #tpu.memory_space<semaphore_mem>>) src(%dma_wait3A_55 : memref<104x128xf32, #tpu.memory_space<hbm>>) dst(%arg8 : memref<104x128xf32, #tpu.memory_space<vmem>>)
      "tpu.region"() ({
        %run_scoped3A = tpu.sem_alloc : memref<!tpu.dma_semaphore, #tpu.memory_space<semaphore_mem>>
        %dma_start3A_71 = arith.constant 0 : i32
        %dma_start3A_72 = tpu.memref_slice %arg7[%mul3A_39, %dma_start3A_71] : memref<98x104xi32, #tpu.memory_space<vmem>> -> memref<1x104xi32, #tpu.memory_space<vmem>>
        %dma_start3A_73 = tpu.memref_squeeze %dma_start3A_72 : memref<1x104xi32, #tpu.memory_space<vmem>> -> memref<104xi32, #tpu.memory_space<vmem>>
        %dma_start3A_74 = arith.constant 0 : i32
        %dma_start3A_75 = arith.constant 0 : i32
        %dma_start3A_76 = tpu.memref_slice %arg10[%dma_start3A_74, %dma_start3A_75] : memref<10016x128xf32, #tpu.memory_space<vmem_shared>> -> memref<10016x128xf32, #tpu.memory_space<vmem_shared>>
        tpu.enqueue_indirect_dma source(%arg8 : memref<104x128xf32, #tpu.memory_space<vmem>>) target(%dma_start3A_76 : memref<10016x128xf32, #tpu.memory_space<vmem_shared>>) offsets(%dma_start3A_73 : memref<104xi32, #tpu.memory_space<vmem>>) semaphore(%run_scoped3A : memref<!tpu.dma_semaphore, #tpu.memory_space<semaphore_mem>>) {add = true}
        %dma_wait3A_77 = arith.constant 0 : i32
        %dma_wait3A_78 = tpu.memref_slice %arg7[%mul3A_39, %dma_wait3A_77] : memref<98x104xi32, #tpu.memory_space<vmem>> -> memref<1x104xi32, #tpu.memory_space<vmem>>
        %dma_wait3A_79 = tpu.memref_squeeze %dma_wait3A_78 : memref<1x104xi32, #tpu.memory_space<vmem>> -> memref<104xi32, #tpu.memory_space<vmem>>
        %dma_wait3A_80 = arith.constant 0 : i32
        %dma_wait3A_81 = arith.constant 0 : i32
        %dma_wait3A_82 = tpu.memref_slice %arg10[%dma_wait3A_80, %dma_wait3A_81] : memref<10016x128xf32, #tpu.memory_space<vmem_shared>> -> memref<10016x128xf32, #tpu.memory_space<vmem_shared>>
        tpu.wait_indirect_dma semaphore(%run_scoped3A : memref<!tpu.dma_semaphore, #tpu.memory_space<semaphore_mem>>) src(%arg8 : memref<104x128xf32, #tpu.memory_space<vmem>>) dst(%dma_wait3A_82 : memref<10016x128xf32, #tpu.memory_space<vmem_shared>>)
        tpu.yield
      }) : () -> ()
      %add3A_56 = arith.constant 2 : i32
      %add3A_57 = arith.addi %mul3A_39, %add3A_56 : i32
      %min3A = arith.constant 97 : i32
      %min3A_58 = arith.minsi %add3A_57, %min3A : i32
      %mul3A_59 = arith.constant 104 : i32
      %mul3A_60 = arith.muli %min3A_58, %mul3A_59 : i32
      %dma_start3A_61 = tpu.memref_slice %arg6[%mul3A_60] : memref<10192xi32, #tpu.memory_space<vmem>> -> memref<104xi32, #tpu.memory_space<vmem>>
      %dma_start3A_62 = arith.constant 0 : i32
      %dma_start3A_63 = arith.constant 0 : i32
      %dma_start3A_64 = tpu.memref_slice %arg4[%dma_start3A_62, %dma_start3A_63] : memref<20000x128xf32, #tpu.memory_space<hbm>> -> memref<20000x128xf32, #tpu.memory_space<hbm>>
      tpu.enqueue_indirect_dma source(%dma_start3A_64 : memref<20000x128xf32, #tpu.memory_space<hbm>>) target(%arg8 : memref<104x128xf32, #tpu.memory_space<vmem>>) offsets(%dma_start3A_61 : memref<104xi32, #tpu.memory_space<vmem>>) semaphore(%arg11 : memref<!tpu.dma_semaphore, #tpu.memory_space<semaphore_mem>>)
      %dma_wait3A_65 = arith.constant 0 : i32
      %dma_wait3A_66 = arith.constant 0 : i32
      %dma_wait3A_67 = tpu.memref_slice %arg4[%dma_wait3A_65, %dma_wait3A_66] : memref<20000x128xf32, #tpu.memory_space<hbm>> -> memref<104x128xf32, #tpu.memory_space<hbm>>
      %dma_wait3A_68 = arith.constant 0 : i32
      %dma_wait3A_69 = arith.constant 0 : i32
      %dma_wait3A_70 = tpu.memref_slice %arg4[%dma_wait3A_68, %dma_wait3A_69] : memref<20000x128xf32, #tpu.memory_space<hbm>> -> memref<104x128xf32, #tpu.memory_space<hbm>>
      tpu.wait_dma2 semaphore(%arg12 : memref<!tpu.dma_semaphore, #tpu.memory_space<semaphore_mem>>) src(%dma_wait3A_70 : memref<104x128xf32, #tpu.memory_space<hbm>>) dst(%arg9 : memref<104x128xf32, #tpu.memory_space<vmem>>)
      "tpu.region"() ({
        %run_scoped3A = tpu.sem_alloc : memref<!tpu.dma_semaphore, #tpu.memory_space<semaphore_mem>>
        %dma_start3A_71 = arith.constant 0 : i32
        %dma_start3A_72 = tpu.memref_slice %arg7[%add3A_43, %dma_start3A_71] : memref<98x104xi32, #tpu.memory_space<vmem>> -> memref<1x104xi32, #tpu.memory_space<vmem>>
        %dma_start3A_73 = tpu.memref_squeeze %dma_start3A_72 : memref<1x104xi32, #tpu.memory_space<vmem>> -> memref<104xi32, #tpu.memory_space<vmem>>
        %dma_start3A_74 = arith.constant 0 : i32
        %dma_start3A_75 = arith.constant 0 : i32
        %dma_start3A_76 = tpu.memref_slice %arg10[%dma_start3A_74, %dma_start3A_75] : memref<10016x128xf32, #tpu.memory_space<vmem_shared>> -> memref<10016x128xf32, #tpu.memory_space<vmem_shared>>
        tpu.enqueue_indirect_dma source(%arg9 : memref<104x128xf32, #tpu.memory_space<vmem>>) target(%dma_start3A_76 : memref<10016x128xf32, #tpu.memory_space<vmem_shared>>) offsets(%dma_start3A_73 : memref<104xi32, #tpu.memory_space<vmem>>) semaphore(%run_scoped3A : memref<!tpu.dma_semaphore, #tpu.memory_space<semaphore_mem>>) {add = true}
        %dma_wait3A_77 = arith.constant 0 : i32
        %dma_wait3A_78 = tpu.memref_slice %arg7[%add3A_43, %dma_wait3A_77] : memref<98x104xi32, #tpu.memory_space<vmem>> -> memref<1x104xi32, #tpu.memory_space<vmem>>
        %dma_wait3A_79 = tpu.memref_squeeze %dma_wait3A_78 : memref<1x104xi32, #tpu.memory_space<vmem>> -> memref<104xi32, #tpu.memory_space<vmem>>
        %dma_wait3A_80 = arith.constant 0 : i32
        %dma_wait3A_81 = arith.constant 0 : i32
        %dma_wait3A_82 = tpu.memref_slice %arg10[%dma_wait3A_80, %dma_wait3A_81] : memref<10016x128xf32, #tpu.memory_space<vmem_shared>> -> memref<10016x128xf32, #tpu.memory_space<vmem_shared>>
        tpu.wait_indirect_dma semaphore(%run_scoped3A : memref<!tpu.dma_semaphore, #tpu.memory_space<semaphore_mem>>) src(%arg9 : memref<104x128xf32, #tpu.memory_space<vmem>>) dst(%dma_wait3A_82 : memref<10016x128xf32, #tpu.memory_space<vmem_shared>>)
        tpu.yield
      }) : () -> ()
    }
    %scan3A_23 = arith.constant 49 : i32
    %dma_wait3A = arith.constant 0 : i32
    %dma_wait3A_24 = arith.constant 0 : i32
    %dma_wait3A_25 = tpu.memref_slice %arg4[%dma_wait3A, %dma_wait3A_24] : memref<20000x128xf32, #tpu.memory_space<hbm>> -> memref<104x128xf32, #tpu.memory_space<hbm>>
    %dma_wait3A_26 = arith.constant 0 : i32
    %dma_wait3A_27 = arith.constant 0 : i32
    %dma_wait3A_28 = tpu.memref_slice %arg4[%dma_wait3A_26, %dma_wait3A_27] : memref<20000x128xf32, #tpu.memory_space<hbm>> -> memref<104x128xf32, #tpu.memory_space<hbm>>
    tpu.wait_dma2 semaphore(%arg11 : memref<!tpu.dma_semaphore, #tpu.memory_space<semaphore_mem>>) src(%dma_wait3A_28 : memref<104x128xf32, #tpu.memory_space<hbm>>) dst(%arg8 : memref<104x128xf32, #tpu.memory_space<vmem>>)
    %barrier3A_29 = arith.constant 0 : index
    tpu.barrier barrier_id(%barrier3A_29)
    %add3A_30 = arith.addi %mul3A_10, %mul3A_0 : i32
    "tpu.region"() ({
      %run_scoped3A = tpu.sem_alloc : memref<!tpu.dma_semaphore, #tpu.memory_space<semaphore_mem>>
      %dma_start3A_37 = arith.constant 0 : i32
      %dma_start3A_38 = tpu.memref_slice %arg5[%add3A_30, %dma_start3A_37] : memref<20000x128xf32, #tpu.memory_space<hbm>> -> memref<624x128xf32, #tpu.memory_space<hbm>>
      %dma_start3A_39 = arith.constant 0 : i32
      %dma_start3A_40 = tpu.memref_slice %arg10[%mul3A_0, %dma_start3A_39] : memref<10016x128xf32, #tpu.memory_space<vmem_shared>> -> memref<624x128xf32, #tpu.memory_space<vmem_shared>>
      tpu.enqueue_dma source(%dma_start3A_40 : memref<624x128xf32, #tpu.memory_space<vmem_shared>>) target(%dma_start3A_38 : memref<624x128xf32, #tpu.memory_space<hbm>>) target_semaphore(%run_scoped3A : memref<!tpu.dma_semaphore, #tpu.memory_space<semaphore_mem>>)
      %dma_wait3A_41 = arith.constant 0 : i32
      %dma_wait3A_42 = tpu.memref_slice %arg5[%add3A_30, %dma_wait3A_41] : memref<20000x128xf32, #tpu.memory_space<hbm>> -> memref<624x128xf32, #tpu.memory_space<hbm>>
      %dma_wait3A_43 = arith.constant 0 : i32
      %dma_wait3A_44 = tpu.memref_slice %arg10[%mul3A_0, %dma_wait3A_43] : memref<10016x128xf32, #tpu.memory_space<vmem_shared>> -> memref<624x128xf32, #tpu.memory_space<vmem_shared>>
      tpu.wait_dma2 semaphore(%run_scoped3A : memref<!tpu.dma_semaphore, #tpu.memory_space<semaphore_mem>>) src(%dma_wait3A_44 : memref<624x128xf32, #tpu.memory_space<vmem_shared>>) dst(%dma_wait3A_42 : memref<624x128xf32, #tpu.memory_space<hbm>>)
      tpu.yield
    }) : () -> ()
    %eq3A_31 = arith.constant 0 : i32
    %eq3A_32 = arith.cmpi eq, %arg1, %eq3A_31 : i32
    %convert_element_type3A_33 = arith.extui %eq3A_32 : i1 to i32
    %cond3A_34 = arith.constant 0 : i32
    %cond3A_35 = arith.cmpi ne, %convert_element_type3A_33, %cond3A_34 : i32
    scf.if %cond3A_35 {
      %add3A_37 = arith.constant 9984 : i32
      %add3A_38 = arith.addi %mul3A_10, %add3A_37 : i32
      "tpu.region"() ({
        %run_scoped3A = tpu.sem_alloc : memref<!tpu.dma_semaphore, #tpu.memory_space<semaphore_mem>>
        %dma_start3A_39 = arith.constant 0 : i32
        %dma_start3A_40 = tpu.memref_slice %arg5[%add3A_38, %dma_start3A_39] : memref<20000x128xf32, #tpu.memory_space<hbm>> -> memref<16x128xf32, #tpu.memory_space<hbm>>
        %dma_start3A_41 = arith.constant 9984 : i32
        %dma_start3A_42 = arith.constant 0 : i32
        %dma_start3A_43 = tpu.memref_slice %arg10[%dma_start3A_41, %dma_start3A_42] : memref<10016x128xf32, #tpu.memory_space<vmem_shared>> -> memref<16x128xf32, #tpu.memory_space<vmem_shared>>
        tpu.enqueue_dma source(%dma_start3A_43 : memref<16x128xf32, #tpu.memory_space<vmem_shared>>) target(%dma_start3A_40 : memref<16x128xf32, #tpu.memory_space<hbm>>) target_semaphore(%run_scoped3A : memref<!tpu.dma_semaphore, #tpu.memory_space<semaphore_mem>>)
        %dma_wait3A_44 = arith.constant 0 : i32
        %dma_wait3A_45 = tpu.memref_slice %arg5[%add3A_38, %dma_wait3A_44] : memref<20000x128xf32, #tpu.memory_space<hbm>> -> memref<16x128xf32, #tpu.memory_space<hbm>>
        %dma_wait3A_46 = arith.constant 9984 : i32
        %dma_wait3A_47 = arith.constant 0 : i32
        %dma_wait3A_48 = tpu.memref_slice %arg10[%dma_wait3A_46, %dma_wait3A_47] : memref<10016x128xf32, #tpu.memory_space<vmem_shared>> -> memref<16x128xf32, #tpu.memory_space<vmem_shared>>
        tpu.wait_dma2 semaphore(%run_scoped3A : memref<!tpu.dma_semaphore, #tpu.memory_space<semaphore_mem>>) src(%dma_wait3A_48 : memref<16x128xf32, #tpu.memory_space<vmem_shared>>) dst(%dma_wait3A_45 : memref<16x128xf32, #tpu.memory_space<hbm>>)
        tpu.yield
      }) : () -> ()
    } else {
    }
    %barrier3A_36 = arith.constant 0 : index
    tpu.barrier barrier_id(%barrier3A_36)
    return
  }
}

#map = affine_map<(d0, d1) -> (0, 0, 0)>
#map1 = affine_map<(d0, d1) -> (0, 0)>
module attributes {stable_mosaic.version = 14 : i64} {
  func.func @deg_kernel(%arg0: i32, %arg1: i32, %arg2: memref<16x80x128xi32, #tpu.memory_space<hbm>>, %arg3: memref<128x128xf32, #tpu.memory_space<hbm>>, %arg4: memref<2x624x128xf32, #tpu.memory_space<hbm>>, %arg5: memref<20000x128xf32, #tpu.memory_space<hbm>>, %arg6: memref<80x128xi32, #tpu.memory_space<vmem>>, %arg7: memref<128x128xf32, #tpu.memory_space<vmem>>, %arg8: memref<10016x128xf32, #tpu.memory_space<vmem_shared>>) attributes {dimension_semantics = [#tpu.dimension_semantics<core_parallel>, #tpu.dimension_semantics<subcore_parallel>], iteration_bounds = array<i64: 2, 16>, scalar_prefetch = 0 : i64, scratch_operands = 3 : i64, tpu.core_type = #tpu.core_type<sc_vector_subcore>, window_params = [{transform_indices = #map}, {transform_indices = #map1}, {transform_indices = #map}, {transform_indices = #map1}]} {
    %mul3A = arith.constant 624 : i32
    %mul3A_0 = arith.muli %arg1, %mul3A : i32
    "tpu.region"() ({
      %run_scoped3A = tpu.sem_alloc : memref<!tpu.dma_semaphore, #tpu.memory_space<semaphore_mem>>
      %dma_start3A = arith.constant 0 : i32
      %dma_start3A_25 = arith.constant 0 : i32
      %dma_start3A_26 = tpu.memref_slice %arg2[%arg1, %dma_start3A, %dma_start3A_25] : memref<16x80x128xi32, #tpu.memory_space<hbm>> -> memref<1x80x128xi32, #tpu.memory_space<hbm>>
      %dma_start3A_27 = tpu.memref_squeeze %dma_start3A_26 : memref<1x80x128xi32, #tpu.memory_space<hbm>> -> memref<80x128xi32, #tpu.memory_space<hbm>>
      %dma_start3A_28 = arith.constant 0 : i32
      %dma_start3A_29 = arith.constant 0 : i32
      %dma_start3A_30 = tpu.memref_slice %arg2[%arg1, %dma_start3A_28, %dma_start3A_29] : memref<16x80x128xi32, #tpu.memory_space<hbm>> -> memref<1x80x128xi32, #tpu.memory_space<hbm>>
      %dma_start3A_31 = tpu.memref_squeeze %dma_start3A_30 : memref<1x80x128xi32, #tpu.memory_space<hbm>> -> memref<80x128xi32, #tpu.memory_space<hbm>>
      tpu.enqueue_dma source(%dma_start3A_31 : memref<80x128xi32, #tpu.memory_space<hbm>>) target(%arg6 : memref<80x128xi32, #tpu.memory_space<vmem>>) target_semaphore(%run_scoped3A : memref<!tpu.dma_semaphore, #tpu.memory_space<semaphore_mem>>)
      %dma_wait3A = arith.constant 0 : i32
      %dma_wait3A_32 = arith.constant 0 : i32
      %dma_wait3A_33 = tpu.memref_slice %arg2[%arg1, %dma_wait3A, %dma_wait3A_32] : memref<16x80x128xi32, #tpu.memory_space<hbm>> -> memref<1x80x128xi32, #tpu.memory_space<hbm>>
      %dma_wait3A_34 = tpu.memref_squeeze %dma_wait3A_33 : memref<1x80x128xi32, #tpu.memory_space<hbm>> -> memref<80x128xi32, #tpu.memory_space<hbm>>
      %dma_wait3A_35 = arith.constant 0 : i32
      %dma_wait3A_36 = arith.constant 0 : i32
      %dma_wait3A_37 = tpu.memref_slice %arg2[%arg1, %dma_wait3A_35, %dma_wait3A_36] : memref<16x80x128xi32, #tpu.memory_space<hbm>> -> memref<1x80x128xi32, #tpu.memory_space<hbm>>
      %dma_wait3A_38 = tpu.memref_squeeze %dma_wait3A_37 : memref<1x80x128xi32, #tpu.memory_space<hbm>> -> memref<80x128xi32, #tpu.memory_space<hbm>>
      tpu.wait_dma2 semaphore(%run_scoped3A : memref<!tpu.dma_semaphore, #tpu.memory_space<semaphore_mem>>) src(%dma_wait3A_38 : memref<80x128xi32, #tpu.memory_space<hbm>>) dst(%arg6 : memref<80x128xi32, #tpu.memory_space<vmem>>)
      tpu.yield
    }) : () -> ()
    "tpu.region"() ({
      %run_scoped3A = tpu.sem_alloc : memref<!tpu.dma_semaphore, #tpu.memory_space<semaphore_mem>>
      tpu.enqueue_dma source(%arg3 : memref<128x128xf32, #tpu.memory_space<hbm>>) target(%arg7 : memref<128x128xf32, #tpu.memory_space<vmem>>) target_semaphore(%run_scoped3A : memref<!tpu.dma_semaphore, #tpu.memory_space<semaphore_mem>>)
      tpu.wait_dma2 semaphore(%run_scoped3A : memref<!tpu.dma_semaphore, #tpu.memory_space<semaphore_mem>>) src(%arg3 : memref<128x128xf32, #tpu.memory_space<hbm>>) dst(%arg7 : memref<128x128xf32, #tpu.memory_space<vmem>>)
      tpu.yield
    }) : () -> ()
    "tpu.region"() ({
      %run_scoped3A = tpu.sem_alloc : memref<!tpu.dma_semaphore, #tpu.memory_space<semaphore_mem>>
      %dma_start3A = arith.constant 0 : i32
      %dma_start3A_25 = tpu.memref_slice %arg8[%mul3A_0, %dma_start3A] : memref<10016x128xf32, #tpu.memory_space<vmem_shared>> -> memref<624x128xf32, #tpu.memory_space<vmem_shared>>
      %dma_start3A_26 = arith.constant 0 : i32
      %dma_start3A_27 = arith.constant 0 : i32
      %dma_start3A_28 = tpu.memref_slice %arg4[%arg0, %dma_start3A_26, %dma_start3A_27] : memref<2x624x128xf32, #tpu.memory_space<hbm>> -> memref<1x624x128xf32, #tpu.memory_space<hbm>>
      %dma_start3A_29 = tpu.memref_squeeze %dma_start3A_28 : memref<1x624x128xf32, #tpu.memory_space<hbm>> -> memref<624x128xf32, #tpu.memory_space<hbm>>
      tpu.enqueue_dma source(%dma_start3A_29 : memref<624x128xf32, #tpu.memory_space<hbm>>) target(%dma_start3A_25 : memref<624x128xf32, #tpu.memory_space<vmem_shared>>) target_semaphore(%run_scoped3A : memref<!tpu.dma_semaphore, #tpu.memory_space<semaphore_mem>>)
      %dma_wait3A = arith.constant 0 : i32
      %dma_wait3A_30 = tpu.memref_slice %arg8[%mul3A_0, %dma_wait3A] : memref<10016x128xf32, #tpu.memory_space<vmem_shared>> -> memref<624x128xf32, #tpu.memory_space<vmem_shared>>
      %dma_wait3A_31 = arith.constant 0 : i32
      %dma_wait3A_32 = arith.constant 0 : i32
      %dma_wait3A_33 = tpu.memref_slice %arg4[%arg0, %dma_wait3A_31, %dma_wait3A_32] : memref<2x624x128xf32, #tpu.memory_space<hbm>> -> memref<1x624x128xf32, #tpu.memory_space<hbm>>
      %dma_wait3A_34 = tpu.memref_squeeze %dma_wait3A_33 : memref<1x624x128xf32, #tpu.memory_space<hbm>> -> memref<624x128xf32, #tpu.memory_space<hbm>>
      tpu.wait_dma2 semaphore(%run_scoped3A : memref<!tpu.dma_semaphore, #tpu.memory_space<semaphore_mem>>) src(%dma_wait3A_34 : memref<624x128xf32, #tpu.memory_space<hbm>>) dst(%dma_wait3A_30 : memref<624x128xf32, #tpu.memory_space<vmem_shared>>)
      tpu.yield
    }) : () -> ()
    %eq3A = arith.constant 0 : i32
    %eq3A_1 = arith.cmpi eq, %arg1, %eq3A : i32
    %convert_element_type3A = arith.extui %eq3A_1 : i1 to i32
    %cond3A = arith.constant 0 : i32
    %cond3A_2 = arith.cmpi ne, %convert_element_type3A, %cond3A : i32
    scf.if %cond3A_2 {
      "tpu.region"() ({
        %run_scoped3A = tpu.sem_alloc : memref<!tpu.dma_semaphore, #tpu.memory_space<semaphore_mem>>
        %dma_start3A = arith.constant 9984 : i32
        %dma_start3A_25 = arith.constant 0 : i32
        %dma_start3A_26 = tpu.memref_slice %arg8[%dma_start3A, %dma_start3A_25] : memref<10016x128xf32, #tpu.memory_space<vmem_shared>> -> memref<32x128xf32, #tpu.memory_space<vmem_shared>>
        %dma_start3A_27 = arith.constant 0 : i32
        %dma_start3A_28 = arith.constant 0 : i32
        %dma_start3A_29 = tpu.memref_slice %arg4[%arg0, %dma_start3A_27, %dma_start3A_28] : memref<2x624x128xf32, #tpu.memory_space<hbm>> -> memref<1x32x128xf32, #tpu.memory_space<hbm>>
        %dma_start3A_30 = tpu.memref_squeeze %dma_start3A_29 : memref<1x32x128xf32, #tpu.memory_space<hbm>> -> memref<32x128xf32, #tpu.memory_space<hbm>>
        tpu.enqueue_dma source(%dma_start3A_30 : memref<32x128xf32, #tpu.memory_space<hbm>>) target(%dma_start3A_26 : memref<32x128xf32, #tpu.memory_space<vmem_shared>>) target_semaphore(%run_scoped3A : memref<!tpu.dma_semaphore, #tpu.memory_space<semaphore_mem>>)
        %dma_wait3A = arith.constant 9984 : i32
        %dma_wait3A_31 = arith.constant 0 : i32
        %dma_wait3A_32 = tpu.memref_slice %arg8[%dma_wait3A, %dma_wait3A_31] : memref<10016x128xf32, #tpu.memory_space<vmem_shared>> -> memref<32x128xf32, #tpu.memory_space<vmem_shared>>
        %dma_wait3A_33 = arith.constant 0 : i32
        %dma_wait3A_34 = arith.constant 0 : i32
        %dma_wait3A_35 = tpu.memref_slice %arg4[%arg0, %dma_wait3A_33, %dma_wait3A_34] : memref<2x624x128xf32, #tpu.memory_space<hbm>> -> memref<1x32x128xf32, #tpu.memory_space<hbm>>
        %dma_wait3A_36 = tpu.memref_squeeze %dma_wait3A_35 : memref<1x32x128xf32, #tpu.memory_space<hbm>> -> memref<32x128xf32, #tpu.memory_space<hbm>>
        tpu.wait_dma2 semaphore(%run_scoped3A : memref<!tpu.dma_semaphore, #tpu.memory_space<semaphore_mem>>) src(%dma_wait3A_36 : memref<32x128xf32, #tpu.memory_space<hbm>>) dst(%dma_wait3A_32 : memref<32x128xf32, #tpu.memory_space<vmem_shared>>)
        tpu.yield
      }) : () -> ()
    } else {
    }
    %barrier3A = arith.constant 0 : index
    tpu.barrier barrier_id(%barrier3A)
    %mul3A_3 = arith.constant 40 : i32
    %mul3A_4 = arith.muli %arg0, %mul3A_3 : i32
    %add3A = arith.constant 1 : i32
    %add3A_5 = arith.addi %arg0, %add3A : i32
    %mul3A_6 = arith.constant 40 : i32
    %mul3A_7 = arith.muli %add3A_5, %mul3A_6 : i32
    %while3A = arith.constant 0 : i32
    %while3A_8 = arith.subi %mul3A_7, %mul3A_4 : i32
    %while3A_9 = arith.addi %mul3A_4, %while3A_8 : i32
    %while3A_10 = arith.constant 1 : i32
    %while3A_11 = arith.divsi %while3A_8, %while3A_10 : i32
    %while3A_12 = arith.muli %while3A_11, %while3A_10 : i32
    %while3A_13 = arith.addi %mul3A_4, %while3A_12 : i32
    %while3A_14 = arith.constant 1 : i32
    scf.for %while3A_25 = %mul3A_4 to %while3A_13 step %while3A_14  : i32 {
      "tpu.region"() ({
        %run_scoped3A = tpu.sem_alloc : memref<!tpu.dma_semaphore, #tpu.memory_space<semaphore_mem>>
        %dma_start3A = arith.constant 0 : i32
        %dma_start3A_26 = tpu.memref_slice %arg6[%while3A_25, %dma_start3A] : memref<80x128xi32, #tpu.memory_space<vmem>> -> memref<1x128xi32, #tpu.memory_space<vmem>>
        %dma_start3A_27 = tpu.memref_squeeze %dma_start3A_26 : memref<1x128xi32, #tpu.memory_space<vmem>> -> memref<128xi32, #tpu.memory_space<vmem>>
        %dma_start3A_28 = arith.constant 0 : i32
        %dma_start3A_29 = arith.constant 0 : i32
        %dma_start3A_30 = tpu.memref_slice %arg8[%dma_start3A_28, %dma_start3A_29] : memref<10016x128xf32, #tpu.memory_space<vmem_shared>> -> memref<10016x128xf32, #tpu.memory_space<vmem_shared>>
        tpu.enqueue_indirect_dma source(%arg7 : memref<128x128xf32, #tpu.memory_space<vmem>>) target(%dma_start3A_30 : memref<10016x128xf32, #tpu.memory_space<vmem_shared>>) offsets(%dma_start3A_27 : memref<128xi32, #tpu.memory_space<vmem>>) semaphore(%run_scoped3A : memref<!tpu.dma_semaphore, #tpu.memory_space<semaphore_mem>>) {add = true}
        %dma_wait3A = arith.constant 0 : i32
        %dma_wait3A_31 = tpu.memref_slice %arg6[%while3A_25, %dma_wait3A] : memref<80x128xi32, #tpu.memory_space<vmem>> -> memref<1x128xi32, #tpu.memory_space<vmem>>
        %dma_wait3A_32 = tpu.memref_squeeze %dma_wait3A_31 : memref<1x128xi32, #tpu.memory_space<vmem>> -> memref<128xi32, #tpu.memory_space<vmem>>
        %dma_wait3A_33 = arith.constant 0 : i32
        %dma_wait3A_34 = arith.constant 0 : i32
        %dma_wait3A_35 = tpu.memref_slice %arg8[%dma_wait3A_33, %dma_wait3A_34] : memref<10016x128xf32, #tpu.memory_space<vmem_shared>> -> memref<10016x128xf32, #tpu.memory_space<vmem_shared>>
        tpu.wait_indirect_dma semaphore(%run_scoped3A : memref<!tpu.dma_semaphore, #tpu.memory_space<semaphore_mem>>) src(%arg7 : memref<128x128xf32, #tpu.memory_space<vmem>>) dst(%dma_wait3A_35 : memref<10016x128xf32, #tpu.memory_space<vmem_shared>>)
        tpu.yield
      }) : () -> ()
    }
    %while3A_15 = arith.constant 1 : i32
    scf.for %while3A_25 = %while3A_13 to %while3A_9 step %while3A_15  : i32 {
      "tpu.region"() ({
        %run_scoped3A = tpu.sem_alloc : memref<!tpu.dma_semaphore, #tpu.memory_space<semaphore_mem>>
        %dma_start3A = arith.constant 0 : i32
        %dma_start3A_26 = tpu.memref_slice %arg6[%while3A_25, %dma_start3A] : memref<80x128xi32, #tpu.memory_space<vmem>> -> memref<1x128xi32, #tpu.memory_space<vmem>>
        %dma_start3A_27 = tpu.memref_squeeze %dma_start3A_26 : memref<1x128xi32, #tpu.memory_space<vmem>> -> memref<128xi32, #tpu.memory_space<vmem>>
        %dma_start3A_28 = arith.constant 0 : i32
        %dma_start3A_29 = arith.constant 0 : i32
        %dma_start3A_30 = tpu.memref_slice %arg8[%dma_start3A_28, %dma_start3A_29] : memref<10016x128xf32, #tpu.memory_space<vmem_shared>> -> memref<10016x128xf32, #tpu.memory_space<vmem_shared>>
        tpu.enqueue_indirect_dma source(%arg7 : memref<128x128xf32, #tpu.memory_space<vmem>>) target(%dma_start3A_30 : memref<10016x128xf32, #tpu.memory_space<vmem_shared>>) offsets(%dma_start3A_27 : memref<128xi32, #tpu.memory_space<vmem>>) semaphore(%run_scoped3A : memref<!tpu.dma_semaphore, #tpu.memory_space<semaphore_mem>>) {add = true}
        %dma_wait3A = arith.constant 0 : i32
        %dma_wait3A_31 = tpu.memref_slice %arg6[%while3A_25, %dma_wait3A] : memref<80x128xi32, #tpu.memory_space<vmem>> -> memref<1x128xi32, #tpu.memory_space<vmem>>
        %dma_wait3A_32 = tpu.memref_squeeze %dma_wait3A_31 : memref<1x128xi32, #tpu.memory_space<vmem>> -> memref<128xi32, #tpu.memory_space<vmem>>
        %dma_wait3A_33 = arith.constant 0 : i32
        %dma_wait3A_34 = arith.constant 0 : i32
        %dma_wait3A_35 = tpu.memref_slice %arg8[%dma_wait3A_33, %dma_wait3A_34] : memref<10016x128xf32, #tpu.memory_space<vmem_shared>> -> memref<10016x128xf32, #tpu.memory_space<vmem_shared>>
        tpu.wait_indirect_dma semaphore(%run_scoped3A : memref<!tpu.dma_semaphore, #tpu.memory_space<semaphore_mem>>) src(%arg7 : memref<128x128xf32, #tpu.memory_space<vmem>>) dst(%dma_wait3A_35 : memref<10016x128xf32, #tpu.memory_space<vmem_shared>>)
        tpu.yield
      }) : () -> ()
    }
    %barrier3A_16 = arith.constant 0 : index
    tpu.barrier barrier_id(%barrier3A_16)
    %mul3A_17 = arith.constant 10000 : i32
    %mul3A_18 = arith.muli %arg0, %mul3A_17 : i32
    %add3A_19 = arith.addi %mul3A_18, %mul3A_0 : i32
    "tpu.region"() ({
      %run_scoped3A = tpu.sem_alloc : memref<!tpu.dma_semaphore, #tpu.memory_space<semaphore_mem>>
      %dma_start3A = arith.constant 0 : i32
      %dma_start3A_25 = tpu.memref_slice %arg5[%add3A_19, %dma_start3A] : memref<20000x128xf32, #tpu.memory_space<hbm>> -> memref<624x128xf32, #tpu.memory_space<hbm>>
      %dma_start3A_26 = arith.constant 0 : i32
      %dma_start3A_27 = tpu.memref_slice %arg8[%mul3A_0, %dma_start3A_26] : memref<10016x128xf32, #tpu.memory_space<vmem_shared>> -> memref<624x128xf32, #tpu.memory_space<vmem_shared>>
      tpu.enqueue_dma source(%dma_start3A_27 : memref<624x128xf32, #tpu.memory_space<vmem_shared>>) target(%dma_start3A_25 : memref<624x128xf32, #tpu.memory_space<hbm>>) target_semaphore(%run_scoped3A : memref<!tpu.dma_semaphore, #tpu.memory_space<semaphore_mem>>)
      %dma_wait3A = arith.constant 0 : i32
      %dma_wait3A_28 = tpu.memref_slice %arg5[%add3A_19, %dma_wait3A] : memref<20000x128xf32, #tpu.memory_space<hbm>> -> memref<624x128xf32, #tpu.memory_space<hbm>>
      %dma_wait3A_29 = arith.constant 0 : i32
      %dma_wait3A_30 = tpu.memref_slice %arg8[%mul3A_0, %dma_wait3A_29] : memref<10016x128xf32, #tpu.memory_space<vmem_shared>> -> memref<624x128xf32, #tpu.memory_space<vmem_shared>>
      tpu.wait_dma2 semaphore(%run_scoped3A : memref<!tpu.dma_semaphore, #tpu.memory_space<semaphore_mem>>) src(%dma_wait3A_30 : memref<624x128xf32, #tpu.memory_space<vmem_shared>>) dst(%dma_wait3A_28 : memref<624x128xf32, #tpu.memory_space<hbm>>)
      tpu.yield
    }) : () -> ()
    %eq3A_20 = arith.constant 0 : i32
    %eq3A_21 = arith.cmpi eq, %arg1, %eq3A_20 : i32
    %convert_element_type3A_22 = arith.extui %eq3A_21 : i1 to i32
    %cond3A_23 = arith.constant 0 : i32
    %cond3A_24 = arith.cmpi ne, %convert_element_type3A_22, %cond3A_23 : i32
    scf.if %cond3A_24 {
      %mul3A_25 = arith.constant 10000 : i32
      %mul3A_26 = arith.muli %arg0, %mul3A_25 : i32
      %add3A_27 = arith.constant 9984 : i32
      %add3A_28 = arith.addi %mul3A_26, %add3A_27 : i32
      "tpu.region"() ({
        %run_scoped3A = tpu.sem_alloc : memref<!tpu.dma_semaphore, #tpu.memory_space<semaphore_mem>>
        %dma_start3A = arith.constant 0 : i32
        %dma_start3A_29 = tpu.memref_slice %arg5[%add3A_28, %dma_start3A] : memref<20000x128xf32, #tpu.memory_space<hbm>> -> memref<16x128xf32, #tpu.memory_space<hbm>>
        %dma_start3A_30 = arith.constant 9984 : i32
        %dma_start3A_31 = arith.constant 0 : i32
        %dma_start3A_32 = tpu.memref_slice %arg8[%dma_start3A_30, %dma_start3A_31] : memref<10016x128xf32, #tpu.memory_space<vmem_shared>> -> memref<16x128xf32, #tpu.memory_space<vmem_shared>>
        tpu.enqueue_dma source(%dma_start3A_32 : memref<16x128xf32, #tpu.memory_space<vmem_shared>>) target(%dma_start3A_29 : memref<16x128xf32, #tpu.memory_space<hbm>>) target_semaphore(%run_scoped3A : memref<!tpu.dma_semaphore, #tpu.memory_space<semaphore_mem>>)
        %dma_wait3A = arith.constant 0 : i32
        %dma_wait3A_33 = tpu.memref_slice %arg5[%add3A_28, %dma_wait3A] : memref<20000x128xf32, #tpu.memory_space<hbm>> -> memref<16x128xf32, #tpu.memory_space<hbm>>
        %dma_wait3A_34 = arith.constant 9984 : i32
        %dma_wait3A_35 = arith.constant 0 : i32
        %dma_wait3A_36 = tpu.memref_slice %arg8[%dma_wait3A_34, %dma_wait3A_35] : memref<10016x128xf32, #tpu.memory_space<vmem_shared>> -> memref<16x128xf32, #tpu.memory_space<vmem_shared>>
        tpu.wait_dma2 semaphore(%run_scoped3A : memref<!tpu.dma_semaphore, #tpu.memory_space<semaphore_mem>>) src(%dma_wait3A_36 : memref<16x128xf32, #tpu.memory_space<vmem_shared>>) dst(%dma_wait3A_33 : memref<16x128xf32, #tpu.memory_space<hbm>>)
        tpu.yield
      }) : () -> ()
    } else {
    }
    return
  }
}

#map = affine_map<(d0, d1) -> (0, 0)>
#map1 = affine_map<(d0, d1) -> (0, 0, 0)>
module attributes {stable_mosaic.version = 14 : i64} {
  func.func @prop_kernel(%arg0: i32, %arg1: i32, %arg2: memref<16x10192xi32, #tpu.memory_space<hbm>>, %arg3: memref<16x98x104xi32, #tpu.memory_space<hbm>>, %arg4: memref<20000x128xf32, #tpu.memory_space<hbm>>, %arg5: memref<20000x128xf32, #tpu.memory_space<hbm>>, %arg6: memref<10192xi32, #tpu.memory_space<vmem>>, %arg7: memref<98x104xi32, #tpu.memory_space<vmem>>, %arg8: memref<104x128xf32, #tpu.memory_space<vmem>>, %arg9: memref<104x128xf32, #tpu.memory_space<vmem>>, %arg10: memref<10016x128xf32, #tpu.memory_space<vmem_shared>>, %arg11: memref<!tpu.dma_semaphore, #tpu.memory_space<semaphore_mem>>, %arg12: memref<!tpu.dma_semaphore, #tpu.memory_space<semaphore_mem>>) attributes {dimension_semantics = [#tpu.dimension_semantics<core_parallel>, #tpu.dimension_semantics<subcore_parallel>], iteration_bounds = array<i64: 2, 16>, scalar_prefetch = 0 : i64, scratch_operands = 7 : i64, tpu.core_type = #tpu.core_type<sc_vector_subcore>, window_params = [{transform_indices = #map}, {transform_indices = #map1}, {transform_indices = #map}, {transform_indices = #map}]} {
    %mul3A = arith.constant 624 : i32
    %mul3A_0 = arith.muli %arg1, %mul3A : i32
    "tpu.region"() ({
      %run_scoped3A = tpu.sem_alloc : memref<!tpu.dma_semaphore, #tpu.memory_space<semaphore_mem>>
      %dma_start3A_37 = arith.constant 0 : i32
      %dma_start3A_38 = tpu.memref_slice %arg2[%arg1, %dma_start3A_37] : memref<16x10192xi32, #tpu.memory_space<hbm>> -> memref<1x10192xi32, #tpu.memory_space<hbm>>
      %dma_start3A_39 = tpu.memref_squeeze %dma_start3A_38 : memref<1x10192xi32, #tpu.memory_space<hbm>> -> memref<10192xi32, #tpu.memory_space<hbm>>
      %dma_start3A_40 = arith.constant 0 : i32
      %dma_start3A_41 = tpu.memref_slice %arg2[%arg1, %dma_start3A_40] : memref<16x10192xi32, #tpu.memory_space<hbm>> -> memref<1x10192xi32, #tpu.memory_space<hbm>>
      %dma_start3A_42 = tpu.memref_squeeze %dma_start3A_41 : memref<1x10192xi32, #tpu.memory_space<hbm>> -> memref<10192xi32, #tpu.memory_space<hbm>>
      tpu.enqueue_dma source(%dma_start3A_42 : memref<10192xi32, #tpu.memory_space<hbm>>) target(%arg6 : memref<10192xi32, #tpu.memory_space<vmem>>) target_semaphore(%run_scoped3A : memref<!tpu.dma_semaphore, #tpu.memory_space<semaphore_mem>>)
      %dma_wait3A_43 = arith.constant 0 : i32
      %dma_wait3A_44 = tpu.memref_slice %arg2[%arg1, %dma_wait3A_43] : memref<16x10192xi32, #tpu.memory_space<hbm>> -> memref<1x10192xi32, #tpu.memory_space<hbm>>
      %dma_wait3A_45 = tpu.memref_squeeze %dma_wait3A_44 : memref<1x10192xi32, #tpu.memory_space<hbm>> -> memref<10192xi32, #tpu.memory_space<hbm>>
      %dma_wait3A_46 = arith.constant 0 : i32
      %dma_wait3A_47 = tpu.memref_slice %arg2[%arg1, %dma_wait3A_46] : memref<16x10192xi32, #tpu.memory_space<hbm>> -> memref<1x10192xi32, #tpu.memory_space<hbm>>
      %dma_wait3A_48 = tpu.memref_squeeze %dma_wait3A_47 : memref<1x10192xi32, #tpu.memory_space<hbm>> -> memref<10192xi32, #tpu.memory_space<hbm>>
      tpu.wait_dma2 semaphore(%run_scoped3A : memref<!tpu.dma_semaphore, #tpu.memory_space<semaphore_mem>>) src(%dma_wait3A_48 : memref<10192xi32, #tpu.memory_space<hbm>>) dst(%arg6 : memref<10192xi32, #tpu.memory_space<vmem>>)
      tpu.yield
    }) : () -> ()
    "tpu.region"() ({
      %run_scoped3A = tpu.sem_alloc : memref<!tpu.dma_semaphore, #tpu.memory_space<semaphore_mem>>
      %dma_start3A_37 = arith.constant 0 : i32
      %dma_start3A_38 = arith.constant 0 : i32
      %dma_start3A_39 = tpu.memref_slice %arg3[%arg1, %dma_start3A_37, %dma_start3A_38] : memref<16x98x104xi32, #tpu.memory_space<hbm>> -> memref<1x98x104xi32, #tpu.memory_space<hbm>>
      %dma_start3A_40 = tpu.memref_squeeze %dma_start3A_39 : memref<1x98x104xi32, #tpu.memory_space<hbm>> -> memref<98x104xi32, #tpu.memory_space<hbm>>
      %dma_start3A_41 = arith.constant 0 : i32
      %dma_start3A_42 = arith.constant 0 : i32
      %dma_start3A_43 = tpu.memref_slice %arg3[%arg1, %dma_start3A_41, %dma_start3A_42] : memref<16x98x104xi32, #tpu.memory_space<hbm>> -> memref<1x98x104xi32, #tpu.memory_space<hbm>>
      %dma_start3A_44 = tpu.memref_squeeze %dma_start3A_43 : memref<1x98x104xi32, #tpu.memory_space<hbm>> -> memref<98x104xi32, #tpu.memory_space<hbm>>
      tpu.enqueue_dma source(%dma_start3A_44 : memref<98x104xi32, #tpu.memory_space<hbm>>) target(%arg7 : memref<98x104xi32, #tpu.memory_space<vmem>>) target_semaphore(%run_scoped3A : memref<!tpu.dma_semaphore, #tpu.memory_space<semaphore_mem>>)
      %dma_wait3A_45 = arith.constant 0 : i32
      %dma_wait3A_46 = arith.constant 0 : i32
      %dma_wait3A_47 = tpu.memref_slice %arg3[%arg1, %dma_wait3A_45, %dma_wait3A_46] : memref<16x98x104xi32, #tpu.memory_space<hbm>> -> memref<1x98x104xi32, #tpu.memory_space<hbm>>
      %dma_wait3A_48 = tpu.memref_squeeze %dma_wait3A_47 : memref<1x98x104xi32, #tpu.memory_space<hbm>> -> memref<98x104xi32, #tpu.memory_space<hbm>>
      %dma_wait3A_49 = arith.constant 0 : i32
      %dma_wait3A_50 = arith.constant 0 : i32
      %dma_wait3A_51 = tpu.memref_slice %arg3[%arg1, %dma_wait3A_49, %dma_wait3A_50] : memref<16x98x104xi32, #tpu.memory_space<hbm>> -> memref<1x98x104xi32, #tpu.memory_space<hbm>>
      %dma_wait3A_52 = tpu.memref_squeeze %dma_wait3A_51 : memref<1x98x104xi32, #tpu.memory_space<hbm>> -> memref<98x104xi32, #tpu.memory_space<hbm>>
      tpu.wait_dma2 semaphore(%run_scoped3A : memref<!tpu.dma_semaphore, #tpu.memory_space<semaphore_mem>>) src(%dma_wait3A_52 : memref<98x104xi32, #tpu.memory_space<hbm>>) dst(%arg7 : memref<98x104xi32, #tpu.memory_space<vmem>>)
      tpu.yield
    }) : () -> ()
    %mul3A_1 = arith.constant 10000 : i32
    %mul3A_2 = arith.muli %arg0, %mul3A_1 : i32
    %scan3A = arith.constant 0 : i32
    %scan3A_3 = arith.constant 0 : i32
    %scan3A_4 = arith.constant 637 : i32
    %scan3A_5 = arith.addi %scan3A_3, %scan3A_4 : i32
    %scan3A_6 = arith.constant 1 : i32
    scf.for %scan3A_37 = %scan3A_3 to %scan3A_5 step %scan3A_6  : i32 {
      %mul3A_38 = arith.constant 16 : i32
      %mul3A_39 = arith.muli %scan3A_37, %mul3A_38 : i32
      %get3A = arith.index_cast %mul3A_39 : i32 to index
      %get3A_40 = tpu.vector_load %arg6[%get3A] {strides = array<i32>} : memref<10192xi32, #tpu.memory_space<vmem>>, vector<16xi32>,
      %get3A_41 = vector.shape_cast %get3A_40 : vector<16xi32> to vector<16xi32>
      %add3A_42 = vector.broadcast %mul3A_2 : i32 to vector<16xi32>
      %add3A_43 = arith.addi %get3A_41, %add3A_42 : vector<16xi32>
      %swap3A = arith.index_cast %mul3A_39 : i32 to index
      %swap3A_44 = tpu.vector_load %arg6[%swap3A] {strides = array<i32>} : memref<10192xi32, #tpu.memory_space<vmem>>, vector<16xi32>,
      %swap3A_45 = vector.shape_cast %swap3A_44 : vector<16xi32> to vector<16xi32>
      %swap3A_46 = vector.shape_cast %add3A_43 : vector<16xi32> to vector<16xi32>
      tpu.vector_store %arg6[%swap3A], %swap3A_46 {strides = array<i32>} : memref<10192xi32, #tpu.memory_space<vmem>>, vector<16xi32>,
    }
    %scan3A_7 = arith.constant 637 : i32
    %add3A = arith.constant 0 : i32
    %add3A_8 = arith.addi %add3A, %arg0 : i32
    %mul3A_9 = arith.constant 10000 : i32
    %mul3A_10 = arith.muli %add3A_8, %mul3A_9 : i32
    %add3A_11 = arith.addi %mul3A_10, %mul3A_0 : i32
    "tpu.region"() ({
      %run_scoped3A = tpu.sem_alloc : memref<!tpu.dma_semaphore, #tpu.memory_space<semaphore_mem>>
      %dma_start3A_37 = arith.constant 0 : i32
      %dma_start3A_38 = tpu.memref_slice %arg10[%mul3A_0, %dma_start3A_37] : memref<10016x128xf32, #tpu.memory_space<vmem_shared>> -> memref<624x128xf32, #tpu.memory_space<vmem_shared>>
      %dma_start3A_39 = arith.constant 0 : i32
      %dma_start3A_40 = tpu.memref_slice %arg4[%add3A_11, %dma_start3A_39] : memref<20000x128xf32, #tpu.memory_space<hbm>> -> memref<624x128xf32, #tpu.memory_space<hbm>>
      tpu.enqueue_dma source(%dma_start3A_40 : memref<624x128xf32, #tpu.memory_space<hbm>>) target(%dma_start3A_38 : memref<624x128xf32, #tpu.memory_space<vmem_shared>>) target_semaphore(%run_scoped3A : memref<!tpu.dma_semaphore, #tpu.memory_space<semaphore_mem>>)
      %dma_wait3A_41 = arith.constant 0 : i32
      %dma_wait3A_42 = tpu.memref_slice %arg10[%mul3A_0, %dma_wait3A_41] : memref<10016x128xf32, #tpu.memory_space<vmem_shared>> -> memref<624x128xf32, #tpu.memory_space<vmem_shared>>
      %dma_wait3A_43 = arith.constant 0 : i32
      %dma_wait3A_44 = tpu.memref_slice %arg4[%add3A_11, %dma_wait3A_43] : memref<20000x128xf32, #tpu.memory_space<hbm>> -> memref<624x128xf32, #tpu.memory_space<hbm>>
      tpu.wait_dma2 semaphore(%run_scoped3A : memref<!tpu.dma_semaphore, #tpu.memory_space<semaphore_mem>>) src(%dma_wait3A_44 : memref<624x128xf32, #tpu.memory_space<hbm>>) dst(%dma_wait3A_42 : memref<624x128xf32, #tpu.memory_space<vmem_shared>>)
      tpu.yield
    }) : () -> ()
    %eq3A = arith.constant 0 : i32
    %eq3A_12 = arith.cmpi eq, %arg1, %eq3A : i32
    %convert_element_type3A = arith.extui %eq3A_12 : i1 to i32
    %cond3A = arith.constant 0 : i32
    %cond3A_13 = arith.cmpi ne, %convert_element_type3A, %cond3A : i32
    scf.if %cond3A_13 {
      %add3A_37 = arith.constant 9984 : i32
      %add3A_38 = arith.addi %mul3A_10, %add3A_37 : i32
      "tpu.region"() ({
        %run_scoped3A = tpu.sem_alloc : memref<!tpu.dma_semaphore, #tpu.memory_space<semaphore_mem>>
        %dma_start3A_39 = arith.constant 9984 : i32
        %dma_start3A_40 = arith.constant 0 : i32
        %dma_start3A_41 = tpu.memref_slice %arg10[%dma_start3A_39, %dma_start3A_40] : memref<10016x128xf32, #tpu.memory_space<vmem_shared>> -> memref<16x128xf32, #tpu.memory_space<vmem_shared>>
        %dma_start3A_42 = arith.constant 0 : i32
        %dma_start3A_43 = tpu.memref_slice %arg4[%add3A_38, %dma_start3A_42] : memref<20000x128xf32, #tpu.memory_space<hbm>> -> memref<16x128xf32, #tpu.memory_space<hbm>>
        tpu.enqueue_dma source(%dma_start3A_43 : memref<16x128xf32, #tpu.memory_space<hbm>>) target(%dma_start3A_41 : memref<16x128xf32, #tpu.memory_space<vmem_shared>>) target_semaphore(%run_scoped3A : memref<!tpu.dma_semaphore, #tpu.memory_space<semaphore_mem>>)
        %dma_wait3A_44 = arith.constant 9984 : i32
        %dma_wait3A_45 = arith.constant 0 : i32
        %dma_wait3A_46 = tpu.memref_slice %arg10[%dma_wait3A_44, %dma_wait3A_45] : memref<10016x128xf32, #tpu.memory_space<vmem_shared>> -> memref<16x128xf32, #tpu.memory_space<vmem_shared>>
        %dma_wait3A_47 = arith.constant 0 : i32
        %dma_wait3A_48 = tpu.memref_slice %arg4[%add3A_38, %dma_wait3A_47] : memref<20000x128xf32, #tpu.memory_space<hbm>> -> memref<16x128xf32, #tpu.memory_space<hbm>>
        tpu.wait_dma2 semaphore(%run_scoped3A : memref<!tpu.dma_semaphore, #tpu.memory_space<semaphore_mem>>) src(%dma_wait3A_48 : memref<16x128xf32, #tpu.memory_space<hbm>>) dst(%dma_wait3A_46 : memref<16x128xf32, #tpu.memory_space<vmem_shared>>)
        tpu.yield
      }) : () -> ()
    } else {
    }
    %barrier3A = arith.constant 0 : index
    tpu.barrier barrier_id(%barrier3A)
    %dma_start3A = arith.constant 0 : i32
    %dma_start3A_14 = tpu.memref_slice %arg6[%dma_start3A] : memref<10192xi32, #tpu.memory_space<vmem>> -> memref<104xi32, #tpu.memory_space<vmem>>
    %dma_start3A_15 = arith.constant 0 : i32
    %dma_start3A_16 = arith.constant 0 : i32
    %dma_start3A_17 = tpu.memref_slice %arg4[%dma_start3A_15, %dma_start3A_16] : memref<20000x128xf32, #tpu.memory_space<hbm>> -> memref<20000x128xf32, #tpu.memory_space<hbm>>
    tpu.enqueue_indirect_dma source(%dma_start3A_17 : memref<20000x128xf32, #tpu.memory_space<hbm>>) target(%arg8 : memref<104x128xf32, #tpu.memory_space<vmem>>) offsets(%dma_start3A_14 : memref<104xi32, #tpu.memory_space<vmem>>) semaphore(%arg11 : memref<!tpu.dma_semaphore, #tpu.memory_space<semaphore_mem>>)
    %scan3A_18 = arith.constant 0 : i32
    %scan3A_19 = arith.constant 0 : i32
    %scan3A_20 = arith.constant 49 : i32
    %scan3A_21 = arith.addi %scan3A_19, %scan3A_20 : i32
    %scan3A_22 = arith.constant 1 : i32
    scf.for %scan3A_37 = %scan3A_19 to %scan3A_21 step %scan3A_22  : i32 {
      %mul3A_38 = arith.constant 2 : i32
      %mul3A_39 = arith.muli %mul3A_38, %scan3A_37 : i32
      %mul3A_40 = arith.constant 2 : i32
      %mul3A_41 = arith.muli %mul3A_40, %scan3A_37 : i32
      %add3A_42 = arith.constant 1 : i32
      %add3A_43 = arith.addi %mul3A_41, %add3A_42 : i32
      %mul3A_44 = arith.constant 104 : i32
      %mul3A_45 = arith.muli %add3A_43, %mul3A_44 : i32
      %dma_start3A_46 = tpu.memref_slice %arg6[%mul3A_45] : memref<10192xi32, #tpu.memory_space<vmem>> -> memref<104xi32, #tpu.memory_space<vmem>>
      %dma_start3A_47 = arith.constant 0 : i32
      %dma_start3A_48 = arith.constant 0 : i32
      %dma_start3A_49 = tpu.memref_slice %arg4[%dma_start3A_47, %dma_start3A_48] : memref<20000x128xf32, #tpu.memory_space<hbm>> -> memref<20000x128xf32, #tpu.memory_space<hbm>>
      tpu.enqueue_indirect_dma source(%dma_start3A_49 : memref<20000x128xf32, #tpu.memory_space<hbm>>) target(%arg9 : memref<104x128xf32, #tpu.memory_space<vmem>>) offsets(%dma_start3A_46 : memref<104xi32, #tpu.memory_space<vmem>>) semaphore(%arg12 : memref<!tpu.dma_semaphore, #tpu.memory_space<semaphore_mem>>)
      %dma_wait3A_50 = arith.constant 0 : i32
      %dma_wait3A_51 = arith.constant 0 : i32
      %dma_wait3A_52 = tpu.memref_slice %arg4[%dma_wait3A_50, %dma_wait3A_51] : memref<20000x128xf32, #tpu.memory_space<hbm>> -> memref<104x128xf32, #tpu.memory_space<hbm>>
      %dma_wait3A_53 = arith.constant 0 : i32
      %dma_wait3A_54 = arith.constant 0 : i32
      %dma_wait3A_55 = tpu.memref_slice %arg4[%dma_wait3A_53, %dma_wait3A_54] : memref<20000x128xf32, #tpu.memory_space<hbm>> -> memref<104x128xf32, #tpu.memory_space<hbm>>
      tpu.wait_dma2 semaphore(%arg11 : memref<!tpu.dma_semaphore, #tpu.memory_space<semaphore_mem>>) src(%dma_wait3A_55 : memref<104x128xf32, #tpu.memory_space<hbm>>) dst(%arg8 : memref<104x128xf32, #tpu.memory_space<vmem>>)
      "tpu.region"() ({
        %run_scoped3A = tpu.sem_alloc : memref<!tpu.dma_semaphore, #tpu.memory_space<semaphore_mem>>
        %dma_start3A_71 = arith.constant 0 : i32
        %dma_start3A_72 = tpu.memref_slice %arg7[%mul3A_39, %dma_start3A_71] : memref<98x104xi32, #tpu.memory_space<vmem>> -> memref<1x104xi32, #tpu.memory_space<vmem>>
        %dma_start3A_73 = tpu.memref_squeeze %dma_start3A_72 : memref<1x104xi32, #tpu.memory_space<vmem>> -> memref<104xi32, #tpu.memory_space<vmem>>
        %dma_start3A_74 = arith.constant 0 : i32
        %dma_start3A_75 = arith.constant 0 : i32
        %dma_start3A_76 = tpu.memref_slice %arg10[%dma_start3A_74, %dma_start3A_75] : memref<10016x128xf32, #tpu.memory_space<vmem_shared>> -> memref<10016x128xf32, #tpu.memory_space<vmem_shared>>
        tpu.enqueue_indirect_dma source(%arg8 : memref<104x128xf32, #tpu.memory_space<vmem>>) target(%dma_start3A_76 : memref<10016x128xf32, #tpu.memory_space<vmem_shared>>) offsets(%dma_start3A_73 : memref<104xi32, #tpu.memory_space<vmem>>) semaphore(%run_scoped3A : memref<!tpu.dma_semaphore, #tpu.memory_space<semaphore_mem>>) {add = true}
        %dma_wait3A_77 = arith.constant 0 : i32
        %dma_wait3A_78 = tpu.memref_slice %arg7[%mul3A_39, %dma_wait3A_77] : memref<98x104xi32, #tpu.memory_space<vmem>> -> memref<1x104xi32, #tpu.memory_space<vmem>>
        %dma_wait3A_79 = tpu.memref_squeeze %dma_wait3A_78 : memref<1x104xi32, #tpu.memory_space<vmem>> -> memref<104xi32, #tpu.memory_space<vmem>>
        %dma_wait3A_80 = arith.constant 0 : i32
        %dma_wait3A_81 = arith.constant 0 : i32
        %dma_wait3A_82 = tpu.memref_slice %arg10[%dma_wait3A_80, %dma_wait3A_81] : memref<10016x128xf32, #tpu.memory_space<vmem_shared>> -> memref<10016x128xf32, #tpu.memory_space<vmem_shared>>
        tpu.wait_indirect_dma semaphore(%run_scoped3A : memref<!tpu.dma_semaphore, #tpu.memory_space<semaphore_mem>>) src(%arg8 : memref<104x128xf32, #tpu.memory_space<vmem>>) dst(%dma_wait3A_82 : memref<10016x128xf32, #tpu.memory_space<vmem_shared>>)
        tpu.yield
      }) : () -> ()
      %add3A_56 = arith.constant 2 : i32
      %add3A_57 = arith.addi %mul3A_39, %add3A_56 : i32
      %min3A = arith.constant 97 : i32
      %min3A_58 = arith.minsi %add3A_57, %min3A : i32
      %mul3A_59 = arith.constant 104 : i32
      %mul3A_60 = arith.muli %min3A_58, %mul3A_59 : i32
      %dma_start3A_61 = tpu.memref_slice %arg6[%mul3A_60] : memref<10192xi32, #tpu.memory_space<vmem>> -> memref<104xi32, #tpu.memory_space<vmem>>
      %dma_start3A_62 = arith.constant 0 : i32
      %dma_start3A_63 = arith.constant 0 : i32
      %dma_start3A_64 = tpu.memref_slice %arg4[%dma_start3A_62, %dma_start3A_63] : memref<20000x128xf32, #tpu.memory_space<hbm>> -> memref<20000x128xf32, #tpu.memory_space<hbm>>
      tpu.enqueue_indirect_dma source(%dma_start3A_64 : memref<20000x128xf32, #tpu.memory_space<hbm>>) target(%arg8 : memref<104x128xf32, #tpu.memory_space<vmem>>) offsets(%dma_start3A_61 : memref<104xi32, #tpu.memory_space<vmem>>) semaphore(%arg11 : memref<!tpu.dma_semaphore, #tpu.memory_space<semaphore_mem>>)
      %dma_wait3A_65 = arith.constant 0 : i32
      %dma_wait3A_66 = arith.constant 0 : i32
      %dma_wait3A_67 = tpu.memref_slice %arg4[%dma_wait3A_65, %dma_wait3A_66] : memref<20000x128xf32, #tpu.memory_space<hbm>> -> memref<104x128xf32, #tpu.memory_space<hbm>>
      %dma_wait3A_68 = arith.constant 0 : i32
      %dma_wait3A_69 = arith.constant 0 : i32
      %dma_wait3A_70 = tpu.memref_slice %arg4[%dma_wait3A_68, %dma_wait3A_69] : memref<20000x128xf32, #tpu.memory_space<hbm>> -> memref<104x128xf32, #tpu.memory_space<hbm>>
      tpu.wait_dma2 semaphore(%arg12 : memref<!tpu.dma_semaphore, #tpu.memory_space<semaphore_mem>>) src(%dma_wait3A_70 : memref<104x128xf32, #tpu.memory_space<hbm>>) dst(%arg9 : memref<104x128xf32, #tpu.memory_space<vmem>>)
      "tpu.region"() ({
        %run_scoped3A = tpu.sem_alloc : memref<!tpu.dma_semaphore, #tpu.memory_space<semaphore_mem>>
        %dma_start3A_71 = arith.constant 0 : i32
        %dma_start3A_72 = tpu.memref_slice %arg7[%add3A_43, %dma_start3A_71] : memref<98x104xi32, #tpu.memory_space<vmem>> -> memref<1x104xi32, #tpu.memory_space<vmem>>
        %dma_start3A_73 = tpu.memref_squeeze %dma_start3A_72 : memref<1x104xi32, #tpu.memory_space<vmem>> -> memref<104xi32, #tpu.memory_space<vmem>>
        %dma_start3A_74 = arith.constant 0 : i32
        %dma_start3A_75 = arith.constant 0 : i32
        %dma_start3A_76 = tpu.memref_slice %arg10[%dma_start3A_74, %dma_start3A_75] : memref<10016x128xf32, #tpu.memory_space<vmem_shared>> -> memref<10016x128xf32, #tpu.memory_space<vmem_shared>>
        tpu.enqueue_indirect_dma source(%arg9 : memref<104x128xf32, #tpu.memory_space<vmem>>) target(%dma_start3A_76 : memref<10016x128xf32, #tpu.memory_space<vmem_shared>>) offsets(%dma_start3A_73 : memref<104xi32, #tpu.memory_space<vmem>>) semaphore(%run_scoped3A : memref<!tpu.dma_semaphore, #tpu.memory_space<semaphore_mem>>) {add = true}
        %dma_wait3A_77 = arith.constant 0 : i32
        %dma_wait3A_78 = tpu.memref_slice %arg7[%add3A_43, %dma_wait3A_77] : memref<98x104xi32, #tpu.memory_space<vmem>> -> memref<1x104xi32, #tpu.memory_space<vmem>>
        %dma_wait3A_79 = tpu.memref_squeeze %dma_wait3A_78 : memref<1x104xi32, #tpu.memory_space<vmem>> -> memref<104xi32, #tpu.memory_space<vmem>>
        %dma_wait3A_80 = arith.constant 0 : i32
        %dma_wait3A_81 = arith.constant 0 : i32
        %dma_wait3A_82 = tpu.memref_slice %arg10[%dma_wait3A_80, %dma_wait3A_81] : memref<10016x128xf32, #tpu.memory_space<vmem_shared>> -> memref<10016x128xf32, #tpu.memory_space<vmem_shared>>
        tpu.wait_indirect_dma semaphore(%run_scoped3A : memref<!tpu.dma_semaphore, #tpu.memory_space<semaphore_mem>>) src(%arg9 : memref<104x128xf32, #tpu.memory_space<vmem>>) dst(%dma_wait3A_82 : memref<10016x128xf32, #tpu.memory_space<vmem_shared>>)
        tpu.yield
      }) : () -> ()
    }
    %scan3A_23 = arith.constant 49 : i32
    %dma_wait3A = arith.constant 0 : i32
    %dma_wait3A_24 = arith.constant 0 : i32
    %dma_wait3A_25 = tpu.memref_slice %arg4[%dma_wait3A, %dma_wait3A_24] : memref<20000x128xf32, #tpu.memory_space<hbm>> -> memref<104x128xf32, #tpu.memory_space<hbm>>
    %dma_wait3A_26 = arith.constant 0 : i32
    %dma_wait3A_27 = arith.constant 0 : i32
    %dma_wait3A_28 = tpu.memref_slice %arg4[%dma_wait3A_26, %dma_wait3A_27] : memref<20000x128xf32, #tpu.memory_space<hbm>> -> memref<104x128xf32, #tpu.memory_space<hbm>>
    tpu.wait_dma2 semaphore(%arg11 : memref<!tpu.dma_semaphore, #tpu.memory_space<semaphore_mem>>) src(%dma_wait3A_28 : memref<104x128xf32, #tpu.memory_space<hbm>>) dst(%arg8 : memref<104x128xf32, #tpu.memory_space<vmem>>)
    %barrier3A_29 = arith.constant 0 : index
    tpu.barrier barrier_id(%barrier3A_29)
    %add3A_30 = arith.addi %mul3A_10, %mul3A_0 : i32
    "tpu.region"() ({
      %run_scoped3A = tpu.sem_alloc : memref<!tpu.dma_semaphore, #tpu.memory_space<semaphore_mem>>
      %dma_start3A_37 = arith.constant 0 : i32
      %dma_start3A_38 = tpu.memref_slice %arg5[%add3A_30, %dma_start3A_37] : memref<20000x128xf32, #tpu.memory_space<hbm>> -> memref<624x128xf32, #tpu.memory_space<hbm>>
      %dma_start3A_39 = arith.constant 0 : i32
      %dma_start3A_40 = tpu.memref_slice %arg10[%mul3A_0, %dma_start3A_39] : memref<10016x128xf32, #tpu.memory_space<vmem_shared>> -> memref<624x128xf32, #tpu.memory_space<vmem_shared>>
      tpu.enqueue_dma source(%dma_start3A_40 : memref<624x128xf32, #tpu.memory_space<vmem_shared>>) target(%dma_start3A_38 : memref<624x128xf32, #tpu.memory_space<hbm>>) target_semaphore(%run_scoped3A : memref<!tpu.dma_semaphore, #tpu.memory_space<semaphore_mem>>)
      %dma_wait3A_41 = arith.constant 0 : i32
      %dma_wait3A_42 = tpu.memref_slice %arg5[%add3A_30, %dma_wait3A_41] : memref<20000x128xf32, #tpu.memory_space<hbm>> -> memref<624x128xf32, #tpu.memory_space<hbm>>
      %dma_wait3A_43 = arith.constant 0 : i32
      %dma_wait3A_44 = tpu.memref_slice %arg10[%mul3A_0, %dma_wait3A_43] : memref<10016x128xf32, #tpu.memory_space<vmem_shared>> -> memref<624x128xf32, #tpu.memory_space<vmem_shared>>
      tpu.wait_dma2 semaphore(%run_scoped3A : memref<!tpu.dma_semaphore, #tpu.memory_space<semaphore_mem>>) src(%dma_wait3A_44 : memref<624x128xf32, #tpu.memory_space<vmem_shared>>) dst(%dma_wait3A_42 : memref<624x128xf32, #tpu.memory_space<hbm>>)
      tpu.yield
    }) : () -> ()
    %eq3A_31 = arith.constant 0 : i32
    %eq3A_32 = arith.cmpi eq, %arg1, %eq3A_31 : i32
    %convert_element_type3A_33 = arith.extui %eq3A_32 : i1 to i32
    %cond3A_34 = arith.constant 0 : i32
    %cond3A_35 = arith.cmpi ne, %convert_element_type3A_33, %cond3A_34 : i32
    scf.if %cond3A_35 {
      %add3A_37 = arith.constant 9984 : i32
      %add3A_38 = arith.addi %mul3A_10, %add3A_37 : i32
      "tpu.region"() ({
        %run_scoped3A = tpu.sem_alloc : memref<!tpu.dma_semaphore, #tpu.memory_space<semaphore_mem>>
        %dma_start3A_39 = arith.constant 0 : i32
        %dma_start3A_40 = tpu.memref_slice %arg5[%add3A_38, %dma_start3A_39] : memref<20000x128xf32, #tpu.memory_space<hbm>> -> memref<16x128xf32, #tpu.memory_space<hbm>>
        %dma_start3A_41 = arith.constant 9984 : i32
        %dma_start3A_42 = arith.constant 0 : i32
        %dma_start3A_43 = tpu.memref_slice %arg10[%dma_start3A_41, %dma_start3A_42] : memref<10016x128xf32, #tpu.memory_space<vmem_shared>> -> memref<16x128xf32, #tpu.memory_space<vmem_shared>>
        tpu.enqueue_dma source(%dma_start3A_43 : memref<16x128xf32, #tpu.memory_space<vmem_shared>>) target(%dma_start3A_40 : memref<16x128xf32, #tpu.memory_space<hbm>>) target_semaphore(%run_scoped3A : memref<!tpu.dma_semaphore, #tpu.memory_space<semaphore_mem>>)
        %dma_wait3A_44 = arith.constant 0 : i32
        %dma_wait3A_45 = tpu.memref_slice %arg5[%add3A_38, %dma_wait3A_44] : memref<20000x128xf32, #tpu.memory_space<hbm>> -> memref<16x128xf32, #tpu.memory_space<hbm>>
        %dma_wait3A_46 = arith.constant 9984 : i32
        %dma_wait3A_47 = arith.constant 0 : i32
        %dma_wait3A_48 = tpu.memref_slice %arg10[%dma_wait3A_46, %dma_wait3A_47] : memref<10016x128xf32, #tpu.memory_space<vmem_shared>> -> memref<16x128xf32, #tpu.memory_space<vmem_shared>>
        tpu.wait_dma2 semaphore(%run_scoped3A : memref<!tpu.dma_semaphore, #tpu.memory_space<semaphore_mem>>) src(%dma_wait3A_48 : memref<16x128xf32, #tpu.memory_space<vmem_shared>>) dst(%dma_wait3A_45 : memref<16x128xf32, #tpu.memory_space<hbm>>)
        tpu.yield
      }) : () -> ()
    } else {
    }
    %barrier3A_36 = arith.constant 0 : index
    tpu.barrier barrier_id(%barrier3A_36)
    return
  }
}

#map = affine_map<(d0, d1) -> (0, 0)>
#map1 = affine_map<(d0, d1) -> (0, 0, 0)>
module attributes {stable_mosaic.version = 14 : i64} {
  func.func @prop_kernel(%arg0: i32, %arg1: i32, %arg2: memref<16x10192xi32, #tpu.memory_space<hbm>>, %arg3: memref<16x98x104xi32, #tpu.memory_space<hbm>>, %arg4: memref<60000x128xf32, #tpu.memory_space<hbm>>, %arg5: memref<60000x128xf32, #tpu.memory_space<hbm>>, %arg6: memref<10192xi32, #tpu.memory_space<vmem>>, %arg7: memref<98x104xi32, #tpu.memory_space<vmem>>, %arg8: memref<104x128xf32, #tpu.memory_space<vmem>>, %arg9: memref<104x128xf32, #tpu.memory_space<vmem>>, %arg10: memref<10016x128xf32, #tpu.memory_space<vmem_shared>>, %arg11: memref<!tpu.dma_semaphore, #tpu.memory_space<semaphore_mem>>, %arg12: memref<!tpu.dma_semaphore, #tpu.memory_space<semaphore_mem>>) attributes {dimension_semantics = [#tpu.dimension_semantics<core_parallel>, #tpu.dimension_semantics<subcore_parallel>], iteration_bounds = array<i64: 2, 16>, scalar_prefetch = 0 : i64, scratch_operands = 7 : i64, tpu.core_type = #tpu.core_type<sc_vector_subcore>, window_params = [{transform_indices = #map}, {transform_indices = #map1}, {transform_indices = #map}, {transform_indices = #map}]} {
    %mul3A = arith.constant 624 : i32
    %mul3A_0 = arith.muli %arg1, %mul3A : i32
    "tpu.region"() ({
      %run_scoped3A = tpu.sem_alloc : memref<!tpu.dma_semaphore, #tpu.memory_space<semaphore_mem>>
      %dma_start3A_121 = arith.constant 0 : i32
      %dma_start3A_122 = tpu.memref_slice %arg2[%arg1, %dma_start3A_121] : memref<16x10192xi32, #tpu.memory_space<hbm>> -> memref<1x10192xi32, #tpu.memory_space<hbm>>
      %dma_start3A_123 = tpu.memref_squeeze %dma_start3A_122 : memref<1x10192xi32, #tpu.memory_space<hbm>> -> memref<10192xi32, #tpu.memory_space<hbm>>
      %dma_start3A_124 = arith.constant 0 : i32
      %dma_start3A_125 = tpu.memref_slice %arg2[%arg1, %dma_start3A_124] : memref<16x10192xi32, #tpu.memory_space<hbm>> -> memref<1x10192xi32, #tpu.memory_space<hbm>>
      %dma_start3A_126 = tpu.memref_squeeze %dma_start3A_125 : memref<1x10192xi32, #tpu.memory_space<hbm>> -> memref<10192xi32, #tpu.memory_space<hbm>>
      tpu.enqueue_dma source(%dma_start3A_126 : memref<10192xi32, #tpu.memory_space<hbm>>) target(%arg6 : memref<10192xi32, #tpu.memory_space<vmem>>) target_semaphore(%run_scoped3A : memref<!tpu.dma_semaphore, #tpu.memory_space<semaphore_mem>>)
      %dma_wait3A_127 = arith.constant 0 : i32
      %dma_wait3A_128 = tpu.memref_slice %arg2[%arg1, %dma_wait3A_127] : memref<16x10192xi32, #tpu.memory_space<hbm>> -> memref<1x10192xi32, #tpu.memory_space<hbm>>
      %dma_wait3A_129 = tpu.memref_squeeze %dma_wait3A_128 : memref<1x10192xi32, #tpu.memory_space<hbm>> -> memref<10192xi32, #tpu.memory_space<hbm>>
      %dma_wait3A_130 = arith.constant 0 : i32
      %dma_wait3A_131 = tpu.memref_slice %arg2[%arg1, %dma_wait3A_130] : memref<16x10192xi32, #tpu.memory_space<hbm>> -> memref<1x10192xi32, #tpu.memory_space<hbm>>
      %dma_wait3A_132 = tpu.memref_squeeze %dma_wait3A_131 : memref<1x10192xi32, #tpu.memory_space<hbm>> -> memref<10192xi32, #tpu.memory_space<hbm>>
      tpu.wait_dma2 semaphore(%run_scoped3A : memref<!tpu.dma_semaphore, #tpu.memory_space<semaphore_mem>>) src(%dma_wait3A_132 : memref<10192xi32, #tpu.memory_space<hbm>>) dst(%arg6 : memref<10192xi32, #tpu.memory_space<vmem>>)
      tpu.yield
    }) : () -> ()
    "tpu.region"() ({
      %run_scoped3A = tpu.sem_alloc : memref<!tpu.dma_semaphore, #tpu.memory_space<semaphore_mem>>
      %dma_start3A_121 = arith.constant 0 : i32
      %dma_start3A_122 = arith.constant 0 : i32
      %dma_start3A_123 = tpu.memref_slice %arg3[%arg1, %dma_start3A_121, %dma_start3A_122] : memref<16x98x104xi32, #tpu.memory_space<hbm>> -> memref<1x98x104xi32, #tpu.memory_space<hbm>>
      %dma_start3A_124 = tpu.memref_squeeze %dma_start3A_123 : memref<1x98x104xi32, #tpu.memory_space<hbm>> -> memref<98x104xi32, #tpu.memory_space<hbm>>
      %dma_start3A_125 = arith.constant 0 : i32
      %dma_start3A_126 = arith.constant 0 : i32
      %dma_start3A_127 = tpu.memref_slice %arg3[%arg1, %dma_start3A_125, %dma_start3A_126] : memref<16x98x104xi32, #tpu.memory_space<hbm>> -> memref<1x98x104xi32, #tpu.memory_space<hbm>>
      %dma_start3A_128 = tpu.memref_squeeze %dma_start3A_127 : memref<1x98x104xi32, #tpu.memory_space<hbm>> -> memref<98x104xi32, #tpu.memory_space<hbm>>
      tpu.enqueue_dma source(%dma_start3A_128 : memref<98x104xi32, #tpu.memory_space<hbm>>) target(%arg7 : memref<98x104xi32, #tpu.memory_space<vmem>>) target_semaphore(%run_scoped3A : memref<!tpu.dma_semaphore, #tpu.memory_space<semaphore_mem>>)
      %dma_wait3A_129 = arith.constant 0 : i32
      %dma_wait3A_130 = arith.constant 0 : i32
      %dma_wait3A_131 = tpu.memref_slice %arg3[%arg1, %dma_wait3A_129, %dma_wait3A_130] : memref<16x98x104xi32, #tpu.memory_space<hbm>> -> memref<1x98x104xi32, #tpu.memory_space<hbm>>
      %dma_wait3A_132 = tpu.memref_squeeze %dma_wait3A_131 : memref<1x98x104xi32, #tpu.memory_space<hbm>> -> memref<98x104xi32, #tpu.memory_space<hbm>>
      %dma_wait3A_133 = arith.constant 0 : i32
      %dma_wait3A_134 = arith.constant 0 : i32
      %dma_wait3A_135 = tpu.memref_slice %arg3[%arg1, %dma_wait3A_133, %dma_wait3A_134] : memref<16x98x104xi32, #tpu.memory_space<hbm>> -> memref<1x98x104xi32, #tpu.memory_space<hbm>>
      %dma_wait3A_136 = tpu.memref_squeeze %dma_wait3A_135 : memref<1x98x104xi32, #tpu.memory_space<hbm>> -> memref<98x104xi32, #tpu.memory_space<hbm>>
      tpu.wait_dma2 semaphore(%run_scoped3A : memref<!tpu.dma_semaphore, #tpu.memory_space<semaphore_mem>>) src(%dma_wait3A_136 : memref<98x104xi32, #tpu.memory_space<hbm>>) dst(%arg7 : memref<98x104xi32, #tpu.memory_space<vmem>>)
      tpu.yield
    }) : () -> ()
    %mul3A_1 = arith.constant 10000 : i32
    %mul3A_2 = arith.muli %arg0, %mul3A_1 : i32
    %scan3A = arith.constant 0 : i32
    %scan3A_3 = arith.constant 0 : i32
    %scan3A_4 = arith.constant 637 : i32
    %scan3A_5 = arith.addi %scan3A_3, %scan3A_4 : i32
    %scan3A_6 = arith.constant 1 : i32
    scf.for %scan3A_121 = %scan3A_3 to %scan3A_5 step %scan3A_6  : i32 {
      %mul3A_122 = arith.constant 16 : i32
      %mul3A_123 = arith.muli %scan3A_121, %mul3A_122 : i32
      %get3A = arith.index_cast %mul3A_123 : i32 to index
      %get3A_124 = tpu.vector_load %arg6[%get3A] {strides = array<i32>} : memref<10192xi32, #tpu.memory_space<vmem>>, vector<16xi32>,
      %get3A_125 = vector.shape_cast %get3A_124 : vector<16xi32> to vector<16xi32>
      %add3A_126 = vector.broadcast %mul3A_2 : i32 to vector<16xi32>
      %add3A_127 = arith.addi %get3A_125, %add3A_126 : vector<16xi32>
      %swap3A = arith.index_cast %mul3A_123 : i32 to index
      %swap3A_128 = tpu.vector_load %arg6[%swap3A] {strides = array<i32>} : memref<10192xi32, #tpu.memory_space<vmem>>, vector<16xi32>,
      %swap3A_129 = vector.shape_cast %swap3A_128 : vector<16xi32> to vector<16xi32>
      %swap3A_130 = vector.shape_cast %add3A_127 : vector<16xi32> to vector<16xi32>
      tpu.vector_store %arg6[%swap3A], %swap3A_130 {strides = array<i32>} : memref<10192xi32, #tpu.memory_space<vmem>>, vector<16xi32>,
    }
    %scan3A_7 = arith.constant 637 : i32
    %add3A = arith.constant 0 : i32
    %add3A_8 = arith.addi %add3A, %arg0 : i32
    %mul3A_9 = arith.constant 10000 : i32
    %mul3A_10 = arith.muli %add3A_8, %mul3A_9 : i32
    %add3A_11 = arith.addi %mul3A_10, %mul3A_0 : i32
    "tpu.region"() ({
      %run_scoped3A = tpu.sem_alloc : memref<!tpu.dma_semaphore, #tpu.memory_space<semaphore_mem>>
      %dma_start3A_121 = arith.constant 0 : i32
      %dma_start3A_122 = tpu.memref_slice %arg10[%mul3A_0, %dma_start3A_121] : memref<10016x128xf32, #tpu.memory_space<vmem_shared>> -> memref<624x128xf32, #tpu.memory_space<vmem_shared>>
      %dma_start3A_123 = arith.constant 0 : i32
      %dma_start3A_124 = tpu.memref_slice %arg4[%add3A_11, %dma_start3A_123] : memref<60000x128xf32, #tpu.memory_space<hbm>> -> memref<624x128xf32, #tpu.memory_space<hbm>>
      tpu.enqueue_dma source(%dma_start3A_124 : memref<624x128xf32, #tpu.memory_space<hbm>>) target(%dma_start3A_122 : memref<624x128xf32, #tpu.memory_space<vmem_shared>>) target_semaphore(%run_scoped3A : memref<!tpu.dma_semaphore, #tpu.memory_space<semaphore_mem>>)
      %dma_wait3A_125 = arith.constant 0 : i32
      %dma_wait3A_126 = tpu.memref_slice %arg10[%mul3A_0, %dma_wait3A_125] : memref<10016x128xf32, #tpu.memory_space<vmem_shared>> -> memref<624x128xf32, #tpu.memory_space<vmem_shared>>
      %dma_wait3A_127 = arith.constant 0 : i32
      %dma_wait3A_128 = tpu.memref_slice %arg4[%add3A_11, %dma_wait3A_127] : memref<60000x128xf32, #tpu.memory_space<hbm>> -> memref<624x128xf32, #tpu.memory_space<hbm>>
      tpu.wait_dma2 semaphore(%run_scoped3A : memref<!tpu.dma_semaphore, #tpu.memory_space<semaphore_mem>>) src(%dma_wait3A_128 : memref<624x128xf32, #tpu.memory_space<hbm>>) dst(%dma_wait3A_126 : memref<624x128xf32, #tpu.memory_space<vmem_shared>>)
      tpu.yield
    }) : () -> ()
    %eq3A = arith.constant 0 : i32
    %eq3A_12 = arith.cmpi eq, %arg1, %eq3A : i32
    %convert_element_type3A = arith.extui %eq3A_12 : i1 to i32
    %cond3A = arith.constant 0 : i32
    %cond3A_13 = arith.cmpi ne, %convert_element_type3A, %cond3A : i32
    scf.if %cond3A_13 {
      %add3A_121 = arith.constant 9984 : i32
      %add3A_122 = arith.addi %mul3A_10, %add3A_121 : i32
      "tpu.region"() ({
        %run_scoped3A = tpu.sem_alloc : memref<!tpu.dma_semaphore, #tpu.memory_space<semaphore_mem>>
        %dma_start3A_123 = arith.constant 9984 : i32
        %dma_start3A_124 = arith.constant 0 : i32
        %dma_start3A_125 = tpu.memref_slice %arg10[%dma_start3A_123, %dma_start3A_124] : memref<10016x128xf32, #tpu.memory_space<vmem_shared>> -> memref<16x128xf32, #tpu.memory_space<vmem_shared>>
        %dma_start3A_126 = arith.constant 0 : i32
        %dma_start3A_127 = tpu.memref_slice %arg4[%add3A_122, %dma_start3A_126] : memref<60000x128xf32, #tpu.memory_space<hbm>> -> memref<16x128xf32, #tpu.memory_space<hbm>>
        tpu.enqueue_dma source(%dma_start3A_127 : memref<16x128xf32, #tpu.memory_space<hbm>>) target(%dma_start3A_125 : memref<16x128xf32, #tpu.memory_space<vmem_shared>>) target_semaphore(%run_scoped3A : memref<!tpu.dma_semaphore, #tpu.memory_space<semaphore_mem>>)
        %dma_wait3A_128 = arith.constant 9984 : i32
        %dma_wait3A_129 = arith.constant 0 : i32
        %dma_wait3A_130 = tpu.memref_slice %arg10[%dma_wait3A_128, %dma_wait3A_129] : memref<10016x128xf32, #tpu.memory_space<vmem_shared>> -> memref<16x128xf32, #tpu.memory_space<vmem_shared>>
        %dma_wait3A_131 = arith.constant 0 : i32
        %dma_wait3A_132 = tpu.memref_slice %arg4[%add3A_122, %dma_wait3A_131] : memref<60000x128xf32, #tpu.memory_space<hbm>> -> memref<16x128xf32, #tpu.memory_space<hbm>>
        tpu.wait_dma2 semaphore(%run_scoped3A : memref<!tpu.dma_semaphore, #tpu.memory_space<semaphore_mem>>) src(%dma_wait3A_132 : memref<16x128xf32, #tpu.memory_space<hbm>>) dst(%dma_wait3A_130 : memref<16x128xf32, #tpu.memory_space<vmem_shared>>)
        tpu.yield
      }) : () -> ()
    } else {
    }
    %barrier3A = arith.constant 0 : index
    tpu.barrier barrier_id(%barrier3A)
    %dma_start3A = arith.constant 0 : i32
    %dma_start3A_14 = tpu.memref_slice %arg6[%dma_start3A] : memref<10192xi32, #tpu.memory_space<vmem>> -> memref<104xi32, #tpu.memory_space<vmem>>
    %dma_start3A_15 = arith.constant 0 : i32
    %dma_start3A_16 = arith.constant 0 : i32
    %dma_start3A_17 = tpu.memref_slice %arg4[%dma_start3A_15, %dma_start3A_16] : memref<60000x128xf32, #tpu.memory_space<hbm>> -> memref<60000x128xf32, #tpu.memory_space<hbm>>
    tpu.enqueue_indirect_dma source(%dma_start3A_17 : memref<60000x128xf32, #tpu.memory_space<hbm>>) target(%arg8 : memref<104x128xf32, #tpu.memory_space<vmem>>) offsets(%dma_start3A_14 : memref<104xi32, #tpu.memory_space<vmem>>) semaphore(%arg11 : memref<!tpu.dma_semaphore, #tpu.memory_space<semaphore_mem>>)
    %scan3A_18 = arith.constant 0 : i32
    %scan3A_19 = arith.constant 0 : i32
    %scan3A_20 = arith.constant 49 : i32
    %scan3A_21 = arith.addi %scan3A_19, %scan3A_20 : i32
    %scan3A_22 = arith.constant 1 : i32
    scf.for %scan3A_121 = %scan3A_19 to %scan3A_21 step %scan3A_22  : i32 {
      %mul3A_122 = arith.constant 2 : i32
      %mul3A_123 = arith.muli %mul3A_122, %scan3A_121 : i32
      %mul3A_124 = arith.constant 2 : i32
      %mul3A_125 = arith.muli %mul3A_124, %scan3A_121 : i32
      %add3A_126 = arith.constant 1 : i32
      %add3A_127 = arith.addi %mul3A_125, %add3A_126 : i32
      %mul3A_128 = arith.constant 104 : i32
      %mul3A_129 = arith.muli %add3A_127, %mul3A_128 : i32
      %dma_start3A_130 = tpu.memref_slice %arg6[%mul3A_129] : memref<10192xi32, #tpu.memory_space<vmem>> -> memref<104xi32, #tpu.memory_space<vmem>>
      %dma_start3A_131 = arith.constant 0 : i32
      %dma_start3A_132 = arith.constant 0 : i32
      %dma_start3A_133 = tpu.memref_slice %arg4[%dma_start3A_131, %dma_start3A_132] : memref<60000x128xf32, #tpu.memory_space<hbm>> -> memref<60000x128xf32, #tpu.memory_space<hbm>>
      tpu.enqueue_indirect_dma source(%dma_start3A_133 : memref<60000x128xf32, #tpu.memory_space<hbm>>) target(%arg9 : memref<104x128xf32, #tpu.memory_space<vmem>>) offsets(%dma_start3A_130 : memref<104xi32, #tpu.memory_space<vmem>>) semaphore(%arg12 : memref<!tpu.dma_semaphore, #tpu.memory_space<semaphore_mem>>)
      %dma_wait3A_134 = arith.constant 0 : i32
      %dma_wait3A_135 = arith.constant 0 : i32
      %dma_wait3A_136 = tpu.memref_slice %arg4[%dma_wait3A_134, %dma_wait3A_135] : memref<60000x128xf32, #tpu.memory_space<hbm>> -> memref<104x128xf32, #tpu.memory_space<hbm>>
      %dma_wait3A_137 = arith.constant 0 : i32
      %dma_wait3A_138 = arith.constant 0 : i32
      %dma_wait3A_139 = tpu.memref_slice %arg4[%dma_wait3A_137, %dma_wait3A_138] : memref<60000x128xf32, #tpu.memory_space<hbm>> -> memref<104x128xf32, #tpu.memory_space<hbm>>
      tpu.wait_dma2 semaphore(%arg11 : memref<!tpu.dma_semaphore, #tpu.memory_space<semaphore_mem>>) src(%dma_wait3A_139 : memref<104x128xf32, #tpu.memory_space<hbm>>) dst(%arg8 : memref<104x128xf32, #tpu.memory_space<vmem>>)
      "tpu.region"() ({
        %run_scoped3A = tpu.sem_alloc : memref<!tpu.dma_semaphore, #tpu.memory_space<semaphore_mem>>
        %dma_start3A_155 = arith.constant 0 : i32
        %dma_start3A_156 = tpu.memref_slice %arg7[%mul3A_123, %dma_start3A_155] : memref<98x104xi32, #tpu.memory_space<vmem>> -> memref<1x104xi32, #tpu.memory_space<vmem>>
        %dma_start3A_157 = tpu.memref_squeeze %dma_start3A_156 : memref<1x104xi32, #tpu.memory_space<vmem>> -> memref<104xi32, #tpu.memory_space<vmem>>
        %dma_start3A_158 = arith.constant 0 : i32
        %dma_start3A_159 = arith.constant 0 : i32
        %dma_start3A_160 = tpu.memref_slice %arg10[%dma_start3A_158, %dma_start3A_159] : memref<10016x128xf32, #tpu.memory_space<vmem_shared>> -> memref<10016x128xf32, #tpu.memory_space<vmem_shared>>
        tpu.enqueue_indirect_dma source(%arg8 : memref<104x128xf32, #tpu.memory_space<vmem>>) target(%dma_start3A_160 : memref<10016x128xf32, #tpu.memory_space<vmem_shared>>) offsets(%dma_start3A_157 : memref<104xi32, #tpu.memory_space<vmem>>) semaphore(%run_scoped3A : memref<!tpu.dma_semaphore, #tpu.memory_space<semaphore_mem>>) {add = true}
        %dma_wait3A_161 = arith.constant 0 : i32
        %dma_wait3A_162 = tpu.memref_slice %arg7[%mul3A_123, %dma_wait3A_161] : memref<98x104xi32, #tpu.memory_space<vmem>> -> memref<1x104xi32, #tpu.memory_space<vmem>>
        %dma_wait3A_163 = tpu.memref_squeeze %dma_wait3A_162 : memref<1x104xi32, #tpu.memory_space<vmem>> -> memref<104xi32, #tpu.memory_space<vmem>>
        %dma_wait3A_164 = arith.constant 0 : i32
        %dma_wait3A_165 = arith.constant 0 : i32
        %dma_wait3A_166 = tpu.memref_slice %arg10[%dma_wait3A_164, %dma_wait3A_165] : memref<10016x128xf32, #tpu.memory_space<vmem_shared>> -> memref<10016x128xf32, #tpu.memory_space<vmem_shared>>
        tpu.wait_indirect_dma semaphore(%run_scoped3A : memref<!tpu.dma_semaphore, #tpu.memory_space<semaphore_mem>>) src(%arg8 : memref<104x128xf32, #tpu.memory_space<vmem>>) dst(%dma_wait3A_166 : memref<10016x128xf32, #tpu.memory_space<vmem_shared>>)
        tpu.yield
      }) : () -> ()
      %add3A_140 = arith.constant 2 : i32
      %add3A_141 = arith.addi %mul3A_123, %add3A_140 : i32
      %min3A = arith.constant 97 : i32
      %min3A_142 = arith.minsi %add3A_141, %min3A : i32
      %mul3A_143 = arith.constant 104 : i32
      %mul3A_144 = arith.muli %min3A_142, %mul3A_143 : i32
      %dma_start3A_145 = tpu.memref_slice %arg6[%mul3A_144] : memref<10192xi32, #tpu.memory_space<vmem>> -> memref<104xi32, #tpu.memory_space<vmem>>
      %dma_start3A_146 = arith.constant 0 : i32
      %dma_start3A_147 = arith.constant 0 : i32
      %dma_start3A_148 = tpu.memref_slice %arg4[%dma_start3A_146, %dma_start3A_147] : memref<60000x128xf32, #tpu.memory_space<hbm>> -> memref<60000x128xf32, #tpu.memory_space<hbm>>
      tpu.enqueue_indirect_dma source(%dma_start3A_148 : memref<60000x128xf32, #tpu.memory_space<hbm>>) target(%arg8 : memref<104x128xf32, #tpu.memory_space<vmem>>) offsets(%dma_start3A_145 : memref<104xi32, #tpu.memory_space<vmem>>) semaphore(%arg11 : memref<!tpu.dma_semaphore, #tpu.memory_space<semaphore_mem>>)
      %dma_wait3A_149 = arith.constant 0 : i32
      %dma_wait3A_150 = arith.constant 0 : i32
      %dma_wait3A_151 = tpu.memref_slice %arg4[%dma_wait3A_149, %dma_wait3A_150] : memref<60000x128xf32, #tpu.memory_space<hbm>> -> memref<104x128xf32, #tpu.memory_space<hbm>>
      %dma_wait3A_152 = arith.constant 0 : i32
      %dma_wait3A_153 = arith.constant 0 : i32
      %dma_wait3A_154 = tpu.memref_slice %arg4[%dma_wait3A_152, %dma_wait3A_153] : memref<60000x128xf32, #tpu.memory_space<hbm>> -> memref<104x128xf32, #tpu.memory_space<hbm>>
      tpu.wait_dma2 semaphore(%arg12 : memref<!tpu.dma_semaphore, #tpu.memory_space<semaphore_mem>>) src(%dma_wait3A_154 : memref<104x128xf32, #tpu.memory_space<hbm>>) dst(%arg9 : memref<104x128xf32, #tpu.memory_space<vmem>>)
      "tpu.region"() ({
        %run_scoped3A = tpu.sem_alloc : memref<!tpu.dma_semaphore, #tpu.memory_space<semaphore_mem>>
        %dma_start3A_155 = arith.constant 0 : i32
        %dma_start3A_156 = tpu.memref_slice %arg7[%add3A_127, %dma_start3A_155] : memref<98x104xi32, #tpu.memory_space<vmem>> -> memref<1x104xi32, #tpu.memory_space<vmem>>
        %dma_start3A_157 = tpu.memref_squeeze %dma_start3A_156 : memref<1x104xi32, #tpu.memory_space<vmem>> -> memref<104xi32, #tpu.memory_space<vmem>>
        %dma_start3A_158 = arith.constant 0 : i32
        %dma_start3A_159 = arith.constant 0 : i32
        %dma_start3A_160 = tpu.memref_slice %arg10[%dma_start3A_158, %dma_start3A_159] : memref<10016x128xf32, #tpu.memory_space<vmem_shared>> -> memref<10016x128xf32, #tpu.memory_space<vmem_shared>>
        tpu.enqueue_indirect_dma source(%arg9 : memref<104x128xf32, #tpu.memory_space<vmem>>) target(%dma_start3A_160 : memref<10016x128xf32, #tpu.memory_space<vmem_shared>>) offsets(%dma_start3A_157 : memref<104xi32, #tpu.memory_space<vmem>>) semaphore(%run_scoped3A : memref<!tpu.dma_semaphore, #tpu.memory_space<semaphore_mem>>) {add = true}
        %dma_wait3A_161 = arith.constant 0 : i32
        %dma_wait3A_162 = tpu.memref_slice %arg7[%add3A_127, %dma_wait3A_161] : memref<98x104xi32, #tpu.memory_space<vmem>> -> memref<1x104xi32, #tpu.memory_space<vmem>>
        %dma_wait3A_163 = tpu.memref_squeeze %dma_wait3A_162 : memref<1x104xi32, #tpu.memory_space<vmem>> -> memref<104xi32, #tpu.memory_space<vmem>>
        %dma_wait3A_164 = arith.constant 0 : i32
        %dma_wait3A_165 = arith.constant 0 : i32
        %dma_wait3A_166 = tpu.memref_slice %arg10[%dma_wait3A_164, %dma_wait3A_165] : memref<10016x128xf32, #tpu.memory_space<vmem_shared>> -> memref<10016x128xf32, #tpu.memory_space<vmem_shared>>
        tpu.wait_indirect_dma semaphore(%run_scoped3A : memref<!tpu.dma_semaphore, #tpu.memory_space<semaphore_mem>>) src(%arg9 : memref<104x128xf32, #tpu.memory_space<vmem>>) dst(%dma_wait3A_166 : memref<10016x128xf32, #tpu.memory_space<vmem_shared>>)
        tpu.yield
      }) : () -> ()
    }
    %scan3A_23 = arith.constant 49 : i32
    %dma_wait3A = arith.constant 0 : i32
    %dma_wait3A_24 = arith.constant 0 : i32
    %dma_wait3A_25 = tpu.memref_slice %arg4[%dma_wait3A, %dma_wait3A_24] : memref<60000x128xf32, #tpu.memory_space<hbm>> -> memref<104x128xf32, #tpu.memory_space<hbm>>
    %dma_wait3A_26 = arith.constant 0 : i32
    %dma_wait3A_27 = arith.constant 0 : i32
    %dma_wait3A_28 = tpu.memref_slice %arg4[%dma_wait3A_26, %dma_wait3A_27] : memref<60000x128xf32, #tpu.memory_space<hbm>> -> memref<104x128xf32, #tpu.memory_space<hbm>>
    tpu.wait_dma2 semaphore(%arg11 : memref<!tpu.dma_semaphore, #tpu.memory_space<semaphore_mem>>) src(%dma_wait3A_28 : memref<104x128xf32, #tpu.memory_space<hbm>>) dst(%arg8 : memref<104x128xf32, #tpu.memory_space<vmem>>)
    %barrier3A_29 = arith.constant 0 : index
    tpu.barrier barrier_id(%barrier3A_29)
    %add3A_30 = arith.addi %mul3A_10, %mul3A_0 : i32
    "tpu.region"() ({
      %run_scoped3A = tpu.sem_alloc : memref<!tpu.dma_semaphore, #tpu.memory_space<semaphore_mem>>
      %dma_start3A_121 = arith.constant 0 : i32
      %dma_start3A_122 = tpu.memref_slice %arg5[%add3A_30, %dma_start3A_121] : memref<60000x128xf32, #tpu.memory_space<hbm>> -> memref<624x128xf32, #tpu.memory_space<hbm>>
      %dma_start3A_123 = arith.constant 0 : i32
      %dma_start3A_124 = tpu.memref_slice %arg10[%mul3A_0, %dma_start3A_123] : memref<10016x128xf32, #tpu.memory_space<vmem_shared>> -> memref<624x128xf32, #tpu.memory_space<vmem_shared>>
      tpu.enqueue_dma source(%dma_start3A_124 : memref<624x128xf32, #tpu.memory_space<vmem_shared>>) target(%dma_start3A_122 : memref<624x128xf32, #tpu.memory_space<hbm>>) target_semaphore(%run_scoped3A : memref<!tpu.dma_semaphore, #tpu.memory_space<semaphore_mem>>)
      %dma_wait3A_125 = arith.constant 0 : i32
      %dma_wait3A_126 = tpu.memref_slice %arg5[%add3A_30, %dma_wait3A_125] : memref<60000x128xf32, #tpu.memory_space<hbm>> -> memref<624x128xf32, #tpu.memory_space<hbm>>
      %dma_wait3A_127 = arith.constant 0 : i32
      %dma_wait3A_128 = tpu.memref_slice %arg10[%mul3A_0, %dma_wait3A_127] : memref<10016x128xf32, #tpu.memory_space<vmem_shared>> -> memref<624x128xf32, #tpu.memory_space<vmem_shared>>
      tpu.wait_dma2 semaphore(%run_scoped3A : memref<!tpu.dma_semaphore, #tpu.memory_space<semaphore_mem>>) src(%dma_wait3A_128 : memref<624x128xf32, #tpu.memory_space<vmem_shared>>) dst(%dma_wait3A_126 : memref<624x128xf32, #tpu.memory_space<hbm>>)
      tpu.yield
    }) : () -> ()
    %eq3A_31 = arith.constant 0 : i32
    %eq3A_32 = arith.cmpi eq, %arg1, %eq3A_31 : i32
    %convert_element_type3A_33 = arith.extui %eq3A_32 : i1 to i32
    %cond3A_34 = arith.constant 0 : i32
    %cond3A_35 = arith.cmpi ne, %convert_element_type3A_33, %cond3A_34 : i32
    scf.if %cond3A_35 {
      %add3A_121 = arith.constant 9984 : i32
      %add3A_122 = arith.addi %mul3A_10, %add3A_121 : i32
      "tpu.region"() ({
        %run_scoped3A = tpu.sem_alloc : memref<!tpu.dma_semaphore, #tpu.memory_space<semaphore_mem>>
        %dma_start3A_123 = arith.constant 0 : i32
        %dma_start3A_124 = tpu.memref_slice %arg5[%add3A_122, %dma_start3A_123] : memref<60000x128xf32, #tpu.memory_space<hbm>> -> memref<16x128xf32, #tpu.memory_space<hbm>>
        %dma_start3A_125 = arith.constant 9984 : i32
        %dma_start3A_126 = arith.constant 0 : i32
        %dma_start3A_127 = tpu.memref_slice %arg10[%dma_start3A_125, %dma_start3A_126] : memref<10016x128xf32, #tpu.memory_space<vmem_shared>> -> memref<16x128xf32, #tpu.memory_space<vmem_shared>>
        tpu.enqueue_dma source(%dma_start3A_127 : memref<16x128xf32, #tpu.memory_space<vmem_shared>>) target(%dma_start3A_124 : memref<16x128xf32, #tpu.memory_space<hbm>>) target_semaphore(%run_scoped3A : memref<!tpu.dma_semaphore, #tpu.memory_space<semaphore_mem>>)
        %dma_wait3A_128 = arith.constant 0 : i32
        %dma_wait3A_129 = tpu.memref_slice %arg5[%add3A_122, %dma_wait3A_128] : memref<60000x128xf32, #tpu.memory_space<hbm>> -> memref<16x128xf32, #tpu.memory_space<hbm>>
        %dma_wait3A_130 = arith.constant 9984 : i32
        %dma_wait3A_131 = arith.constant 0 : i32
        %dma_wait3A_132 = tpu.memref_slice %arg10[%dma_wait3A_130, %dma_wait3A_131] : memref<10016x128xf32, #tpu.memory_space<vmem_shared>> -> memref<16x128xf32, #tpu.memory_space<vmem_shared>>
        tpu.wait_dma2 semaphore(%run_scoped3A : memref<!tpu.dma_semaphore, #tpu.memory_space<semaphore_mem>>) src(%dma_wait3A_132 : memref<16x128xf32, #tpu.memory_space<vmem_shared>>) dst(%dma_wait3A_129 : memref<16x128xf32, #tpu.memory_space<hbm>>)
        tpu.yield
      }) : () -> ()
    } else {
    }
    %barrier3A_36 = arith.constant 0 : index
    tpu.barrier barrier_id(%barrier3A_36)
    %scan3A_37 = arith.constant 0 : i32
    %scan3A_38 = arith.constant 0 : i32
    %scan3A_39 = arith.constant 637 : i32
    %scan3A_40 = arith.addi %scan3A_38, %scan3A_39 : i32
    %scan3A_41 = arith.constant 1 : i32
    scf.for %scan3A_121 = %scan3A_38 to %scan3A_40 step %scan3A_41  : i32 {
      %mul3A_122 = arith.constant 16 : i32
      %mul3A_123 = arith.muli %scan3A_121, %mul3A_122 : i32
      %get3A = arith.index_cast %mul3A_123 : i32 to index
      %get3A_124 = tpu.vector_load %arg6[%get3A] {strides = array<i32>} : memref<10192xi32, #tpu.memory_space<vmem>>, vector<16xi32>,
      %get3A_125 = vector.shape_cast %get3A_124 : vector<16xi32> to vector<16xi32>
      %add3A_126 = arith.constant 20000 : i32
      %add3A_127 = vector.broadcast %add3A_126 : i32 to vector<16xi32>
      %add3A_128 = arith.addi %get3A_125, %add3A_127 : vector<16xi32>
      %swap3A = arith.index_cast %mul3A_123 : i32 to index
      %swap3A_129 = tpu.vector_load %arg6[%swap3A] {strides = array<i32>} : memref<10192xi32, #tpu.memory_space<vmem>>, vector<16xi32>,
      %swap3A_130 = vector.shape_cast %swap3A_129 : vector<16xi32> to vector<16xi32>
      %swap3A_131 = vector.shape_cast %add3A_128 : vector<16xi32> to vector<16xi32>
      tpu.vector_store %arg6[%swap3A], %swap3A_131 {strides = array<i32>} : memref<10192xi32, #tpu.memory_space<vmem>>, vector<16xi32>,
    }
    %scan3A_42 = arith.constant 637 : i32
    %add3A_43 = arith.constant 2 : i32
    %add3A_44 = arith.addi %add3A_43, %arg0 : i32
    %mul3A_45 = arith.constant 10000 : i32
    %mul3A_46 = arith.muli %add3A_44, %mul3A_45 : i32
    %add3A_47 = arith.addi %mul3A_46, %mul3A_0 : i32
    "tpu.region"() ({
      %run_scoped3A = tpu.sem_alloc : memref<!tpu.dma_semaphore, #tpu.memory_space<semaphore_mem>>
      %dma_start3A_121 = arith.constant 0 : i32
      %dma_start3A_122 = tpu.memref_slice %arg10[%mul3A_0, %dma_start3A_121] : memref<10016x128xf32, #tpu.memory_space<vmem_shared>> -> memref<624x128xf32, #tpu.memory_space<vmem_shared>>
      %dma_start3A_123 = arith.constant 0 : i32
      %dma_start3A_124 = tpu.memref_slice %arg4[%add3A_47, %dma_start3A_123] : memref<60000x128xf32, #tpu.memory_space<hbm>> -> memref<624x128xf32, #tpu.memory_space<hbm>>
      tpu.enqueue_dma source(%dma_start3A_124 : memref<624x128xf32, #tpu.memory_space<hbm>>) target(%dma_start3A_122 : memref<624x128xf32, #tpu.memory_space<vmem_shared>>) target_semaphore(%run_scoped3A : memref<!tpu.dma_semaphore, #tpu.memory_space<semaphore_mem>>)
      %dma_wait3A_125 = arith.constant 0 : i32
      %dma_wait3A_126 = tpu.memref_slice %arg10[%mul3A_0, %dma_wait3A_125] : memref<10016x128xf32, #tpu.memory_space<vmem_shared>> -> memref<624x128xf32, #tpu.memory_space<vmem_shared>>
      %dma_wait3A_127 = arith.constant 0 : i32
      %dma_wait3A_128 = tpu.memref_slice %arg4[%add3A_47, %dma_wait3A_127] : memref<60000x128xf32, #tpu.memory_space<hbm>> -> memref<624x128xf32, #tpu.memory_space<hbm>>
      tpu.wait_dma2 semaphore(%run_scoped3A : memref<!tpu.dma_semaphore, #tpu.memory_space<semaphore_mem>>) src(%dma_wait3A_128 : memref<624x128xf32, #tpu.memory_space<hbm>>) dst(%dma_wait3A_126 : memref<624x128xf32, #tpu.memory_space<vmem_shared>>)
      tpu.yield
    }) : () -> ()
    %eq3A_48 = arith.constant 0 : i32
    %eq3A_49 = arith.cmpi eq, %arg1, %eq3A_48 : i32
    %convert_element_type3A_50 = arith.extui %eq3A_49 : i1 to i32
    %cond3A_51 = arith.constant 0 : i32
    %cond3A_52 = arith.cmpi ne, %convert_element_type3A_50, %cond3A_51 : i32
    scf.if %cond3A_52 {
      %add3A_121 = arith.constant 9984 : i32
      %add3A_122 = arith.addi %mul3A_46, %add3A_121 : i32
      "tpu.region"() ({
        %run_scoped3A = tpu.sem_alloc : memref<!tpu.dma_semaphore, #tpu.memory_space<semaphore_mem>>
        %dma_start3A_123 = arith.constant 9984 : i32
        %dma_start3A_124 = arith.constant 0 : i32
        %dma_start3A_125 = tpu.memref_slice %arg10[%dma_start3A_123, %dma_start3A_124] : memref<10016x128xf32, #tpu.memory_space<vmem_shared>> -> memref<16x128xf32, #tpu.memory_space<vmem_shared>>
        %dma_start3A_126 = arith.constant 0 : i32
        %dma_start3A_127 = tpu.memref_slice %arg4[%add3A_122, %dma_start3A_126] : memref<60000x128xf32, #tpu.memory_space<hbm>> -> memref<16x128xf32, #tpu.memory_space<hbm>>
        tpu.enqueue_dma source(%dma_start3A_127 : memref<16x128xf32, #tpu.memory_space<hbm>>) target(%dma_start3A_125 : memref<16x128xf32, #tpu.memory_space<vmem_shared>>) target_semaphore(%run_scoped3A : memref<!tpu.dma_semaphore, #tpu.memory_space<semaphore_mem>>)
        %dma_wait3A_128 = arith.constant 9984 : i32
        %dma_wait3A_129 = arith.constant 0 : i32
        %dma_wait3A_130 = tpu.memref_slice %arg10[%dma_wait3A_128, %dma_wait3A_129] : memref<10016x128xf32, #tpu.memory_space<vmem_shared>> -> memref<16x128xf32, #tpu.memory_space<vmem_shared>>
        %dma_wait3A_131 = arith.constant 0 : i32
        %dma_wait3A_132 = tpu.memref_slice %arg4[%add3A_122, %dma_wait3A_131] : memref<60000x128xf32, #tpu.memory_space<hbm>> -> memref<16x128xf32, #tpu.memory_space<hbm>>
        tpu.wait_dma2 semaphore(%run_scoped3A : memref<!tpu.dma_semaphore, #tpu.memory_space<semaphore_mem>>) src(%dma_wait3A_132 : memref<16x128xf32, #tpu.memory_space<hbm>>) dst(%dma_wait3A_130 : memref<16x128xf32, #tpu.memory_space<vmem_shared>>)
        tpu.yield
      }) : () -> ()
    } else {
    }
    %barrier3A_53 = arith.constant 0 : index
    tpu.barrier barrier_id(%barrier3A_53)
    %dma_start3A_54 = arith.constant 0 : i32
    %dma_start3A_55 = tpu.memref_slice %arg6[%dma_start3A_54] : memref<10192xi32, #tpu.memory_space<vmem>> -> memref<104xi32, #tpu.memory_space<vmem>>
    %dma_start3A_56 = arith.constant 0 : i32
    %dma_start3A_57 = arith.constant 0 : i32
    %dma_start3A_58 = tpu.memref_slice %arg4[%dma_start3A_56, %dma_start3A_57] : memref<60000x128xf32, #tpu.memory_space<hbm>> -> memref<60000x128xf32, #tpu.memory_space<hbm>>
    tpu.enqueue_indirect_dma source(%dma_start3A_58 : memref<60000x128xf32, #tpu.memory_space<hbm>>) target(%arg8 : memref<104x128xf32, #tpu.memory_space<vmem>>) offsets(%dma_start3A_55 : memref<104xi32, #tpu.memory_space<vmem>>) semaphore(%arg11 : memref<!tpu.dma_semaphore, #tpu.memory_space<semaphore_mem>>)
    %scan3A_59 = arith.constant 0 : i32
    %scan3A_60 = arith.constant 0 : i32
    %scan3A_61 = arith.constant 49 : i32
    %scan3A_62 = arith.addi %scan3A_60, %scan3A_61 : i32
    %scan3A_63 = arith.constant 1 : i32
    scf.for %scan3A_121 = %scan3A_60 to %scan3A_62 step %scan3A_63  : i32 {
      %mul3A_122 = arith.constant 2 : i32
      %mul3A_123 = arith.muli %mul3A_122, %scan3A_121 : i32
      %mul3A_124 = arith.constant 2 : i32
      %mul3A_125 = arith.muli %mul3A_124, %scan3A_121 : i32
      %add3A_126 = arith.constant 1 : i32
      %add3A_127 = arith.addi %mul3A_125, %add3A_126 : i32
      %mul3A_128 = arith.constant 104 : i32
      %mul3A_129 = arith.muli %add3A_127, %mul3A_128 : i32
      %dma_start3A_130 = tpu.memref_slice %arg6[%mul3A_129] : memref<10192xi32, #tpu.memory_space<vmem>> -> memref<104xi32, #tpu.memory_space<vmem>>
      %dma_start3A_131 = arith.constant 0 : i32
      %dma_start3A_132 = arith.constant 0 : i32
      %dma_start3A_133 = tpu.memref_slice %arg4[%dma_start3A_131, %dma_start3A_132] : memref<60000x128xf32, #tpu.memory_space<hbm>> -> memref<60000x128xf32, #tpu.memory_space<hbm>>
      tpu.enqueue_indirect_dma source(%dma_start3A_133 : memref<60000x128xf32, #tpu.memory_space<hbm>>) target(%arg9 : memref<104x128xf32, #tpu.memory_space<vmem>>) offsets(%dma_start3A_130 : memref<104xi32, #tpu.memory_space<vmem>>) semaphore(%arg12 : memref<!tpu.dma_semaphore, #tpu.memory_space<semaphore_mem>>)
      %dma_wait3A_134 = arith.constant 0 : i32
      %dma_wait3A_135 = arith.constant 0 : i32
      %dma_wait3A_136 = tpu.memref_slice %arg4[%dma_wait3A_134, %dma_wait3A_135] : memref<60000x128xf32, #tpu.memory_space<hbm>> -> memref<104x128xf32, #tpu.memory_space<hbm>>
      %dma_wait3A_137 = arith.constant 0 : i32
      %dma_wait3A_138 = arith.constant 0 : i32
      %dma_wait3A_139 = tpu.memref_slice %arg4[%dma_wait3A_137, %dma_wait3A_138] : memref<60000x128xf32, #tpu.memory_space<hbm>> -> memref<104x128xf32, #tpu.memory_space<hbm>>
      tpu.wait_dma2 semaphore(%arg11 : memref<!tpu.dma_semaphore, #tpu.memory_space<semaphore_mem>>) src(%dma_wait3A_139 : memref<104x128xf32, #tpu.memory_space<hbm>>) dst(%arg8 : memref<104x128xf32, #tpu.memory_space<vmem>>)
      "tpu.region"() ({
        %run_scoped3A = tpu.sem_alloc : memref<!tpu.dma_semaphore, #tpu.memory_space<semaphore_mem>>
        %dma_start3A_155 = arith.constant 0 : i32
        %dma_start3A_156 = tpu.memref_slice %arg7[%mul3A_123, %dma_start3A_155] : memref<98x104xi32, #tpu.memory_space<vmem>> -> memref<1x104xi32, #tpu.memory_space<vmem>>
        %dma_start3A_157 = tpu.memref_squeeze %dma_start3A_156 : memref<1x104xi32, #tpu.memory_space<vmem>> -> memref<104xi32, #tpu.memory_space<vmem>>
        %dma_start3A_158 = arith.constant 0 : i32
        %dma_start3A_159 = arith.constant 0 : i32
        %dma_start3A_160 = tpu.memref_slice %arg10[%dma_start3A_158, %dma_start3A_159] : memref<10016x128xf32, #tpu.memory_space<vmem_shared>> -> memref<10016x128xf32, #tpu.memory_space<vmem_shared>>
        tpu.enqueue_indirect_dma source(%arg8 : memref<104x128xf32, #tpu.memory_space<vmem>>) target(%dma_start3A_160 : memref<10016x128xf32, #tpu.memory_space<vmem_shared>>) offsets(%dma_start3A_157 : memref<104xi32, #tpu.memory_space<vmem>>) semaphore(%run_scoped3A : memref<!tpu.dma_semaphore, #tpu.memory_space<semaphore_mem>>) {add = true}
        %dma_wait3A_161 = arith.constant 0 : i32
        %dma_wait3A_162 = tpu.memref_slice %arg7[%mul3A_123, %dma_wait3A_161] : memref<98x104xi32, #tpu.memory_space<vmem>> -> memref<1x104xi32, #tpu.memory_space<vmem>>
        %dma_wait3A_163 = tpu.memref_squeeze %dma_wait3A_162 : memref<1x104xi32, #tpu.memory_space<vmem>> -> memref<104xi32, #tpu.memory_space<vmem>>
        %dma_wait3A_164 = arith.constant 0 : i32
        %dma_wait3A_165 = arith.constant 0 : i32
        %dma_wait3A_166 = tpu.memref_slice %arg10[%dma_wait3A_164, %dma_wait3A_165] : memref<10016x128xf32, #tpu.memory_space<vmem_shared>> -> memref<10016x128xf32, #tpu.memory_space<vmem_shared>>
        tpu.wait_indirect_dma semaphore(%run_scoped3A : memref<!tpu.dma_semaphore, #tpu.memory_space<semaphore_mem>>) src(%arg8 : memref<104x128xf32, #tpu.memory_space<vmem>>) dst(%dma_wait3A_166 : memref<10016x128xf32, #tpu.memory_space<vmem_shared>>)
        tpu.yield
      }) : () -> ()
      %add3A_140 = arith.constant 2 : i32
      %add3A_141 = arith.addi %mul3A_123, %add3A_140 : i32
      %min3A = arith.constant 97 : i32
      %min3A_142 = arith.minsi %add3A_141, %min3A : i32
      %mul3A_143 = arith.constant 104 : i32
      %mul3A_144 = arith.muli %min3A_142, %mul3A_143 : i32
      %dma_start3A_145 = tpu.memref_slice %arg6[%mul3A_144] : memref<10192xi32, #tpu.memory_space<vmem>> -> memref<104xi32, #tpu.memory_space<vmem>>
      %dma_start3A_146 = arith.constant 0 : i32
      %dma_start3A_147 = arith.constant 0 : i32
      %dma_start3A_148 = tpu.memref_slice %arg4[%dma_start3A_146, %dma_start3A_147] : memref<60000x128xf32, #tpu.memory_space<hbm>> -> memref<60000x128xf32, #tpu.memory_space<hbm>>
      tpu.enqueue_indirect_dma source(%dma_start3A_148 : memref<60000x128xf32, #tpu.memory_space<hbm>>) target(%arg8 : memref<104x128xf32, #tpu.memory_space<vmem>>) offsets(%dma_start3A_145 : memref<104xi32, #tpu.memory_space<vmem>>) semaphore(%arg11 : memref<!tpu.dma_semaphore, #tpu.memory_space<semaphore_mem>>)
      %dma_wait3A_149 = arith.constant 0 : i32
      %dma_wait3A_150 = arith.constant 0 : i32
      %dma_wait3A_151 = tpu.memref_slice %arg4[%dma_wait3A_149, %dma_wait3A_150] : memref<60000x128xf32, #tpu.memory_space<hbm>> -> memref<104x128xf32, #tpu.memory_space<hbm>>
      %dma_wait3A_152 = arith.constant 0 : i32
      %dma_wait3A_153 = arith.constant 0 : i32
      %dma_wait3A_154 = tpu.memref_slice %arg4[%dma_wait3A_152, %dma_wait3A_153] : memref<60000x128xf32, #tpu.memory_space<hbm>> -> memref<104x128xf32, #tpu.memory_space<hbm>>
      tpu.wait_dma2 semaphore(%arg12 : memref<!tpu.dma_semaphore, #tpu.memory_space<semaphore_mem>>) src(%dma_wait3A_154 : memref<104x128xf32, #tpu.memory_space<hbm>>) dst(%arg9 : memref<104x128xf32, #tpu.memory_space<vmem>>)
      "tpu.region"() ({
        %run_scoped3A = tpu.sem_alloc : memref<!tpu.dma_semaphore, #tpu.memory_space<semaphore_mem>>
        %dma_start3A_155 = arith.constant 0 : i32
        %dma_start3A_156 = tpu.memref_slice %arg7[%add3A_127, %dma_start3A_155] : memref<98x104xi32, #tpu.memory_space<vmem>> -> memref<1x104xi32, #tpu.memory_space<vmem>>
        %dma_start3A_157 = tpu.memref_squeeze %dma_start3A_156 : memref<1x104xi32, #tpu.memory_space<vmem>> -> memref<104xi32, #tpu.memory_space<vmem>>
        %dma_start3A_158 = arith.constant 0 : i32
        %dma_start3A_159 = arith.constant 0 : i32
        %dma_start3A_160 = tpu.memref_slice %arg10[%dma_start3A_158, %dma_start3A_159] : memref<10016x128xf32, #tpu.memory_space<vmem_shared>> -> memref<10016x128xf32, #tpu.memory_space<vmem_shared>>
        tpu.enqueue_indirect_dma source(%arg9 : memref<104x128xf32, #tpu.memory_space<vmem>>) target(%dma_start3A_160 : memref<10016x128xf32, #tpu.memory_space<vmem_shared>>) offsets(%dma_start3A_157 : memref<104xi32, #tpu.memory_space<vmem>>) semaphore(%run_scoped3A : memref<!tpu.dma_semaphore, #tpu.memory_space<semaphore_mem>>) {add = true}
        %dma_wait3A_161 = arith.constant 0 : i32
        %dma_wait3A_162 = tpu.memref_slice %arg7[%add3A_127, %dma_wait3A_161] : memref<98x104xi32, #tpu.memory_space<vmem>> -> memref<1x104xi32, #tpu.memory_space<vmem>>
        %dma_wait3A_163 = tpu.memref_squeeze %dma_wait3A_162 : memref<1x104xi32, #tpu.memory_space<vmem>> -> memref<104xi32, #tpu.memory_space<vmem>>
        %dma_wait3A_164 = arith.constant 0 : i32
        %dma_wait3A_165 = arith.constant 0 : i32
        %dma_wait3A_166 = tpu.memref_slice %arg10[%dma_wait3A_164, %dma_wait3A_165] : memref<10016x128xf32, #tpu.memory_space<vmem_shared>> -> memref<10016x128xf32, #tpu.memory_space<vmem_shared>>
        tpu.wait_indirect_dma semaphore(%run_scoped3A : memref<!tpu.dma_semaphore, #tpu.memory_space<semaphore_mem>>) src(%arg9 : memref<104x128xf32, #tpu.memory_space<vmem>>) dst(%dma_wait3A_166 : memref<10016x128xf32, #tpu.memory_space<vmem_shared>>)
        tpu.yield
      }) : () -> ()
    }
    %scan3A_64 = arith.constant 49 : i32
    %dma_wait3A_65 = arith.constant 0 : i32
    %dma_wait3A_66 = arith.constant 0 : i32
    %dma_wait3A_67 = tpu.memref_slice %arg4[%dma_wait3A_65, %dma_wait3A_66] : memref<60000x128xf32, #tpu.memory_space<hbm>> -> memref<104x128xf32, #tpu.memory_space<hbm>>
    %dma_wait3A_68 = arith.constant 0 : i32
    %dma_wait3A_69 = arith.constant 0 : i32
    %dma_wait3A_70 = tpu.memref_slice %arg4[%dma_wait3A_68, %dma_wait3A_69] : memref<60000x128xf32, #tpu.memory_space<hbm>> -> memref<104x128xf32, #tpu.memory_space<hbm>>
    tpu.wait_dma2 semaphore(%arg11 : memref<!tpu.dma_semaphore, #tpu.memory_space<semaphore_mem>>) src(%dma_wait3A_70 : memref<104x128xf32, #tpu.memory_space<hbm>>) dst(%arg8 : memref<104x128xf32, #tpu.memory_space<vmem>>)
    %barrier3A_71 = arith.constant 0 : index
    tpu.barrier barrier_id(%barrier3A_71)
    %add3A_72 = arith.addi %mul3A_46, %mul3A_0 : i32
    "tpu.region"() ({
      %run_scoped3A = tpu.sem_alloc : memref<!tpu.dma_semaphore, #tpu.memory_space<semaphore_mem>>
      %dma_start3A_121 = arith.constant 0 : i32
      %dma_start3A_122 = tpu.memref_slice %arg5[%add3A_72, %dma_start3A_121] : memref<60000x128xf32, #tpu.memory_space<hbm>> -> memref<624x128xf32, #tpu.memory_space<hbm>>
      %dma_start3A_123 = arith.constant 0 : i32
      %dma_start3A_124 = tpu.memref_slice %arg10[%mul3A_0, %dma_start3A_123] : memref<10016x128xf32, #tpu.memory_space<vmem_shared>> -> memref<624x128xf32, #tpu.memory_space<vmem_shared>>
      tpu.enqueue_dma source(%dma_start3A_124 : memref<624x128xf32, #tpu.memory_space<vmem_shared>>) target(%dma_start3A_122 : memref<624x128xf32, #tpu.memory_space<hbm>>) target_semaphore(%run_scoped3A : memref<!tpu.dma_semaphore, #tpu.memory_space<semaphore_mem>>)
      %dma_wait3A_125 = arith.constant 0 : i32
      %dma_wait3A_126 = tpu.memref_slice %arg5[%add3A_72, %dma_wait3A_125] : memref<60000x128xf32, #tpu.memory_space<hbm>> -> memref<624x128xf32, #tpu.memory_space<hbm>>
      %dma_wait3A_127 = arith.constant 0 : i32
      %dma_wait3A_128 = tpu.memref_slice %arg10[%mul3A_0, %dma_wait3A_127] : memref<10016x128xf32, #tpu.memory_space<vmem_shared>> -> memref<624x128xf32, #tpu.memory_space<vmem_shared>>
      tpu.wait_dma2 semaphore(%run_scoped3A : memref<!tpu.dma_semaphore, #tpu.memory_space<semaphore_mem>>) src(%dma_wait3A_128 : memref<624x128xf32, #tpu.memory_space<vmem_shared>>) dst(%dma_wait3A_126 : memref<624x128xf32, #tpu.memory_space<hbm>>)
      tpu.yield
    }) : () -> ()
    %eq3A_73 = arith.constant 0 : i32
    %eq3A_74 = arith.cmpi eq, %arg1, %eq3A_73 : i32
    %convert_element_type3A_75 = arith.extui %eq3A_74 : i1 to i32
    %cond3A_76 = arith.constant 0 : i32
    %cond3A_77 = arith.cmpi ne, %convert_element_type3A_75, %cond3A_76 : i32
    scf.if %cond3A_77 {
      %add3A_121 = arith.constant 9984 : i32
      %add3A_122 = arith.addi %mul3A_46, %add3A_121 : i32
      "tpu.region"() ({
        %run_scoped3A = tpu.sem_alloc : memref<!tpu.dma_semaphore, #tpu.memory_space<semaphore_mem>>
        %dma_start3A_123 = arith.constant 0 : i32
        %dma_start3A_124 = tpu.memref_slice %arg5[%add3A_122, %dma_start3A_123] : memref<60000x128xf32, #tpu.memory_space<hbm>> -> memref<16x128xf32, #tpu.memory_space<hbm>>
        %dma_start3A_125 = arith.constant 9984 : i32
        %dma_start3A_126 = arith.constant 0 : i32
        %dma_start3A_127 = tpu.memref_slice %arg10[%dma_start3A_125, %dma_start3A_126] : memref<10016x128xf32, #tpu.memory_space<vmem_shared>> -> memref<16x128xf32, #tpu.memory_space<vmem_shared>>
        tpu.enqueue_dma source(%dma_start3A_127 : memref<16x128xf32, #tpu.memory_space<vmem_shared>>) target(%dma_start3A_124 : memref<16x128xf32, #tpu.memory_space<hbm>>) target_semaphore(%run_scoped3A : memref<!tpu.dma_semaphore, #tpu.memory_space<semaphore_mem>>)
        %dma_wait3A_128 = arith.constant 0 : i32
        %dma_wait3A_129 = tpu.memref_slice %arg5[%add3A_122, %dma_wait3A_128] : memref<60000x128xf32, #tpu.memory_space<hbm>> -> memref<16x128xf32, #tpu.memory_space<hbm>>
        %dma_wait3A_130 = arith.constant 9984 : i32
        %dma_wait3A_131 = arith.constant 0 : i32
        %dma_wait3A_132 = tpu.memref_slice %arg10[%dma_wait3A_130, %dma_wait3A_131] : memref<10016x128xf32, #tpu.memory_space<vmem_shared>> -> memref<16x128xf32, #tpu.memory_space<vmem_shared>>
        tpu.wait_dma2 semaphore(%run_scoped3A : memref<!tpu.dma_semaphore, #tpu.memory_space<semaphore_mem>>) src(%dma_wait3A_132 : memref<16x128xf32, #tpu.memory_space<vmem_shared>>) dst(%dma_wait3A_129 : memref<16x128xf32, #tpu.memory_space<hbm>>)
        tpu.yield
      }) : () -> ()
    } else {
    }
    %barrier3A_78 = arith.constant 0 : index
    tpu.barrier barrier_id(%barrier3A_78)
    %scan3A_79 = arith.constant 0 : i32
    %scan3A_80 = arith.constant 0 : i32
    %scan3A_81 = arith.constant 637 : i32
    %scan3A_82 = arith.addi %scan3A_80, %scan3A_81 : i32
    %scan3A_83 = arith.constant 1 : i32
    scf.for %scan3A_121 = %scan3A_80 to %scan3A_82 step %scan3A_83  : i32 {
      %mul3A_122 = arith.constant 16 : i32
      %mul3A_123 = arith.muli %scan3A_121, %mul3A_122 : i32
      %get3A = arith.index_cast %mul3A_123 : i32 to index
      %get3A_124 = tpu.vector_load %arg6[%get3A] {strides = array<i32>} : memref<10192xi32, #tpu.memory_space<vmem>>, vector<16xi32>,
      %get3A_125 = vector.shape_cast %get3A_124 : vector<16xi32> to vector<16xi32>
      %add3A_126 = arith.constant 20000 : i32
      %add3A_127 = vector.broadcast %add3A_126 : i32 to vector<16xi32>
      %add3A_128 = arith.addi %get3A_125, %add3A_127 : vector<16xi32>
      %swap3A = arith.index_cast %mul3A_123 : i32 to index
      %swap3A_129 = tpu.vector_load %arg6[%swap3A] {strides = array<i32>} : memref<10192xi32, #tpu.memory_space<vmem>>, vector<16xi32>,
      %swap3A_130 = vector.shape_cast %swap3A_129 : vector<16xi32> to vector<16xi32>
      %swap3A_131 = vector.shape_cast %add3A_128 : vector<16xi32> to vector<16xi32>
      tpu.vector_store %arg6[%swap3A], %swap3A_131 {strides = array<i32>} : memref<10192xi32, #tpu.memory_space<vmem>>, vector<16xi32>,
    }
    %scan3A_84 = arith.constant 637 : i32
    %add3A_85 = arith.constant 4 : i32
    %add3A_86 = arith.addi %add3A_85, %arg0 : i32
    %mul3A_87 = arith.constant 10000 : i32
    %mul3A_88 = arith.muli %add3A_86, %mul3A_87 : i32
    %add3A_89 = arith.addi %mul3A_88, %mul3A_0 : i32
    "tpu.region"() ({
      %run_scoped3A = tpu.sem_alloc : memref<!tpu.dma_semaphore, #tpu.memory_space<semaphore_mem>>
      %dma_start3A_121 = arith.constant 0 : i32
      %dma_start3A_122 = tpu.memref_slice %arg10[%mul3A_0, %dma_start3A_121] : memref<10016x128xf32, #tpu.memory_space<vmem_shared>> -> memref<624x128xf32, #tpu.memory_space<vmem_shared>>
      %dma_start3A_123 = arith.constant 0 : i32
      %dma_start3A_124 = tpu.memref_slice %arg4[%add3A_89, %dma_start3A_123] : memref<60000x128xf32, #tpu.memory_space<hbm>> -> memref<624x128xf32, #tpu.memory_space<hbm>>
      tpu.enqueue_dma source(%dma_start3A_124 : memref<624x128xf32, #tpu.memory_space<hbm>>) target(%dma_start3A_122 : memref<624x128xf32, #tpu.memory_space<vmem_shared>>) target_semaphore(%run_scoped3A : memref<!tpu.dma_semaphore, #tpu.memory_space<semaphore_mem>>)
      %dma_wait3A_125 = arith.constant 0 : i32
      %dma_wait3A_126 = tpu.memref_slice %arg10[%mul3A_0, %dma_wait3A_125] : memref<10016x128xf32, #tpu.memory_space<vmem_shared>> -> memref<624x128xf32, #tpu.memory_space<vmem_shared>>
      %dma_wait3A_127 = arith.constant 0 : i32
      %dma_wait3A_128 = tpu.memref_slice %arg4[%add3A_89, %dma_wait3A_127] : memref<60000x128xf32, #tpu.memory_space<hbm>> -> memref<624x128xf32, #tpu.memory_space<hbm>>
      tpu.wait_dma2 semaphore(%run_scoped3A : memref<!tpu.dma_semaphore, #tpu.memory_space<semaphore_mem>>) src(%dma_wait3A_128 : memref<624x128xf32, #tpu.memory_space<hbm>>) dst(%dma_wait3A_126 : memref<624x128xf32, #tpu.memory_space<vmem_shared>>)
      tpu.yield
    }) : () -> ()
    %eq3A_90 = arith.constant 0 : i32
    %eq3A_91 = arith.cmpi eq, %arg1, %eq3A_90 : i32
    %convert_element_type3A_92 = arith.extui %eq3A_91 : i1 to i32
    %cond3A_93 = arith.constant 0 : i32
    %cond3A_94 = arith.cmpi ne, %convert_element_type3A_92, %cond3A_93 : i32
    scf.if %cond3A_94 {
      %add3A_121 = arith.constant 9984 : i32
      %add3A_122 = arith.addi %mul3A_88, %add3A_121 : i32
      "tpu.region"() ({
        %run_scoped3A = tpu.sem_alloc : memref<!tpu.dma_semaphore, #tpu.memory_space<semaphore_mem>>
        %dma_start3A_123 = arith.constant 9984 : i32
        %dma_start3A_124 = arith.constant 0 : i32
        %dma_start3A_125 = tpu.memref_slice %arg10[%dma_start3A_123, %dma_start3A_124] : memref<10016x128xf32, #tpu.memory_space<vmem_shared>> -> memref<16x128xf32, #tpu.memory_space<vmem_shared>>
        %dma_start3A_126 = arith.constant 0 : i32
        %dma_start3A_127 = tpu.memref_slice %arg4[%add3A_122, %dma_start3A_126] : memref<60000x128xf32, #tpu.memory_space<hbm>> -> memref<16x128xf32, #tpu.memory_space<hbm>>
        tpu.enqueue_dma source(%dma_start3A_127 : memref<16x128xf32, #tpu.memory_space<hbm>>) target(%dma_start3A_125 : memref<16x128xf32, #tpu.memory_space<vmem_shared>>) target_semaphore(%run_scoped3A : memref<!tpu.dma_semaphore, #tpu.memory_space<semaphore_mem>>)
        %dma_wait3A_128 = arith.constant 9984 : i32
        %dma_wait3A_129 = arith.constant 0 : i32
        %dma_wait3A_130 = tpu.memref_slice %arg10[%dma_wait3A_128, %dma_wait3A_129] : memref<10016x128xf32, #tpu.memory_space<vmem_shared>> -> memref<16x128xf32, #tpu.memory_space<vmem_shared>>
        %dma_wait3A_131 = arith.constant 0 : i32
        %dma_wait3A_132 = tpu.memref_slice %arg4[%add3A_122, %dma_wait3A_131] : memref<60000x128xf32, #tpu.memory_space<hbm>> -> memref<16x128xf32, #tpu.memory_space<hbm>>
        tpu.wait_dma2 semaphore(%run_scoped3A : memref<!tpu.dma_semaphore, #tpu.memory_space<semaphore_mem>>) src(%dma_wait3A_132 : memref<16x128xf32, #tpu.memory_space<hbm>>) dst(%dma_wait3A_130 : memref<16x128xf32, #tpu.memory_space<vmem_shared>>)
        tpu.yield
      }) : () -> ()
    } else {
    }
    %barrier3A_95 = arith.constant 0 : index
    tpu.barrier barrier_id(%barrier3A_95)
    %dma_start3A_96 = arith.constant 0 : i32
    %dma_start3A_97 = tpu.memref_slice %arg6[%dma_start3A_96] : memref<10192xi32, #tpu.memory_space<vmem>> -> memref<104xi32, #tpu.memory_space<vmem>>
    %dma_start3A_98 = arith.constant 0 : i32
    %dma_start3A_99 = arith.constant 0 : i32
    %dma_start3A_100 = tpu.memref_slice %arg4[%dma_start3A_98, %dma_start3A_99] : memref<60000x128xf32, #tpu.memory_space<hbm>> -> memref<60000x128xf32, #tpu.memory_space<hbm>>
    tpu.enqueue_indirect_dma source(%dma_start3A_100 : memref<60000x128xf32, #tpu.memory_space<hbm>>) target(%arg8 : memref<104x128xf32, #tpu.memory_space<vmem>>) offsets(%dma_start3A_97 : memref<104xi32, #tpu.memory_space<vmem>>) semaphore(%arg11 : memref<!tpu.dma_semaphore, #tpu.memory_space<semaphore_mem>>)
    %scan3A_101 = arith.constant 0 : i32
    %scan3A_102 = arith.constant 0 : i32
    %scan3A_103 = arith.constant 49 : i32
    %scan3A_104 = arith.addi %scan3A_102, %scan3A_103 : i32
    %scan3A_105 = arith.constant 1 : i32
    scf.for %scan3A_121 = %scan3A_102 to %scan3A_104 step %scan3A_105  : i32 {
      %mul3A_122 = arith.constant 2 : i32
      %mul3A_123 = arith.muli %mul3A_122, %scan3A_121 : i32
      %mul3A_124 = arith.constant 2 : i32
      %mul3A_125 = arith.muli %mul3A_124, %scan3A_121 : i32
      %add3A_126 = arith.constant 1 : i32
      %add3A_127 = arith.addi %mul3A_125, %add3A_126 : i32
      %mul3A_128 = arith.constant 104 : i32
      %mul3A_129 = arith.muli %add3A_127, %mul3A_128 : i32
      %dma_start3A_130 = tpu.memref_slice %arg6[%mul3A_129] : memref<10192xi32, #tpu.memory_space<vmem>> -> memref<104xi32, #tpu.memory_space<vmem>>
      %dma_start3A_131 = arith.constant 0 : i32
      %dma_start3A_132 = arith.constant 0 : i32
      %dma_start3A_133 = tpu.memref_slice %arg4[%dma_start3A_131, %dma_start3A_132] : memref<60000x128xf32, #tpu.memory_space<hbm>> -> memref<60000x128xf32, #tpu.memory_space<hbm>>
      tpu.enqueue_indirect_dma source(%dma_start3A_133 : memref<60000x128xf32, #tpu.memory_space<hbm>>) target(%arg9 : memref<104x128xf32, #tpu.memory_space<vmem>>) offsets(%dma_start3A_130 : memref<104xi32, #tpu.memory_space<vmem>>) semaphore(%arg12 : memref<!tpu.dma_semaphore, #tpu.memory_space<semaphore_mem>>)
      %dma_wait3A_134 = arith.constant 0 : i32
      %dma_wait3A_135 = arith.constant 0 : i32
      %dma_wait3A_136 = tpu.memref_slice %arg4[%dma_wait3A_134, %dma_wait3A_135] : memref<60000x128xf32, #tpu.memory_space<hbm>> -> memref<104x128xf32, #tpu.memory_space<hbm>>
      %dma_wait3A_137 = arith.constant 0 : i32
      %dma_wait3A_138 = arith.constant 0 : i32
      %dma_wait3A_139 = tpu.memref_slice %arg4[%dma_wait3A_137, %dma_wait3A_138] : memref<60000x128xf32, #tpu.memory_space<hbm>> -> memref<104x128xf32, #tpu.memory_space<hbm>>
      tpu.wait_dma2 semaphore(%arg11 : memref<!tpu.dma_semaphore, #tpu.memory_space<semaphore_mem>>) src(%dma_wait3A_139 : memref<104x128xf32, #tpu.memory_space<hbm>>) dst(%arg8 : memref<104x128xf32, #tpu.memory_space<vmem>>)
      "tpu.region"() ({
        %run_scoped3A = tpu.sem_alloc : memref<!tpu.dma_semaphore, #tpu.memory_space<semaphore_mem>>
        %dma_start3A_155 = arith.constant 0 : i32
        %dma_start3A_156 = tpu.memref_slice %arg7[%mul3A_123, %dma_start3A_155] : memref<98x104xi32, #tpu.memory_space<vmem>> -> memref<1x104xi32, #tpu.memory_space<vmem>>
        %dma_start3A_157 = tpu.memref_squeeze %dma_start3A_156 : memref<1x104xi32, #tpu.memory_space<vmem>> -> memref<104xi32, #tpu.memory_space<vmem>>
        %dma_start3A_158 = arith.constant 0 : i32
        %dma_start3A_159 = arith.constant 0 : i32
        %dma_start3A_160 = tpu.memref_slice %arg10[%dma_start3A_158, %dma_start3A_159] : memref<10016x128xf32, #tpu.memory_space<vmem_shared>> -> memref<10016x128xf32, #tpu.memory_space<vmem_shared>>
        tpu.enqueue_indirect_dma source(%arg8 : memref<104x128xf32, #tpu.memory_space<vmem>>) target(%dma_start3A_160 : memref<10016x128xf32, #tpu.memory_space<vmem_shared>>) offsets(%dma_start3A_157 : memref<104xi32, #tpu.memory_space<vmem>>) semaphore(%run_scoped3A : memref<!tpu.dma_semaphore, #tpu.memory_space<semaphore_mem>>) {add = true}
        %dma_wait3A_161 = arith.constant 0 : i32
        %dma_wait3A_162 = tpu.memref_slice %arg7[%mul3A_123, %dma_wait3A_161] : memref<98x104xi32, #tpu.memory_space<vmem>> -> memref<1x104xi32, #tpu.memory_space<vmem>>
        %dma_wait3A_163 = tpu.memref_squeeze %dma_wait3A_162 : memref<1x104xi32, #tpu.memory_space<vmem>> -> memref<104xi32, #tpu.memory_space<vmem>>
        %dma_wait3A_164 = arith.constant 0 : i32
        %dma_wait3A_165 = arith.constant 0 : i32
        %dma_wait3A_166 = tpu.memref_slice %arg10[%dma_wait3A_164, %dma_wait3A_165] : memref<10016x128xf32, #tpu.memory_space<vmem_shared>> -> memref<10016x128xf32, #tpu.memory_space<vmem_shared>>
        tpu.wait_indirect_dma semaphore(%run_scoped3A : memref<!tpu.dma_semaphore, #tpu.memory_space<semaphore_mem>>) src(%arg8 : memref<104x128xf32, #tpu.memory_space<vmem>>) dst(%dma_wait3A_166 : memref<10016x128xf32, #tpu.memory_space<vmem_shared>>)
        tpu.yield
      }) : () -> ()
      %add3A_140 = arith.constant 2 : i32
      %add3A_141 = arith.addi %mul3A_123, %add3A_140 : i32
      %min3A = arith.constant 97 : i32
      %min3A_142 = arith.minsi %add3A_141, %min3A : i32
      %mul3A_143 = arith.constant 104 : i32
      %mul3A_144 = arith.muli %min3A_142, %mul3A_143 : i32
      %dma_start3A_145 = tpu.memref_slice %arg6[%mul3A_144] : memref<10192xi32, #tpu.memory_space<vmem>> -> memref<104xi32, #tpu.memory_space<vmem>>
      %dma_start3A_146 = arith.constant 0 : i32
      %dma_start3A_147 = arith.constant 0 : i32
      %dma_start3A_148 = tpu.memref_slice %arg4[%dma_start3A_146, %dma_start3A_147] : memref<60000x128xf32, #tpu.memory_space<hbm>> -> memref<60000x128xf32, #tpu.memory_space<hbm>>
      tpu.enqueue_indirect_dma source(%dma_start3A_148 : memref<60000x128xf32, #tpu.memory_space<hbm>>) target(%arg8 : memref<104x128xf32, #tpu.memory_space<vmem>>) offsets(%dma_start3A_145 : memref<104xi32, #tpu.memory_space<vmem>>) semaphore(%arg11 : memref<!tpu.dma_semaphore, #tpu.memory_space<semaphore_mem>>)
      %dma_wait3A_149 = arith.constant 0 : i32
      %dma_wait3A_150 = arith.constant 0 : i32
      %dma_wait3A_151 = tpu.memref_slice %arg4[%dma_wait3A_149, %dma_wait3A_150] : memref<60000x128xf32, #tpu.memory_space<hbm>> -> memref<104x128xf32, #tpu.memory_space<hbm>>
      %dma_wait3A_152 = arith.constant 0 : i32
      %dma_wait3A_153 = arith.constant 0 : i32
      %dma_wait3A_154 = tpu.memref_slice %arg4[%dma_wait3A_152, %dma_wait3A_153] : memref<60000x128xf32, #tpu.memory_space<hbm>> -> memref<104x128xf32, #tpu.memory_space<hbm>>
      tpu.wait_dma2 semaphore(%arg12 : memref<!tpu.dma_semaphore, #tpu.memory_space<semaphore_mem>>) src(%dma_wait3A_154 : memref<104x128xf32, #tpu.memory_space<hbm>>) dst(%arg9 : memref<104x128xf32, #tpu.memory_space<vmem>>)
      "tpu.region"() ({
        %run_scoped3A = tpu.sem_alloc : memref<!tpu.dma_semaphore, #tpu.memory_space<semaphore_mem>>
        %dma_start3A_155 = arith.constant 0 : i32
        %dma_start3A_156 = tpu.memref_slice %arg7[%add3A_127, %dma_start3A_155] : memref<98x104xi32, #tpu.memory_space<vmem>> -> memref<1x104xi32, #tpu.memory_space<vmem>>
        %dma_start3A_157 = tpu.memref_squeeze %dma_start3A_156 : memref<1x104xi32, #tpu.memory_space<vmem>> -> memref<104xi32, #tpu.memory_space<vmem>>
        %dma_start3A_158 = arith.constant 0 : i32
        %dma_start3A_159 = arith.constant 0 : i32
        %dma_start3A_160 = tpu.memref_slice %arg10[%dma_start3A_158, %dma_start3A_159] : memref<10016x128xf32, #tpu.memory_space<vmem_shared>> -> memref<10016x128xf32, #tpu.memory_space<vmem_shared>>
        tpu.enqueue_indirect_dma source(%arg9 : memref<104x128xf32, #tpu.memory_space<vmem>>) target(%dma_start3A_160 : memref<10016x128xf32, #tpu.memory_space<vmem_shared>>) offsets(%dma_start3A_157 : memref<104xi32, #tpu.memory_space<vmem>>) semaphore(%run_scoped3A : memref<!tpu.dma_semaphore, #tpu.memory_space<semaphore_mem>>) {add = true}
        %dma_wait3A_161 = arith.constant 0 : i32
        %dma_wait3A_162 = tpu.memref_slice %arg7[%add3A_127, %dma_wait3A_161] : memref<98x104xi32, #tpu.memory_space<vmem>> -> memref<1x104xi32, #tpu.memory_space<vmem>>
        %dma_wait3A_163 = tpu.memref_squeeze %dma_wait3A_162 : memref<1x104xi32, #tpu.memory_space<vmem>> -> memref<104xi32, #tpu.memory_space<vmem>>
        %dma_wait3A_164 = arith.constant 0 : i32
        %dma_wait3A_165 = arith.constant 0 : i32
        %dma_wait3A_166 = tpu.memref_slice %arg10[%dma_wait3A_164, %dma_wait3A_165] : memref<10016x128xf32, #tpu.memory_space<vmem_shared>> -> memref<10016x128xf32, #tpu.memory_space<vmem_shared>>
        tpu.wait_indirect_dma semaphore(%run_scoped3A : memref<!tpu.dma_semaphore, #tpu.memory_space<semaphore_mem>>) src(%arg9 : memref<104x128xf32, #tpu.memory_space<vmem>>) dst(%dma_wait3A_166 : memref<10016x128xf32, #tpu.memory_space<vmem_shared>>)
        tpu.yield
      }) : () -> ()
    }
    %scan3A_106 = arith.constant 49 : i32
    %dma_wait3A_107 = arith.constant 0 : i32
    %dma_wait3A_108 = arith.constant 0 : i32
    %dma_wait3A_109 = tpu.memref_slice %arg4[%dma_wait3A_107, %dma_wait3A_108] : memref<60000x128xf32, #tpu.memory_space<hbm>> -> memref<104x128xf32, #tpu.memory_space<hbm>>
    %dma_wait3A_110 = arith.constant 0 : i32
    %dma_wait3A_111 = arith.constant 0 : i32
    %dma_wait3A_112 = tpu.memref_slice %arg4[%dma_wait3A_110, %dma_wait3A_111] : memref<60000x128xf32, #tpu.memory_space<hbm>> -> memref<104x128xf32, #tpu.memory_space<hbm>>
    tpu.wait_dma2 semaphore(%arg11 : memref<!tpu.dma_semaphore, #tpu.memory_space<semaphore_mem>>) src(%dma_wait3A_112 : memref<104x128xf32, #tpu.memory_space<hbm>>) dst(%arg8 : memref<104x128xf32, #tpu.memory_space<vmem>>)
    %barrier3A_113 = arith.constant 0 : index
    tpu.barrier barrier_id(%barrier3A_113)
    %add3A_114 = arith.addi %mul3A_88, %mul3A_0 : i32
    "tpu.region"() ({
      %run_scoped3A = tpu.sem_alloc : memref<!tpu.dma_semaphore, #tpu.memory_space<semaphore_mem>>
      %dma_start3A_121 = arith.constant 0 : i32
      %dma_start3A_122 = tpu.memref_slice %arg5[%add3A_114, %dma_start3A_121] : memref<60000x128xf32, #tpu.memory_space<hbm>> -> memref<624x128xf32, #tpu.memory_space<hbm>>
      %dma_start3A_123 = arith.constant 0 : i32
      %dma_start3A_124 = tpu.memref_slice %arg10[%mul3A_0, %dma_start3A_123] : memref<10016x128xf32, #tpu.memory_space<vmem_shared>> -> memref<624x128xf32, #tpu.memory_space<vmem_shared>>
      tpu.enqueue_dma source(%dma_start3A_124 : memref<624x128xf32, #tpu.memory_space<vmem_shared>>) target(%dma_start3A_122 : memref<624x128xf32, #tpu.memory_space<hbm>>) target_semaphore(%run_scoped3A : memref<!tpu.dma_semaphore, #tpu.memory_space<semaphore_mem>>)
      %dma_wait3A_125 = arith.constant 0 : i32
      %dma_wait3A_126 = tpu.memref_slice %arg5[%add3A_114, %dma_wait3A_125] : memref<60000x128xf32, #tpu.memory_space<hbm>> -> memref<624x128xf32, #tpu.memory_space<hbm>>
      %dma_wait3A_127 = arith.constant 0 : i32
      %dma_wait3A_128 = tpu.memref_slice %arg10[%mul3A_0, %dma_wait3A_127] : memref<10016x128xf32, #tpu.memory_space<vmem_shared>> -> memref<624x128xf32, #tpu.memory_space<vmem_shared>>
      tpu.wait_dma2 semaphore(%run_scoped3A : memref<!tpu.dma_semaphore, #tpu.memory_space<semaphore_mem>>) src(%dma_wait3A_128 : memref<624x128xf32, #tpu.memory_space<vmem_shared>>) dst(%dma_wait3A_126 : memref<624x128xf32, #tpu.memory_space<hbm>>)
      tpu.yield
    }) : () -> ()
    %eq3A_115 = arith.constant 0 : i32
    %eq3A_116 = arith.cmpi eq, %arg1, %eq3A_115 : i32
    %convert_element_type3A_117 = arith.extui %eq3A_116 : i1 to i32
    %cond3A_118 = arith.constant 0 : i32
    %cond3A_119 = arith.cmpi ne, %convert_element_type3A_117, %cond3A_118 : i32
    scf.if %cond3A_119 {
      %add3A_121 = arith.constant 9984 : i32
      %add3A_122 = arith.addi %mul3A_88, %add3A_121 : i32
      "tpu.region"() ({
        %run_scoped3A = tpu.sem_alloc : memref<!tpu.dma_semaphore, #tpu.memory_space<semaphore_mem>>
        %dma_start3A_123 = arith.constant 0 : i32
        %dma_start3A_124 = tpu.memref_slice %arg5[%add3A_122, %dma_start3A_123] : memref<60000x128xf32, #tpu.memory_space<hbm>> -> memref<16x128xf32, #tpu.memory_space<hbm>>
        %dma_start3A_125 = arith.constant 9984 : i32
        %dma_start3A_126 = arith.constant 0 : i32
        %dma_start3A_127 = tpu.memref_slice %arg10[%dma_start3A_125, %dma_start3A_126] : memref<10016x128xf32, #tpu.memory_space<vmem_shared>> -> memref<16x128xf32, #tpu.memory_space<vmem_shared>>
        tpu.enqueue_dma source(%dma_start3A_127 : memref<16x128xf32, #tpu.memory_space<vmem_shared>>) target(%dma_start3A_124 : memref<16x128xf32, #tpu.memory_space<hbm>>) target_semaphore(%run_scoped3A : memref<!tpu.dma_semaphore, #tpu.memory_space<semaphore_mem>>)
        %dma_wait3A_128 = arith.constant 0 : i32
        %dma_wait3A_129 = tpu.memref_slice %arg5[%add3A_122, %dma_wait3A_128] : memref<60000x128xf32, #tpu.memory_space<hbm>> -> memref<16x128xf32, #tpu.memory_space<hbm>>
        %dma_wait3A_130 = arith.constant 9984 : i32
        %dma_wait3A_131 = arith.constant 0 : i32
        %dma_wait3A_132 = tpu.memref_slice %arg10[%dma_wait3A_130, %dma_wait3A_131] : memref<10016x128xf32, #tpu.memory_space<vmem_shared>> -> memref<16x128xf32, #tpu.memory_space<vmem_shared>>
        tpu.wait_dma2 semaphore(%run_scoped3A : memref<!tpu.dma_semaphore, #tpu.memory_space<semaphore_mem>>) src(%dma_wait3A_132 : memref<16x128xf32, #tpu.memory_space<vmem_shared>>) dst(%dma_wait3A_129 : memref<16x128xf32, #tpu.memory_space<hbm>>)
        tpu.yield
      }) : () -> ()
    } else {
    }
    %barrier3A_120 = arith.constant 0 : index
    tpu.barrier barrier_id(%barrier3A_120)
    return
  }
}

#map = affine_map<(d0, d1) -> (0, 0)>
#map1 = affine_map<(d0, d1) -> (0, 0, 0)>
module attributes {stable_mosaic.version = 14 : i64} {
  func.func @prop_kernel(%arg0: i32, %arg1: i32, %arg2: memref<16x10192xi32, #tpu.memory_space<hbm>>, %arg3: memref<16x98x104xi32, #tpu.memory_space<hbm>>, %arg4: memref<20000x128xf32, #tpu.memory_space<hbm>>, %arg5: memref<20000x128xf32, #tpu.memory_space<hbm>>, %arg6: memref<10192xi32, #tpu.memory_space<vmem>>, %arg7: memref<98x104xi32, #tpu.memory_space<vmem>>, %arg8: memref<104x128xf32, #tpu.memory_space<vmem>>, %arg9: memref<104x128xf32, #tpu.memory_space<vmem>>, %arg10: memref<10016x128xf32, #tpu.memory_space<vmem_shared>>, %arg11: memref<!tpu.dma_semaphore, #tpu.memory_space<semaphore_mem>>, %arg12: memref<!tpu.dma_semaphore, #tpu.memory_space<semaphore_mem>>) attributes {dimension_semantics = [#tpu.dimension_semantics<core_parallel>, #tpu.dimension_semantics<subcore_parallel>], iteration_bounds = array<i64: 2, 16>, scalar_prefetch = 0 : i64, scratch_operands = 7 : i64, tpu.core_type = #tpu.core_type<sc_vector_subcore>, window_params = [{transform_indices = #map}, {transform_indices = #map1}, {transform_indices = #map}, {transform_indices = #map}]} {
    %mul3A = arith.constant 624 : i32
    %mul3A_0 = arith.muli %arg1, %mul3A : i32
    "tpu.region"() ({
      %run_scoped3A = tpu.sem_alloc : memref<!tpu.dma_semaphore, #tpu.memory_space<semaphore_mem>>
      %dma_start3A_37 = arith.constant 0 : i32
      %dma_start3A_38 = tpu.memref_slice %arg2[%arg1, %dma_start3A_37] : memref<16x10192xi32, #tpu.memory_space<hbm>> -> memref<1x10192xi32, #tpu.memory_space<hbm>>
      %dma_start3A_39 = tpu.memref_squeeze %dma_start3A_38 : memref<1x10192xi32, #tpu.memory_space<hbm>> -> memref<10192xi32, #tpu.memory_space<hbm>>
      %dma_start3A_40 = arith.constant 0 : i32
      %dma_start3A_41 = tpu.memref_slice %arg2[%arg1, %dma_start3A_40] : memref<16x10192xi32, #tpu.memory_space<hbm>> -> memref<1x10192xi32, #tpu.memory_space<hbm>>
      %dma_start3A_42 = tpu.memref_squeeze %dma_start3A_41 : memref<1x10192xi32, #tpu.memory_space<hbm>> -> memref<10192xi32, #tpu.memory_space<hbm>>
      tpu.enqueue_dma source(%dma_start3A_42 : memref<10192xi32, #tpu.memory_space<hbm>>) target(%arg6 : memref<10192xi32, #tpu.memory_space<vmem>>) target_semaphore(%run_scoped3A : memref<!tpu.dma_semaphore, #tpu.memory_space<semaphore_mem>>)
      %dma_wait3A_43 = arith.constant 0 : i32
      %dma_wait3A_44 = tpu.memref_slice %arg2[%arg1, %dma_wait3A_43] : memref<16x10192xi32, #tpu.memory_space<hbm>> -> memref<1x10192xi32, #tpu.memory_space<hbm>>
      %dma_wait3A_45 = tpu.memref_squeeze %dma_wait3A_44 : memref<1x10192xi32, #tpu.memory_space<hbm>> -> memref<10192xi32, #tpu.memory_space<hbm>>
      %dma_wait3A_46 = arith.constant 0 : i32
      %dma_wait3A_47 = tpu.memref_slice %arg2[%arg1, %dma_wait3A_46] : memref<16x10192xi32, #tpu.memory_space<hbm>> -> memref<1x10192xi32, #tpu.memory_space<hbm>>
      %dma_wait3A_48 = tpu.memref_squeeze %dma_wait3A_47 : memref<1x10192xi32, #tpu.memory_space<hbm>> -> memref<10192xi32, #tpu.memory_space<hbm>>
      tpu.wait_dma2 semaphore(%run_scoped3A : memref<!tpu.dma_semaphore, #tpu.memory_space<semaphore_mem>>) src(%dma_wait3A_48 : memref<10192xi32, #tpu.memory_space<hbm>>) dst(%arg6 : memref<10192xi32, #tpu.memory_space<vmem>>)
      tpu.yield
    }) : () -> ()
    "tpu.region"() ({
      %run_scoped3A = tpu.sem_alloc : memref<!tpu.dma_semaphore, #tpu.memory_space<semaphore_mem>>
      %dma_start3A_37 = arith.constant 0 : i32
      %dma_start3A_38 = arith.constant 0 : i32
      %dma_start3A_39 = tpu.memref_slice %arg3[%arg1, %dma_start3A_37, %dma_start3A_38] : memref<16x98x104xi32, #tpu.memory_space<hbm>> -> memref<1x98x104xi32, #tpu.memory_space<hbm>>
      %dma_start3A_40 = tpu.memref_squeeze %dma_start3A_39 : memref<1x98x104xi32, #tpu.memory_space<hbm>> -> memref<98x104xi32, #tpu.memory_space<hbm>>
      %dma_start3A_41 = arith.constant 0 : i32
      %dma_start3A_42 = arith.constant 0 : i32
      %dma_start3A_43 = tpu.memref_slice %arg3[%arg1, %dma_start3A_41, %dma_start3A_42] : memref<16x98x104xi32, #tpu.memory_space<hbm>> -> memref<1x98x104xi32, #tpu.memory_space<hbm>>
      %dma_start3A_44 = tpu.memref_squeeze %dma_start3A_43 : memref<1x98x104xi32, #tpu.memory_space<hbm>> -> memref<98x104xi32, #tpu.memory_space<hbm>>
      tpu.enqueue_dma source(%dma_start3A_44 : memref<98x104xi32, #tpu.memory_space<hbm>>) target(%arg7 : memref<98x104xi32, #tpu.memory_space<vmem>>) target_semaphore(%run_scoped3A : memref<!tpu.dma_semaphore, #tpu.memory_space<semaphore_mem>>)
      %dma_wait3A_45 = arith.constant 0 : i32
      %dma_wait3A_46 = arith.constant 0 : i32
      %dma_wait3A_47 = tpu.memref_slice %arg3[%arg1, %dma_wait3A_45, %dma_wait3A_46] : memref<16x98x104xi32, #tpu.memory_space<hbm>> -> memref<1x98x104xi32, #tpu.memory_space<hbm>>
      %dma_wait3A_48 = tpu.memref_squeeze %dma_wait3A_47 : memref<1x98x104xi32, #tpu.memory_space<hbm>> -> memref<98x104xi32, #tpu.memory_space<hbm>>
      %dma_wait3A_49 = arith.constant 0 : i32
      %dma_wait3A_50 = arith.constant 0 : i32
      %dma_wait3A_51 = tpu.memref_slice %arg3[%arg1, %dma_wait3A_49, %dma_wait3A_50] : memref<16x98x104xi32, #tpu.memory_space<hbm>> -> memref<1x98x104xi32, #tpu.memory_space<hbm>>
      %dma_wait3A_52 = tpu.memref_squeeze %dma_wait3A_51 : memref<1x98x104xi32, #tpu.memory_space<hbm>> -> memref<98x104xi32, #tpu.memory_space<hbm>>
      tpu.wait_dma2 semaphore(%run_scoped3A : memref<!tpu.dma_semaphore, #tpu.memory_space<semaphore_mem>>) src(%dma_wait3A_52 : memref<98x104xi32, #tpu.memory_space<hbm>>) dst(%arg7 : memref<98x104xi32, #tpu.memory_space<vmem>>)
      tpu.yield
    }) : () -> ()
    %mul3A_1 = arith.constant 10000 : i32
    %mul3A_2 = arith.muli %arg0, %mul3A_1 : i32
    %scan3A = arith.constant 0 : i32
    %scan3A_3 = arith.constant 0 : i32
    %scan3A_4 = arith.constant 637 : i32
    %scan3A_5 = arith.addi %scan3A_3, %scan3A_4 : i32
    %scan3A_6 = arith.constant 1 : i32
    scf.for %scan3A_37 = %scan3A_3 to %scan3A_5 step %scan3A_6  : i32 {
      %mul3A_38 = arith.constant 16 : i32
      %mul3A_39 = arith.muli %scan3A_37, %mul3A_38 : i32
      %get3A = arith.index_cast %mul3A_39 : i32 to index
      %get3A_40 = tpu.vector_load %arg6[%get3A] {strides = array<i32>} : memref<10192xi32, #tpu.memory_space<vmem>>, vector<16xi32>,
      %get3A_41 = vector.shape_cast %get3A_40 : vector<16xi32> to vector<16xi32>
      %add3A_42 = vector.broadcast %mul3A_2 : i32 to vector<16xi32>
      %add3A_43 = arith.addi %get3A_41, %add3A_42 : vector<16xi32>
      %swap3A = arith.index_cast %mul3A_39 : i32 to index
      %swap3A_44 = tpu.vector_load %arg6[%swap3A] {strides = array<i32>} : memref<10192xi32, #tpu.memory_space<vmem>>, vector<16xi32>,
      %swap3A_45 = vector.shape_cast %swap3A_44 : vector<16xi32> to vector<16xi32>
      %swap3A_46 = vector.shape_cast %add3A_43 : vector<16xi32> to vector<16xi32>
      tpu.vector_store %arg6[%swap3A], %swap3A_46 {strides = array<i32>} : memref<10192xi32, #tpu.memory_space<vmem>>, vector<16xi32>,
    }
    %scan3A_7 = arith.constant 637 : i32
    %add3A = arith.constant 0 : i32
    %add3A_8 = arith.addi %add3A, %arg0 : i32
    %mul3A_9 = arith.constant 10000 : i32
    %mul3A_10 = arith.muli %add3A_8, %mul3A_9 : i32
    %add3A_11 = arith.addi %mul3A_10, %mul3A_0 : i32
    "tpu.region"() ({
      %run_scoped3A = tpu.sem_alloc : memref<!tpu.dma_semaphore, #tpu.memory_space<semaphore_mem>>
      %dma_start3A_37 = arith.constant 0 : i32
      %dma_start3A_38 = tpu.memref_slice %arg10[%mul3A_0, %dma_start3A_37] : memref<10016x128xf32, #tpu.memory_space<vmem_shared>> -> memref<624x128xf32, #tpu.memory_space<vmem_shared>>
      %dma_start3A_39 = arith.constant 0 : i32
      %dma_start3A_40 = tpu.memref_slice %arg4[%add3A_11, %dma_start3A_39] : memref<20000x128xf32, #tpu.memory_space<hbm>> -> memref<624x128xf32, #tpu.memory_space<hbm>>
      tpu.enqueue_dma source(%dma_start3A_40 : memref<624x128xf32, #tpu.memory_space<hbm>>) target(%dma_start3A_38 : memref<624x128xf32, #tpu.memory_space<vmem_shared>>) target_semaphore(%run_scoped3A : memref<!tpu.dma_semaphore, #tpu.memory_space<semaphore_mem>>)
      %dma_wait3A_41 = arith.constant 0 : i32
      %dma_wait3A_42 = tpu.memref_slice %arg10[%mul3A_0, %dma_wait3A_41] : memref<10016x128xf32, #tpu.memory_space<vmem_shared>> -> memref<624x128xf32, #tpu.memory_space<vmem_shared>>
      %dma_wait3A_43 = arith.constant 0 : i32
      %dma_wait3A_44 = tpu.memref_slice %arg4[%add3A_11, %dma_wait3A_43] : memref<20000x128xf32, #tpu.memory_space<hbm>> -> memref<624x128xf32, #tpu.memory_space<hbm>>
      tpu.wait_dma2 semaphore(%run_scoped3A : memref<!tpu.dma_semaphore, #tpu.memory_space<semaphore_mem>>) src(%dma_wait3A_44 : memref<624x128xf32, #tpu.memory_space<hbm>>) dst(%dma_wait3A_42 : memref<624x128xf32, #tpu.memory_space<vmem_shared>>)
      tpu.yield
    }) : () -> ()
    %eq3A = arith.constant 0 : i32
    %eq3A_12 = arith.cmpi eq, %arg1, %eq3A : i32
    %convert_element_type3A = arith.extui %eq3A_12 : i1 to i32
    %cond3A = arith.constant 0 : i32
    %cond3A_13 = arith.cmpi ne, %convert_element_type3A, %cond3A : i32
    scf.if %cond3A_13 {
      %add3A_37 = arith.constant 9984 : i32
      %add3A_38 = arith.addi %mul3A_10, %add3A_37 : i32
      "tpu.region"() ({
        %run_scoped3A = tpu.sem_alloc : memref<!tpu.dma_semaphore, #tpu.memory_space<semaphore_mem>>
        %dma_start3A_39 = arith.constant 9984 : i32
        %dma_start3A_40 = arith.constant 0 : i32
        %dma_start3A_41 = tpu.memref_slice %arg10[%dma_start3A_39, %dma_start3A_40] : memref<10016x128xf32, #tpu.memory_space<vmem_shared>> -> memref<16x128xf32, #tpu.memory_space<vmem_shared>>
        %dma_start3A_42 = arith.constant 0 : i32
        %dma_start3A_43 = tpu.memref_slice %arg4[%add3A_38, %dma_start3A_42] : memref<20000x128xf32, #tpu.memory_space<hbm>> -> memref<16x128xf32, #tpu.memory_space<hbm>>
        tpu.enqueue_dma source(%dma_start3A_43 : memref<16x128xf32, #tpu.memory_space<hbm>>) target(%dma_start3A_41 : memref<16x128xf32, #tpu.memory_space<vmem_shared>>) target_semaphore(%run_scoped3A : memref<!tpu.dma_semaphore, #tpu.memory_space<semaphore_mem>>)
        %dma_wait3A_44 = arith.constant 9984 : i32
        %dma_wait3A_45 = arith.constant 0 : i32
        %dma_wait3A_46 = tpu.memref_slice %arg10[%dma_wait3A_44, %dma_wait3A_45] : memref<10016x128xf32, #tpu.memory_space<vmem_shared>> -> memref<16x128xf32, #tpu.memory_space<vmem_shared>>
        %dma_wait3A_47 = arith.constant 0 : i32
        %dma_wait3A_48 = tpu.memref_slice %arg4[%add3A_38, %dma_wait3A_47] : memref<20000x128xf32, #tpu.memory_space<hbm>> -> memref<16x128xf32, #tpu.memory_space<hbm>>
        tpu.wait_dma2 semaphore(%run_scoped3A : memref<!tpu.dma_semaphore, #tpu.memory_space<semaphore_mem>>) src(%dma_wait3A_48 : memref<16x128xf32, #tpu.memory_space<hbm>>) dst(%dma_wait3A_46 : memref<16x128xf32, #tpu.memory_space<vmem_shared>>)
        tpu.yield
      }) : () -> ()
    } else {
    }
    %barrier3A = arith.constant 0 : index
    tpu.barrier barrier_id(%barrier3A)
    %dma_start3A = arith.constant 0 : i32
    %dma_start3A_14 = tpu.memref_slice %arg6[%dma_start3A] : memref<10192xi32, #tpu.memory_space<vmem>> -> memref<104xi32, #tpu.memory_space<vmem>>
    %dma_start3A_15 = arith.constant 0 : i32
    %dma_start3A_16 = arith.constant 0 : i32
    %dma_start3A_17 = tpu.memref_slice %arg4[%dma_start3A_15, %dma_start3A_16] : memref<20000x128xf32, #tpu.memory_space<hbm>> -> memref<20000x128xf32, #tpu.memory_space<hbm>>
    tpu.enqueue_indirect_dma source(%dma_start3A_17 : memref<20000x128xf32, #tpu.memory_space<hbm>>) target(%arg8 : memref<104x128xf32, #tpu.memory_space<vmem>>) offsets(%dma_start3A_14 : memref<104xi32, #tpu.memory_space<vmem>>) semaphore(%arg11 : memref<!tpu.dma_semaphore, #tpu.memory_space<semaphore_mem>>)
    %scan3A_18 = arith.constant 0 : i32
    %scan3A_19 = arith.constant 0 : i32
    %scan3A_20 = arith.constant 49 : i32
    %scan3A_21 = arith.addi %scan3A_19, %scan3A_20 : i32
    %scan3A_22 = arith.constant 1 : i32
    scf.for %scan3A_37 = %scan3A_19 to %scan3A_21 step %scan3A_22  : i32 {
      %mul3A_38 = arith.constant 2 : i32
      %mul3A_39 = arith.muli %mul3A_38, %scan3A_37 : i32
      %mul3A_40 = arith.constant 2 : i32
      %mul3A_41 = arith.muli %mul3A_40, %scan3A_37 : i32
      %add3A_42 = arith.constant 1 : i32
      %add3A_43 = arith.addi %mul3A_41, %add3A_42 : i32
      %mul3A_44 = arith.constant 104 : i32
      %mul3A_45 = arith.muli %add3A_43, %mul3A_44 : i32
      %dma_start3A_46 = tpu.memref_slice %arg6[%mul3A_45] : memref<10192xi32, #tpu.memory_space<vmem>> -> memref<104xi32, #tpu.memory_space<vmem>>
      %dma_start3A_47 = arith.constant 0 : i32
      %dma_start3A_48 = arith.constant 0 : i32
      %dma_start3A_49 = tpu.memref_slice %arg4[%dma_start3A_47, %dma_start3A_48] : memref<20000x128xf32, #tpu.memory_space<hbm>> -> memref<20000x128xf32, #tpu.memory_space<hbm>>
      tpu.enqueue_indirect_dma source(%dma_start3A_49 : memref<20000x128xf32, #tpu.memory_space<hbm>>) target(%arg9 : memref<104x128xf32, #tpu.memory_space<vmem>>) offsets(%dma_start3A_46 : memref<104xi32, #tpu.memory_space<vmem>>) semaphore(%arg12 : memref<!tpu.dma_semaphore, #tpu.memory_space<semaphore_mem>>)
      %dma_wait3A_50 = arith.constant 0 : i32
      %dma_wait3A_51 = arith.constant 0 : i32
      %dma_wait3A_52 = tpu.memref_slice %arg4[%dma_wait3A_50, %dma_wait3A_51] : memref<20000x128xf32, #tpu.memory_space<hbm>> -> memref<104x128xf32, #tpu.memory_space<hbm>>
      %dma_wait3A_53 = arith.constant 0 : i32
      %dma_wait3A_54 = arith.constant 0 : i32
      %dma_wait3A_55 = tpu.memref_slice %arg4[%dma_wait3A_53, %dma_wait3A_54] : memref<20000x128xf32, #tpu.memory_space<hbm>> -> memref<104x128xf32, #tpu.memory_space<hbm>>
      tpu.wait_dma2 semaphore(%arg11 : memref<!tpu.dma_semaphore, #tpu.memory_space<semaphore_mem>>) src(%dma_wait3A_55 : memref<104x128xf32, #tpu.memory_space<hbm>>) dst(%arg8 : memref<104x128xf32, #tpu.memory_space<vmem>>)
      "tpu.region"() ({
        %run_scoped3A = tpu.sem_alloc : memref<!tpu.dma_semaphore, #tpu.memory_space<semaphore_mem>>
        %dma_start3A_71 = arith.constant 0 : i32
        %dma_start3A_72 = tpu.memref_slice %arg7[%mul3A_39, %dma_start3A_71] : memref<98x104xi32, #tpu.memory_space<vmem>> -> memref<1x104xi32, #tpu.memory_space<vmem>>
        %dma_start3A_73 = tpu.memref_squeeze %dma_start3A_72 : memref<1x104xi32, #tpu.memory_space<vmem>> -> memref<104xi32, #tpu.memory_space<vmem>>
        %dma_start3A_74 = arith.constant 0 : i32
        %dma_start3A_75 = arith.constant 0 : i32
        %dma_start3A_76 = tpu.memref_slice %arg10[%dma_start3A_74, %dma_start3A_75] : memref<10016x128xf32, #tpu.memory_space<vmem_shared>> -> memref<10016x128xf32, #tpu.memory_space<vmem_shared>>
        tpu.enqueue_indirect_dma source(%arg8 : memref<104x128xf32, #tpu.memory_space<vmem>>) target(%dma_start3A_76 : memref<10016x128xf32, #tpu.memory_space<vmem_shared>>) offsets(%dma_start3A_73 : memref<104xi32, #tpu.memory_space<vmem>>) semaphore(%run_scoped3A : memref<!tpu.dma_semaphore, #tpu.memory_space<semaphore_mem>>) {add = true}
        %dma_wait3A_77 = arith.constant 0 : i32
        %dma_wait3A_78 = tpu.memref_slice %arg7[%mul3A_39, %dma_wait3A_77] : memref<98x104xi32, #tpu.memory_space<vmem>> -> memref<1x104xi32, #tpu.memory_space<vmem>>
        %dma_wait3A_79 = tpu.memref_squeeze %dma_wait3A_78 : memref<1x104xi32, #tpu.memory_space<vmem>> -> memref<104xi32, #tpu.memory_space<vmem>>
        %dma_wait3A_80 = arith.constant 0 : i32
        %dma_wait3A_81 = arith.constant 0 : i32
        %dma_wait3A_82 = tpu.memref_slice %arg10[%dma_wait3A_80, %dma_wait3A_81] : memref<10016x128xf32, #tpu.memory_space<vmem_shared>> -> memref<10016x128xf32, #tpu.memory_space<vmem_shared>>
        tpu.wait_indirect_dma semaphore(%run_scoped3A : memref<!tpu.dma_semaphore, #tpu.memory_space<semaphore_mem>>) src(%arg8 : memref<104x128xf32, #tpu.memory_space<vmem>>) dst(%dma_wait3A_82 : memref<10016x128xf32, #tpu.memory_space<vmem_shared>>)
        tpu.yield
      }) : () -> ()
      %add3A_56 = arith.constant 2 : i32
      %add3A_57 = arith.addi %mul3A_39, %add3A_56 : i32
      %min3A = arith.constant 97 : i32
      %min3A_58 = arith.minsi %add3A_57, %min3A : i32
      %mul3A_59 = arith.constant 104 : i32
      %mul3A_60 = arith.muli %min3A_58, %mul3A_59 : i32
      %dma_start3A_61 = tpu.memref_slice %arg6[%mul3A_60] : memref<10192xi32, #tpu.memory_space<vmem>> -> memref<104xi32, #tpu.memory_space<vmem>>
      %dma_start3A_62 = arith.constant 0 : i32
      %dma_start3A_63 = arith.constant 0 : i32
      %dma_start3A_64 = tpu.memref_slice %arg4[%dma_start3A_62, %dma_start3A_63] : memref<20000x128xf32, #tpu.memory_space<hbm>> -> memref<20000x128xf32, #tpu.memory_space<hbm>>
      tpu.enqueue_indirect_dma source(%dma_start3A_64 : memref<20000x128xf32, #tpu.memory_space<hbm>>) target(%arg8 : memref<104x128xf32, #tpu.memory_space<vmem>>) offsets(%dma_start3A_61 : memref<104xi32, #tpu.memory_space<vmem>>) semaphore(%arg11 : memref<!tpu.dma_semaphore, #tpu.memory_space<semaphore_mem>>)
      %dma_wait3A_65 = arith.constant 0 : i32
      %dma_wait3A_66 = arith.constant 0 : i32
      %dma_wait3A_67 = tpu.memref_slice %arg4[%dma_wait3A_65, %dma_wait3A_66] : memref<20000x128xf32, #tpu.memory_space<hbm>> -> memref<104x128xf32, #tpu.memory_space<hbm>>
      %dma_wait3A_68 = arith.constant 0 : i32
      %dma_wait3A_69 = arith.constant 0 : i32
      %dma_wait3A_70 = tpu.memref_slice %arg4[%dma_wait3A_68, %dma_wait3A_69] : memref<20000x128xf32, #tpu.memory_space<hbm>> -> memref<104x128xf32, #tpu.memory_space<hbm>>
      tpu.wait_dma2 semaphore(%arg12 : memref<!tpu.dma_semaphore, #tpu.memory_space<semaphore_mem>>) src(%dma_wait3A_70 : memref<104x128xf32, #tpu.memory_space<hbm>>) dst(%arg9 : memref<104x128xf32, #tpu.memory_space<vmem>>)
      "tpu.region"() ({
        %run_scoped3A = tpu.sem_alloc : memref<!tpu.dma_semaphore, #tpu.memory_space<semaphore_mem>>
        %dma_start3A_71 = arith.constant 0 : i32
        %dma_start3A_72 = tpu.memref_slice %arg7[%add3A_43, %dma_start3A_71] : memref<98x104xi32, #tpu.memory_space<vmem>> -> memref<1x104xi32, #tpu.memory_space<vmem>>
        %dma_start3A_73 = tpu.memref_squeeze %dma_start3A_72 : memref<1x104xi32, #tpu.memory_space<vmem>> -> memref<104xi32, #tpu.memory_space<vmem>>
        %dma_start3A_74 = arith.constant 0 : i32
        %dma_start3A_75 = arith.constant 0 : i32
        %dma_start3A_76 = tpu.memref_slice %arg10[%dma_start3A_74, %dma_start3A_75] : memref<10016x128xf32, #tpu.memory_space<vmem_shared>> -> memref<10016x128xf32, #tpu.memory_space<vmem_shared>>
        tpu.enqueue_indirect_dma source(%arg9 : memref<104x128xf32, #tpu.memory_space<vmem>>) target(%dma_start3A_76 : memref<10016x128xf32, #tpu.memory_space<vmem_shared>>) offsets(%dma_start3A_73 : memref<104xi32, #tpu.memory_space<vmem>>) semaphore(%run_scoped3A : memref<!tpu.dma_semaphore, #tpu.memory_space<semaphore_mem>>) {add = true}
        %dma_wait3A_77 = arith.constant 0 : i32
        %dma_wait3A_78 = tpu.memref_slice %arg7[%add3A_43, %dma_wait3A_77] : memref<98x104xi32, #tpu.memory_space<vmem>> -> memref<1x104xi32, #tpu.memory_space<vmem>>
        %dma_wait3A_79 = tpu.memref_squeeze %dma_wait3A_78 : memref<1x104xi32, #tpu.memory_space<vmem>> -> memref<104xi32, #tpu.memory_space<vmem>>
        %dma_wait3A_80 = arith.constant 0 : i32
        %dma_wait3A_81 = arith.constant 0 : i32
        %dma_wait3A_82 = tpu.memref_slice %arg10[%dma_wait3A_80, %dma_wait3A_81] : memref<10016x128xf32, #tpu.memory_space<vmem_shared>> -> memref<10016x128xf32, #tpu.memory_space<vmem_shared>>
        tpu.wait_indirect_dma semaphore(%run_scoped3A : memref<!tpu.dma_semaphore, #tpu.memory_space<semaphore_mem>>) src(%arg9 : memref<104x128xf32, #tpu.memory_space<vmem>>) dst(%dma_wait3A_82 : memref<10016x128xf32, #tpu.memory_space<vmem_shared>>)
        tpu.yield
      }) : () -> ()
    }
    %scan3A_23 = arith.constant 49 : i32
    %dma_wait3A = arith.constant 0 : i32
    %dma_wait3A_24 = arith.constant 0 : i32
    %dma_wait3A_25 = tpu.memref_slice %arg4[%dma_wait3A, %dma_wait3A_24] : memref<20000x128xf32, #tpu.memory_space<hbm>> -> memref<104x128xf32, #tpu.memory_space<hbm>>
    %dma_wait3A_26 = arith.constant 0 : i32
    %dma_wait3A_27 = arith.constant 0 : i32
    %dma_wait3A_28 = tpu.memref_slice %arg4[%dma_wait3A_26, %dma_wait3A_27] : memref<20000x128xf32, #tpu.memory_space<hbm>> -> memref<104x128xf32, #tpu.memory_space<hbm>>
    tpu.wait_dma2 semaphore(%arg11 : memref<!tpu.dma_semaphore, #tpu.memory_space<semaphore_mem>>) src(%dma_wait3A_28 : memref<104x128xf32, #tpu.memory_space<hbm>>) dst(%arg8 : memref<104x128xf32, #tpu.memory_space<vmem>>)
    %barrier3A_29 = arith.constant 0 : index
    tpu.barrier barrier_id(%barrier3A_29)
    %add3A_30 = arith.addi %mul3A_10, %mul3A_0 : i32
    "tpu.region"() ({
      %run_scoped3A = tpu.sem_alloc : memref<!tpu.dma_semaphore, #tpu.memory_space<semaphore_mem>>
      %dma_start3A_37 = arith.constant 0 : i32
      %dma_start3A_38 = tpu.memref_slice %arg5[%add3A_30, %dma_start3A_37] : memref<20000x128xf32, #tpu.memory_space<hbm>> -> memref<624x128xf32, #tpu.memory_space<hbm>>
      %dma_start3A_39 = arith.constant 0 : i32
      %dma_start3A_40 = tpu.memref_slice %arg10[%mul3A_0, %dma_start3A_39] : memref<10016x128xf32, #tpu.memory_space<vmem_shared>> -> memref<624x128xf32, #tpu.memory_space<vmem_shared>>
      tpu.enqueue_dma source(%dma_start3A_40 : memref<624x128xf32, #tpu.memory_space<vmem_shared>>) target(%dma_start3A_38 : memref<624x128xf32, #tpu.memory_space<hbm>>) target_semaphore(%run_scoped3A : memref<!tpu.dma_semaphore, #tpu.memory_space<semaphore_mem>>)
      %dma_wait3A_41 = arith.constant 0 : i32
      %dma_wait3A_42 = tpu.memref_slice %arg5[%add3A_30, %dma_wait3A_41] : memref<20000x128xf32, #tpu.memory_space<hbm>> -> memref<624x128xf32, #tpu.memory_space<hbm>>
      %dma_wait3A_43 = arith.constant 0 : i32
      %dma_wait3A_44 = tpu.memref_slice %arg10[%mul3A_0, %dma_wait3A_43] : memref<10016x128xf32, #tpu.memory_space<vmem_shared>> -> memref<624x128xf32, #tpu.memory_space<vmem_shared>>
      tpu.wait_dma2 semaphore(%run_scoped3A : memref<!tpu.dma_semaphore, #tpu.memory_space<semaphore_mem>>) src(%dma_wait3A_44 : memref<624x128xf32, #tpu.memory_space<vmem_shared>>) dst(%dma_wait3A_42 : memref<624x128xf32, #tpu.memory_space<hbm>>)
      tpu.yield
    }) : () -> ()
    %eq3A_31 = arith.constant 0 : i32
    %eq3A_32 = arith.cmpi eq, %arg1, %eq3A_31 : i32
    %convert_element_type3A_33 = arith.extui %eq3A_32 : i1 to i32
    %cond3A_34 = arith.constant 0 : i32
    %cond3A_35 = arith.cmpi ne, %convert_element_type3A_33, %cond3A_34 : i32
    scf.if %cond3A_35 {
      %add3A_37 = arith.constant 9984 : i32
      %add3A_38 = arith.addi %mul3A_10, %add3A_37 : i32
      "tpu.region"() ({
        %run_scoped3A = tpu.sem_alloc : memref<!tpu.dma_semaphore, #tpu.memory_space<semaphore_mem>>
        %dma_start3A_39 = arith.constant 0 : i32
        %dma_start3A_40 = tpu.memref_slice %arg5[%add3A_38, %dma_start3A_39] : memref<20000x128xf32, #tpu.memory_space<hbm>> -> memref<16x128xf32, #tpu.memory_space<hbm>>
        %dma_start3A_41 = arith.constant 9984 : i32
        %dma_start3A_42 = arith.constant 0 : i32
        %dma_start3A_43 = tpu.memref_slice %arg10[%dma_start3A_41, %dma_start3A_42] : memref<10016x128xf32, #tpu.memory_space<vmem_shared>> -> memref<16x128xf32, #tpu.memory_space<vmem_shared>>
        tpu.enqueue_dma source(%dma_start3A_43 : memref<16x128xf32, #tpu.memory_space<vmem_shared>>) target(%dma_start3A_40 : memref<16x128xf32, #tpu.memory_space<hbm>>) target_semaphore(%run_scoped3A : memref<!tpu.dma_semaphore, #tpu.memory_space<semaphore_mem>>)
        %dma_wait3A_44 = arith.constant 0 : i32
        %dma_wait3A_45 = tpu.memref_slice %arg5[%add3A_38, %dma_wait3A_44] : memref<20000x128xf32, #tpu.memory_space<hbm>> -> memref<16x128xf32, #tpu.memory_space<hbm>>
        %dma_wait3A_46 = arith.constant 9984 : i32
        %dma_wait3A_47 = arith.constant 0 : i32
        %dma_wait3A_48 = tpu.memref_slice %arg10[%dma_wait3A_46, %dma_wait3A_47] : memref<10016x128xf32, #tpu.memory_space<vmem_shared>> -> memref<16x128xf32, #tpu.memory_space<vmem_shared>>
        tpu.wait_dma2 semaphore(%run_scoped3A : memref<!tpu.dma_semaphore, #tpu.memory_space<semaphore_mem>>) src(%dma_wait3A_48 : memref<16x128xf32, #tpu.memory_space<vmem_shared>>) dst(%dma_wait3A_45 : memref<16x128xf32, #tpu.memory_space<hbm>>)
        tpu.yield
      }) : () -> ()
    } else {
    }
    %barrier3A_36 = arith.constant 0 : index
    tpu.barrier barrier_id(%barrier3A_36)
    return
  }
}

module attributes {stable_mosaic.version = 14 : i64} {
  func.func @_scale_body(%arg0: i32, %arg1: memref<2x2000x128xf32, #tpu.memory_space<vmem>>, %arg2: memref<2000x256xf32, #tpu.memory_space<vmem>>, %arg3: memref<2000x256xf32, #tpu.memory_space<vmem>>, %arg4: memref<2000x256xf32, #tpu.memory_space<vmem>>, %arg5: memref<2000x16xf32, #tpu.memory_space<vmem>>, %arg6: memref<6x2000x128xf32, #tpu.memory_space<vmem>>) attributes {dimension_semantics = [#tpu.dimension_semantics<arbitrary>], iteration_bounds = array<i64: 5>, scalar_prefetch = 0 : i64, scratch_operands = 0 : i64, tpu.core_type = #tpu.core_type<tc>, window_params = [{transform_indices = @transform_0, window_bounds = array<i64: 2, 2000, 128>}, {transform_indices = @transform_1, window_bounds = array<i64: 2000, 256>}, {transform_indices = @transform_2, window_bounds = array<i64: 2000, 256>}, {transform_indices = @transform_3, window_bounds = array<i64: 2000, 256>}, {transform_indices = @transform_4, window_bounds = array<i64: 2000, 16>}, {transform_indices = @transform_5, window_bounds = array<i64: 6, 2000, 128>}]} {
    %get3A = arith.constant 0 : index
    %get3A_0 = arith.constant 0 : index
    %get3A_1 = arith.constant 0 : index
    %get3A_2 = vector.load %arg1[%get3A, %get3A_0, %get3A_1] : memref<2x2000x128xf32, #tpu.memory_space<vmem>>, vector<1x2000x16xf32>
    %get3A_3 = vector.shape_cast %get3A_2 : vector<1x2000x16xf32> to vector<2000x16xf32>
    %get3A_4 = arith.constant 1 : index
    %get3A_5 = arith.constant 0 : index
    %get3A_6 = arith.constant 0 : index
    %get3A_7 = vector.load %arg1[%get3A_4, %get3A_5, %get3A_6] : memref<2x2000x128xf32, #tpu.memory_space<vmem>>, vector<1x2000x16xf32>
    %get3A_8 = vector.shape_cast %get3A_7 : vector<1x2000x16xf32> to vector<2000x16xf32>
    %add3A = arith.addf %get3A_3, %get3A_8 : vector<2000x16xf32>
    %rsqrt3A = math.rsqrt %add3A : vector<2000x16xf32>
    %swap3A = arith.constant 0 : index
    %swap3A_9 = arith.constant 0 : index
    %swap3A_10 = vector.load %arg5[%swap3A, %swap3A_9] : memref<2000x16xf32, #tpu.memory_space<vmem>>, vector<2000x16xf32>
    tpu.vector_store %arg5[%swap3A, %swap3A_9], %rsqrt3A {strides = array<i32>} : memref<2000x16xf32, #tpu.memory_space<vmem>>, vector<2000x16xf32>,
    %slice3A = vector.extract_strided_slice %rsqrt3A {offsets = [0, 0], sizes = [2000, 1], strides = [1, 1]} : vector<2000x16xf32> to vector<2000x1xf32>
    %get3A_11 = arith.constant 0 : index
    %get3A_12 = arith.constant 0 : index
    %get3A_13 = vector.load %arg2[%get3A_11, %get3A_12] : memref<2000x256xf32, #tpu.memory_space<vmem>>, vector<2000x128xf32>
    %mul3A = vector.broadcast %slice3A : vector<2000x1xf32> to vector<2000x128xf32>
    %mul3A_14 = arith.mulf %get3A_13, %mul3A : vector<2000x128xf32>
    %swap3A_15 = arith.constant 0 : index
    %swap3A_16 = arith.constant 0 : index
    %swap3A_17 = arith.constant 0 : index
    %swap3A_18 = vector.load %arg6[%swap3A_15, %swap3A_16, %swap3A_17] : memref<6x2000x128xf32, #tpu.memory_space<vmem>>, vector<1x2000x128xf32>
    %swap3A_19 = vector.shape_cast %swap3A_18 : vector<1x2000x128xf32> to vector<2000x128xf32>
    %swap3A_20 = vector.shape_cast %mul3A_14 : vector<2000x128xf32> to vector<1x2000x128xf32>
    tpu.vector_store %arg6[%swap3A_15, %swap3A_16, %swap3A_17], %swap3A_20 {strides = array<i32>} : memref<6x2000x128xf32, #tpu.memory_space<vmem>>, vector<1x2000x128xf32>,
    %get3A_21 = arith.constant 0 : index
    %get3A_22 = arith.constant 128 : index
    %get3A_23 = vector.load %arg2[%get3A_21, %get3A_22] : memref<2000x256xf32, #tpu.memory_space<vmem>>, vector<2000x128xf32>
    %mul3A_24 = vector.broadcast %slice3A : vector<2000x1xf32> to vector<2000x128xf32>
    %mul3A_25 = arith.mulf %get3A_23, %mul3A_24 : vector<2000x128xf32>
    %swap3A_26 = arith.constant 1 : index
    %swap3A_27 = arith.constant 0 : index
    %swap3A_28 = arith.constant 0 : index
    %swap3A_29 = vector.load %arg6[%swap3A_26, %swap3A_27, %swap3A_28] : memref<6x2000x128xf32, #tpu.memory_space<vmem>>, vector<1x2000x128xf32>
    %swap3A_30 = vector.shape_cast %swap3A_29 : vector<1x2000x128xf32> to vector<2000x128xf32>
    %swap3A_31 = vector.shape_cast %mul3A_25 : vector<2000x128xf32> to vector<1x2000x128xf32>
    tpu.vector_store %arg6[%swap3A_26, %swap3A_27, %swap3A_28], %swap3A_31 {strides = array<i32>} : memref<6x2000x128xf32, #tpu.memory_space<vmem>>, vector<1x2000x128xf32>,
    %get3A_32 = arith.constant 0 : index
    %get3A_33 = arith.constant 0 : index
    %get3A_34 = vector.load %arg3[%get3A_32, %get3A_33] : memref<2000x256xf32, #tpu.memory_space<vmem>>, vector<2000x128xf32>
    %mul3A_35 = vector.broadcast %slice3A : vector<2000x1xf32> to vector<2000x128xf32>
    %mul3A_36 = arith.mulf %get3A_34, %mul3A_35 : vector<2000x128xf32>
    %swap3A_37 = arith.constant 2 : index
    %swap3A_38 = arith.constant 0 : index
    %swap3A_39 = arith.constant 0 : index
    %swap3A_40 = vector.load %arg6[%swap3A_37, %swap3A_38, %swap3A_39] : memref<6x2000x128xf32, #tpu.memory_space<vmem>>, vector<1x2000x128xf32>
    %swap3A_41 = vector.shape_cast %swap3A_40 : vector<1x2000x128xf32> to vector<2000x128xf32>
    %swap3A_42 = vector.shape_cast %mul3A_36 : vector<2000x128xf32> to vector<1x2000x128xf32>
    tpu.vector_store %arg6[%swap3A_37, %swap3A_38, %swap3A_39], %swap3A_42 {strides = array<i32>} : memref<6x2000x128xf32, #tpu.memory_space<vmem>>, vector<1x2000x128xf32>,
    %get3A_43 = arith.constant 0 : index
    %get3A_44 = arith.constant 128 : index
    %get3A_45 = vector.load %arg3[%get3A_43, %get3A_44] : memref<2000x256xf32, #tpu.memory_space<vmem>>, vector<2000x128xf32>
    %mul3A_46 = vector.broadcast %slice3A : vector<2000x1xf32> to vector<2000x128xf32>
    %mul3A_47 = arith.mulf %get3A_45, %mul3A_46 : vector<2000x128xf32>
    %swap3A_48 = arith.constant 3 : index
    %swap3A_49 = arith.constant 0 : index
    %swap3A_50 = arith.constant 0 : index
    %swap3A_51 = vector.load %arg6[%swap3A_48, %swap3A_49, %swap3A_50] : memref<6x2000x128xf32, #tpu.memory_space<vmem>>, vector<1x2000x128xf32>
    %swap3A_52 = vector.shape_cast %swap3A_51 : vector<1x2000x128xf32> to vector<2000x128xf32>
    %swap3A_53 = vector.shape_cast %mul3A_47 : vector<2000x128xf32> to vector<1x2000x128xf32>
    tpu.vector_store %arg6[%swap3A_48, %swap3A_49, %swap3A_50], %swap3A_53 {strides = array<i32>} : memref<6x2000x128xf32, #tpu.memory_space<vmem>>, vector<1x2000x128xf32>,
    %get3A_54 = arith.constant 0 : index
    %get3A_55 = arith.constant 0 : index
    %get3A_56 = vector.load %arg4[%get3A_54, %get3A_55] : memref<2000x256xf32, #tpu.memory_space<vmem>>, vector<2000x128xf32>
    %mul3A_57 = vector.broadcast %slice3A : vector<2000x1xf32> to vector<2000x128xf32>
    %mul3A_58 = arith.mulf %get3A_56, %mul3A_57 : vector<2000x128xf32>
    %swap3A_59 = arith.constant 4 : index
    %swap3A_60 = arith.constant 0 : index
    %swap3A_61 = arith.constant 0 : index
    %swap3A_62 = vector.load %arg6[%swap3A_59, %swap3A_60, %swap3A_61] : memref<6x2000x128xf32, #tpu.memory_space<vmem>>, vector<1x2000x128xf32>
    %swap3A_63 = vector.shape_cast %swap3A_62 : vector<1x2000x128xf32> to vector<2000x128xf32>
    %swap3A_64 = vector.shape_cast %mul3A_58 : vector<2000x128xf32> to vector<1x2000x128xf32>
    tpu.vector_store %arg6[%swap3A_59, %swap3A_60, %swap3A_61], %swap3A_64 {strides = array<i32>} : memref<6x2000x128xf32, #tpu.memory_space<vmem>>, vector<1x2000x128xf32>,
    %get3A_65 = arith.constant 0 : index
    %get3A_66 = arith.constant 128 : index
    %get3A_67 = vector.load %arg4[%get3A_65, %get3A_66] : memref<2000x256xf32, #tpu.memory_space<vmem>>, vector<2000x128xf32>
    %mul3A_68 = vector.broadcast %slice3A : vector<2000x1xf32> to vector<2000x128xf32>
    %mul3A_69 = arith.mulf %get3A_67, %mul3A_68 : vector<2000x128xf32>
    %swap3A_70 = arith.constant 5 : index
    %swap3A_71 = arith.constant 0 : index
    %swap3A_72 = arith.constant 0 : index
    %swap3A_73 = vector.load %arg6[%swap3A_70, %swap3A_71, %swap3A_72] : memref<6x2000x128xf32, #tpu.memory_space<vmem>>, vector<1x2000x128xf32>
    %swap3A_74 = vector.shape_cast %swap3A_73 : vector<1x2000x128xf32> to vector<2000x128xf32>
    %swap3A_75 = vector.shape_cast %mul3A_69 : vector<2000x128xf32> to vector<1x2000x128xf32>
    tpu.vector_store %arg6[%swap3A_70, %swap3A_71, %swap3A_72], %swap3A_75 {strides = array<i32>} : memref<6x2000x128xf32, #tpu.memory_space<vmem>>, vector<1x2000x128xf32>,
    return
  }
  func.func @transform_0(%arg0: i32) -> (i32, i32, i32) {
    %c0_i32 = arith.constant 0 : i32
    %c0_i32_0 = arith.constant 0 : i32
    %c0_i32_1 = arith.constant 0 : i32
    return %c0_i32, %arg0, %c0_i32_0 : i32, i32, i32
  }
  func.func @transform_1(%arg0: i32) -> (i32, i32) {
    %c0_i32 = arith.constant 0 : i32
    %c0_i32_0 = arith.constant 0 : i32
    return %arg0, %c0_i32 : i32, i32
  }
  func.func @transform_2(%arg0: i32) -> (i32, i32) {
    %c0_i32 = arith.constant 0 : i32
    %c0_i32_0 = arith.constant 0 : i32
    return %arg0, %c0_i32 : i32, i32
  }
  func.func @transform_3(%arg0: i32) -> (i32, i32) {
    %c0_i32 = arith.constant 0 : i32
    %c0_i32_0 = arith.constant 0 : i32
    return %arg0, %c0_i32 : i32, i32
  }
  func.func @transform_4(%arg0: i32) -> (i32, i32) {
    %c0_i32 = arith.constant 0 : i32
    %c0_i32_0 = arith.constant 0 : i32
    return %arg0, %c0_i32 : i32, i32
  }
  func.func @transform_5(%arg0: i32) -> (i32, i32, i32) {
    %c0_i32 = arith.constant 0 : i32
    %c0_i32_0 = arith.constant 0 : i32
    %c0_i32_1 = arith.constant 0 : i32
    return %c0_i32, %arg0, %c0_i32_0 : i32, i32, i32
  }
}

module attributes {stable_mosaic.version = 14 : i64} {
  func.func @_zr_body(%arg0: i32, %arg1: memref<2x2000x128xf32, #tpu.memory_space<vmem>>, %arg2: memref<2x2000x128xf32, #tpu.memory_space<vmem>>, %arg3: memref<2000x16xf32, #tpu.memory_space<vmem>>, %arg4: memref<2000x256xf32, #tpu.memory_space<vmem>>, %arg5: memref<4x128x512xf32, #tpu.memory_space<vmem>>, %arg6: memref<1x512xf32, #tpu.memory_space<vmem>>, %arg7: memref<2x128x256xf32, #tpu.memory_space<vmem>>, %arg8: memref<2000x256xf32, #tpu.memory_space<vmem>>, %arg9: memref<2x2000x128xf32, #tpu.memory_space<vmem>>, %arg10: memref<2000x256xf32, #tpu.memory_space<vmem>>) attributes {dimension_semantics = [#tpu.dimension_semantics<arbitrary>], iteration_bounds = array<i64: 5>, scalar_prefetch = 0 : i64, scratch_operands = 0 : i64, tpu.core_type = #tpu.core_type<tc>, window_params = [{transform_indices = @transform_0, window_bounds = array<i64: 2, 2000, 128>}, {transform_indices = @transform_1, window_bounds = array<i64: 2, 2000, 128>}, {transform_indices = @transform_2, window_bounds = array<i64: 2000, 16>}, {transform_indices = @transform_3, window_bounds = array<i64: 2000, 256>}, {pipeline_mode = #tpu.pipeline_mode<synchronous>, transform_indices = @transform_4, window_bounds = array<i64: 4, 128, 512>}, {pipeline_mode = #tpu.pipeline_mode<synchronous>, transform_indices = @transform_5, window_bounds = array<i64: 1, 512>}, {pipeline_mode = #tpu.pipeline_mode<synchronous>, transform_indices = @transform_6, window_bounds = array<i64: 2, 128, 256>}, {transform_indices = @transform_7, window_bounds = array<i64: 2000, 256>}, {transform_indices = @transform_8, window_bounds = array<i64: 2, 2000, 128>}, {transform_indices = @transform_9, window_bounds = array<i64: 2000, 256>}]} {
    %get3A = arith.constant 0 : index
    %get3A_0 = arith.constant 0 : index
    %get3A_1 = vector.load %arg3[%get3A, %get3A_0] : memref<2000x16xf32, #tpu.memory_space<vmem>>, vector<2000x1xf32>
    %get3A_2 = arith.constant 0 : index
    %get3A_3 = arith.constant 0 : index
    %get3A_4 = arith.constant 0 : index
    %get3A_5 = vector.load %arg1[%get3A_2, %get3A_3, %get3A_4] : memref<2x2000x128xf32, #tpu.memory_space<vmem>>, vector<1x2000x128xf32>
    %get3A_6 = vector.shape_cast %get3A_5 : vector<1x2000x128xf32> to vector<2000x128xf32>
    %mul3A = vector.broadcast %get3A_1 : vector<2000x1xf32> to vector<2000x128xf32>
    %mul3A_7 = arith.mulf %get3A_6, %mul3A : vector<2000x128xf32>
    %get3A_8 = arith.constant 1 : index
    %get3A_9 = arith.constant 0 : index
    %get3A_10 = arith.constant 0 : index
    %get3A_11 = vector.load %arg1[%get3A_8, %get3A_9, %get3A_10] : memref<2x2000x128xf32, #tpu.memory_space<vmem>>, vector<1x2000x128xf32>
    %get3A_12 = vector.shape_cast %get3A_11 : vector<1x2000x128xf32> to vector<2000x128xf32>
    %mul3A_13 = vector.broadcast %get3A_1 : vector<2000x1xf32> to vector<2000x128xf32>
    %mul3A_14 = arith.mulf %get3A_12, %mul3A_13 : vector<2000x128xf32>
    %get3A_15 = arith.constant 0 : index
    %get3A_16 = arith.constant 0 : index
    %get3A_17 = arith.constant 0 : index
    %get3A_18 = vector.load %arg2[%get3A_15, %get3A_16, %get3A_17] : memref<2x2000x128xf32, #tpu.memory_space<vmem>>, vector<1x2000x128xf32>
    %get3A_19 = vector.shape_cast %get3A_18 : vector<1x2000x128xf32> to vector<2000x128xf32>
    %mul3A_20 = vector.broadcast %get3A_1 : vector<2000x1xf32> to vector<2000x128xf32>
    %mul3A_21 = arith.mulf %get3A_19, %mul3A_20 : vector<2000x128xf32>
    %get3A_22 = arith.constant 1 : index
    %get3A_23 = arith.constant 0 : index
    %get3A_24 = arith.constant 0 : index
    %get3A_25 = vector.load %arg2[%get3A_22, %get3A_23, %get3A_24] : memref<2x2000x128xf32, #tpu.memory_space<vmem>>, vector<1x2000x128xf32>
    %get3A_26 = vector.shape_cast %get3A_25 : vector<1x2000x128xf32> to vector<2000x128xf32>
    %mul3A_27 = vector.broadcast %get3A_1 : vector<2000x1xf32> to vector<2000x128xf32>
    %mul3A_28 = arith.mulf %get3A_26, %mul3A_27 : vector<2000x128xf32>
    %get3A_29 = arith.constant 0 : index
    %get3A_30 = arith.constant 0 : index
    %get3A_31 = arith.constant 0 : index
    %get3A_32 = vector.load %arg5[%get3A_29, %get3A_30, %get3A_31] : memref<4x128x512xf32, #tpu.memory_space<vmem>>, vector<1x128x512xf32>
    %get3A_33 = vector.shape_cast %get3A_32 : vector<1x128x512xf32> to vector<128x512xf32>
    %dot_general3A = arith.constant dense<0.000000e+00> : vector<2000x512xf32>
    %dot_general3A_34 = tpu.matmul %mul3A_7, %get3A_33, %dot_general3A {dimension_numbers = #tpu.dot_dimension_numbers<[1], [0], [0], [1], [0, 0, 1, 1], [], []>, transpose_lhs_hint = false} : vector<2000x128xf32>, vector<128x512xf32>, vector<2000x512xf32> -> vector<2000x512xf32>
    %get3A_35 = arith.constant 1 : index
    %get3A_36 = arith.constant 0 : index
    %get3A_37 = arith.constant 0 : index
    %get3A_38 = vector.load %arg5[%get3A_35, %get3A_36, %get3A_37] : memref<4x128x512xf32, #tpu.memory_space<vmem>>, vector<1x128x512xf32>
    %get3A_39 = vector.shape_cast %get3A_38 : vector<1x128x512xf32> to vector<128x512xf32>
    %dot_general3A_40 = arith.constant dense<0.000000e+00> : vector<2000x512xf32>
    %dot_general3A_41 = tpu.matmul %mul3A_14, %get3A_39, %dot_general3A_40 {dimension_numbers = #tpu.dot_dimension_numbers<[1], [0], [0], [1], [0, 0, 1, 1], [], []>, transpose_lhs_hint = false} : vector<2000x128xf32>, vector<128x512xf32>, vector<2000x512xf32> -> vector<2000x512xf32>
    %add3A = arith.addf %dot_general3A_34, %dot_general3A_41 : vector<2000x512xf32>
    %get3A_42 = arith.constant 2 : index
    %get3A_43 = arith.constant 0 : index
    %get3A_44 = arith.constant 0 : index
    %get3A_45 = vector.load %arg5[%get3A_42, %get3A_43, %get3A_44] : memref<4x128x512xf32, #tpu.memory_space<vmem>>, vector<1x128x512xf32>
    %get3A_46 = vector.shape_cast %get3A_45 : vector<1x128x512xf32> to vector<128x512xf32>
    %dot_general3A_47 = arith.constant dense<0.000000e+00> : vector<2000x512xf32>
    %dot_general3A_48 = tpu.matmul %mul3A_21, %get3A_46, %dot_general3A_47 {dimension_numbers = #tpu.dot_dimension_numbers<[1], [0], [0], [1], [0, 0, 1, 1], [], []>, transpose_lhs_hint = false} : vector<2000x128xf32>, vector<128x512xf32>, vector<2000x512xf32> -> vector<2000x512xf32>
    %add3A_49 = arith.addf %add3A, %dot_general3A_48 : vector<2000x512xf32>
    %get3A_50 = arith.constant 3 : index
    %get3A_51 = arith.constant 0 : index
    %get3A_52 = arith.constant 0 : index
    %get3A_53 = vector.load %arg5[%get3A_50, %get3A_51, %get3A_52] : memref<4x128x512xf32, #tpu.memory_space<vmem>>, vector<1x128x512xf32>
    %get3A_54 = vector.shape_cast %get3A_53 : vector<1x128x512xf32> to vector<128x512xf32>
    %dot_general3A_55 = arith.constant dense<0.000000e+00> : vector<2000x512xf32>
    %dot_general3A_56 = tpu.matmul %mul3A_28, %get3A_54, %dot_general3A_55 {dimension_numbers = #tpu.dot_dimension_numbers<[1], [0], [0], [1], [0, 0, 1, 1], [], []>, transpose_lhs_hint = false} : vector<2000x128xf32>, vector<128x512xf32>, vector<2000x512xf32> -> vector<2000x512xf32>
    %add3A_57 = arith.addf %add3A_49, %dot_general3A_56 : vector<2000x512xf32>
    %get3A_58 = arith.constant 0 : index
    %get3A_59 = arith.constant 0 : index
    %get3A_60 = vector.load %arg6[%get3A_58, %get3A_59] : memref<1x512xf32, #tpu.memory_space<vmem>>, vector<1x512xf32>
    %add3A_61 = vector.broadcast %get3A_60 : vector<1x512xf32> to vector<2000x512xf32>
    %add3A_62 = arith.addf %add3A_57, %add3A_61 : vector<2000x512xf32>
    %slice3A = vector.extract_strided_slice %add3A_62 {offsets = [0, 0], sizes = [2000, 256], strides = [1, 1]} : vector<2000x512xf32> to vector<2000x256xf32>
    %logistic3A = arith.negf %slice3A : vector<2000x256xf32>
    %logistic3A_63 = math.exp %logistic3A : vector<2000x256xf32>
    %logistic3A_64 = arith.constant 1.000000e+00 : f32
    %logistic3A_65 = vector.broadcast %logistic3A_64 : f32 to vector<2000x256xf32>
    %logistic3A_66 = arith.addf %logistic3A_65, %logistic3A_63 : vector<2000x256xf32>
    %logistic3A_67 = arith.divf %logistic3A_65, %logistic3A_66 : vector<2000x256xf32>
    %slice3A_68 = vector.extract_strided_slice %add3A_62 {offsets = [0, 256], sizes = [2000, 256], strides = [1, 1]} : vector<2000x512xf32> to vector<2000x256xf32>
    %logistic3A_69 = arith.negf %slice3A_68 : vector<2000x256xf32>
    %logistic3A_70 = math.exp %logistic3A_69 : vector<2000x256xf32>
    %logistic3A_71 = arith.constant 1.000000e+00 : f32
    %logistic3A_72 = vector.broadcast %logistic3A_71 : f32 to vector<2000x256xf32>
    %logistic3A_73 = arith.addf %logistic3A_72, %logistic3A_70 : vector<2000x256xf32>
    %logistic3A_74 = arith.divf %logistic3A_72, %logistic3A_73 : vector<2000x256xf32>
    %swap3A = arith.constant 0 : index
    %swap3A_75 = arith.constant 0 : index
    %swap3A_76 = vector.load %arg8[%swap3A, %swap3A_75] : memref<2000x256xf32, #tpu.memory_space<vmem>>, vector<2000x256xf32>
    tpu.vector_store %arg8[%swap3A, %swap3A_75], %logistic3A_67 {strides = array<i32>} : memref<2000x256xf32, #tpu.memory_space<vmem>>, vector<2000x256xf32>,
    %get3A_77 = arith.constant 0 : index
    %get3A_78 = arith.constant 0 : index
    %get3A_79 = vector.load %arg4[%get3A_77, %get3A_78] : memref<2000x256xf32, #tpu.memory_space<vmem>>, vector<2000x256xf32>
    %mul3A_80 = arith.mulf %logistic3A_74, %get3A_79 : vector<2000x256xf32>
    %slice3A_81 = vector.extract_strided_slice %mul3A_80 {offsets = [0, 0], sizes = [2000, 128], strides = [1, 1]} : vector<2000x256xf32> to vector<2000x128xf32>
    %mul3A_82 = vector.broadcast %get3A_1 : vector<2000x1xf32> to vector<2000x128xf32>
    %mul3A_83 = arith.mulf %slice3A_81, %mul3A_82 : vector<2000x128xf32>
    %swap3A_84 = arith.constant 0 : index
    %swap3A_85 = arith.constant 0 : index
    %swap3A_86 = arith.constant 0 : index
    %swap3A_87 = vector.load %arg9[%swap3A_84, %swap3A_85, %swap3A_86] : memref<2x2000x128xf32, #tpu.memory_space<vmem>>, vector<1x2000x128xf32>
    %swap3A_88 = vector.shape_cast %swap3A_87 : vector<1x2000x128xf32> to vector<2000x128xf32>
    %swap3A_89 = vector.shape_cast %mul3A_83 : vector<2000x128xf32> to vector<1x2000x128xf32>
    tpu.vector_store %arg9[%swap3A_84, %swap3A_85, %swap3A_86], %swap3A_89 {strides = array<i32>} : memref<2x2000x128xf32, #tpu.memory_space<vmem>>, vector<1x2000x128xf32>,
    %slice3A_90 = vector.extract_strided_slice %mul3A_80 {offsets = [0, 128], sizes = [2000, 128], strides = [1, 1]} : vector<2000x256xf32> to vector<2000x128xf32>
    %mul3A_91 = vector.broadcast %get3A_1 : vector<2000x1xf32> to vector<2000x128xf32>
    %mul3A_92 = arith.mulf %slice3A_90, %mul3A_91 : vector<2000x128xf32>
    %swap3A_93 = arith.constant 1 : index
    %swap3A_94 = arith.constant 0 : index
    %swap3A_95 = arith.constant 0 : index
    %swap3A_96 = vector.load %arg9[%swap3A_93, %swap3A_94, %swap3A_95] : memref<2x2000x128xf32, #tpu.memory_space<vmem>>, vector<1x2000x128xf32>
    %swap3A_97 = vector.shape_cast %swap3A_96 : vector<1x2000x128xf32> to vector<2000x128xf32>
    %swap3A_98 = vector.shape_cast %mul3A_92 : vector<2000x128xf32> to vector<1x2000x128xf32>
    tpu.vector_store %arg9[%swap3A_93, %swap3A_94, %swap3A_95], %swap3A_98 {strides = array<i32>} : memref<2x2000x128xf32, #tpu.memory_space<vmem>>, vector<1x2000x128xf32>,
    %get3A_99 = arith.constant 0 : index
    %get3A_100 = arith.constant 0 : index
    %get3A_101 = arith.constant 0 : index
    %get3A_102 = vector.load %arg7[%get3A_99, %get3A_100, %get3A_101] : memref<2x128x256xf32, #tpu.memory_space<vmem>>, vector<1x128x256xf32>
    %get3A_103 = vector.shape_cast %get3A_102 : vector<1x128x256xf32> to vector<128x256xf32>
    %dot_general3A_104 = arith.constant dense<0.000000e+00> : vector<2000x256xf32>
    %dot_general3A_105 = tpu.matmul %mul3A_7, %get3A_103, %dot_general3A_104 {dimension_numbers = #tpu.dot_dimension_numbers<[1], [0], [0], [1], [0, 0, 1, 1], [], []>, transpose_lhs_hint = false} : vector<2000x128xf32>, vector<128x256xf32>, vector<2000x256xf32> -> vector<2000x256xf32>
    %get3A_106 = arith.constant 1 : index
    %get3A_107 = arith.constant 0 : index
    %get3A_108 = arith.constant 0 : index
    %get3A_109 = vector.load %arg7[%get3A_106, %get3A_107, %get3A_108] : memref<2x128x256xf32, #tpu.memory_space<vmem>>, vector<1x128x256xf32>
    %get3A_110 = vector.shape_cast %get3A_109 : vector<1x128x256xf32> to vector<128x256xf32>
    %dot_general3A_111 = arith.constant dense<0.000000e+00> : vector<2000x256xf32>
    %dot_general3A_112 = tpu.matmul %mul3A_14, %get3A_110, %dot_general3A_111 {dimension_numbers = #tpu.dot_dimension_numbers<[1], [0], [0], [1], [0, 0, 1, 1], [], []>, transpose_lhs_hint = false} : vector<2000x128xf32>, vector<128x256xf32>, vector<2000x256xf32> -> vector<2000x256xf32>
    %add3A_113 = arith.addf %dot_general3A_105, %dot_general3A_112 : vector<2000x256xf32>
    %swap3A_114 = arith.constant 0 : index
    %swap3A_115 = arith.constant 0 : index
    %swap3A_116 = vector.load %arg10[%swap3A_114, %swap3A_115] : memref<2000x256xf32, #tpu.memory_space<vmem>>, vector<2000x256xf32>
    tpu.vector_store %arg10[%swap3A_114, %swap3A_115], %add3A_113 {strides = array<i32>} : memref<2000x256xf32, #tpu.memory_space<vmem>>, vector<2000x256xf32>,
    return
  }
  func.func @transform_0(%arg0: i32) -> (i32, i32, i32) {
    %c0_i32 = arith.constant 0 : i32
    %c0_i32_0 = arith.constant 0 : i32
    %c0_i32_1 = arith.constant 0 : i32
    return %c0_i32, %arg0, %c0_i32_0 : i32, i32, i32
  }
  func.func @transform_1(%arg0: i32) -> (i32, i32, i32) {
    %c0_i32 = arith.constant 0 : i32
    %c0_i32_0 = arith.constant 0 : i32
    %c0_i32_1 = arith.constant 0 : i32
    return %c0_i32, %arg0, %c0_i32_0 : i32, i32, i32
  }
  func.func @transform_2(%arg0: i32) -> (i32, i32) {
    %c0_i32 = arith.constant 0 : i32
    %c0_i32_0 = arith.constant 0 : i32
    return %arg0, %c0_i32 : i32, i32
  }
  func.func @transform_3(%arg0: i32) -> (i32, i32) {
    %c0_i32 = arith.constant 0 : i32
    %c0_i32_0 = arith.constant 0 : i32
    return %arg0, %c0_i32 : i32, i32
  }
  func.func @transform_4(%arg0: i32) -> (i32, i32, i32) {
    %c0_i32 = arith.constant 0 : i32
    %c0_i32_0 = arith.constant 0 : i32
    %c0_i32_1 = arith.constant 0 : i32
    %c0_i32_2 = arith.constant 0 : i32
    return %c0_i32, %c0_i32_0, %c0_i32_1 : i32, i32, i32
  }
  func.func @transform_5(%arg0: i32) -> (i32, i32) {
    %c0_i32 = arith.constant 0 : i32
    %c0_i32_0 = arith.constant 0 : i32
    %c0_i32_1 = arith.constant 0 : i32
    return %c0_i32, %c0_i32_0 : i32, i32
  }
  func.func @transform_6(%arg0: i32) -> (i32, i32, i32) {
    %c0_i32 = arith.constant 0 : i32
    %c0_i32_0 = arith.constant 0 : i32
    %c0_i32_1 = arith.constant 0 : i32
    %c0_i32_2 = arith.constant 0 : i32
    return %c0_i32, %c0_i32_0, %c0_i32_1 : i32, i32, i32
  }
  func.func @transform_7(%arg0: i32) -> (i32, i32) {
    %c0_i32 = arith.constant 0 : i32
    %c0_i32_0 = arith.constant 0 : i32
    return %arg0, %c0_i32 : i32, i32
  }
  func.func @transform_8(%arg0: i32) -> (i32, i32, i32) {
    %c0_i32 = arith.constant 0 : i32
    %c0_i32_0 = arith.constant 0 : i32
    %c0_i32_1 = arith.constant 0 : i32
    return %c0_i32, %arg0, %c0_i32_0 : i32, i32, i32
  }
  func.func @transform_9(%arg0: i32) -> (i32, i32) {
    %c0_i32 = arith.constant 0 : i32
    %c0_i32_0 = arith.constant 0 : i32
    return %arg0, %c0_i32 : i32, i32
  }
}

module attributes {stable_mosaic.version = 14 : i64} {
  func.func @_h_body(%arg0: i32, %arg1: memref<2x2000x128xf32, #tpu.memory_space<vmem>>, %arg2: memref<2000x16xf32, #tpu.memory_space<vmem>>, %arg3: memref<2000x256xf32, #tpu.memory_space<vmem>>, %arg4: memref<2000x256xf32, #tpu.memory_space<vmem>>, %arg5: memref<2000x256xf32, #tpu.memory_space<vmem>>, %arg6: memref<2x128x256xf32, #tpu.memory_space<vmem>>, %arg7: memref<1x256xf32, #tpu.memory_space<vmem>>, %arg8: memref<2000x256xf32, #tpu.memory_space<vmem>>, %arg9: memref<2x2000x128xf32, #tpu.memory_space<vmem>>) attributes {dimension_semantics = [#tpu.dimension_semantics<arbitrary>], iteration_bounds = array<i64: 5>, scalar_prefetch = 0 : i64, scratch_operands = 0 : i64, tpu.core_type = #tpu.core_type<tc>, window_params = [{transform_indices = @transform_0, window_bounds = array<i64: 2, 2000, 128>}, {transform_indices = @transform_1, window_bounds = array<i64: 2000, 16>}, {transform_indices = @transform_2, window_bounds = array<i64: 2000, 256>}, {transform_indices = @transform_3, window_bounds = array<i64: 2000, 256>}, {transform_indices = @transform_4, window_bounds = array<i64: 2000, 256>}, {pipeline_mode = #tpu.pipeline_mode<synchronous>, transform_indices = @transform_5, window_bounds = array<i64: 2, 128, 256>}, {pipeline_mode = #tpu.pipeline_mode<synchronous>, transform_indices = @transform_6, window_bounds = array<i64: 1, 256>}, {transform_indices = @transform_7, window_bounds = array<i64: 2000, 256>}, {transform_indices = @transform_8, window_bounds = array<i64: 2, 2000, 128>}]} {
    %get3A = arith.constant 0 : index
    %get3A_0 = arith.constant 0 : index
    %get3A_1 = vector.load %arg2[%get3A, %get3A_0] : memref<2000x16xf32, #tpu.memory_space<vmem>>, vector<2000x1xf32>
    %get3A_2 = arith.constant 0 : index
    %get3A_3 = arith.constant 0 : index
    %get3A_4 = arith.constant 0 : index
    %get3A_5 = vector.load %arg1[%get3A_2, %get3A_3, %get3A_4] : memref<2x2000x128xf32, #tpu.memory_space<vmem>>, vector<1x2000x128xf32>
    %get3A_6 = vector.shape_cast %get3A_5 : vector<1x2000x128xf32> to vector<2000x128xf32>
    %mul3A = vector.broadcast %get3A_1 : vector<2000x1xf32> to vector<2000x128xf32>
    %mul3A_7 = arith.mulf %get3A_6, %mul3A : vector<2000x128xf32>
    %get3A_8 = arith.constant 1 : index
    %get3A_9 = arith.constant 0 : index
    %get3A_10 = arith.constant 0 : index
    %get3A_11 = vector.load %arg1[%get3A_8, %get3A_9, %get3A_10] : memref<2x2000x128xf32, #tpu.memory_space<vmem>>, vector<1x2000x128xf32>
    %get3A_12 = vector.shape_cast %get3A_11 : vector<1x2000x128xf32> to vector<2000x128xf32>
    %mul3A_13 = vector.broadcast %get3A_1 : vector<2000x1xf32> to vector<2000x128xf32>
    %mul3A_14 = arith.mulf %get3A_12, %mul3A_13 : vector<2000x128xf32>
    %get3A_15 = arith.constant 0 : index
    %get3A_16 = arith.constant 0 : index
    %get3A_17 = vector.load %arg3[%get3A_15, %get3A_16] : memref<2000x256xf32, #tpu.memory_space<vmem>>, vector<2000x256xf32>
    %get3A_18 = arith.constant 0 : index
    %get3A_19 = arith.constant 0 : index
    %get3A_20 = arith.constant 0 : index
    %get3A_21 = vector.load %arg6[%get3A_18, %get3A_19, %get3A_20] : memref<2x128x256xf32, #tpu.memory_space<vmem>>, vector<1x128x256xf32>
    %get3A_22 = vector.shape_cast %get3A_21 : vector<1x128x256xf32> to vector<128x256xf32>
    %dot_general3A = arith.constant dense<0.000000e+00> : vector<2000x256xf32>
    %dot_general3A_23 = tpu.matmul %mul3A_7, %get3A_22, %dot_general3A {dimension_numbers = #tpu.dot_dimension_numbers<[1], [0], [0], [1], [0, 0, 1, 1], [], []>, transpose_lhs_hint = false} : vector<2000x128xf32>, vector<128x256xf32>, vector<2000x256xf32> -> vector<2000x256xf32>
    %add3A = arith.addf %get3A_17, %dot_general3A_23 : vector<2000x256xf32>
    %get3A_24 = arith.constant 1 : index
    %get3A_25 = arith.constant 0 : index
    %get3A_26 = arith.constant 0 : index
    %get3A_27 = vector.load %arg6[%get3A_24, %get3A_25, %get3A_26] : memref<2x128x256xf32, #tpu.memory_space<vmem>>, vector<1x128x256xf32>
    %get3A_28 = vector.shape_cast %get3A_27 : vector<1x128x256xf32> to vector<128x256xf32>
    %dot_general3A_29 = arith.constant dense<0.000000e+00> : vector<2000x256xf32>
    %dot_general3A_30 = tpu.matmul %mul3A_14, %get3A_28, %dot_general3A_29 {dimension_numbers = #tpu.dot_dimension_numbers<[1], [0], [0], [1], [0, 0, 1, 1], [], []>, transpose_lhs_hint = false} : vector<2000x128xf32>, vector<128x256xf32>, vector<2000x256xf32> -> vector<2000x256xf32>
    %add3A_31 = arith.addf %add3A, %dot_general3A_30 : vector<2000x256xf32>
    %get3A_32 = arith.constant 0 : index
    %get3A_33 = arith.constant 0 : index
    %get3A_34 = vector.load %arg7[%get3A_32, %get3A_33] : memref<1x256xf32, #tpu.memory_space<vmem>>, vector<1x256xf32>
    %add3A_35 = vector.broadcast %get3A_34 : vector<1x256xf32> to vector<2000x256xf32>
    %add3A_36 = arith.addf %add3A_31, %add3A_35 : vector<2000x256xf32>
    %tanh3A = math.tanh %add3A_36 : vector<2000x256xf32>
    %get3A_37 = arith.constant 0 : index
    %get3A_38 = arith.constant 0 : index
    %get3A_39 = vector.load %arg4[%get3A_37, %get3A_38] : memref<2000x256xf32, #tpu.memory_space<vmem>>, vector<2000x256xf32>
    %get3A_40 = arith.constant 0 : index
    %get3A_41 = arith.constant 0 : index
    %get3A_42 = vector.load %arg5[%get3A_40, %get3A_41] : memref<2000x256xf32, #tpu.memory_space<vmem>>, vector<2000x256xf32>
    %mul3A_43 = arith.mulf %get3A_39, %get3A_42 : vector<2000x256xf32>
    %sub3A = arith.constant 1.000000e+00 : f32
    %sub3A_44 = vector.broadcast %sub3A : f32 to vector<2000x256xf32>
    %sub3A_45 = arith.subf %sub3A_44, %get3A_39 : vector<2000x256xf32>
    %mul3A_46 = arith.mulf %sub3A_45, %tanh3A : vector<2000x256xf32>
    %add3A_47 = arith.addf %mul3A_43, %mul3A_46 : vector<2000x256xf32>
    %swap3A = arith.constant 0 : index
    %swap3A_48 = arith.constant 0 : index
    %swap3A_49 = vector.load %arg8[%swap3A, %swap3A_48] : memref<2000x256xf32, #tpu.memory_space<vmem>>, vector<2000x256xf32>
    tpu.vector_store %arg8[%swap3A, %swap3A_48], %add3A_47 {strides = array<i32>} : memref<2000x256xf32, #tpu.memory_space<vmem>>, vector<2000x256xf32>,
    %slice3A = vector.extract_strided_slice %add3A_47 {offsets = [0, 0], sizes = [2000, 128], strides = [1, 1]} : vector<2000x256xf32> to vector<2000x128xf32>
    %mul3A_50 = vector.broadcast %get3A_1 : vector<2000x1xf32> to vector<2000x128xf32>
    %mul3A_51 = arith.mulf %slice3A, %mul3A_50 : vector<2000x128xf32>
    %swap3A_52 = arith.constant 0 : index
    %swap3A_53 = arith.constant 0 : index
    %swap3A_54 = arith.constant 0 : index
    %swap3A_55 = vector.load %arg9[%swap3A_52, %swap3A_53, %swap3A_54] : memref<2x2000x128xf32, #tpu.memory_space<vmem>>, vector<1x2000x128xf32>
    %swap3A_56 = vector.shape_cast %swap3A_55 : vector<1x2000x128xf32> to vector<2000x128xf32>
    %swap3A_57 = vector.shape_cast %mul3A_51 : vector<2000x128xf32> to vector<1x2000x128xf32>
    tpu.vector_store %arg9[%swap3A_52, %swap3A_53, %swap3A_54], %swap3A_57 {strides = array<i32>} : memref<2x2000x128xf32, #tpu.memory_space<vmem>>, vector<1x2000x128xf32>,
    %slice3A_58 = vector.extract_strided_slice %add3A_47 {offsets = [0, 128], sizes = [2000, 128], strides = [1, 1]} : vector<2000x256xf32> to vector<2000x128xf32>
    %mul3A_59 = vector.broadcast %get3A_1 : vector<2000x1xf32> to vector<2000x128xf32>
    %mul3A_60 = arith.mulf %slice3A_58, %mul3A_59 : vector<2000x128xf32>
    %swap3A_61 = arith.constant 1 : index
    %swap3A_62 = arith.constant 0 : index
    %swap3A_63 = arith.constant 0 : index
    %swap3A_64 = vector.load %arg9[%swap3A_61, %swap3A_62, %swap3A_63] : memref<2x2000x128xf32, #tpu.memory_space<vmem>>, vector<1x2000x128xf32>
    %swap3A_65 = vector.shape_cast %swap3A_64 : vector<1x2000x128xf32> to vector<2000x128xf32>
    %swap3A_66 = vector.shape_cast %mul3A_60 : vector<2000x128xf32> to vector<1x2000x128xf32>
    tpu.vector_store %arg9[%swap3A_61, %swap3A_62, %swap3A_63], %swap3A_66 {strides = array<i32>} : memref<2x2000x128xf32, #tpu.memory_space<vmem>>, vector<1x2000x128xf32>,
    return
  }
  func.func @transform_0(%arg0: i32) -> (i32, i32, i32) {
    %c0_i32 = arith.constant 0 : i32
    %c0_i32_0 = arith.constant 0 : i32
    %c0_i32_1 = arith.constant 0 : i32
    return %c0_i32, %arg0, %c0_i32_0 : i32, i32, i32
  }
  func.func @transform_1(%arg0: i32) -> (i32, i32) {
    %c0_i32 = arith.constant 0 : i32
    %c0_i32_0 = arith.constant 0 : i32
    return %arg0, %c0_i32 : i32, i32
  }
  func.func @transform_2(%arg0: i32) -> (i32, i32) {
    %c0_i32 = arith.constant 0 : i32
    %c0_i32_0 = arith.constant 0 : i32
    return %arg0, %c0_i32 : i32, i32
  }
  func.func @transform_3(%arg0: i32) -> (i32, i32) {
    %c0_i32 = arith.constant 0 : i32
    %c0_i32_0 = arith.constant 0 : i32
    return %arg0, %c0_i32 : i32, i32
  }
  func.func @transform_4(%arg0: i32) -> (i32, i32) {
    %c0_i32 = arith.constant 0 : i32
    %c0_i32_0 = arith.constant 0 : i32
    return %arg0, %c0_i32 : i32, i32
  }
  func.func @transform_5(%arg0: i32) -> (i32, i32, i32) {
    %c0_i32 = arith.constant 0 : i32
    %c0_i32_0 = arith.constant 0 : i32
    %c0_i32_1 = arith.constant 0 : i32
    %c0_i32_2 = arith.constant 0 : i32
    return %c0_i32, %c0_i32_0, %c0_i32_1 : i32, i32, i32
  }
  func.func @transform_6(%arg0: i32) -> (i32, i32) {
    %c0_i32 = arith.constant 0 : i32
    %c0_i32_0 = arith.constant 0 : i32
    %c0_i32_1 = arith.constant 0 : i32
    return %c0_i32, %c0_i32_0 : i32, i32
  }
  func.func @transform_7(%arg0: i32) -> (i32, i32) {
    %c0_i32 = arith.constant 0 : i32
    %c0_i32_0 = arith.constant 0 : i32
    return %arg0, %c0_i32 : i32, i32
  }
  func.func @transform_8(%arg0: i32) -> (i32, i32, i32) {
    %c0_i32 = arith.constant 0 : i32
    %c0_i32_0 = arith.constant 0 : i32
    %c0_i32_1 = arith.constant 0 : i32
    return %c0_i32, %arg0, %c0_i32_0 : i32, i32, i32
  }
}

</mosaic_0001>

<sc_bundles>
// kernel: kernel.12.cloned.1.call-start
scs
__scs_entry_jumppad:
0x0: {  	(pc) =	sbr.rel $0x88, $3  }
0x1: {  	(tag) =	ssettag $0x0;
	lr =	simm.s32 $0x1  }
0x2: {  	[smem:$0x3F86] =	sst lr;
	_ =	strace $0xD0000000  }
0x3: {  	_ = 	snop  }
0x4: {  	_ = 	snop  }
0x5: {  	_ = 	snop  }
0x6: {  	_ = 	snop  }
0x7: {  	_ = 	snop  }
__scs_overlays_trampoline_lowered:
0x8: {  	[smem:$0x3F95] =	sst s0  }
0x9: {  	[smem:$0x3F96] =	sst s1  }
0xa: {  	[smem:$0x3F97] =	sst s2  }
0xb: {  	[smem:$0x3F98] =	sst s3  }
0xc: {  	[smem:$0x3F99] =	sst s4  }
0xd: {  	[smem:$0x3F9A] =	sst s5  }
0xe: {  	[smem:$0x3F9B] =	sst s6  }
0xf: {  	[smem:$0x3F9C] =	sst s7  }
0x10: {  	[smem:$0x3F9D] =	sst s8  }
0x11: {  	[smem:$0x3F9E] =	sst s9;
	s0 =	simm.s32 @!p0 $0x0  }
0x12: {  	s1 =	sld [smem:$0x3F84];
	s0 =	simm.s32 @p0 $0x1  }
0x13: {  	[smem:$0x3F9F] =	sst s0;
	s0 =	simm.s32 @!p1 $0x0  }
0x14: {  	s2 =	sld [smem:$0x3F83];
	s0 =	simm.s32 @p1 $0x1  }
0x15: {  	[smem:$0x3FA0] =	sst s0;
	s0 =	simm.s32 @!p2 $0x0  }
0x16: {  	s3 =	sld [smem:$0x3FDB];
	s0 =	simm.s32 @p2 $0x1  }
0x17: {  	s4 =	simm.s32 $0x1BF5;
	[smem:$0x3FA2] =	sst s0  }
0x18: {  	s0 =	sld [smem:$0x3F85];
	_ =	swait.ge [sflag:s4], $0x0  }
0x19: {  	s7 =	sld [smem:$0x3F86]  }
0x1a: {  	s8 =	sadd.s32 $0xFFFFE003, lr  }
0x1b: {  	s9 =	sadd.s32 $0xFFFFFEF7, lr;
	s5 =	simm.s32 $0xFFFFFFFF;
	p2 =	slt.u32 s8, $0xFFFFF086  }
0x1c: {  	p1 =	slt.u32 s9, $0xF7A;
	s5 =	simm.s32 @!p2 $0x0  }
0x1d: {  	s5 =	simm.s32 @p1 $0x1;
	p0 =	seq.s32 s7, s2  }
0x1e: {  	s7 =	smul.u32 @!p0 $0xF7A, s2;
	p2 =	seq.s32 @!p0 s5, $0x0  }
0x1f: {  	s9 =	smul.u32 $0xF7A, s1;
	s8 =	simm.s32 @!p0 $0x1BF5;
	p2 =	por !p2, p0  }
0x20: {  	[sflag:s8] =	ssyncset.s32 @!p0 $0xFFFFF086;
	s6 =	sadd.s32 @!p0 s3, s7;
	s7 =	simm.s32 @!p0 $0x108  }
0x21: {  	s3 =	sadd.s32 s3, s9;
	s6 =	sadd.s32 @!p0 $0x88, s6;
	s7 =	simm.s32 @p2 $0x1082  }
0x22: {  	[simem:s7], [sflag:s8] =	dma.local @!p0 [hbm:s6], $0xF7A  }
0x23: {  	s9 =	sor.u32 $0xD0000000, s2;
	s6 =	simm.s32 $0x108;
	_ =	swait.ge @!p0 [sflag:s8], $0x0  }
0x24: {  	s3 =	sadd.s32 $0x88, s3;
	s6 =	simm.s32 @!p1 $0x1082;
	[sflag:s4] =	ssyncset.s32 $0xFFFFF086  }
0x25: {  	[simem:s6], [sflag:s4] =	dma.local [hbm:s3], $0xF7A  }
0x26: {  	[smem:$0x3F86] =	sst s1;
	(tag) =	ssettag s2;
	_ =	strace s9  }
0x27: {  	s1 =	sld [smem:$0x3F96]  }
0x28: {  	s2 =	sld [smem:$0x3F97]  }
0x29: {  	s4 =	sld [smem:$0x3F99]  }
0x2a: {  	p0 =	seq.s32 s5, $0x0;
	s5 =	sld [smem:$0x3F9A]  }
0x2b: {  	s6 =	sld [smem:$0x3F9B]  }
0x2c: {  	s7 =	sld [smem:$0x3F9C]  }
0x2d: {  	s3 =	simm.s32 $0x108;
	s8 =	sld [smem:$0x3F9D]  }
0x2e: {  	s3 =	simm.s32 @!p0 $0x1082;
	s9 =	sld [smem:$0x3F9E]  }
0x2f: {  	lr =	sadd.s32 s0, s3;
	s0 =	sld [smem:$0x3F95]  }
0x30: {  	s3 =	sld [smem:$0x3F98]  }
0x31: {  	[smem:$0x3FA1] =	sst s10  }
0x32: {  	s10 =	sld [smem:$0x3F9F];
	_ =	sdelay $0x3  }
0x33: {  	p0 =	seq.s32 s10, $0x1;
	s10 =	sld [smem:$0x3FA1];
	_ =	sdelay $0x3  }
0x34: {  	[smem:$0x3FA1] =	sst s10  }
0x35: {  	s10 =	sld [smem:$0x3FA0];
	_ =	sdelay $0x3  }
0x36: {  	p1 =	seq.s32 s10, $0x1;
	s10 =	sld [smem:$0x3FA1];
	_ =	sdelay $0x3  }
0x37: {  	[smem:$0x3FA1] =	sst s10  }
0x38: {  	s10 =	sld [smem:$0x3FA2]  }
0x39: {  	_ = 	snop;
	(pc) =	sbr.ind lr, $3  }
0x3a: {  	_ = 	snop  }
0x3b: {  	_ = 	snop  }
0x3c: {  	p2 =	seq.s32 s10, $0x1;
	s10 =	sld [smem:$0x3FA1]  }
0x3d: {  	_ =	shalt  }
0x3e: {  	_ =	shalt  }
0x3f: {  	_ =	shalt  }
0x40: {  	_ =	shalt  }
0x41: {  	_ =	shalt  }
0x42: {  	_ =	shalt  }
0x43: {  	_ =	shalt  }
0x44: {  	_ =	shalt  }
0x45: {  	_ =	shalt  }
0x46: {  	_ =	shalt  }
0x47: {  	_ =	shalt  }
0x48: {  	_ =	shalt  }
0x49: {  	_ =	shalt  }
0x4a: {  	_ =	shalt  }
0x4b: {  	_ =	shalt  }
0x4c: {  	_ =	shalt  }
0x4d: {  	_ =	shalt  }
0x4e: {  	_ =	shalt  }
0x4f: {  	_ =	shalt  }
0x50: {  	_ =	shalt  }
0x51: {  	_ =	shalt  }
0x52: {  	_ =	shalt  }
0x53: {  	_ =	shalt  }
0x54: {  	_ =	shalt  }
0x55: {  	_ =	shalt  }
0x56: {  	_ =	shalt  }
0x57: {  	_ =	shalt  }
0x58: {  	_ =	shalt  }
0x59: {  	_ =	shalt  }
0x5a: {  	_ =	shalt  }
0x5b: {  	_ =	shalt  }
0x5c: {  	_ =	shalt  }
0x5d: {  	_ =	shalt  }
0x5e: {  	_ =	shalt  }
0x5f: {  	_ =	shalt  }
0x60: {  	_ =	shalt  }
0x61: {  	_ =	shalt  }
0x62: {  	_ =	shalt  }
0x63: {  	_ =	shalt  }
0x64: {  	_ =	shalt  }
0x65: {  	_ =	shalt  }
0x66: {  	_ =	shalt  }
0x67: {  	_ =	shalt  }
0x68: {  	_ =	shalt  }
0x69: {  	_ =	shalt  }
0x6a: {  	_ =	shalt  }
0x6b: {  	_ =	shalt  }
0x6c: {  	_ =	shalt  }
0x6d: {  	_ =	shalt  }
0x6e: {  	_ =	shalt  }
0x6f: {  	_ =	shalt  }
0x70: {  	_ =	shalt  }
0x71: {  	_ =	shalt  }
0x72: {  	_ =	shalt  }
0x73: {  	_ =	shalt  }
0x74: {  	_ =	shalt  }
0x75: {  	_ =	shalt  }
0x76: {  	_ =	shalt  }
0x77: {  	_ =	shalt  }
0x78: {  	_ =	shalt  }
0x79: {  	_ =	shalt  }
0x7a: {  	_ =	shalt  }
0x7b: {  	_ =	shalt  }
0x7c: {  	_ =	shalt  }
0x7d: {  	_ =	shalt  }
0x7e: {  	_ =	shalt  }
0x7f: {  	_ =	shalt  }
0x80: {  	_ =	shalt  }
0x81: {  	_ =	shalt  }
0x82: {  	_ =	shalt  }
0x83: {  	_ =	shalt  }
0x84: {  	_ =	shalt  }
0x85: {  	_ =	shalt  }
0x86: {  	_ =	shalt  }
0x87: {  	_ =	shalt  }
.Lfunc_end0:
.L_simem_size_0:
called_computation_lowered:
.L_overlay_start_0:
0x88: {  	s2 =	sld [smem:$0x3FD9]  }
0x89: {  	s3 =	sld [smem:$0x3FFE];
	_ =	sdelay $0x1  }
0x8a: {  	s1 =	srdreg.scid  }
0x8b: {  	s0 =	sand.u32 $0x1, s1  }
0x8c: {  	s16 =	sshll.u32 s0, $0xA;
	s2 =	sadd.s32 s3, s2  }
0x8d: {  	s2 =	sadd.s32 s2, s16  }
0x8e: {  	[smem:$0x3FAD] =	sst s2  }
0x8f: {  	_ = 	snop  }
0x90: {  	(tm) =	ssettm $0x1  }
0x91: {  	s17 =	sld [smem:$0x3FFB];
	_ =	sdelay $0x3  }
0x92: {  	_ =	strace s17  }
0x93: {  	s2 =	sld [smem:$0x3FFC];
	_ =	sdelay $0x3  }
0x94: {  	_ =	strace s2  }
0x95: {  	s2 =	sld [smem:$0x3FFD];
	_ =	sdelay $0x3  }
0x96: {  	_ =	strace s2  }
0x97: {  	_ =	strace $0x8FFFFFFF  }
0x98: {  	s18 =	sld [smem:$0x3FDB];
	_ =	sdelay $0x1  }
0x99: {  	s19 =	simm.s32 $_scs_section_size  }
0x9a: {  	s4 =	simm.s32 $_size__tile_overlayer_lowered;
	s5 =	simm.s32 $_tile_overlayer_lowered  }
0x9b: {  	s22 =	simm.s32 $0x1BFF;
	s21 =	sshll.u32 s5, $0x1;
	s2 =	sadd.s32 s19, s18  }
0x9c: {  	s6 =	simm.s32 $0x0;
	s20 =	sshll.u32 s4, $0x1;
	s4 =	sadd.s32 s21, s2  }
0x9d: {  	[timem:s6], [sflag:s22] =	dma.local [hbm:s4], s20  }
0x9e: {  	_ =	swait.ge [sflag:s22], s20  }
0x9f: {  	s3 =	ssub.s32 $0x0, s20;
	[sflag:s22] =	ssyncset.done $0x0  }
0xa0: {  	[sflag:s22] =	ssyncadd.s32 s3;
	_ =	sdelay $0x1  }
0xa1: {  	s23 =	simm.s32 $0x1B8B  }
0xa2: {  	_ =	swait.ge [sflag:s23], $0x1  }
0xa3: {  	[sflag:s23] =	ssyncset.done $0x0  }
0xa4: {  	s25 =	simm.s32 $0x1B8E;
	s24 =	sld [smem:$0x3FFE];
	[sflag:s23] =	ssyncadd.s32 $0xFFFFFFFF  }
0xa5: {  	s26 =	simm.s32 $execute0_lowered;
	[smem:$0x3FD2] =	sst s25  }
0xa6: {  	s4 =	sshll.u32 s26, $0x1;
	_ =	strace $0x80000046;
	[dreg:$0x1] =	wrdreg $0xFFFFFFFF  }
0xa7: {  	s28 =	simm.s32 $_size_execute0_lowered;
	s2 =	sadd.s32 s2, s4;
	[dreg:$0x0] =	wrdreg $0x0  }
0xa8: {  	s4 =	sshll.u32 s28, $0x1;
	[dreg:$0x2] =	wrdreg s2  }
0xa9: {  	[dreg:$0x3] =	wrdreg s4  }
0xaa: {  	[dreg:$0x4] =	wrdreg $0xC0  }
0xab: {  	_ =	task [dreg:s6], $0x5FFFF  }
0xac: {  	[dreg:$0x1] =	wrdreg $0xFFFFFFFF  }
0xad: {  	[dreg:$0x0] =	wrdreg $0x60  }
0xae: {  	[dreg:$0x2] =	wrdreg s24  }
0xaf: {  	[dreg:$0x3] =	wrdreg $0x68000  }
0xb0: {  	[dreg:$0x4] =	wrdreg $0x9  }
0xb1: {  	_ =	task.clear_ibuf [dreg:s6], $0x5FFFF;
	_ =	strace $0x90000046  }
0xb2: {  	s29 =	simm.s32 $0x9;
	_ =	strace $0x80000048  }
0xb3: {  	_ =	swait.ge [sflag:s29], $0x1  }
0xb4: {  	[sflag:s29] =	ssyncadd.s32 $0xFFFFFFFF  }
0xb5: {  	_ =	strace $0x90000048  }
0xb6: {  	_ =	sfence  }
0xb7: {  	s30 =	sld [smem:$0x0];
	_ =	sdelay $0x2  }
0xb8: {  	s31 =	sshll.u32 s1, $0xD;
	s1 =	sshrl.u32 s1, $0x2  }
0xb9: {  	s3 =	sand.u32 $0x4000, s31;
	s1 =	sadd.s32 s1, s30  }
0xba: {  	s0 =	sor.u32 s3, s0;
	s1 =	sshll.u32 s1, $0x11  }
0xbb: {  	s0 =	sor.u32 s1, s0  }
0xbc: {  	s0 =	sadd.s32 $0x8F2B, s0  }
0xbd: {  	[sflag:s0] =	ssyncadd.remote.s32 $0x1  }
0xbe: {  	_ =	sfence.sel $0xFFFF  }
0xbf: {  	[dreg:$0x0] =	wrdreg $0xFFFFFFFF;
	(pc) =	sbr.abs _section_cstart, $3  }
0xc0: {  	[dreg:$0x1] =	wrdreg $0xFFFFFFFF  }
0xc1: {  	_ =	task.clear_ibuf [dreg:s6], $0x2FFFF;
	_ =	strace $0x9FFFFFFF  }
0xc2: {  	(tm) =	ssettm $0x7FFFFFFF  }
0xc3: {  	_ =	shalt  }
tec
execute0_lowered:
.L_overlay_start_1:
0x0: {  	(tag) =	ssettag $0x1  }
0x1: {  	s4 =	rddreg [dreg:$0x0]  }
0x2: {  	s1 =	rddreg [dreg:$0x1];
	s11 =	stileid.u32  }
0x3: {  	s0 =	rddreg [dreg:$0x2];
	s5 =	smul.u32 $0x500, s11  }
0x4: {  	s2 =	simm.s32 $0x0;
	s3 =	srdreg.scid;
	s8 =	smul.u32 $0x2700, s11  }
0x5: {  	s16 =	simm.s32 $0x0;
	s6 =	sand.u32 $0x1, s3;
	s10 =	smul.u32 $0x4E000, s11  }
0x6: {  	[smem:$0x7FF] =	sst s2;
	s3 =	sadd.s32 $0x10200, s4;
	s7 =	smul.u32 $0x2700, s6  }
0x7: {  	s12 =	sadd.s32 $0x10A00, s4;
	p0 =	sne.s32 s11, $0x0;
	s13 =	smul.u32 $0x27100, s6  }
0x8: {  	s31 =	sshll.u32 s11, $0x6;
	s11 =	simm.s32 $0x2800;
	s14 =	smul.u32 $0x138800, s6  }
0x9: {  	_ =	strace $0x80000047;
	s9 =	ssub.s32 $0x2, s6;
	s29 =	smul.u32 $0x5000, s6  }
0xa: {  	s5 =	sadd.s32 s5, s4;
	s25 =	sshrl.u32 s9, $0x1;
	s10 =	sshrl.u32 s10, $0x2  }
0xb: {  	s7 =	sadd.s32 s7, s4;
	s9 =	ssub.s32 s9, s25;
	s4 =	sadd.s32 $0x6400, s5  }
0xc: {  	s15 =	sadd.s32 s10, s1;
	s26 =	sadd.s32 s8, s13;
	s28 =	sshrl.u32 s14, $0x3  }
0xd: {  	s14 =	sadd.s32 $0x138000, s1;
	s10 =	simm.s32 $0x1;
	s5 =	sadd.s32 $0xB400, s7  }
0xe: {  	s6 =	sadd.s32 s12, s26;
	s30 =	sadd.s32 s12, s28;
	s8 =	smax.u32 s9, $0x1  }
0xf: {  	s9 =	sshrl.u32 s29, $0x2;
	s12 =	sor.u32 $0x1C01, s31;
	s13 =	sshrl.u32 s15, $0x3  }
0x10: {  	s14 =	sshrl.u32 @!p0 s14, $0x3;
	s15 =	simm.s32 $0x80;
	s7 =	sadd.s32 $0x27000, s30  }
.LBB2_1:
0x11: {  	[tilespmem:s2], [sflag:$0x1] =	stream.linear.gather [hbm4b:s4+s2], $0x2800, $0x38;
	[tilespmem:$0x1A100] =	vst v63  }
0x12: {  	_ =	swait.ge [sflag:s10], $0x2800  }
0x13: {  	[sflag:s10] =	ssyncset.done $0x0  }
0x14: {  	[sflag:s10] =	ssyncadd.s32 $0xFFFFD800  }
0x15: {  	[tilespmem:s11], [sflag:$0x1] =	stream.linear.gather [hbm4b:s3+s2], $0x4000, $0x38;
	[tilespmem:$0x1A100] =	vst v63  }
0x16: {  	_ =	swait.ge [sflag:s10], $0x4000  }
0x17: {  	[sflag:s10] =	ssyncset.done $0x0  }
0x18: {  	[sflag:s10] =	ssyncadd.s32 $0xFFFFC000  }
0x19: {  	[spmem:s13], [sflag:s12] =	dma.local [hbm:s5], $0x2700  }
0x1a: {  	_ =	swait.ge [sflag:s10], $0x2700  }
0x1b: {  	[sflag:s10] =	ssyncset.done $0x0  }
0x1c: {  	s17 =	simm.s32 @!p0 $0x1;
	[sflag:s10] =	ssyncadd.s32 $0xFFFFD900  }
0x1d: {  	[spmem:s14], [sflag:s12] =	dma.local @!p0 [hbm:s5], $0x200  }
0x1e: {  	_ =	swait.ge @!p0 [sflag:s17], $0x200  }
0x1f: {  	[sflag:s17] =	ssyncset.done @!p0 $0x0  }
0x20: {  	[sflag:s17] =	ssyncadd.s32 @!p0 $0xFFFFFE00  }
0x21: {  	s31 =	sadd.s32 $0x0, s9;
	[bflag:$0x0] =	sbarrier.arrive $0xFFFF  }
0x22: {  	[spmem:s1] =	stream.indirect.scatter.add.f32 [tilespmem:s11], [sflag:$0x1], $0x80, s31, s15, $0xb8;
	[tilespmem:$0x1A100] =	vst v63  }
0x23: {  	s17 =	simm.s32 $0x200;
	_ =	swait.ge [sflag:s10], $0x4000  }
.LBB2_2:
0x24: {  	s18 =	sshra.s32 s17, $0x2;
	[sflag:s10] =	ssyncset.done $0x0;
	p1 =	sne.s32 s17, $0x4E00  }
.Ltmp0:
0x25: {  	s18 =	sadd.s32 s18, s9;
	[sflag:s10] =	ssyncadd.s32 $0xFFFFC000;
	(pc) =	sbr.rel @p1 .LBB2_2-.Ltmp0, $3  }
0x26: {  	[spmem:s1] =	stream.indirect.scatter.add.f32 [tilespmem:s11], [sflag:$0x1], $0x80, s18, s15, $0xb8;
	[tilespmem:$0x1A100] =	vst v63  }
0x27: {  	s17 =	sadd.s32 $0x200, s17;
	_ =	sdelay $0x1  }
0x28: {  	_ =	swait.ge [sflag:s10], $0x4000  }
0x29: {  	[sflag:s10] =	ssyncset.done $0x0  }
0x2a: {  	[sflag:s10] =	ssyncadd.s32 $0xFFFFC000  }
0x2b: {  	[bflag:$0x0] =	sbarrier.arrive $0xFFFF  }
0x2c: {  	[hbm:s6], [sflag:s12] =	dma.local [spmem:s13], $0x2700  }
0x2d: {  	s16 =	sadd.s32 $0x1, s16;
	_ =	swait.ge [sflag:s10], $0x2700  }
0x2e: {  	p1 =	sne.s32 s16, s8;
	[sflag:s10] =	ssyncset.done $0x0  }
.Ltmp1:
0x2f: {  	s17 =	simm.s32 @!p0 $0x1;
	[sflag:s10] =	ssyncadd.s32 $0xFFFFD900;
	(pc) =	sbr.rel @p1 .LBB2_1-.Ltmp1, $4  }
0x30: {  	[hbm:s7], [sflag:s12] =	dma.local @!p0 [spmem:s14], $0x100  }
0x31: {  	_ =	swait.ge @!p0 [sflag:s17], $0x100  }
0x32: {  	[sflag:s17] =	ssyncset.done @!p0 $0x0  }
0x33: {  	[sflag:s17] =	ssyncadd.s32 @!p0 $0xFFFFFF00  }
0x34: {  	_ =	sfence.sel $0x180000  }
0x35: {  	[bflag:$0x0] =	sbarrier.arrive $0xFFFF  }
0x36: {  	_ =	strace $0x90000047  }
0x37: {  	s0 =	sadd.s32 @!p0 $0x100000, s0;
	[bflag:$0x2] =	sbarrier.arrive $0xFFFF  }
0x38: {  	[sflag:s0] =	ssyncadd.tile.s32 @!p0 $0x1;
	_ =	shalt  }
.Lfunc_end2:
_tile_overlayer_lowered:
.L_overlay_start_2:
0x39: {  	(tag) =	ssettag $0x2  }
0x3a: {  	s0 =	rddreg [dreg:$0x0];
	s2 =	stileid.u32  }
0x3b: {  	s1 =	rddreg [dreg:$0x1];
	p0 =	sne.s32 s2, $0x0  }
0x3c: {  	s3 =	rddreg [dreg:$0x2];
	[bflag:$0x3] =	sbarrier.arrive $0xFFFF;
	s2 =	simm.s32 @!p0 $0x1C01  }
0x3d: {  	[timem:s3], [sflag:s2] =	dma.local @!p0 [hbm:s0], s1  }
0x3e: {  	s0 =	simm.s32 @!p0 $0x1  }
0x3f: {  	_ =	swait.ge @!p0 [sflag:s0], s1  }
0x40: {  	s1 =	ssub.s32 @!p0 $0x0, s1;
	[sflag:s0] =	ssyncset.done @!p0 $0x0  }
0x41: {  	[sflag:s0] =	ssyncadd.s32 @!p0 s1  }
0x42: {  	[bflag:$0x3] =	sbarrier.arrive $0xFFFF  }
0x43: {  	_ =	shalt  }

// kernel: kernel.15.cloned.1.call-start
scs
__scs_entry_jumppad:
0x0: {  	(pc) =	sbr.rel $0x88, $3  }
0x1: {  	(tag) =	ssettag $0x0;
	lr =	simm.s32 $0x1  }
0x2: {  	[smem:$0x3F86] =	sst lr;
	_ =	strace $0xD0000000  }
0x3: {  	_ = 	snop  }
0x4: {  	_ = 	snop  }
0x5: {  	_ = 	snop  }
0x6: {  	_ = 	snop  }
0x7: {  	_ = 	snop  }
__scs_overlays_trampoline_lowered:
0x8: {  	[smem:$0x3F95] =	sst s0  }
0x9: {  	[smem:$0x3F96] =	sst s1  }
0xa: {  	[smem:$0x3F97] =	sst s2  }
0xb: {  	[smem:$0x3F98] =	sst s3  }
0xc: {  	[smem:$0x3F99] =	sst s4  }
0xd: {  	[smem:$0x3F9A] =	sst s5  }
0xe: {  	[smem:$0x3F9B] =	sst s6  }
0xf: {  	[smem:$0x3F9C] =	sst s7  }
0x10: {  	[smem:$0x3F9D] =	sst s8  }
0x11: {  	[smem:$0x3F9E] =	sst s9;
	s0 =	simm.s32 @!p0 $0x0  }
0x12: {  	s1 =	sld [smem:$0x3F84];
	s0 =	simm.s32 @p0 $0x1  }
0x13: {  	[smem:$0x3F9F] =	sst s0;
	s0 =	simm.s32 @!p1 $0x0  }
0x14: {  	s2 =	sld [smem:$0x3F83];
	s0 =	simm.s32 @p1 $0x1  }
0x15: {  	[smem:$0x3FA0] =	sst s0;
	s0 =	simm.s32 @!p2 $0x0  }
0x16: {  	s3 =	sld [smem:$0x3FDB];
	s0 =	simm.s32 @p2 $0x1  }
0x17: {  	s4 =	simm.s32 $0x1BF5;
	[smem:$0x3FA2] =	sst s0  }
0x18: {  	s0 =	sld [smem:$0x3F85];
	_ =	swait.ge [sflag:s4], $0x0  }
0x19: {  	s7 =	sld [smem:$0x3F86]  }
0x1a: {  	s8 =	sadd.s32 $0xFFFFE003, lr  }
0x1b: {  	s9 =	sadd.s32 $0xFFFFFEF7, lr;
	s5 =	simm.s32 $0xFFFFFFFF;
	p2 =	slt.u32 s8, $0xFFFFF086  }
0x1c: {  	p1 =	slt.u32 s9, $0xF7A;
	s5 =	simm.s32 @!p2 $0x0  }
0x1d: {  	s5 =	simm.s32 @p1 $0x1;
	p0 =	seq.s32 s7, s2  }
0x1e: {  	s7 =	smul.u32 @!p0 $0xF7A, s2;
	p2 =	seq.s32 @!p0 s5, $0x0  }
0x1f: {  	s9 =	smul.u32 $0xF7A, s1;
	s8 =	simm.s32 @!p0 $0x1BF5;
	p2 =	por !p2, p0  }
0x20: {  	[sflag:s8] =	ssyncset.s32 @!p0 $0xFFFFF086;
	s6 =	sadd.s32 @!p0 s3, s7;
	s7 =	simm.s32 @!p0 $0x108  }
0x21: {  	s3 =	sadd.s32 s3, s9;
	s6 =	sadd.s32 @!p0 $0x88, s6;
	s7 =	simm.s32 @p2 $0x1082  }
0x22: {  	[simem:s7], [sflag:s8] =	dma.local @!p0 [hbm:s6], $0xF7A  }
0x23: {  	s9 =	sor.u32 $0xD0000000, s2;
	s6 =	simm.s32 $0x108;
	_ =	swait.ge @!p0 [sflag:s8], $0x0  }
0x24: {  	s3 =	sadd.s32 $0x88, s3;
	s6 =	simm.s32 @!p1 $0x1082;
	[sflag:s4] =	ssyncset.s32 $0xFFFFF086  }
0x25: {  	[simem:s6], [sflag:s4] =	dma.local [hbm:s3], $0xF7A  }
0x26: {  	[smem:$0x3F86] =	sst s1;
	(tag) =	ssettag s2;
	_ =	strace s9  }
0x27: {  	s1 =	sld [smem:$0x3F96]  }
0x28: {  	s2 =	sld [smem:$0x3F97]  }
0x29: {  	s4 =	sld [smem:$0x3F99]  }
0x2a: {  	p0 =	seq.s32 s5, $0x0;
	s5 =	sld [smem:$0x3F9A]  }
0x2b: {  	s6 =	sld [smem:$0x3F9B]  }
0x2c: {  	s7 =	sld [smem:$0x3F9C]  }
0x2d: {  	s3 =	simm.s32 $0x108;
	s8 =	sld [smem:$0x3F9D]  }
0x2e: {  	s3 =	simm.s32 @!p0 $0x1082;
	s9 =	sld [smem:$0x3F9E]  }
0x2f: {  	lr =	sadd.s32 s0, s3;
	s0 =	sld [smem:$0x3F95]  }
0x30: {  	s3 =	sld [smem:$0x3F98]  }
0x31: {  	[smem:$0x3FA1] =	sst s10  }
0x32: {  	s10 =	sld [smem:$0x3F9F];
	_ =	sdelay $0x3  }
0x33: {  	p0 =	seq.s32 s10, $0x1;
	s10 =	sld [smem:$0x3FA1];
	_ =	sdelay $0x3  }
0x34: {  	[smem:$0x3FA1] =	sst s10  }
0x35: {  	s10 =	sld [smem:$0x3FA0];
	_ =	sdelay $0x3  }
0x36: {  	p1 =	seq.s32 s10, $0x1;
	s10 =	sld [smem:$0x3FA1];
	_ =	sdelay $0x3  }
0x37: {  	[smem:$0x3FA1] =	sst s10  }
0x38: {  	s10 =	sld [smem:$0x3FA2]  }
0x39: {  	_ = 	snop;
	(pc) =	sbr.ind lr, $3  }
0x3a: {  	_ = 	snop  }
0x3b: {  	_ = 	snop  }
0x3c: {  	p2 =	seq.s32 s10, $0x1;
	s10 =	sld [smem:$0x3FA1]  }
0x3d: {  	_ =	shalt  }
0x3e: {  	_ =	shalt  }
0x3f: {  	_ =	shalt  }
0x40: {  	_ =	shalt  }
0x41: {  	_ =	shalt  }
0x42: {  	_ =	shalt  }
0x43: {  	_ =	shalt  }
0x44: {  	_ =	shalt  }
0x45: {  	_ =	shalt  }
0x46: {  	_ =	shalt  }
0x47: {  	_ =	shalt  }
0x48: {  	_ =	shalt  }
0x49: {  	_ =	shalt  }
0x4a: {  	_ =	shalt  }
0x4b: {  	_ =	shalt  }
0x4c: {  	_ =	shalt  }
0x4d: {  	_ =	shalt  }
0x4e: {  	_ =	shalt  }
0x4f: {  	_ =	shalt  }
0x50: {  	_ =	shalt  }
0x51: {  	_ =	shalt  }
0x52: {  	_ =	shalt  }
0x53: {  	_ =	shalt  }
0x54: {  	_ =	shalt  }
0x55: {  	_ =	shalt  }
0x56: {  	_ =	shalt  }
0x57: {  	_ =	shalt  }
0x58: {  	_ =	shalt  }
0x59: {  	_ =	shalt  }
0x5a: {  	_ =	shalt  }
0x5b: {  	_ =	shalt  }
0x5c: {  	_ =	shalt  }
0x5d: {  	_ =	shalt  }
0x5e: {  	_ =	shalt  }
0x5f: {  	_ =	shalt  }
0x60: {  	_ =	shalt  }
0x61: {  	_ =	shalt  }
0x62: {  	_ =	shalt  }
0x63: {  	_ =	shalt  }
0x64: {  	_ =	shalt  }
0x65: {  	_ =	shalt  }
0x66: {  	_ =	shalt  }
0x67: {  	_ =	shalt  }
0x68: {  	_ =	shalt  }
0x69: {  	_ =	shalt  }
0x6a: {  	_ =	shalt  }
0x6b: {  	_ =	shalt  }
0x6c: {  	_ =	shalt  }
0x6d: {  	_ =	shalt  }
0x6e: {  	_ =	shalt  }
0x6f: {  	_ =	shalt  }
0x70: {  	_ =	shalt  }
0x71: {  	_ =	shalt  }
0x72: {  	_ =	shalt  }
0x73: {  	_ =	shalt  }
0x74: {  	_ =	shalt  }
0x75: {  	_ =	shalt  }
0x76: {  	_ =	shalt  }
0x77: {  	_ =	shalt  }
0x78: {  	_ =	shalt  }
0x79: {  	_ =	shalt  }
0x7a: {  	_ =	shalt  }
0x7b: {  	_ =	shalt  }
0x7c: {  	_ =	shalt  }
0x7d: {  	_ =	shalt  }
0x7e: {  	_ =	shalt  }
0x7f: {  	_ =	shalt  }
0x80: {  	_ =	shalt  }
0x81: {  	_ =	shalt  }
0x82: {  	_ =	shalt  }
0x83: {  	_ =	shalt  }
0x84: {  	_ =	shalt  }
0x85: {  	_ =	shalt  }
0x86: {  	_ =	shalt  }
0x87: {  	_ =	shalt  }
.Lfunc_end0:
.L_simem_size_0:
called_computation.1_lowered:
.L_overlay_start_0:
0x88: {  	s2 =	sld [smem:$0x3FD9]  }
0x89: {  	s3 =	sld [smem:$0x3FFE];
	_ =	sdelay $0x1  }
0x8a: {  	s1 =	srdreg.scid  }
0x8b: {  	s0 =	sand.u32 $0x1, s1  }
0x8c: {  	s16 =	sshll.u32 s0, $0xA;
	s2 =	sadd.s32 s3, s2  }
0x8d: {  	s2 =	sadd.s32 s2, s16  }
0x8e: {  	[smem:$0x3FAD] =	sst s2  }
0x8f: {  	_ = 	snop  }
0x90: {  	(tm) =	ssettm $0x1  }
0x91: {  	s17 =	sld [smem:$0x3FFB];
	_ =	sdelay $0x3  }
0x92: {  	_ =	strace s17  }
0x93: {  	s2 =	sld [smem:$0x3FFC];
	_ =	sdelay $0x3  }
0x94: {  	_ =	strace s2  }
0x95: {  	s2 =	sld [smem:$0x3FFD];
	_ =	sdelay $0x3  }
0x96: {  	_ =	strace s2  }
0x97: {  	_ =	strace $0x8FFFFFFF  }
0x98: {  	s18 =	sld [smem:$0x3FDB];
	_ =	sdelay $0x1  }
0x99: {  	s19 =	simm.s32 $_scs_section_size  }
0x9a: {  	s4 =	simm.s32 $_size__tile_overlayer_lowered;
	s5 =	simm.s32 $_tile_overlayer_lowered  }
0x9b: {  	s22 =	simm.s32 $0x1BFF;
	s21 =	sshll.u32 s5, $0x1;
	s2 =	sadd.s32 s19, s18  }
0x9c: {  	s6 =	simm.s32 $0x0;
	s20 =	sshll.u32 s4, $0x1;
	s4 =	sadd.s32 s21, s2  }
0x9d: {  	[timem:s6], [sflag:s22] =	dma.local [hbm:s4], s20  }
0x9e: {  	_ =	swait.ge [sflag:s22], s20  }
0x9f: {  	s3 =	ssub.s32 $0x0, s20;
	[sflag:s22] =	ssyncset.done $0x0  }
0xa0: {  	[sflag:s22] =	ssyncadd.s32 s3;
	_ =	sdelay $0x1  }
0xa1: {  	s23 =	simm.s32 $0x1B8B  }
0xa2: {  	_ =	swait.ge [sflag:s23], $0x1  }
0xa3: {  	[sflag:s23] =	ssyncset.done $0x0  }
0xa4: {  	s25 =	simm.s32 $0x1B8E;
	s24 =	sld [smem:$0x3FFE];
	[sflag:s23] =	ssyncadd.s32 $0xFFFFFFFF  }
0xa5: {  	s26 =	simm.s32 $execute0_lowered;
	[smem:$0x3FD2] =	sst s25  }
0xa6: {  	s4 =	sshll.u32 s26, $0x1;
	_ =	strace $0x80000049;
	[dreg:$0x1] =	wrdreg $0xFFFFFFFF  }
0xa7: {  	s28 =	simm.s32 $_size_execute0_lowered;
	s2 =	sadd.s32 s2, s4;
	[dreg:$0x0] =	wrdreg $0x0  }
0xa8: {  	s4 =	sshll.u32 s28, $0x1;
	[dreg:$0x2] =	wrdreg s2  }
0xa9: {  	[dreg:$0x3] =	wrdreg s4  }
0xaa: {  	[dreg:$0x4] =	wrdreg $0xC0  }
0xab: {  	_ =	task [dreg:s6], $0x5FFFF  }
0xac: {  	[dreg:$0x1] =	wrdreg $0xFFFFFFFF  }
0xad: {  	[dreg:$0x0] =	wrdreg $0x60  }
0xae: {  	[dreg:$0x2] =	wrdreg s24  }
0xaf: {  	[dreg:$0x3] =	wrdreg $0xC4000  }
0xb0: {  	[dreg:$0x4] =	wrdreg $0x9  }
0xb1: {  	_ =	task.clear_ibuf [dreg:s6], $0x5FFFF;
	_ =	strace $0x90000049  }
0xb2: {  	s29 =	simm.s32 $0x9;
	_ =	strace $0x8000004B  }
0xb3: {  	_ =	swait.ge [sflag:s29], $0x1  }
0xb4: {  	[sflag:s29] =	ssyncadd.s32 $0xFFFFFFFF  }
0xb5: {  	_ =	strace $0x9000004B  }
0xb6: {  	_ =	sfence  }
0xb7: {  	s30 =	sld [smem:$0x0];
	_ =	sdelay $0x2  }
0xb8: {  	s31 =	sshll.u32 s1, $0xD;
	s1 =	sshrl.u32 s1, $0x2  }
0xb9: {  	s3 =	sand.u32 $0x4000, s31;
	s1 =	sadd.s32 s1, s30  }
0xba: {  	s0 =	sor.u32 s3, s0;
	s1 =	sshll.u32 s1, $0x11  }
0xbb: {  	s0 =	sor.u32 s1, s0  }
0xbc: {  	s0 =	sadd.s32 $0x8F2B, s0  }
0xbd: {  	[sflag:s0] =	ssyncadd.remote.s32 $0x1  }
0xbe: {  	_ =	sfence.sel $0xFFFF  }
0xbf: {  	[dreg:$0x0] =	wrdreg $0xFFFFFFFF;
	(pc) =	sbr.abs _section_cstart, $3  }
0xc0: {  	[dreg:$0x1] =	wrdreg $0xFFFFFFFF  }
0xc1: {  	_ =	task.clear_ibuf [dreg:s6], $0x2FFFF;
	_ =	strace $0x9FFFFFFF  }
0xc2: {  	(tm) =	ssettm $0x7FFFFFFF  }
0xc3: {  	_ =	shalt  }
tec
execute0_lowered:
.L_overlay_start_1:
0x0: {  	(tag) =	ssettag $0x1  }
0x1: {  	s1 =	rddreg [dreg:$0x0]  }
0x2: {  	s22 =	stileid.u32;
	s2 =	rddreg [dreg:$0x1]  }
0x3: {  	s4 =	simm.s32 $0x0;
	s16 =	srdreg.scid;
	s28 =	simm.s32 $0x5C00  }
0x4: {  	s29 =	simm.s32 $0x9000;
	s30 =	simm.s32 $0x1;
	s31 =	simm.s32 $0x2  }
0x5: {  	s0 =	sshrl.u32 s22, $0x3;
	s3 =	sshll.u32 s22, $0x7;
	s15 =	smul.u32 $0x680, s22  }
0x6: {  	[smem:$0x7FF] =	sst s4;
	s5 =	sand.u32 $0x1, s16;
	s6 =	smul.u32 $0x270, s22  }
0x7: {  	s4 =	sadd.s32 $0x6A400, s1;
	s10 =	smul.u32 $0x4E000, s22;
	s21 =	sadd.s32 $0x138000, s2  }
0x8: {  	p0 =	sne.s32 s22, $0x0;
	s22 =	simm.s32 $0x5800;
	s0 =	smul.u32 $0x14000, s0  }
0x9: {  	s3 =	sand.u32 $0x380, s3;
	_ =	strace $0x8000004A;
	s8 =	smul.u32 $0x2710, s5  }
0xa: {  	s7 =	ssub.s32 $0x2, s5;
	s17 =	smul.u32 $0x138800, s5;
	[dreg:$0x7] =	wrdreg s21  }
0xb: {  	s9 =	sshrl.u32 s7, $0x1;
	s18 =	sshrl.u32 s10, $0x2;
	s0 =	sor.u32 s3, s0  }
0xc: {  	s3 =	sadd.s32 s15, s1;
	s7 =	ssub.s32 s7, s9;
	s19 =	sadd.s32 s6, s8  }
0xd: {  	s0 =	sshrl.u32 s0, $0x3;
	s3 =	sadd.s32 $0x5EC00, s3;
	s20 =	sshll.u32 s19, $0x4  }
0xe: {  	s21 =	smax.u32 s7, $0x1;
	s0 =	sadd.s32 s0, s1;
	s1 =	sadd.s32 $0x154A00, s1  }
0xf: {  	[dreg:$0x4] =	wrdreg s3;
	s3 =	sadd.s32 s18, s2;
	s5 =	sadd.s32 s4, s20  }
0x10: {  	s25 =	sadd.s32 $0x4E200, s20;
	s0 =	sadd.s32 $0x65400, s0;
	[dreg:$0x5] =	wrdreg s3  }
0x11: {  	[dreg:$0x6] =	wrdreg s5;
	s11 =	sadd.s32 s1, s20;
	s13 =	sadd.s32 s4, s25  }
0x12: {  	s15 =	sadd.s32 s1, s25;
	s3 =	sadd.s32 $0x9C400, s20;
	s25 =	simm.s32 $0x0  }
0x13: {  	[dreg:$0x3] =	wrdreg s0;
	s0 =	sshrl.u32 s17, $0x3;
	s17 =	sadd.s32 s4, s3  }
0x14: {  	s19 =	sadd.s32 s1, s3;
	s23 =	sadd.s32 $0x27000, s0;
	s26 =	sadd.s32 $0x75200, s0  }
0x15: {  	s0 =	sadd.s32 $0xC3400, s0;
	s24 =	sadd.s32 s4, s23;
	s12 =	sadd.s32 s1, s23  }
0x16: {  	s14 =	sadd.s32 s4, s26;
	s16 =	sadd.s32 s1, s26;
	s18 =	sadd.s32 s4, s0  }
0x17: {  	s20 =	sadd.s32 s1, s0;
	s26 =	simm.s32 $0x68;
	s1 =	simm.s32 $0x2768  }
0x18: {  	v0 =	vmov s8;
	s23 =	simm.s32 $0x5880;
	[dreg:$0x8] =	wrdreg s24;
	s24 =	simm.s32 $0x3  }
.LBB2_1:
0x19: {  	s0 =	simm.s32 $0x0  }
0x1a: {  	s3 =	rddreg [dreg:$0x3];
	s5 =	simm.s32 $0x80;
	s6 =	simm.s32 $0x400  }
0x1b: {  	[tilespmem:s0], [sflag:$0x3] =	stream.strided.gather [hbm4b:s3+s5], $0x2800, s6, s5, $0x38;
	[tilespmem:$0x1FD00] =	vst v63  }
0x1c: {  	_ =	swait.ge [sflag:s24], $0x2800  }
0x1d: {  	[sflag:s24] =	ssyncset.done $0x0  }
0x1e: {  	s10 =	simm.s32 $0x2800;
	s9 =	rddreg [dreg:$0x4];
	[sflag:s24] =	ssyncadd.s32 $0xFFFFD800  }
0x1f: {  	[tilespmem:s10], [sflag:$0x3] =	stream.linear.gather [hbm4b:s9+s0], $0x3100, $0x38;
	[tilespmem:$0x1FD00] =	vst v63  }
0x20: {  	_ =	swait.ge [sflag:s24], $0x3100  }
0x21: {  	[sflag:s24] =	ssyncset.done $0x0  }
0x22: {  	s3 =	simm.s32 $0x40;
	s0 =	simm.s32 $0x0;
	[sflag:s24] =	ssyncadd.s32 $0xFFFFCF00  }
.LBB2_2:
0x23: {  	p1 =	sne.s32 s3, $0x9F00;
	v1 =	vld [tilespmem:s0+$0x0];
	_ =	sdelay $0x1  }
.Ltmp0:
0x24: {  	(pc) =	sbr.rel @p1 .LBB2_2-.Ltmp0, $3  }
0x25: {  	_ =	sdelay $0x1  }
0x26: {  	v1 =	vadd.s32 v0, v1  }
0x27: {  	[tilespmem:s0+$0x0] =	vst v1;
	s0 =	sshra.s32 s3, $0x2;
	s3 =	sadd.s32 $0x40, s3  }
0x28: {  	v1 =	vld [tilespmem:s0+$0x0];
	_ =	sdelay $0x3  }
0x29: {  	s3 =	stileid.u32  }
0x2a: {  	s9 =	rddreg [dreg:$0x5];
	s3 =	sshll.u32 s3, $0x6;
	v1 =	vadd.s32 v0, v1  }
0x2b: {  	s5 =	rddreg [dreg:$0x6];
	[tilespmem:s0+$0x0] =	vst v1;
	s0 =	sor.u32 $0x1C03, s3;
	s3 =	sshrl.u32 s9, $0x3  }
0x2c: {  	[spmem:s3], [sflag:s0] =	dma.local [hbm:s5], $0x2700  }
0x2d: {  	_ =	swait.ge [sflag:s24], $0x2700  }
0x2e: {  	[sflag:s24] =	ssyncset.done $0x0;
	s5 =	rddreg [dreg:$0x7]  }
0x2f: {  	s6 =	rddreg [dreg:$0x8];
	[sflag:s24] =	ssyncadd.s32 $0xFFFFD900;
	s5 =	sshrl.u32 @!p0 s5, $0x3  }
0x30: {  	[spmem:s5], [sflag:s0] =	dma.local @!p0 [hbm:s6], $0x100  }
0x31: {  	s6 =	simm.s32 @!p0 $0x3  }
0x32: {  	_ =	swait.ge @!p0 [sflag:s6], $0x100  }
0x33: {  	[sflag:s6] =	ssyncset.done @!p0 $0x0  }
0x34: {  	[sflag:s6] =	ssyncadd.s32 @!p0 $0xFFFFFF00  }
0x35: {  	s10 =	simm.s32 $0x0;
	[bflag:$0x0] =	sbarrier.arrive $0xFFFF  }
0x36: {  	[tilespmem:s28], [sflag:$0x1] =	stream.indirect.gather [hbm4b:s4+s26], $0x80, s10, s26, $0xb8;
	[tilespmem:$0x1FD00] =	vst v63  }
0x37: {  	s7 =	simm.s32 $0x68  }
0x38: {  	[tilespmem:s29], [sflag:$0x2] =	stream.indirect.gather [hbm4b:s4+s26], $0x80, s7, s26, $0xb8;
	[tilespmem:$0x1FD00] =	vst v63  }
0x39: {  	_ =	swait.ge [sflag:s30], $0x3400  }
0x3a: {  	[sflag:s30] =	ssyncset.done $0x0  }
0x3b: {  	s8 =	simm.s32 $0x2800;
	[sflag:s30] =	ssyncadd.s32 $0xFFFFCC00  }
0x3c: {  	[spmem:s2] =	stream.indirect.scatter.add.f32 [tilespmem:s28], [sflag:$0x3], $0x80, s8, s26, $0xb8;
	[tilespmem:$0x1FD00] =	vst v63  }
0x3d: {  	_ =	swait.ge [sflag:s24], $0x3400  }
0x3e: {  	[sflag:s24] =	ssyncset.done $0x0  }
0x3f: {  	s9 =	simm.s32 $0xD0;
	[sflag:s24] =	ssyncadd.s32 $0xFFFFCC00  }
0x40: {  	[tilespmem:s28], [sflag:$0x1] =	stream.indirect.gather [hbm4b:s4+s26], $0x80, s9, s26, $0xb8;
	[tilespmem:$0x1FD00] =	vst v63  }
0x41: {  	_ =	swait.ge [sflag:s31], $0x3400  }
0x42: {  	[sflag:s31] =	ssyncset.done $0x0  }
0x43: {  	s10 =	simm.s32 $0x2880;
	[sflag:s31] =	ssyncadd.s32 $0xFFFFCC00  }
0x44: {  	[spmem:s2] =	stream.indirect.scatter.add.f32 [tilespmem:s29], [sflag:$0x3], $0x80, s10, s26, $0xb8;
	[tilespmem:$0x1FD00] =	vst v63  }
0x45: {  	s6 =	simm.s32 $0x1A0;
	_ =	swait.ge [sflag:s24], $0x3400  }
0x46: {  	s7 =	simm.s32 $0x400;
	s8 =	simm.s32 $0x800;
	[sflag:s24] =	ssyncset.done $0x0  }
.LBB2_4:
0x47: {  	p1 =	sne.s32 s8, $0xBC00;
	s9 =	sadd.s32 $0xFFFFFF98, s6;
	[sflag:s24] =	ssyncadd.s32 $0xFFFFCC00  }
0x48: {  	[tilespmem:s29], [sflag:$0x2] =	stream.indirect.gather [hbm4b:s4+s26], $0x80, s9, s26, $0xb8;
	[tilespmem:$0x1FD00] =	vst v63  }
0x49: {  	s9 =	smov.u32 s8;
	s8 =	sadd.s32 $0x400, s8;
	_ =	swait.ge [sflag:s30], $0x3400  }
0x4a: {  	s10 =	sshra.s32 s7, $0x2;
	s7 =	smov.u32 s9;
	[sflag:s30] =	ssyncset.done $0x0  }
0x4b: {  	s9 =	sadd.s32 $0x2800, s10;
	[sflag:s30] =	ssyncadd.s32 $0xFFFFCC00  }
0x4c: {  	[spmem:s2] =	stream.indirect.scatter.add.f32 [tilespmem:s28], [sflag:$0x3], $0x80, s9, s26, $0xb8;
	[tilespmem:$0x1FD00] =	vst v63  }
0x4d: {  	_ =	swait.ge [sflag:s24], $0x3400  }
0x4e: {  	[sflag:s24] =	ssyncset.done $0x0  }
0x4f: {  	[sflag:s24] =	ssyncadd.s32 $0xFFFFCC00  }
0x50: {  	[tilespmem:s28], [sflag:$0x1] =	stream.indirect.gather [hbm4b:s4+s26], $0x80, s6, s26, $0xb8;
	[tilespmem:$0x1FD00] =	vst v63  }
0x51: {  	_ =	swait.ge [sflag:s31], $0x3400  }
.Ltmp1:
0x52: {  	[sflag:s31] =	ssyncset.done $0x0;
	(pc) =	sbr.rel @p1 .LBB2_4-.Ltmp1, $4  }
0x53: {  	s9 =	sadd.s32 $0x2880, s10;
	[sflag:s31] =	ssyncadd.s32 $0xFFFFCC00  }
0x54: {  	[spmem:s2] =	stream.indirect.scatter.add.f32 [tilespmem:s29], [sflag:$0x3], $0x80, s9, s26, $0xb8;
	[tilespmem:$0x1FD00] =	vst v63  }
0x55: {  	_ =	swait.ge [sflag:s24], $0x3400  }
0x56: {  	s6 =	sadd.s32 $0xD0, s6;
	[sflag:s24] =	ssyncset.done $0x0  }
0x57: {  	s8 =	sadd.s32 $0xFFFFFF98, s6;
	[sflag:s24] =	ssyncadd.s32 $0xFFFFCC00  }
0x58: {  	[tilespmem:s29], [sflag:$0x2] =	stream.indirect.gather [hbm4b:s4+s26], $0x80, s8, s26, $0xb8;
	[tilespmem:$0x1FD00] =	vst v63  }
0x59: {  	_ =	swait.ge [sflag:s30], $0x3400  }
0x5a: {  	s7 =	sshra.s32 s7, $0x2;
	[sflag:s30] =	ssyncset.done $0x0  }
0x5b: {  	s9 =	sadd.s32 $0x2800, s7;
	[sflag:s30] =	ssyncadd.s32 $0xFFFFCC00  }
0x5c: {  	[spmem:s2] =	stream.indirect.scatter.add.f32 [tilespmem:s28], [sflag:$0x3], $0x80, s9, s26, $0xb8;
	[tilespmem:$0x1FD00] =	vst v63  }
0x5d: {  	_ =	swait.ge [sflag:s24], $0x3400  }
0x5e: {  	[sflag:s24] =	ssyncset.done $0x0  }
0x5f: {  	[sflag:s24] =	ssyncadd.s32 $0xFFFFCC00  }
0x60: {  	[tilespmem:s28], [sflag:$0x1] =	stream.indirect.gather [hbm4b:s4+s26], $0x80, s6, s26, $0xb8;
	[tilespmem:$0x1FD00] =	vst v63  }
0x61: {  	_ =	swait.ge [sflag:s31], $0x3400  }
0x62: {  	[sflag:s31] =	ssyncset.done $0x0  }
0x63: {  	s10 =	sadd.s32 $0x2880, s7;
	[sflag:s31] =	ssyncadd.s32 $0xFFFFCC00  }
0x64: {  	[spmem:s2] =	stream.indirect.scatter.add.f32 [tilespmem:s29], [sflag:$0x3], $0x80, s10, s26, $0xb8;
	[tilespmem:$0x1FD00] =	vst v63  }
0x65: {  	_ =	swait.ge [sflag:s24], $0x3400  }
0x66: {  	[sflag:s24] =	ssyncset.done $0x0  }
0x67: {  	[sflag:s24] =	ssyncadd.s32 $0xFFFFCC00  }
0x68: {  	[tilespmem:s29], [sflag:$0x2] =	stream.indirect.gather [hbm4b:s4+s26], $0x80, s1, s26, $0xb8;
	[tilespmem:$0x1FD00] =	vst v63  }
0x69: {  	_ =	swait.ge [sflag:s30], $0x3400  }
0x6a: {  	[sflag:s30] =	ssyncset.done $0x0  }
0x6b: {  	[sflag:s30] =	ssyncadd.s32 $0xFFFFCC00  }
0x6c: {  	[spmem:s2] =	stream.indirect.scatter.add.f32 [tilespmem:s28], [sflag:$0x3], $0x80, s22, s26, $0xb8;
	[tilespmem:$0x1FD00] =	vst v63  }
0x6d: {  	_ =	swait.ge [sflag:s24], $0x3400  }
0x6e: {  	[sflag:s24] =	ssyncset.done $0x0  }
0x6f: {  	[sflag:s24] =	ssyncadd.s32 $0xFFFFCC00  }
0x70: {  	[tilespmem:s28], [sflag:$0x1] =	stream.indirect.gather [hbm4b:s4+s26], $0x80, s1, s26, $0xb8;
	[tilespmem:$0x1FD00] =	vst v63  }
0x71: {  	_ =	swait.ge [sflag:s31], $0x3400  }
0x72: {  	[sflag:s31] =	ssyncset.done $0x0  }
0x73: {  	[sflag:s31] =	ssyncadd.s32 $0xFFFFCC00  }
0x74: {  	[spmem:s2] =	stream.indirect.scatter.add.f32 [tilespmem:s29], [sflag:$0x3], $0x80, s23, s26, $0xb8;
	[tilespmem:$0x1FD00] =	vst v63  }
0x75: {  	_ =	swait.ge [sflag:s24], $0x3400  }
0x76: {  	[sflag:s24] =	ssyncset.done $0x0  }
0x77: {  	[sflag:s24] =	ssyncadd.s32 $0xFFFFCC00  }
0x78: {  	_ =	swait.ge [sflag:s30], $0x3400  }
0x79: {  	[sflag:s30] =	ssyncset.done $0x0  }
0x7a: {  	[sflag:s30] =	ssyncadd.s32 $0xFFFFCC00  }
0x7b: {  	[bflag:$0x0] =	sbarrier.arrive $0xFFFF  }
0x7c: {  	[hbm:s11], [sflag:s0] =	dma.local [spmem:s3], $0x2700  }
0x7d: {  	_ =	swait.ge [sflag:s24], $0x2700  }
0x7e: {  	[sflag:s24] =	ssyncset.done $0x0  }
0x7f: {  	s6 =	simm.s32 @!p0 $0x3;
	[sflag:s24] =	ssyncadd.s32 $0xFFFFD900  }
0x80: {  	[hbm:s12], [sflag:s0] =	dma.local @!p0 [spmem:s5], $0x100  }
0x81: {  	_ =	swait.ge @!p0 [sflag:s6], $0x100  }
0x82: {  	[sflag:s6] =	ssyncset.done @!p0 $0x0  }
0x83: {  	[sflag:s6] =	ssyncadd.s32 @!p0 $0xFFFFFF00  }
0x84: {  	s7 =	simm.s32 $0x40;
	s6 =	simm.s32 $0x0;
	[bflag:$0x0] =	sbarrier.arrive $0xFFFF  }
.LBB2_6:
0x85: {  	p1 =	sne.s32 s7, $0x9F00;
	v1 =	vld [tilespmem:s6+$0x0];
	_ =	sdelay $0x1  }
.Ltmp2:
0x86: {  	(pc) =	sbr.rel @p1 .LBB2_6-.Ltmp2, $3  }
0x87: {  	_ =	sdelay $0x1  }
0x88: {  	v1 =	vadd.s32 $0x4E20, v1  }
0x89: {  	[tilespmem:s6+$0x0] =	vst v1;
	s6 =	sshra.s32 s7, $0x2;
	s7 =	sadd.s32 $0x40, s7  }
0x8a: {  	v1 =	vld [tilespmem:s6+$0x0];
	_ =	sdelay $0x4  }
0x8b: {  	v1 =	vadd.s32 $0x4E20, v1  }
0x8c: {  	[tilespmem:s6+$0x0] =	vst v1  }
0x8d: {  	[spmem:s3], [sflag:s0] =	dma.local [hbm:s13], $0x2700  }
0x8e: {  	_ =	swait.ge [sflag:s24], $0x2700  }
0x8f: {  	[sflag:s24] =	ssyncset.done $0x0  }
0x90: {  	s6 =	simm.s32 @!p0 $0x3;
	[sflag:s24] =	ssyncadd.s32 $0xFFFFD900  }
0x91: {  	[spmem:s5], [sflag:s0] =	dma.local @!p0 [hbm:s14], $0x100  }
0x92: {  	_ =	swait.ge @!p0 [sflag:s6], $0x100  }
0x93: {  	[sflag:s6] =	ssyncset.done @!p0 $0x0  }
0x94: {  	[sflag:s6] =	ssyncadd.s32 @!p0 $0xFFFFFF00  }
0x95: {  	s10 =	simm.s32 $0x0;
	[bflag:$0x0] =	sbarrier.arrive $0xFFFF  }
0x96: {  	[tilespmem:s28], [sflag:$0x1] =	stream.indirect.gather [hbm4b:s4+s26], $0x80, s10, s26, $0xb8;
	[tilespmem:$0x1FD00] =	vst v63  }
0x97: {  	s7 =	simm.s32 $0x68  }
0x98: {  	[tilespmem:s29], [sflag:$0x2] =	stream.indirect.gather [hbm4b:s4+s26], $0x80, s7, s26, $0xb8;
	[tilespmem:$0x1FD00] =	vst v63  }
0x99: {  	_ =	swait.ge [sflag:s30], $0x3400  }
0x9a: {  	[sflag:s30] =	ssyncset.done $0x0  }
0x9b: {  	s8 =	simm.s32 $0x2800;
	[sflag:s30] =	ssyncadd.s32 $0xFFFFCC00  }
0x9c: {  	[spmem:s2] =	stream.indirect.scatter.add.f32 [tilespmem:s28], [sflag:$0x3], $0x80, s8, s26, $0xb8;
	[tilespmem:$0x1FD00] =	vst v63  }
0x9d: {  	_ =	swait.ge [sflag:s24], $0x3400  }
0x9e: {  	[sflag:s24] =	ssyncset.done $0x0  }
0x9f: {  	s9 =	simm.s32 $0xD0;
	[sflag:s24] =	ssyncadd.s32 $0xFFFFCC00  }
0xa0: {  	[tilespmem:s28], [sflag:$0x1] =	stream.indirect.gather [hbm4b:s4+s26], $0x80, s9, s26, $0xb8;
	[tilespmem:$0x1FD00] =	vst v63  }
0xa1: {  	_ =	swait.ge [sflag:s31], $0x3400  }
0xa2: {  	[sflag:s31] =	ssyncset.done $0x0  }
0xa3: {  	s10 =	simm.s32 $0x2880;
	[sflag:s31] =	ssyncadd.s32 $0xFFFFCC00  }
0xa4: {  	[spmem:s2] =	stream.indirect.scatter.add.f32 [tilespmem:s29], [sflag:$0x3], $0x80, s10, s26, $0xb8;
	[tilespmem:$0x1FD00] =	vst v63  }
0xa5: {  	s6 =	simm.s32 $0x1A0;
	_ =	swait.ge [sflag:s24], $0x3400  }
0xa6: {  	s7 =	simm.s32 $0x400;
	s8 =	simm.s32 $0x800;
	[sflag:s24] =	ssyncset.done $0x0  }
.LBB2_8:
0xa7: {  	p1 =	sne.s32 s8, $0xBC00;
	s9 =	sadd.s32 $0xFFFFFF98, s6;
	[sflag:s24] =	ssyncadd.s32 $0xFFFFCC00  }
0xa8: {  	[tilespmem:s29], [sflag:$0x2] =	stream.indirect.gather [hbm4b:s4+s26], $0x80, s9, s26, $0xb8;
	[tilespmem:$0x1FD00] =	vst v63  }
0xa9: {  	s9 =	smov.u32 s8;
	s8 =	sadd.s32 $0x400, s8;
	_ =	swait.ge [sflag:s30], $0x3400  }
0xaa: {  	s10 =	sshra.s32 s7, $0x2;
	s7 =	smov.u32 s9;
	[sflag:s30] =	ssyncset.done $0x0  }
0xab: {  	s9 =	sadd.s32 $0x2800, s10;
	[sflag:s30] =	ssyncadd.s32 $0xFFFFCC00  }
0xac: {  	[spmem:s2] =	stream.indirect.scatter.add.f32 [tilespmem:s28], [sflag:$0x3], $0x80, s9, s26, $0xb8;
	[tilespmem:$0x1FD00] =	vst v63  }
0xad: {  	_ =	swait.ge [sflag:s24], $0x3400  }
0xae: {  	[sflag:s24] =	ssyncset.done $0x0  }
0xaf: {  	[sflag:s24] =	ssyncadd.s32 $0xFFFFCC00  }
0xb0: {  	[tilespmem:s28], [sflag:$0x1] =	stream.indirect.gather [hbm4b:s4+s26], $0x80, s6, s26, $0xb8;
	[tilespmem:$0x1FD00] =	vst v63  }
0xb1: {  	_ =	swait.ge [sflag:s31], $0x3400  }
.Ltmp3:
0xb2: {  	[sflag:s31] =	ssyncset.done $0x0;
	(pc) =	sbr.rel @p1 .LBB2_8-.Ltmp3, $4  }
0xb3: {  	s9 =	sadd.s32 $0x2880, s10;
	[sflag:s31] =	ssyncadd.s32 $0xFFFFCC00  }
0xb4: {  	[spmem:s2] =	stream.indirect.scatter.add.f32 [tilespmem:s29], [sflag:$0x3], $0x80, s9, s26, $0xb8;
	[tilespmem:$0x1FD00] =	vst v63  }
0xb5: {  	_ =	swait.ge [sflag:s24], $0x3400  }
0xb6: {  	s6 =	sadd.s32 $0xD0, s6;
	[sflag:s24] =	ssyncset.done $0x0  }
0xb7: {  	s8 =	sadd.s32 $0xFFFFFF98, s6;
	[sflag:s24] =	ssyncadd.s32 $0xFFFFCC00  }
0xb8: {  	[tilespmem:s29], [sflag:$0x2] =	stream.indirect.gather [hbm4b:s4+s26], $0x80, s8, s26, $0xb8;
	[tilespmem:$0x1FD00] =	vst v63  }
0xb9: {  	_ =	swait.ge [sflag:s30], $0x3400  }
0xba: {  	s7 =	sshra.s32 s7, $0x2;
	[sflag:s30] =	ssyncset.done $0x0  }
0xbb: {  	s9 =	sadd.s32 $0x2800, s7;
	[sflag:s30] =	ssyncadd.s32 $0xFFFFCC00  }
0xbc: {  	[spmem:s2] =	stream.indirect.scatter.add.f32 [tilespmem:s28], [sflag:$0x3], $0x80, s9, s26, $0xb8;
	[tilespmem:$0x1FD00] =	vst v63  }
0xbd: {  	_ =	swait.ge [sflag:s24], $0x3400  }
0xbe: {  	[sflag:s24] =	ssyncset.done $0x0  }
0xbf: {  	[sflag:s24] =	ssyncadd.s32 $0xFFFFCC00  }
0xc0: {  	[tilespmem:s28], [sflag:$0x1] =	stream.indirect.gather [hbm4b:s4+s26], $0x80, s6, s26, $0xb8;
	[tilespmem:$0x1FD00] =	vst v63  }
0xc1: {  	_ =	swait.ge [sflag:s31], $0x3400  }
0xc2: {  	[sflag:s31] =	ssyncset.done $0x0  }
0xc3: {  	s10 =	sadd.s32 $0x2880, s7;
	[sflag:s31] =	ssyncadd.s32 $0xFFFFCC00  }
0xc4: {  	[spmem:s2] =	stream.indirect.scatter.add.f32 [tilespmem:s29], [sflag:$0x3], $0x80, s10, s26, $0xb8;
	[tilespmem:$0x1FD00] =	vst v63  }
0xc5: {  	_ =	swait.ge [sflag:s24], $0x3400  }
0xc6: {  	[sflag:s24] =	ssyncset.done $0x0  }
0xc7: {  	[sflag:s24] =	ssyncadd.s32 $0xFFFFCC00  }
0xc8: {  	[tilespmem:s29], [sflag:$0x2] =	stream.indirect.gather [hbm4b:s4+s26], $0x80, s1, s26, $0xb8;
	[tilespmem:$0x1FD00] =	vst v63  }
0xc9: {  	_ =	swait.ge [sflag:s30], $0x3400  }
0xca: {  	[sflag:s30] =	ssyncset.done $0x0  }
0xcb: {  	[sflag:s30] =	ssyncadd.s32 $0xFFFFCC00  }
0xcc: {  	[spmem:s2] =	stream.indirect.scatter.add.f32 [tilespmem:s28], [sflag:$0x3], $0x80, s22, s26, $0xb8;
	[tilespmem:$0x1FD00] =	vst v63  }
0xcd: {  	_ =	swait.ge [sflag:s24], $0x3400  }
0xce: {  	[sflag:s24] =	ssyncset.done $0x0  }
0xcf: {  	[sflag:s24] =	ssyncadd.s32 $0xFFFFCC00  }
0xd0: {  	[tilespmem:s28], [sflag:$0x1] =	stream.indirect.gather [hbm4b:s4+s26], $0x80, s1, s26, $0xb8;
	[tilespmem:$0x1FD00] =	vst v63  }
0xd1: {  	_ =	swait.ge [sflag:s31], $0x3400  }
0xd2: {  	[sflag:s31] =	ssyncset.done $0x0  }
0xd3: {  	[sflag:s31] =	ssyncadd.s32 $0xFFFFCC00  }
0xd4: {  	[spmem:s2] =	stream.indirect.scatter.add.f32 [tilespmem:s29], [sflag:$0x3], $0x80, s23, s26, $0xb8;
	[tilespmem:$0x1FD00] =	vst v63  }
0xd5: {  	_ =	swait.ge [sflag:s24], $0x3400  }
0xd6: {  	[sflag:s24] =	ssyncset.done $0x0  }
0xd7: {  	[sflag:s24] =	ssyncadd.s32 $0xFFFFCC00  }
0xd8: {  	_ =	swait.ge [sflag:s30], $0x3400  }
0xd9: {  	[sflag:s30] =	ssyncset.done $0x0  }
0xda: {  	[sflag:s30] =	ssyncadd.s32 $0xFFFFCC00  }
0xdb: {  	[bflag:$0x0] =	sbarrier.arrive $0xFFFF  }
0xdc: {  	[hbm:s15], [sflag:s0] =	dma.local [spmem:s3], $0x2700  }
0xdd: {  	_ =	swait.ge [sflag:s24], $0x2700  }
0xde: {  	[sflag:s24] =	ssyncset.done $0x0  }
0xdf: {  	s6 =	simm.s32 @!p0 $0x3;
	[sflag:s24] =	ssyncadd.s32 $0xFFFFD900  }
0xe0: {  	[hbm:s16], [sflag:s0] =	dma.local @!p0 [spmem:s5], $0x100  }
0xe1: {  	_ =	swait.ge @!p0 [sflag:s6], $0x100  }
0xe2: {  	[sflag:s6] =	ssyncset.done @!p0 $0x0  }
0xe3: {  	[sflag:s6] =	ssyncadd.s32 @!p0 $0xFFFFFF00  }
0xe4: {  	s7 =	simm.s32 $0x40;
	s6 =	simm.s32 $0x0;
	[bflag:$0x0] =	sbarrier.arrive $0xFFFF  }
.LBB2_10:
0xe5: {  	p1 =	sne.s32 s7, $0x9F00;
	v1 =	vld [tilespmem:s6+$0x0];
	_ =	sdelay $0x1  }
.Ltmp4:
0xe6: {  	(pc) =	sbr.rel @p1 .LBB2_10-.Ltmp4, $3  }
0xe7: {  	_ =	sdelay $0x1  }
0xe8: {  	v1 =	vadd.s32 $0x4E20, v1  }
0xe9: {  	[tilespmem:s6+$0x0] =	vst v1;
	s6 =	sshra.s32 s7, $0x2;
	s7 =	sadd.s32 $0x40, s7  }
0xea: {  	v1 =	vld [tilespmem:s6+$0x0];
	_ =	sdelay $0x4  }
0xeb: {  	v1 =	vadd.s32 $0x4E20, v1  }
0xec: {  	[tilespmem:s6+$0x0] =	vst v1  }
0xed: {  	[spmem:s3], [sflag:s0] =	dma.local [hbm:s17], $0x2700  }
0xee: {  	_ =	swait.ge [sflag:s24], $0x2700  }
0xef: {  	[sflag:s24] =	ssyncset.done $0x0  }
0xf0: {  	s6 =	simm.s32 @!p0 $0x3;
	[sflag:s24] =	ssyncadd.s32 $0xFFFFD900  }
0xf1: {  	[spmem:s5], [sflag:s0] =	dma.local @!p0 [hbm:s18], $0x100  }
0xf2: {  	_ =	swait.ge @!p0 [sflag:s6], $0x100  }
0xf3: {  	[sflag:s6] =	ssyncset.done @!p0 $0x0  }
0xf4: {  	[sflag:s6] =	ssyncadd.s32 @!p0 $0xFFFFFF00  }
0xf5: {  	s10 =	simm.s32 $0x0;
	[bflag:$0x0] =	sbarrier.arrive $0xFFFF  }
0xf6: {  	[tilespmem:s28], [sflag:$0x1] =	stream.indirect.gather [hbm4b:s4+s26], $0x80, s10, s26, $0xb8;
	[tilespmem:$0x1FD00] =	vst v63  }
0xf7: {  	s7 =	simm.s32 $0x68  }
0xf8: {  	[tilespmem:s29], [sflag:$0x2] =	stream.indirect.gather [hbm4b:s4+s26], $0x80, s7, s26, $0xb8;
	[tilespmem:$0x1FD00] =	vst v63  }
0xf9: {  	_ =	swait.ge [sflag:s30], $0x3400  }
0xfa: {  	[sflag:s30] =	ssyncset.done $0x0  }
0xfb: {  	s8 =	simm.s32 $0x2800;
	[sflag:s30] =	ssyncadd.s32 $0xFFFFCC00  }
0xfc: {  	[spmem:s2] =	stream.indirect.scatter.add.f32 [tilespmem:s28], [sflag:$0x3], $0x80, s8, s26, $0xb8;
	[tilespmem:$0x1FD00] =	vst v63  }
0xfd: {  	_ =	swait.ge [sflag:s24], $0x3400  }
0xfe: {  	[sflag:s24] =	ssyncset.done $0x0  }
0xff: {  	s9 =	simm.s32 $0xD0;
	[sflag:s24] =	ssyncadd.s32 $0xFFFFCC00  }
0x100: {  	[tilespmem:s28], [sflag:$0x1] =	stream.indirect.gather [hbm4b:s4+s26], $0x80, s9, s26, $0xb8;
	[tilespmem:$0x1FD00] =	vst v63  }
0x101: {  	_ =	swait.ge [sflag:s31], $0x3400  }
0x102: {  	[sflag:s31] =	ssyncset.done $0x0  }
0x103: {  	s10 =	simm.s32 $0x2880;
	[sflag:s31] =	ssyncadd.s32 $0xFFFFCC00  }
0x104: {  	[spmem:s2] =	stream.indirect.scatter.add.f32 [tilespmem:s29], [sflag:$0x3], $0x80, s10, s26, $0xb8;
	[tilespmem:$0x1FD00] =	vst v63  }
0x105: {  	s6 =	simm.s32 $0x1A0;
	_ =	swait.ge [sflag:s24], $0x3400  }
0x106: {  	s7 =	simm.s32 $0x400;
	s8 =	simm.s32 $0x800;
	[sflag:s24] =	ssyncset.done $0x0  }
.LBB2_12:
0x107: {  	p1 =	sne.s32 s8, $0xBC00;
	s9 =	sadd.s32 $0xFFFFFF98, s6;
	[sflag:s24] =	ssyncadd.s32 $0xFFFFCC00  }
0x108: {  	[tilespmem:s29], [sflag:$0x2] =	stream.indirect.gather [hbm4b:s4+s26], $0x80, s9, s26, $0xb8;
	[tilespmem:$0x1FD00] =	vst v63  }
0x109: {  	s9 =	smov.u32 s8;
	s8 =	sadd.s32 $0x400, s8;
	_ =	swait.ge [sflag:s30], $0x3400  }
0x10a: {  	s10 =	sshra.s32 s7, $0x2;
	s7 =	smov.u32 s9;
	[sflag:s30] =	ssyncset.done $0x0  }
0x10b: {  	s9 =	sadd.s32 $0x2800, s10;
	[sflag:s30] =	ssyncadd.s32 $0xFFFFCC00  }
0x10c: {  	[spmem:s2] =	stream.indirect.scatter.add.f32 [tilespmem:s28], [sflag:$0x3], $0x80, s9, s26, $0xb8;
	[tilespmem:$0x1FD00] =	vst v63  }
0x10d: {  	_ =	swait.ge [sflag:s24], $0x3400  }
0x10e: {  	[sflag:s24] =	ssyncset.done $0x0  }
0x10f: {  	[sflag:s24] =	ssyncadd.s32 $0xFFFFCC00  }
0x110: {  	[tilespmem:s28], [sflag:$0x1] =	stream.indirect.gather [hbm4b:s4+s26], $0x80, s6, s26, $0xb8;
	[tilespmem:$0x1FD00] =	vst v63  }
0x111: {  	_ =	swait.ge [sflag:s31], $0x3400  }
.Ltmp5:
0x112: {  	[sflag:s31] =	ssyncset.done $0x0;
	(pc) =	sbr.rel @p1 .LBB2_12-.Ltmp5, $4  }
0x113: {  	s9 =	sadd.s32 $0x2880, s10;
	[sflag:s31] =	ssyncadd.s32 $0xFFFFCC00  }
0x114: {  	[spmem:s2] =	stream.indirect.scatter.add.f32 [tilespmem:s29], [sflag:$0x3], $0x80, s9, s26, $0xb8;
	[tilespmem:$0x1FD00] =	vst v63  }
0x115: {  	_ =	swait.ge [sflag:s24], $0x3400  }
0x116: {  	s6 =	sadd.s32 $0xD0, s6;
	[sflag:s24] =	ssyncset.done $0x0  }
0x117: {  	s8 =	sadd.s32 $0xFFFFFF98, s6;
	[sflag:s24] =	ssyncadd.s32 $0xFFFFCC00  }
0x118: {  	[tilespmem:s29], [sflag:$0x2] =	stream.indirect.gather [hbm4b:s4+s26], $0x80, s8, s26, $0xb8;
	[tilespmem:$0x1FD00] =	vst v63  }
0x119: {  	_ =	swait.ge [sflag:s30], $0x3400  }
0x11a: {  	s7 =	sshra.s32 s7, $0x2;
	[sflag:s30] =	ssyncset.done $0x0  }
0x11b: {  	s9 =	sadd.s32 $0x2800, s7;
	[sflag:s30] =	ssyncadd.s32 $0xFFFFCC00  }
0x11c: {  	[spmem:s2] =	stream.indirect.scatter.add.f32 [tilespmem:s28], [sflag:$0x3], $0x80, s9, s26, $0xb8;
	[tilespmem:$0x1FD00] =	vst v63  }
0x11d: {  	_ =	swait.ge [sflag:s24], $0x3400  }
0x11e: {  	[sflag:s24] =	ssyncset.done $0x0  }
0x11f: {  	[sflag:s24] =	ssyncadd.s32 $0xFFFFCC00  }
0x120: {  	[tilespmem:s28], [sflag:$0x1] =	stream.indirect.gather [hbm4b:s4+s26], $0x80, s6, s26, $0xb8;
	[tilespmem:$0x1FD00] =	vst v63  }
0x121: {  	_ =	swait.ge [sflag:s31], $0x3400  }
0x122: {  	[sflag:s31] =	ssyncset.done $0x0  }
0x123: {  	s10 =	sadd.s32 $0x2880, s7;
	[sflag:s31] =	ssyncadd.s32 $0xFFFFCC00  }
0x124: {  	[spmem:s2] =	stream.indirect.scatter.add.f32 [tilespmem:s29], [sflag:$0x3], $0x80, s10, s26, $0xb8;
	[tilespmem:$0x1FD00] =	vst v63  }
0x125: {  	_ =	swait.ge [sflag:s24], $0x3400  }
0x126: {  	[sflag:s24] =	ssyncset.done $0x0  }
0x127: {  	[sflag:s24] =	ssyncadd.s32 $0xFFFFCC00  }
0x128: {  	[tilespmem:s29], [sflag:$0x2] =	stream.indirect.gather [hbm4b:s4+s26], $0x80, s1, s26, $0xb8;
	[tilespmem:$0x1FD00] =	vst v63  }
0x129: {  	_ =	swait.ge [sflag:s30], $0x3400  }
0x12a: {  	[sflag:s30] =	ssyncset.done $0x0  }
0x12b: {  	[sflag:s30] =	ssyncadd.s32 $0xFFFFCC00  }
0x12c: {  	[spmem:s2] =	stream.indirect.scatter.add.f32 [tilespmem:s28], [sflag:$0x3], $0x80, s22, s26, $0xb8;
	[tilespmem:$0x1FD00] =	vst v63  }
0x12d: {  	_ =	swait.ge [sflag:s24], $0x3400  }
0x12e: {  	[sflag:s24] =	ssyncset.done $0x0  }
0x12f: {  	[sflag:s24] =	ssyncadd.s32 $0xFFFFCC00  }
0x130: {  	[tilespmem:s28], [sflag:$0x1] =	stream.indirect.gather [hbm4b:s4+s26], $0x80, s1, s26, $0xb8;
	[tilespmem:$0x1FD00] =	vst v63  }
0x131: {  	_ =	swait.ge [sflag:s31], $0x3400  }
0x132: {  	[sflag:s31] =	ssyncset.done $0x0  }
0x133: {  	[sflag:s31] =	ssyncadd.s32 $0xFFFFCC00  }
0x134: {  	[spmem:s2] =	stream.indirect.scatter.add.f32 [tilespmem:s29], [sflag:$0x3], $0x80, s23, s26, $0xb8;
	[tilespmem:$0x1FD00] =	vst v63  }
0x135: {  	_ =	swait.ge [sflag:s24], $0x3400  }
0x136: {  	[sflag:s24] =	ssyncset.done $0x0  }
0x137: {  	[sflag:s24] =	ssyncadd.s32 $0xFFFFCC00  }
0x138: {  	_ =	swait.ge [sflag:s30], $0x3400  }
0x139: {  	[sflag:s30] =	ssyncset.done $0x0  }
0x13a: {  	[sflag:s30] =	ssyncadd.s32 $0xFFFFCC00  }
0x13b: {  	[bflag:$0x0] =	sbarrier.arrive $0xFFFF  }
0x13c: {  	[hbm:s19], [sflag:s0] =	dma.local [spmem:s3], $0x2700  }
0x13d: {  	_ =	swait.ge [sflag:s24], $0x2700  }
0x13e: {  	[sflag:s24] =	ssyncset.done $0x0  }
0x13f: {  	s25 =	sadd.s32 $0x1, s25;
	[sflag:s24] =	ssyncadd.s32 $0xFFFFD900  }
0x140: {  	[hbm:s20], [sflag:s0] =	dma.local @!p0 [spmem:s5], $0x100  }
0x141: {  	p1 =	sne.s32 s25, s21;
	s0 =	simm.s32 @!p0 $0x3  }
.Ltmp6:
0x142: {  	_ =	swait.ge @!p0 [sflag:s0], $0x100;
	(pc) =	sbr.rel @p1 .LBB2_1-.Ltmp6, $3  }
0x143: {  	[sflag:s0] =	ssyncset.done @!p0 $0x0  }
0x144: {  	[sflag:s0] =	ssyncadd.s32 @!p0 $0xFFFFFF00  }
0x145: {  	[bflag:$0x0] =	sbarrier.arrive $0xFFFF;
	_ =	sdelay $0x1  }
0x146: {  	_ =	sfence.sel $0x180000  }
0x147: {  	[bflag:$0x0] =	sbarrier.arrive $0xFFFF  }
0x148: {  	_ =	strace $0x9000004A  }
0x149: {  	[bflag:$0x2] =	sbarrier.arrive $0xFFFF  }
0x14a: {  	s0 =	rddreg [dreg:$0x2]  }
0x14b: {  	s0 =	sadd.s32 @!p0 $0x100000, s0  }
0x14c: {  	[sflag:s0] =	ssyncadd.tile.s32 @!p0 $0x1;
	_ =	shalt  }
.Lfunc_end2:
_tile_overlayer_lowered:
.L_overlay_start_2:
0x14d: {  	(tag) =	ssettag $0x2  }
0x14e: {  	s0 =	rddreg [dreg:$0x0];
	s2 =	stileid.u32  }
0x14f: {  	s1 =	rddreg [dreg:$0x1];
	p0 =	sne.s32 s2, $0x0  }
0x150: {  	s3 =	rddreg [dreg:$0x2];
	[bflag:$0x3] =	sbarrier.arrive $0xFFFF;
	s2 =	simm.s32 @!p0 $0x1C03  }
0x151: {  	[timem:s3], [sflag:s2] =	dma.local @!p0 [hbm:s0], s1  }
0x152: {  	s0 =	simm.s32 @!p0 $0x3  }
0x153: {  	_ =	swait.ge @!p0 [sflag:s0], s1  }
0x154: {  	s1 =	ssub.s32 @!p0 $0x0, s1;
	[sflag:s0] =	ssyncset.done @!p0 $0x0  }
0x155: {  	[sflag:s0] =	ssyncadd.s32 @!p0 s1  }
0x156: {  	[bflag:$0x3] =	sbarrier.arrive $0xFFFF  }
0x157: {  	_ =	shalt  }

// kernel: kernel.18.cloned.1.call-start
scs
__scs_entry_jumppad:
0x0: {  	(pc) =	sbr.rel $0x88, $3  }
0x1: {  	(tag) =	ssettag $0x0;
	lr =	simm.s32 $0x1  }
0x2: {  	[smem:$0x3F86] =	sst lr;
	_ =	strace $0xD0000000  }
0x3: {  	_ = 	snop  }
0x4: {  	_ = 	snop  }
0x5: {  	_ = 	snop  }
0x6: {  	_ = 	snop  }
0x7: {  	_ = 	snop  }
__scs_overlays_trampoline_lowered:
0x8: {  	[smem:$0x3F95] =	sst s0  }
0x9: {  	[smem:$0x3F96] =	sst s1  }
0xa: {  	[smem:$0x3F97] =	sst s2  }
0xb: {  	[smem:$0x3F98] =	sst s3  }
0xc: {  	[smem:$0x3F99] =	sst s4  }
0xd: {  	[smem:$0x3F9A] =	sst s5  }
0xe: {  	[smem:$0x3F9B] =	sst s6  }
0xf: {  	[smem:$0x3F9C] =	sst s7  }
0x10: {  	[smem:$0x3F9D] =	sst s8  }
0x11: {  	[smem:$0x3F9E] =	sst s9;
	s0 =	simm.s32 @!p0 $0x0  }
0x12: {  	s1 =	sld [smem:$0x3F84];
	s0 =	simm.s32 @p0 $0x1  }
0x13: {  	[smem:$0x3F9F] =	sst s0;
	s0 =	simm.s32 @!p1 $0x0  }
0x14: {  	s2 =	sld [smem:$0x3F83];
	s0 =	simm.s32 @p1 $0x1  }
0x15: {  	[smem:$0x3FA0] =	sst s0;
	s0 =	simm.s32 @!p2 $0x0  }
0x16: {  	s3 =	sld [smem:$0x3FDB];
	s0 =	simm.s32 @p2 $0x1  }
0x17: {  	s4 =	simm.s32 $0x1BF5;
	[smem:$0x3FA2] =	sst s0  }
0x18: {  	s0 =	sld [smem:$0x3F85];
	_ =	swait.ge [sflag:s4], $0x0  }
0x19: {  	s7 =	sld [smem:$0x3F86]  }
0x1a: {  	s8 =	sadd.s32 $0xFFFFE003, lr  }
0x1b: {  	s9 =	sadd.s32 $0xFFFFFEF7, lr;
	s5 =	simm.s32 $0xFFFFFFFF;
	p2 =	slt.u32 s8, $0xFFFFF086  }
0x1c: {  	p1 =	slt.u32 s9, $0xF7A;
	s5 =	simm.s32 @!p2 $0x0  }
0x1d: {  	s5 =	simm.s32 @p1 $0x1;
	p0 =	seq.s32 s7, s2  }
0x1e: {  	s7 =	smul.u32 @!p0 $0xF7A, s2;
	p2 =	seq.s32 @!p0 s5, $0x0  }
0x1f: {  	s9 =	smul.u32 $0xF7A, s1;
	s8 =	simm.s32 @!p0 $0x1BF5;
	p2 =	por !p2, p0  }
0x20: {  	[sflag:s8] =	ssyncset.s32 @!p0 $0xFFFFF086;
	s6 =	sadd.s32 @!p0 s3, s7;
	s7 =	simm.s32 @!p0 $0x108  }
0x21: {  	s3 =	sadd.s32 s3, s9;
	s6 =	sadd.s32 @!p0 $0x88, s6;
	s7 =	simm.s32 @p2 $0x1082  }
0x22: {  	[simem:s7], [sflag:s8] =	dma.local @!p0 [hbm:s6], $0xF7A  }
0x23: {  	s9 =	sor.u32 $0xD0000000, s2;
	s6 =	simm.s32 $0x108;
	_ =	swait.ge @!p0 [sflag:s8], $0x0  }
0x24: {  	s3 =	sadd.s32 $0x88, s3;
	s6 =	simm.s32 @!p1 $0x1082;
	[sflag:s4] =	ssyncset.s32 $0xFFFFF086  }
0x25: {  	[simem:s6], [sflag:s4] =	dma.local [hbm:s3], $0xF7A  }
0x26: {  	[smem:$0x3F86] =	sst s1;
	(tag) =	ssettag s2;
	_ =	strace s9  }
0x27: {  	s1 =	sld [smem:$0x3F96]  }
0x28: {  	s2 =	sld [smem:$0x3F97]  }
0x29: {  	s4 =	sld [smem:$0x3F99]  }
0x2a: {  	p0 =	seq.s32 s5, $0x0;
	s5 =	sld [smem:$0x3F9A]  }
0x2b: {  	s6 =	sld [smem:$0x3F9B]  }
0x2c: {  	s7 =	sld [smem:$0x3F9C]  }
0x2d: {  	s3 =	simm.s32 $0x108;
	s8 =	sld [smem:$0x3F9D]  }
0x2e: {  	s3 =	simm.s32 @!p0 $0x1082;
	s9 =	sld [smem:$0x3F9E]  }
0x2f: {  	lr =	sadd.s32 s0, s3;
	s0 =	sld [smem:$0x3F95]  }
0x30: {  	s3 =	sld [smem:$0x3F98]  }
0x31: {  	[smem:$0x3FA1] =	sst s10  }
0x32: {  	s10 =	sld [smem:$0x3F9F];
	_ =	sdelay $0x3  }
0x33: {  	p0 =	seq.s32 s10, $0x1;
	s10 =	sld [smem:$0x3FA1];
	_ =	sdelay $0x3  }
0x34: {  	[smem:$0x3FA1] =	sst s10  }
0x35: {  	s10 =	sld [smem:$0x3FA0];
	_ =	sdelay $0x3  }
0x36: {  	p1 =	seq.s32 s10, $0x1;
	s10 =	sld [smem:$0x3FA1];
	_ =	sdelay $0x3  }
0x37: {  	[smem:$0x3FA1] =	sst s10  }
0x38: {  	s10 =	sld [smem:$0x3FA2]  }
0x39: {  	_ = 	snop;
	(pc) =	sbr.ind lr, $3  }
0x3a: {  	_ = 	snop  }
0x3b: {  	_ = 	snop  }
0x3c: {  	p2 =	seq.s32 s10, $0x1;
	s10 =	sld [smem:$0x3FA1]  }
0x3d: {  	_ =	shalt  }
0x3e: {  	_ =	shalt  }
0x3f: {  	_ =	shalt  }
0x40: {  	_ =	shalt  }
0x41: {  	_ =	shalt  }
0x42: {  	_ =	shalt  }
0x43: {  	_ =	shalt  }
0x44: {  	_ =	shalt  }
0x45: {  	_ =	shalt  }
0x46: {  	_ =	shalt  }
0x47: {  	_ =	shalt  }
0x48: {  	_ =	shalt  }
0x49: {  	_ =	shalt  }
0x4a: {  	_ =	shalt  }
0x4b: {  	_ =	shalt  }
0x4c: {  	_ =	shalt  }
0x4d: {  	_ =	shalt  }
0x4e: {  	_ =	shalt  }
0x4f: {  	_ =	shalt  }
0x50: {  	_ =	shalt  }
0x51: {  	_ =	shalt  }
0x52: {  	_ =	shalt  }
0x53: {  	_ =	shalt  }
0x54: {  	_ =	shalt  }
0x55: {  	_ =	shalt  }
0x56: {  	_ =	shalt  }
0x57: {  	_ =	shalt  }
0x58: {  	_ =	shalt  }
0x59: {  	_ =	shalt  }
0x5a: {  	_ =	shalt  }
0x5b: {  	_ =	shalt  }
0x5c: {  	_ =	shalt  }
0x5d: {  	_ =	shalt  }
0x5e: {  	_ =	shalt  }
0x5f: {  	_ =	shalt  }
0x60: {  	_ =	shalt  }
0x61: {  	_ =	shalt  }
0x62: {  	_ =	shalt  }
0x63: {  	_ =	shalt  }
0x64: {  	_ =	shalt  }
0x65: {  	_ =	shalt  }
0x66: {  	_ =	shalt  }
0x67: {  	_ =	shalt  }
0x68: {  	_ =	shalt  }
0x69: {  	_ =	shalt  }
0x6a: {  	_ =	shalt  }
0x6b: {  	_ =	shalt  }
0x6c: {  	_ =	shalt  }
0x6d: {  	_ =	shalt  }
0x6e: {  	_ =	shalt  }
0x6f: {  	_ =	shalt  }
0x70: {  	_ =	shalt  }
0x71: {  	_ =	shalt  }
0x72: {  	_ =	shalt  }
0x73: {  	_ =	shalt  }
0x74: {  	_ =	shalt  }
0x75: {  	_ =	shalt  }
0x76: {  	_ =	shalt  }
0x77: {  	_ =	shalt  }
0x78: {  	_ =	shalt  }
0x79: {  	_ =	shalt  }
0x7a: {  	_ =	shalt  }
0x7b: {  	_ =	shalt  }
0x7c: {  	_ =	shalt  }
0x7d: {  	_ =	shalt  }
0x7e: {  	_ =	shalt  }
0x7f: {  	_ =	shalt  }
0x80: {  	_ =	shalt  }
0x81: {  	_ =	shalt  }
0x82: {  	_ =	shalt  }
0x83: {  	_ =	shalt  }
0x84: {  	_ =	shalt  }
0x85: {  	_ =	shalt  }
0x86: {  	_ =	shalt  }
0x87: {  	_ =	shalt  }
.Lfunc_end0:
.L_simem_size_0:
called_computation.2_lowered:
.L_overlay_start_0:
0x88: {  	s2 =	sld [smem:$0x3FD9]  }
0x89: {  	s3 =	sld [smem:$0x3FFE];
	_ =	sdelay $0x1  }
0x8a: {  	s1 =	srdreg.scid  }
0x8b: {  	s0 =	sand.u32 $0x1, s1  }
0x8c: {  	s16 =	sshll.u32 s0, $0xA;
	s2 =	sadd.s32 s3, s2  }
0x8d: {  	s2 =	sadd.s32 s2, s16  }
0x8e: {  	[smem:$0x3FAD] =	sst s2  }
0x8f: {  	_ = 	snop  }
0x90: {  	(tm) =	ssettm $0x1  }
0x91: {  	s17 =	sld [smem:$0x3FFB];
	_ =	sdelay $0x3  }
0x92: {  	_ =	strace s17  }
0x93: {  	s2 =	sld [smem:$0x3FFC];
	_ =	sdelay $0x3  }
0x94: {  	_ =	strace s2  }
0x95: {  	s2 =	sld [smem:$0x3FFD];
	_ =	sdelay $0x3  }
0x96: {  	_ =	strace s2  }
0x97: {  	_ =	strace $0x8FFFFFFF  }
0x98: {  	s18 =	sld [smem:$0x3FDB];
	_ =	sdelay $0x1  }
0x99: {  	s19 =	simm.s32 $_scs_section_size  }
0x9a: {  	s4 =	simm.s32 $_size__tile_overlayer_lowered;
	s5 =	simm.s32 $_tile_overlayer_lowered  }
0x9b: {  	s22 =	simm.s32 $0x1BFF;
	s21 =	sshll.u32 s5, $0x1;
	s2 =	sadd.s32 s19, s18  }
0x9c: {  	s6 =	simm.s32 $0x0;
	s20 =	sshll.u32 s4, $0x1;
	s4 =	sadd.s32 s21, s2  }
0x9d: {  	[timem:s6], [sflag:s22] =	dma.local [hbm:s4], s20  }
0x9e: {  	_ =	swait.ge [sflag:s22], s20  }
0x9f: {  	s3 =	ssub.s32 $0x0, s20;
	[sflag:s22] =	ssyncset.done $0x0  }
0xa0: {  	[sflag:s22] =	ssyncadd.s32 s3;
	_ =	sdelay $0x1  }
0xa1: {  	s23 =	simm.s32 $0x1B8B  }
0xa2: {  	_ =	swait.ge [sflag:s23], $0x1  }
0xa3: {  	[sflag:s23] =	ssyncset.done $0x0  }
0xa4: {  	s25 =	simm.s32 $0x1B8E;
	s24 =	sld [smem:$0x3FFE];
	[sflag:s23] =	ssyncadd.s32 $0xFFFFFFFF  }
0xa5: {  	s26 =	simm.s32 $execute0_lowered;
	[smem:$0x3FD2] =	sst s25  }
0xa6: {  	s4 =	sshll.u32 s26, $0x1;
	_ =	strace $0x8000004C;
	[dreg:$0x1] =	wrdreg $0xFFFFFFFF  }
0xa7: {  	s28 =	simm.s32 $_size_execute0_lowered;
	s2 =	sadd.s32 s2, s4;
	[dreg:$0x0] =	wrdreg $0x0  }
0xa8: {  	s4 =	sshll.u32 s28, $0x1;
	[dreg:$0x2] =	wrdreg s2  }
0xa9: {  	[dreg:$0x3] =	wrdreg s4  }
0xaa: {  	[dreg:$0x4] =	wrdreg $0xC0  }
0xab: {  	_ =	task [dreg:s6], $0x5FFFF  }
0xac: {  	[dreg:$0x1] =	wrdreg $0xFFFFFFFF  }
0xad: {  	[dreg:$0x0] =	wrdreg $0x60  }
0xae: {  	[dreg:$0x2] =	wrdreg s24  }
0xaf: {  	[dreg:$0x3] =	wrdreg $0xC4000  }
0xb0: {  	[dreg:$0x4] =	wrdreg $0x9  }
0xb1: {  	_ =	task.clear_ibuf [dreg:s6], $0x5FFFF;
	_ =	strace $0x9000004C  }
0xb2: {  	s29 =	simm.s32 $0x9;
	_ =	strace $0x8000004E  }
0xb3: {  	_ =	swait.ge [sflag:s29], $0x1  }
0xb4: {  	[sflag:s29] =	ssyncadd.s32 $0xFFFFFFFF  }
0xb5: {  	_ =	strace $0x9000004E  }
0xb6: {  	_ =	sfence  }
0xb7: {  	s30 =	sld [smem:$0x0];
	_ =	sdelay $0x2  }
0xb8: {  	s31 =	sshll.u32 s1, $0xD;
	s1 =	sshrl.u32 s1, $0x2  }
0xb9: {  	s3 =	sand.u32 $0x4000, s31;
	s1 =	sadd.s32 s1, s30  }
0xba: {  	s0 =	sor.u32 s3, s0;
	s1 =	sshll.u32 s1, $0x11  }
0xbb: {  	s0 =	sor.u32 s1, s0  }
0xbc: {  	s0 =	sadd.s32 $0x8F2B, s0  }
0xbd: {  	[sflag:s0] =	ssyncadd.remote.s32 $0x1  }
0xbe: {  	_ =	sfence.sel $0xFFFF  }
0xbf: {  	[dreg:$0x0] =	wrdreg $0xFFFFFFFF;
	(pc) =	sbr.abs _section_cstart, $3  }
0xc0: {  	[dreg:$0x1] =	wrdreg $0xFFFFFFFF  }
0xc1: {  	_ =	task.clear_ibuf [dreg:s6], $0x2FFFF;
	_ =	strace $0x9FFFFFFF  }
0xc2: {  	(tm) =	ssettm $0x7FFFFFFF  }
0xc3: {  	_ =	shalt  }
tec
execute0_lowered:
.L_overlay_start_1:
0x0: {  	(tag) =	ssettag $0x1  }
0x1: {  	s4 =	rddreg [dreg:$0x0]  }
0x2: {  	s1 =	rddreg [dreg:$0x1];
	s15 =	stileid.u32;
	s2 =	simm.s32 $0x0  }
0x3: {  	s6 =	srdreg.scid;
	s13 =	simm.s32 $0x3;
	s14 =	simm.s32 $0x2800  }
0x4: {  	s18 =	simm.s32 $0x68;
	s19 =	simm.s32 $0x5C00;
	s20 =	simm.s32 $0x9000  }
0x5: {  	s21 =	simm.s32 $0x1;
	s22 =	simm.s32 $0x2;
	s23 =	simm.s32 $0x2768  }
0x6: {  	s25 =	simm.s32 $0x5880;
	s3 =	sshrl.u32 s15, $0x3;
	s26 =	smul.u32 $0x680, s15  }
0x7: {  	[smem:$0x7FF] =	sst s2;
	s5 =	sshll.u32 s15, $0x7;
	s7 =	smul.u32 $0x270, s15  }
0x8: {  	s6 =	sand.u32 $0x1, s6;
	s10 =	smul.u32 $0x4E000, s15;
	s11 =	sadd.s32 $0x6400, s4  }
0x9: {  	s17 =	sadd.s32 $0x138000, s1;
	p0 =	sne.s32 s15, $0x0;
	s3 =	smul.u32 $0x14000, s3  }
0xa: {  	s15 =	sshll.u32 s15, $0x6;
	_ =	strace $0x8000004D;
	s24 =	smul.u32 $0x2710, s6  }
0xb: {  	s5 =	sand.u32 $0x380, s5;
	s9 =	ssub.s32 $0x2, s6;
	s6 =	smul.u32 $0x138800, s6  }
0xc: {  	s15 =	sor.u32 $0x1C03, s15;
	s17 =	sshrl.u32 @!p0 s17, $0x3;
	s28 =	sshrl.u32 s9, $0x1  }
0xd: {  	s29 =	sshrl.u32 s10, $0x2;
	s3 =	sor.u32 s5, s3;
	s5 =	sadd.s32 s26, s4  }
0xe: {  	s12 =	ssub.s32 s9, s28;
	s7 =	sadd.s32 s7, s24;
	s6 =	sshrl.u32 s6, $0x3  }
0xf: {  	s16 =	sadd.s32 s29, s1;
	v0 =	vmov s24;
	s24 =	simm.s32 $0x5800;
	s26 =	simm.s32 $0x0  }
0x10: {  	s3 =	sshrl.u32 s3, $0x3;
	s5 =	sadd.s32 $0x5EC00, s5;
	s30 =	sshll.u32 s7, $0x4  }
0x11: {  	s31 =	sadd.s32 $0x27000, s6;
	s10 =	smax.u32 s12, $0x1;
	s12 =	simm.s32 $0x400  }
0x12: {  	s16 =	sshrl.u32 s16, $0x3;
	s8 =	sadd.s32 s3, s4;
	s3 =	sadd.s32 $0x106800, s4  }
0x13: {  	s9 =	sadd.s32 s11, s31;
	s4 =	sadd.s32 $0x65400, s8;
	s6 =	sadd.s32 s3, s30  }
0x14: {  	s7 =	sadd.s32 s3, s31;
	s8 =	sadd.s32 s11, s30;
	s11 =	simm.s32 $0x80  }
.LBB2_1:
0x15: {  	[tilespmem:s2], [sflag:$0x3] =	stream.strided.gather [hbm4b:s4+s11], $0x2800, s12, s11, $0x38;
	[tilespmem:$0x1FD00] =	vst v63  }
0x16: {  	_ =	swait.ge [sflag:s13], $0x2800  }
0x17: {  	[sflag:s13] =	ssyncset.done $0x0  }
0x18: {  	[sflag:s13] =	ssyncadd.s32 $0xFFFFD800  }
0x19: {  	[tilespmem:s14], [sflag:$0x3] =	stream.linear.gather [hbm4b:s5+s2], $0x3100, $0x38;
	[tilespmem:$0x1FD00] =	vst v63  }
0x1a: {  	_ =	swait.ge [sflag:s13], $0x3100  }
0x1b: {  	[sflag:s13] =	ssyncset.done $0x0  }
0x1c: {  	s28 =	simm.s32 $0x0;
	s29 =	simm.s32 $0x40;
	[sflag:s13] =	ssyncadd.s32 $0xFFFFCF00  }
.LBB2_2:
0x1d: {  	p1 =	sne.s32 s29, $0x9F00;
	v1 =	vld [tilespmem:s28+$0x0];
	_ =	sdelay $0x1  }
.Ltmp0:
0x1e: {  	(pc) =	sbr.rel @p1 .LBB2_2-.Ltmp0, $3  }
0x1f: {  	_ =	sdelay $0x1  }
0x20: {  	v1 =	vadd.s32 v0, v1  }
0x21: {  	[tilespmem:s28+$0x0] =	vst v1;
	s28 =	sshra.s32 s29, $0x2;
	s29 =	sadd.s32 $0x40, s29  }
0x22: {  	v1 =	vld [tilespmem:s28+$0x0];
	_ =	sdelay $0x4  }
0x23: {  	v1 =	vadd.s32 v0, v1  }
0x24: {  	[tilespmem:s28+$0x0] =	vst v1  }
0x25: {  	[spmem:s16], [sflag:s15] =	dma.local [hbm:s6], $0x2700  }
0x26: {  	_ =	swait.ge [sflag:s13], $0x2700  }
0x27: {  	[sflag:s13] =	ssyncset.done $0x0  }
0x28: {  	s28 =	simm.s32 @!p0 $0x3;
	[sflag:s13] =	ssyncadd.s32 $0xFFFFD900  }
0x29: {  	[spmem:s17], [sflag:s15] =	dma.local @!p0 [hbm:s7], $0x100  }
0x2a: {  	_ =	swait.ge @!p0 [sflag:s28], $0x100  }
0x2b: {  	[sflag:s28] =	ssyncset.done @!p0 $0x0  }
0x2c: {  	[sflag:s28] =	ssyncadd.s32 @!p0 $0xFFFFFF00  }
0x2d: {  	s28 =	simm.s32 $0x0;
	[bflag:$0x0] =	sbarrier.arrive $0xFFFF  }
0x2e: {  	[tilespmem:s19], [sflag:$0x1] =	stream.indirect.gather [hbm4b:s3+s18], $0x80, s28, s18, $0xb8;
	[tilespmem:$0x1FD00] =	vst v63  }
0x2f: {  	s28 =	simm.s32 $0x68  }
0x30: {  	[tilespmem:s20], [sflag:$0x2] =	stream.indirect.gather [hbm4b:s3+s18], $0x80, s28, s18, $0xb8;
	[tilespmem:$0x1FD00] =	vst v63  }
0x31: {  	_ =	swait.ge [sflag:s21], $0x3400  }
0x32: {  	[sflag:s21] =	ssyncset.done $0x0  }
0x33: {  	s28 =	simm.s32 $0x2800;
	[sflag:s21] =	ssyncadd.s32 $0xFFFFCC00  }
0x34: {  	[spmem:s1] =	stream.indirect.scatter.add.f32 [tilespmem:s19], [sflag:$0x3], $0x80, s28, s18, $0xb8;
	[tilespmem:$0x1FD00] =	vst v63  }
0x35: {  	_ =	swait.ge [sflag:s13], $0x3400  }
0x36: {  	[sflag:s13] =	ssyncset.done $0x0  }
0x37: {  	s28 =	simm.s32 $0xD0;
	[sflag:s13] =	ssyncadd.s32 $0xFFFFCC00  }
0x38: {  	[tilespmem:s19], [sflag:$0x1] =	stream.indirect.gather [hbm4b:s3+s18], $0x80, s28, s18, $0xb8;
	[tilespmem:$0x1FD00] =	vst v63  }
0x39: {  	_ =	swait.ge [sflag:s22], $0x3400  }
0x3a: {  	[sflag:s22] =	ssyncset.done $0x0  }
0x3b: {  	s28 =	simm.s32 $0x2880;
	[sflag:s22] =	ssyncadd.s32 $0xFFFFCC00  }
0x3c: {  	[spmem:s1] =	stream.indirect.scatter.add.f32 [tilespmem:s20], [sflag:$0x3], $0x80, s28, s18, $0xb8;
	[tilespmem:$0x1FD00] =	vst v63  }
0x3d: {  	s29 =	simm.s32 $0x400;
	_ =	swait.ge [sflag:s13], $0x3400  }
0x3e: {  	s30 =	simm.s32 $0x800;
	s28 =	simm.s32 $0x1A0;
	[sflag:s13] =	ssyncset.done $0x0  }
.LBB2_4:
0x3f: {  	p1 =	sne.s32 s30, $0xBC00;
	s31 =	sadd.s32 $0xFFFFFF98, s28;
	[sflag:s13] =	ssyncadd.s32 $0xFFFFCC00  }
0x40: {  	[tilespmem:s20], [sflag:$0x2] =	stream.indirect.gather [hbm4b:s3+s18], $0x80, s31, s18, $0xb8;
	[tilespmem:$0x1FD00] =	vst v63  }
0x41: {  	s31 =	smov.u32 s30;
	s30 =	sadd.s32 $0x400, s30;
	_ =	swait.ge [sflag:s21], $0x3400  }
0x42: {  	s0 =	sshra.s32 s29, $0x2;
	s29 =	smov.u32 s31;
	[sflag:s21] =	ssyncset.done $0x0  }
0x43: {  	s31 =	sadd.s32 $0x2800, s0;
	[sflag:s21] =	ssyncadd.s32 $0xFFFFCC00  }
0x44: {  	[spmem:s1] =	stream.indirect.scatter.add.f32 [tilespmem:s19], [sflag:$0x3], $0x80, s31, s18, $0xb8;
	[tilespmem:$0x1FD00] =	vst v63  }
0x45: {  	_ =	swait.ge [sflag:s13], $0x3400  }
0x46: {  	[sflag:s13] =	ssyncset.done $0x0  }
0x47: {  	[sflag:s13] =	ssyncadd.s32 $0xFFFFCC00  }
0x48: {  	[tilespmem:s19], [sflag:$0x1] =	stream.indirect.gather [hbm4b:s3+s18], $0x80, s28, s18, $0xb8;
	[tilespmem:$0x1FD00] =	vst v63  }
0x49: {  	_ =	swait.ge [sflag:s22], $0x3400  }
.Ltmp1:
0x4a: {  	[sflag:s22] =	ssyncset.done $0x0;
	(pc) =	sbr.rel @p1 .LBB2_4-.Ltmp1, $4  }
0x4b: {  	s0 =	sadd.s32 $0x2880, s0;
	[sflag:s22] =	ssyncadd.s32 $0xFFFFCC00  }
0x4c: {  	[spmem:s1] =	stream.indirect.scatter.add.f32 [tilespmem:s20], [sflag:$0x3], $0x80, s0, s18, $0xb8;
	[tilespmem:$0x1FD00] =	vst v63  }
0x4d: {  	_ =	swait.ge [sflag:s13], $0x3400  }
0x4e: {  	s28 =	sadd.s32 $0xD0, s28;
	[sflag:s13] =	ssyncset.done $0x0  }
0x4f: {  	s0 =	sadd.s32 $0xFFFFFF98, s28;
	[sflag:s13] =	ssyncadd.s32 $0xFFFFCC00  }
0x50: {  	[tilespmem:s20], [sflag:$0x2] =	stream.indirect.gather [hbm4b:s3+s18], $0x80, s0, s18, $0xb8;
	[tilespmem:$0x1FD00] =	vst v63  }
0x51: {  	_ =	swait.ge [sflag:s21], $0x3400  }
0x52: {  	s31 =	sshra.s32 s29, $0x2;
	[sflag:s21] =	ssyncset.done $0x0  }
0x53: {  	s29 =	sadd.s32 $0x2800, s31;
	[sflag:s21] =	ssyncadd.s32 $0xFFFFCC00  }
0x54: {  	[spmem:s1] =	stream.indirect.scatter.add.f32 [tilespmem:s19], [sflag:$0x3], $0x80, s29, s18, $0xb8;
	[tilespmem:$0x1FD00] =	vst v63  }
0x55: {  	_ =	swait.ge [sflag:s13], $0x3400  }
0x56: {  	[sflag:s13] =	ssyncset.done $0x0  }
0x57: {  	[sflag:s13] =	ssyncadd.s32 $0xFFFFCC00  }
0x58: {  	[tilespmem:s19], [sflag:$0x1] =	stream.indirect.gather [hbm4b:s3+s18], $0x80, s28, s18, $0xb8;
	[tilespmem:$0x1FD00] =	vst v63  }
0x59: {  	_ =	swait.ge [sflag:s22], $0x3400  }
0x5a: {  	[sflag:s22] =	ssyncset.done $0x0  }
0x5b: {  	s0 =	sadd.s32 $0x2880, s31;
	[sflag:s22] =	ssyncadd.s32 $0xFFFFCC00  }
0x5c: {  	[spmem:s1] =	stream.indirect.scatter.add.f32 [tilespmem:s20], [sflag:$0x3], $0x80, s0, s18, $0xb8;
	[tilespmem:$0x1FD00] =	vst v63  }
0x5d: {  	_ =	swait.ge [sflag:s13], $0x3400  }
0x5e: {  	[sflag:s13] =	ssyncset.done $0x0  }
0x5f: {  	[sflag:s13] =	ssyncadd.s32 $0xFFFFCC00  }
0x60: {  	[tilespmem:s20], [sflag:$0x2] =	stream.indirect.gather [hbm4b:s3+s18], $0x80, s23, s18, $0xb8;
	[tilespmem:$0x1FD00] =	vst v63  }
0x61: {  	_ =	swait.ge [sflag:s21], $0x3400  }
0x62: {  	[sflag:s21] =	ssyncset.done $0x0  }
0x63: {  	[sflag:s21] =	ssyncadd.s32 $0xFFFFCC00  }
0x64: {  	[spmem:s1] =	stream.indirect.scatter.add.f32 [tilespmem:s19], [sflag:$0x3], $0x80, s24, s18, $0xb8;
	[tilespmem:$0x1FD00] =	vst v63  }
0x65: {  	_ =	swait.ge [sflag:s13], $0x3400  }
0x66: {  	[sflag:s13] =	ssyncset.done $0x0  }
0x67: {  	[sflag:s13] =	ssyncadd.s32 $0xFFFFCC00  }
0x68: {  	[tilespmem:s19], [sflag:$0x1] =	stream.indirect.gather [hbm4b:s3+s18], $0x80, s23, s18, $0xb8;
	[tilespmem:$0x1FD00] =	vst v63  }
0x69: {  	_ =	swait.ge [sflag:s22], $0x3400  }
0x6a: {  	[sflag:s22] =	ssyncset.done $0x0  }
0x6b: {  	[sflag:s22] =	ssyncadd.s32 $0xFFFFCC00  }
0x6c: {  	[spmem:s1] =	stream.indirect.scatter.add.f32 [tilespmem:s20], [sflag:$0x3], $0x80, s25, s18, $0xb8;
	[tilespmem:$0x1FD00] =	vst v63  }
0x6d: {  	_ =	swait.ge [sflag:s13], $0x3400  }
0x6e: {  	[sflag:s13] =	ssyncset.done $0x0  }
0x6f: {  	[sflag:s13] =	ssyncadd.s32 $0xFFFFCC00  }
0x70: {  	_ =	swait.ge [sflag:s21], $0x3400  }
0x71: {  	[sflag:s21] =	ssyncset.done $0x0  }
0x72: {  	[sflag:s21] =	ssyncadd.s32 $0xFFFFCC00  }
0x73: {  	[bflag:$0x0] =	sbarrier.arrive $0xFFFF  }
0x74: {  	[hbm:s8], [sflag:s15] =	dma.local [spmem:s16], $0x2700  }
0x75: {  	_ =	swait.ge [sflag:s13], $0x2700  }
0x76: {  	s26 =	sadd.s32 $0x1, s26;
	[sflag:s13] =	ssyncset.done $0x0  }
0x77: {  	p1 =	sne.s32 s26, s10;
	s0 =	simm.s32 @!p0 $0x3;
	[sflag:s13] =	ssyncadd.s32 $0xFFFFD900  }
0x78: {  	[hbm:s9], [sflag:s15] =	dma.local @!p0 [spmem:s17], $0x100  }
.Ltmp2:
0x79: {  	_ =	swait.ge @!p0 [sflag:s0], $0x100;
	(pc) =	sbr.rel @p1 .LBB2_1-.Ltmp2, $3  }
0x7a: {  	[sflag:s0] =	ssyncset.done @!p0 $0x0  }
0x7b: {  	[sflag:s0] =	ssyncadd.s32 @!p0 $0xFFFFFF00  }
0x7c: {  	[bflag:$0x0] =	sbarrier.arrive $0xFFFF;
	_ =	sdelay $0x1  }
0x7d: {  	_ =	sfence.sel $0x180000  }
0x7e: {  	[bflag:$0x0] =	sbarrier.arrive $0xFFFF  }
0x7f: {  	_ =	strace $0x9000004D  }
0x80: {  	[bflag:$0x2] =	sbarrier.arrive $0xFFFF  }
0x81: {  	s0 =	rddreg [dreg:$0x2]  }
0x82: {  	s0 =	sadd.s32 @!p0 $0x100000, s0  }
0x83: {  	[sflag:s0] =	ssyncadd.tile.s32 @!p0 $0x1;
	_ =	shalt  }
.Lfunc_end2:
_tile_overlayer_lowered:
.L_overlay_start_2:
0x84: {  	(tag) =	ssettag $0x2  }
0x85: {  	s0 =	rddreg [dreg:$0x0];
	s2 =	stileid.u32  }
0x86: {  	s1 =	rddreg [dreg:$0x1];
	p0 =	sne.s32 s2, $0x0  }
0x87: {  	s3 =	rddreg [dreg:$0x2];
	[bflag:$0x3] =	sbarrier.arrive $0xFFFF;
	s2 =	simm.s32 @!p0 $0x1C03  }
0x88: {  	[timem:s3], [sflag:s2] =	dma.local @!p0 [hbm:s0], s1  }
0x89: {  	s0 =	simm.s32 @!p0 $0x3  }
0x8a: {  	_ =	swait.ge @!p0 [sflag:s0], s1  }
0x8b: {  	s1 =	ssub.s32 @!p0 $0x0, s1;
	[sflag:s0] =	ssyncset.done @!p0 $0x0  }
0x8c: {  	[sflag:s0] =	ssyncadd.s32 @!p0 s1  }
0x8d: {  	[bflag:$0x3] =	sbarrier.arrive $0xFFFF  }
0x8e: {  	_ =	shalt  }

// kernel: kernel.21.cloned.1.call-start
scs
__scs_entry_jumppad:
0x0: {  	(pc) =	sbr.rel $0x88, $3  }
0x1: {  	(tag) =	ssettag $0x0;
	lr =	simm.s32 $0x1  }
0x2: {  	[smem:$0x3F86] =	sst lr;
	_ =	strace $0xD0000000  }
0x3: {  	_ = 	snop  }
0x4: {  	_ = 	snop  }
0x5: {  	_ = 	snop  }
0x6: {  	_ = 	snop  }
0x7: {  	_ = 	snop  }
__scs_overlays_trampoline_lowered:
0x8: {  	[smem:$0x3F95] =	sst s0  }
0x9: {  	[smem:$0x3F96] =	sst s1  }
0xa: {  	[smem:$0x3F97] =	sst s2  }
0xb: {  	[smem:$0x3F98] =	sst s3  }
0xc: {  	[smem:$0x3F99] =	sst s4  }
0xd: {  	[smem:$0x3F9A] =	sst s5  }
0xe: {  	[smem:$0x3F9B] =	sst s6  }
0xf: {  	[smem:$0x3F9C] =	sst s7  }
0x10: {  	[smem:$0x3F9D] =	sst s8  }
0x11: {  	[smem:$0x3F9E] =	sst s9;
	s0 =	simm.s32 @!p0 $0x0  }
0x12: {  	s1 =	sld [smem:$0x3F84];
	s0 =	simm.s32 @p0 $0x1  }
0x13: {  	[smem:$0x3F9F] =	sst s0;
	s0 =	simm.s32 @!p1 $0x0  }
0x14: {  	s2 =	sld [smem:$0x3F83];
	s0 =	simm.s32 @p1 $0x1  }
0x15: {  	[smem:$0x3FA0] =	sst s0;
	s0 =	simm.s32 @!p2 $0x0  }
0x16: {  	s3 =	sld [smem:$0x3FDB];
	s0 =	simm.s32 @p2 $0x1  }
0x17: {  	s4 =	simm.s32 $0x1BF5;
	[smem:$0x3FA2] =	sst s0  }
0x18: {  	s0 =	sld [smem:$0x3F85];
	_ =	swait.ge [sflag:s4], $0x0  }
0x19: {  	s7 =	sld [smem:$0x3F86]  }
0x1a: {  	s8 =	sadd.s32 $0xFFFFE003, lr  }
0x1b: {  	s9 =	sadd.s32 $0xFFFFFEF7, lr;
	s5 =	simm.s32 $0xFFFFFFFF;
	p2 =	slt.u32 s8, $0xFFFFF086  }
0x1c: {  	p1 =	slt.u32 s9, $0xF7A;
	s5 =	simm.s32 @!p2 $0x0  }
0x1d: {  	s5 =	simm.s32 @p1 $0x1;
	p0 =	seq.s32 s7, s2  }
0x1e: {  	s7 =	smul.u32 @!p0 $0xF7A, s2;
	p2 =	seq.s32 @!p0 s5, $0x0  }
0x1f: {  	s9 =	smul.u32 $0xF7A, s1;
	s8 =	simm.s32 @!p0 $0x1BF5;
	p2 =	por !p2, p0  }
0x20: {  	[sflag:s8] =	ssyncset.s32 @!p0 $0xFFFFF086;
	s6 =	sadd.s32 @!p0 s3, s7;
	s7 =	simm.s32 @!p0 $0x108  }
0x21: {  	s3 =	sadd.s32 s3, s9;
	s6 =	sadd.s32 @!p0 $0x88, s6;
	s7 =	simm.s32 @p2 $0x1082  }
0x22: {  	[simem:s7], [sflag:s8] =	dma.local @!p0 [hbm:s6], $0xF7A  }
0x23: {  	s9 =	sor.u32 $0xD0000000, s2;
	s6 =	simm.s32 $0x108;
	_ =	swait.ge @!p0 [sflag:s8], $0x0  }
0x24: {  	s3 =	sadd.s32 $0x88, s3;
	s6 =	simm.s32 @!p1 $0x1082;
	[sflag:s4] =	ssyncset.s32 $0xFFFFF086  }
0x25: {  	[simem:s6], [sflag:s4] =	dma.local [hbm:s3], $0xF7A  }
0x26: {  	[smem:$0x3F86] =	sst s1;
	(tag) =	ssettag s2;
	_ =	strace s9  }
0x27: {  	s1 =	sld [smem:$0x3F96]  }
0x28: {  	s2 =	sld [smem:$0x3F97]  }
0x29: {  	s4 =	sld [smem:$0x3F99]  }
0x2a: {  	p0 =	seq.s32 s5, $0x0;
	s5 =	sld [smem:$0x3F9A]  }
0x2b: {  	s6 =	sld [smem:$0x3F9B]  }
0x2c: {  	s7 =	sld [smem:$0x3F9C]  }
0x2d: {  	s3 =	simm.s32 $0x108;
	s8 =	sld [smem:$0x3F9D]  }
0x2e: {  	s3 =	simm.s32 @!p0 $0x1082;
	s9 =	sld [smem:$0x3F9E]  }
0x2f: {  	lr =	sadd.s32 s0, s3;
	s0 =	sld [smem:$0x3F95]  }
0x30: {  	s3 =	sld [smem:$0x3F98]  }
0x31: {  	[smem:$0x3FA1] =	sst s10  }
0x32: {  	s10 =	sld [smem:$0x3F9F];
	_ =	sdelay $0x3  }
0x33: {  	p0 =	seq.s32 s10, $0x1;
	s10 =	sld [smem:$0x3FA1];
	_ =	sdelay $0x3  }
0x34: {  	[smem:$0x3FA1] =	sst s10  }
0x35: {  	s10 =	sld [smem:$0x3FA0];
	_ =	sdelay $0x3  }
0x36: {  	p1 =	seq.s32 s10, $0x1;
	s10 =	sld [smem:$0x3FA1];
	_ =	sdelay $0x3  }
0x37: {  	[smem:$0x3FA1] =	sst s10  }
0x38: {  	s10 =	sld [smem:$0x3FA2]  }
0x39: {  	_ = 	snop;
	(pc) =	sbr.ind lr, $3  }
0x3a: {  	_ = 	snop  }
0x3b: {  	_ = 	snop  }
0x3c: {  	p2 =	seq.s32 s10, $0x1;
	s10 =	sld [smem:$0x3FA1]  }
0x3d: {  	_ =	shalt  }
0x3e: {  	_ =	shalt  }
0x3f: {  	_ =	shalt  }
0x40: {  	_ =	shalt  }
0x41: {  	_ =	shalt  }
0x42: {  	_ =	shalt  }
0x43: {  	_ =	shalt  }
0x44: {  	_ =	shalt  }
0x45: {  	_ =	shalt  }
0x46: {  	_ =	shalt  }
0x47: {  	_ =	shalt  }
0x48: {  	_ =	shalt  }
0x49: {  	_ =	shalt  }
0x4a: {  	_ =	shalt  }
0x4b: {  	_ =	shalt  }
0x4c: {  	_ =	shalt  }
0x4d: {  	_ =	shalt  }
0x4e: {  	_ =	shalt  }
0x4f: {  	_ =	shalt  }
0x50: {  	_ =	shalt  }
0x51: {  	_ =	shalt  }
0x52: {  	_ =	shalt  }
0x53: {  	_ =	shalt  }
0x54: {  	_ =	shalt  }
0x55: {  	_ =	shalt  }
0x56: {  	_ =	shalt  }
0x57: {  	_ =	shalt  }
0x58: {  	_ =	shalt  }
0x59: {  	_ =	shalt  }
0x5a: {  	_ =	shalt  }
0x5b: {  	_ =	shalt  }
0x5c: {  	_ =	shalt  }
0x5d: {  	_ =	shalt  }
0x5e: {  	_ =	shalt  }
0x5f: {  	_ =	shalt  }
0x60: {  	_ =	shalt  }
0x61: {  	_ =	shalt  }
0x62: {  	_ =	shalt  }
0x63: {  	_ =	shalt  }
0x64: {  	_ =	shalt  }
0x65: {  	_ =	shalt  }
0x66: {  	_ =	shalt  }
0x67: {  	_ =	shalt  }
0x68: {  	_ =	shalt  }
0x69: {  	_ =	shalt  }
0x6a: {  	_ =	shalt  }
0x6b: {  	_ =	shalt  }
0x6c: {  	_ =	shalt  }
0x6d: {  	_ =	shalt  }
0x6e: {  	_ =	shalt  }
0x6f: {  	_ =	shalt  }
0x70: {  	_ =	shalt  }
0x71: {  	_ =	shalt  }
0x72: {  	_ =	shalt  }
0x73: {  	_ =	shalt  }
0x74: {  	_ =	shalt  }
0x75: {  	_ =	shalt  }
0x76: {  	_ =	shalt  }
0x77: {  	_ =	shalt  }
0x78: {  	_ =	shalt  }
0x79: {  	_ =	shalt  }
0x7a: {  	_ =	shalt  }
0x7b: {  	_ =	shalt  }
0x7c: {  	_ =	shalt  }
0x7d: {  	_ =	shalt  }
0x7e: {  	_ =	shalt  }
0x7f: {  	_ =	shalt  }
0x80: {  	_ =	shalt  }
0x81: {  	_ =	shalt  }
0x82: {  	_ =	shalt  }
0x83: {  	_ =	shalt  }
0x84: {  	_ =	shalt  }
0x85: {  	_ =	shalt  }
0x86: {  	_ =	shalt  }
0x87: {  	_ =	shalt  }
.Lfunc_end0:
.L_simem_size_0:
called_computation.3_lowered:
.L_overlay_start_0:
0x88: {  	s2 =	sld [smem:$0x3FD9]  }
0x89: {  	s3 =	sld [smem:$0x3FFE];
	_ =	sdelay $0x1  }
0x8a: {  	s1 =	srdreg.scid  }
0x8b: {  	s0 =	sand.u32 $0x1, s1  }
0x8c: {  	s16 =	sshll.u32 s0, $0xA;
	s2 =	sadd.s32 s3, s2  }
0x8d: {  	s2 =	sadd.s32 s2, s16  }
0x8e: {  	[smem:$0x3FAD] =	sst s2  }
0x8f: {  	_ = 	snop  }
0x90: {  	(tm) =	ssettm $0x1  }
0x91: {  	s17 =	sld [smem:$0x3FFB];
	_ =	sdelay $0x3  }
0x92: {  	_ =	strace s17  }
0x93: {  	s2 =	sld [smem:$0x3FFC];
	_ =	sdelay $0x3  }
0x94: {  	_ =	strace s2  }
0x95: {  	s2 =	sld [smem:$0x3FFD];
	_ =	sdelay $0x3  }
0x96: {  	_ =	strace s2  }
0x97: {  	_ =	strace $0x8FFFFFFF  }
0x98: {  	s18 =	sld [smem:$0x3FDB];
	_ =	sdelay $0x1  }
0x99: {  	s19 =	simm.s32 $_scs_section_size  }
0x9a: {  	s4 =	simm.s32 $_size__tile_overlayer_lowered;
	s5 =	simm.s32 $_tile_overlayer_lowered  }
0x9b: {  	s22 =	simm.s32 $0x1BFF;
	s21 =	sshll.u32 s5, $0x1;
	s2 =	sadd.s32 s19, s18  }
0x9c: {  	s6 =	simm.s32 $0x0;
	s20 =	sshll.u32 s4, $0x1;
	s4 =	sadd.s32 s21, s2  }
0x9d: {  	[timem:s6], [sflag:s22] =	dma.local [hbm:s4], s20  }
0x9e: {  	_ =	swait.ge [sflag:s22], s20  }
0x9f: {  	s3 =	ssub.s32 $0x0, s20;
	[sflag:s22] =	ssyncset.done $0x0  }
0xa0: {  	[sflag:s22] =	ssyncadd.s32 s3;
	_ =	sdelay $0x1  }
0xa1: {  	s23 =	simm.s32 $0x1B8B  }
0xa2: {  	_ =	swait.ge [sflag:s23], $0x1  }
0xa3: {  	[sflag:s23] =	ssyncset.done $0x0  }
0xa4: {  	s25 =	simm.s32 $0x1B8E;
	s24 =	sld [smem:$0x3FFE];
	[sflag:s23] =	ssyncadd.s32 $0xFFFFFFFF  }
0xa5: {  	s26 =	simm.s32 $execute0_lowered;
	[smem:$0x3FD2] =	sst s25  }
0xa6: {  	s4 =	sshll.u32 s26, $0x1;
	_ =	strace $0x8000004F;
	[dreg:$0x1] =	wrdreg $0xFFFFFFFF  }
0xa7: {  	s28 =	simm.s32 $_size_execute0_lowered;
	s2 =	sadd.s32 s2, s4;
	[dreg:$0x0] =	wrdreg $0x0  }
0xa8: {  	s4 =	sshll.u32 s28, $0x1;
	[dreg:$0x2] =	wrdreg s2  }
0xa9: {  	[dreg:$0x3] =	wrdreg s4  }
0xaa: {  	[dreg:$0x4] =	wrdreg $0xC0  }
0xab: {  	_ =	task [dreg:s6], $0x5FFFF  }
0xac: {  	[dreg:$0x1] =	wrdreg $0xFFFFFFFF  }
0xad: {  	[dreg:$0x0] =	wrdreg $0x60  }
0xae: {  	[dreg:$0x2] =	wrdreg s24  }
0xaf: {  	[dreg:$0x3] =	wrdreg $0xC4000  }
0xb0: {  	[dreg:$0x4] =	wrdreg $0x9  }
0xb1: {  	_ =	task.clear_ibuf [dreg:s6], $0x5FFFF;
	_ =	strace $0x9000004F  }
0xb2: {  	s29 =	simm.s32 $0x9;
	_ =	strace $0x80000051  }
0xb3: {  	_ =	swait.ge [sflag:s29], $0x1  }
0xb4: {  	[sflag:s29] =	ssyncadd.s32 $0xFFFFFFFF  }
0xb5: {  	_ =	strace $0x90000051  }
0xb6: {  	_ =	sfence  }
0xb7: {  	s30 =	sld [smem:$0x0];
	_ =	sdelay $0x2  }
0xb8: {  	s31 =	sshll.u32 s1, $0xD;
	s1 =	sshrl.u32 s1, $0x2  }
0xb9: {  	s3 =	sand.u32 $0x4000, s31;
	s1 =	sadd.s32 s1, s30  }
0xba: {  	s0 =	sor.u32 s3, s0;
	s1 =	sshll.u32 s1, $0x11  }
0xbb: {  	s0 =	sor.u32 s1, s0  }
0xbc: {  	s0 =	sadd.s32 $0x8F2B, s0  }
0xbd: {  	[sflag:s0] =	ssyncadd.remote.s32 $0x1  }
0xbe: {  	_ =	sfence.sel $0xFFFF  }
0xbf: {  	[dreg:$0x0] =	wrdreg $0xFFFFFFFF;
	(pc) =	sbr.abs _section_cstart, $3  }
0xc0: {  	[dreg:$0x1] =	wrdreg $0xFFFFFFFF  }
0xc1: {  	_ =	task.clear_ibuf [dreg:s6], $0x2FFFF;
	_ =	strace $0x9FFFFFFF  }
0xc2: {  	(tm) =	ssettm $0x7FFFFFFF  }
0xc3: {  	_ =	shalt  }
tec
execute0_lowered:
.L_overlay_start_1:
0x0: {  	(tag) =	ssettag $0x1  }
0x1: {  	s4 =	rddreg [dreg:$0x0]  }
0x2: {  	s1 =	rddreg [dreg:$0x1];
	s15 =	stileid.u32;
	s2 =	simm.s32 $0x0  }
0x3: {  	s6 =	srdreg.scid;
	s13 =	simm.s32 $0x3;
	s14 =	simm.s32 $0x2800  }
0x4: {  	s18 =	simm.s32 $0x68;
	s19 =	simm.s32 $0x5C00;
	s20 =	simm.s32 $0x9000  }
0x5: {  	s21 =	simm.s32 $0x1;
	s22 =	simm.s32 $0x2;
	s23 =	simm.s32 $0x2768  }
0x6: {  	s25 =	simm.s32 $0x5880;
	s3 =	sshrl.u32 s15, $0x3;
	s26 =	smul.u32 $0x680, s15  }
0x7: {  	[smem:$0x7FF] =	sst s2;
	s5 =	sshll.u32 s15, $0x7;
	s7 =	smul.u32 $0x270, s15  }
0x8: {  	s6 =	sand.u32 $0x1, s6;
	s10 =	smul.u32 $0x4E000, s15;
	s11 =	sadd.s32 $0xB8600, s4  }
0x9: {  	s17 =	sadd.s32 $0x138000, s1;
	p0 =	sne.s32 s15, $0x0;
	s3 =	smul.u32 $0x14000, s3  }
0xa: {  	s15 =	sshll.u32 s15, $0x6;
	_ =	strace $0x80000050;
	s24 =	smul.u32 $0x2710, s6  }
0xb: {  	s5 =	sand.u32 $0x380, s5;
	s9 =	ssub.s32 $0x2, s6;
	s6 =	smul.u32 $0x138800, s6  }
0xc: {  	s15 =	sor.u32 $0x1C03, s15;
	s17 =	sshrl.u32 @!p0 s17, $0x3;
	s28 =	sshrl.u32 s9, $0x1  }
0xd: {  	s29 =	sshrl.u32 s10, $0x2;
	s3 =	sor.u32 s5, s3;
	s5 =	sadd.s32 s26, s4  }
0xe: {  	s12 =	ssub.s32 s9, s28;
	s7 =	sadd.s32 s7, s24;
	s6 =	sshrl.u32 s6, $0x3  }
0xf: {  	s16 =	sadd.s32 s29, s1;
	v0 =	vmov s24;
	s24 =	simm.s32 $0x5800;
	s26 =	simm.s32 $0x0  }
0x10: {  	s3 =	sshrl.u32 s3, $0x3;
	s5 =	sadd.s32 $0x5EC00, s5;
	s30 =	sshll.u32 s7, $0x4  }
0x11: {  	s31 =	sadd.s32 $0x27000, s6;
	s10 =	smax.u32 s12, $0x1;
	s12 =	simm.s32 $0x400  }
0x12: {  	s16 =	sshrl.u32 s16, $0x3;
	s8 =	sadd.s32 s3, s4;
	s3 =	sadd.s32 $0x106800, s4  }
0x13: {  	s9 =	sadd.s32 s11, s31;
	s4 =	sadd.s32 $0x65400, s8;
	s6 =	sadd.s32 s3, s30  }
0x14: {  	s7 =	sadd.s32 s3, s31;
	s8 =	sadd.s32 s11, s30;
	s11 =	simm.s32 $0x80  }
.LBB2_1:
0x15: {  	[tilespmem:s2], [sflag:$0x3] =	stream.strided.gather [hbm4b:s4+s11], $0x2800, s12, s11, $0x38;
	[tilespmem:$0x1FD00] =	vst v63  }
0x16: {  	_ =	swait.ge [sflag:s13], $0x2800  }
0x17: {  	[sflag:s13] =	ssyncset.done $0x0  }
0x18: {  	[sflag:s13] =	ssyncadd.s32 $0xFFFFD800  }
0x19: {  	[tilespmem:s14], [sflag:$0x3] =	stream.linear.gather [hbm4b:s5+s2], $0x3100, $0x38;
	[tilespmem:$0x1FD00] =	vst v63  }
0x1a: {  	_ =	swait.ge [sflag:s13], $0x3100  }
0x1b: {  	[sflag:s13] =	ssyncset.done $0x0  }
0x1c: {  	s28 =	simm.s32 $0x0;
	s29 =	simm.s32 $0x40;
	[sflag:s13] =	ssyncadd.s32 $0xFFFFCF00  }
.LBB2_2:
0x1d: {  	p1 =	sne.s32 s29, $0x9F00;
	v1 =	vld [tilespmem:s28+$0x0];
	_ =	sdelay $0x1  }
.Ltmp0:
0x1e: {  	(pc) =	sbr.rel @p1 .LBB2_2-.Ltmp0, $3  }
0x1f: {  	_ =	sdelay $0x1  }
0x20: {  	v1 =	vadd.s32 v0, v1  }
0x21: {  	[tilespmem:s28+$0x0] =	vst v1;
	s28 =	sshra.s32 s29, $0x2;
	s29 =	sadd.s32 $0x40, s29  }
0x22: {  	v1 =	vld [tilespmem:s28+$0x0];
	_ =	sdelay $0x4  }
0x23: {  	v1 =	vadd.s32 v0, v1  }
0x24: {  	[tilespmem:s28+$0x0] =	vst v1  }
0x25: {  	[spmem:s16], [sflag:s15] =	dma.local [hbm:s6], $0x2700  }
0x26: {  	_ =	swait.ge [sflag:s13], $0x2700  }
0x27: {  	[sflag:s13] =	ssyncset.done $0x0  }
0x28: {  	s28 =	simm.s32 @!p0 $0x3;
	[sflag:s13] =	ssyncadd.s32 $0xFFFFD900  }
0x29: {  	[spmem:s17], [sflag:s15] =	dma.local @!p0 [hbm:s7], $0x100  }
0x2a: {  	_ =	swait.ge @!p0 [sflag:s28], $0x100  }
0x2b: {  	[sflag:s28] =	ssyncset.done @!p0 $0x0  }
0x2c: {  	[sflag:s28] =	ssyncadd.s32 @!p0 $0xFFFFFF00  }
0x2d: {  	s28 =	simm.s32 $0x0;
	[bflag:$0x0] =	sbarrier.arrive $0xFFFF  }
0x2e: {  	[tilespmem:s19], [sflag:$0x1] =	stream.indirect.gather [hbm4b:s3+s18], $0x80, s28, s18, $0xb8;
	[tilespmem:$0x1FD00] =	vst v63  }
0x2f: {  	s28 =	simm.s32 $0x68  }
0x30: {  	[tilespmem:s20], [sflag:$0x2] =	stream.indirect.gather [hbm4b:s3+s18], $0x80, s28, s18, $0xb8;
	[tilespmem:$0x1FD00] =	vst v63  }
0x31: {  	_ =	swait.ge [sflag:s21], $0x3400  }
0x32: {  	[sflag:s21] =	ssyncset.done $0x0  }
0x33: {  	s28 =	simm.s32 $0x2800;
	[sflag:s21] =	ssyncadd.s32 $0xFFFFCC00  }
0x34: {  	[spmem:s1] =	stream.indirect.scatter.add.f32 [tilespmem:s19], [sflag:$0x3], $0x80, s28, s18, $0xb8;
	[tilespmem:$0x1FD00] =	vst v63  }
0x35: {  	_ =	swait.ge [sflag:s13], $0x3400  }
0x36: {  	[sflag:s13] =	ssyncset.done $0x0  }
0x37: {  	s28 =	simm.s32 $0xD0;
	[sflag:s13] =	ssyncadd.s32 $0xFFFFCC00  }
0x38: {  	[tilespmem:s19], [sflag:$0x1] =	stream.indirect.gather [hbm4b:s3+s18], $0x80, s28, s18, $0xb8;
	[tilespmem:$0x1FD00] =	vst v63  }
0x39: {  	_ =	swait.ge [sflag:s22], $0x3400  }
0x3a: {  	[sflag:s22] =	ssyncset.done $0x0  }
0x3b: {  	s28 =	simm.s32 $0x2880;
	[sflag:s22] =	ssyncadd.s32 $0xFFFFCC00  }
0x3c: {  	[spmem:s1] =	stream.indirect.scatter.add.f32 [tilespmem:s20], [sflag:$0x3], $0x80, s28, s18, $0xb8;
	[tilespmem:$0x1FD00] =	vst v63  }
0x3d: {  	s29 =	simm.s32 $0x400;
	_ =	swait.ge [sflag:s13], $0x3400  }
0x3e: {  	s30 =	simm.s32 $0x800;
	s28 =	simm.s32 $0x1A0;
	[sflag:s13] =	ssyncset.done $0x0  }
.LBB2_4:
0x3f: {  	p1 =	sne.s32 s30, $0xBC00;
	s31 =	sadd.s32 $0xFFFFFF98, s28;
	[sflag:s13] =	ssyncadd.s32 $0xFFFFCC00  }
0x40: {  	[tilespmem:s20], [sflag:$0x2] =	stream.indirect.gather [hbm4b:s3+s18], $0x80, s31, s18, $0xb8;
	[tilespmem:$0x1FD00] =	vst v63  }
0x41: {  	s31 =	smov.u32 s30;
	s30 =	sadd.s32 $0x400, s30;
	_ =	swait.ge [sflag:s21], $0x3400  }
0x42: {  	s0 =	sshra.s32 s29, $0x2;
	s29 =	smov.u32 s31;
	[sflag:s21] =	ssyncset.done $0x0  }
0x43: {  	s31 =	sadd.s32 $0x2800, s0;
	[sflag:s21] =	ssyncadd.s32 $0xFFFFCC00  }
0x44: {  	[spmem:s1] =	stream.indirect.scatter.add.f32 [tilespmem:s19], [sflag:$0x3], $0x80, s31, s18, $0xb8;
	[tilespmem:$0x1FD00] =	vst v63  }
0x45: {  	_ =	swait.ge [sflag:s13], $0x3400  }
0x46: {  	[sflag:s13] =	ssyncset.done $0x0  }
0x47: {  	[sflag:s13] =	ssyncadd.s32 $0xFFFFCC00  }
0x48: {  	[tilespmem:s19], [sflag:$0x1] =	stream.indirect.gather [hbm4b:s3+s18], $0x80, s28, s18, $0xb8;
	[tilespmem:$0x1FD00] =	vst v63  }
0x49: {  	_ =	swait.ge [sflag:s22], $0x3400  }
.Ltmp1:
0x4a: {  	[sflag:s22] =	ssyncset.done $0x0;
	(pc) =	sbr.rel @p1 .LBB2_4-.Ltmp1, $4  }
0x4b: {  	s0 =	sadd.s32 $0x2880, s0;
	[sflag:s22] =	ssyncadd.s32 $0xFFFFCC00  }
0x4c: {  	[spmem:s1] =	stream.indirect.scatter.add.f32 [tilespmem:s20], [sflag:$0x3], $0x80, s0, s18, $0xb8;
	[tilespmem:$0x1FD00] =	vst v63  }
0x4d: {  	_ =	swait.ge [sflag:s13], $0x3400  }
0x4e: {  	s28 =	sadd.s32 $0xD0, s28;
	[sflag:s13] =	ssyncset.done $0x0  }
0x4f: {  	s0 =	sadd.s32 $0xFFFFFF98, s28;
	[sflag:s13] =	ssyncadd.s32 $0xFFFFCC00  }
0x50: {  	[tilespmem:s20], [sflag:$0x2] =	stream.indirect.gather [hbm4b:s3+s18], $0x80, s0, s18, $0xb8;
	[tilespmem:$0x1FD00] =	vst v63  }
0x51: {  	_ =	swait.ge [sflag:s21], $0x3400  }
0x52: {  	s31 =	sshra.s32 s29, $0x2;
	[sflag:s21] =	ssyncset.done $0x0  }
0x53: {  	s29 =	sadd.s32 $0x2800, s31;
	[sflag:s21] =	ssyncadd.s32 $0xFFFFCC00  }
0x54: {  	[spmem:s1] =	stream.indirect.scatter.add.f32 [tilespmem:s19], [sflag:$0x3], $0x80, s29, s18, $0xb8;
	[tilespmem:$0x1FD00] =	vst v63  }
0x55: {  	_ =	swait.ge [sflag:s13], $0x3400  }
0x56: {  	[sflag:s13] =	ssyncset.done $0x0  }
0x57: {  	[sflag:s13] =	ssyncadd.s32 $0xFFFFCC00  }
0x58: {  	[tilespmem:s19], [sflag:$0x1] =	stream.indirect.gather [hbm4b:s3+s18], $0x80, s28, s18, $0xb8;
	[tilespmem:$0x1FD00] =	vst v63  }
0x59: {  	_ =	swait.ge [sflag:s22], $0x3400  }
0x5a: {  	[sflag:s22] =	ssyncset.done $0x0  }
0x5b: {  	s0 =	sadd.s32 $0x2880, s31;
	[sflag:s22] =	ssyncadd.s32 $0xFFFFCC00  }
0x5c: {  	[spmem:s1] =	stream.indirect.scatter.add.f32 [tilespmem:s20], [sflag:$0x3], $0x80, s0, s18, $0xb8;
	[tilespmem:$0x1FD00] =	vst v63  }
0x5d: {  	_ =	swait.ge [sflag:s13], $0x3400  }
0x5e: {  	[sflag:s13] =	ssyncset.done $0x0  }
0x5f: {  	[sflag:s13] =	ssyncadd.s32 $0xFFFFCC00  }
0x60: {  	[tilespmem:s20], [sflag:$0x2] =	stream.indirect.gather [hbm4b:s3+s18], $0x80, s23, s18, $0xb8;
	[tilespmem:$0x1FD00] =	vst v63  }
0x61: {  	_ =	swait.ge [sflag:s21], $0x3400  }
0x62: {  	[sflag:s21] =	ssyncset.done $0x0  }
0x63: {  	[sflag:s21] =	ssyncadd.s32 $0xFFFFCC00  }
0x64: {  	[spmem:s1] =	stream.indirect.scatter.add.f32 [tilespmem:s19], [sflag:$0x3], $0x80, s24, s18, $0xb8;
	[tilespmem:$0x1FD00] =	vst v63  }
0x65: {  	_ =	swait.ge [sflag:s13], $0x3400  }
0x66: {  	[sflag:s13] =	ssyncset.done $0x0  }
0x67: {  	[sflag:s13] =	ssyncadd.s32 $0xFFFFCC00  }
0x68: {  	[tilespmem:s19], [sflag:$0x1] =	stream.indirect.gather [hbm4b:s3+s18], $0x80, s23, s18, $0xb8;
	[tilespmem:$0x1FD00] =	vst v63  }
0x69: {  	_ =	swait.ge [sflag:s22], $0x3400  }
0x6a: {  	[sflag:s22] =	ssyncset.done $0x0  }
0x6b: {  	[sflag:s22] =	ssyncadd.s32 $0xFFFFCC00  }
0x6c: {  	[spmem:s1] =	stream.indirect.scatter.add.f32 [tilespmem:s20], [sflag:$0x3], $0x80, s25, s18, $0xb8;
	[tilespmem:$0x1FD00] =	vst v63  }
0x6d: {  	_ =	swait.ge [sflag:s13], $0x3400  }
0x6e: {  	[sflag:s13] =	ssyncset.done $0x0  }
0x6f: {  	[sflag:s13] =	ssyncadd.s32 $0xFFFFCC00  }
0x70: {  	_ =	swait.ge [sflag:s21], $0x3400  }
0x71: {  	[sflag:s21] =	ssyncset.done $0x0  }
0x72: {  	[sflag:s21] =	ssyncadd.s32 $0xFFFFCC00  }
0x73: {  	[bflag:$0x0] =	sbarrier.arrive $0xFFFF  }
0x74: {  	[hbm:s8], [sflag:s15] =	dma.local [spmem:s16], $0x2700  }
0x75: {  	_ =	swait.ge [sflag:s13], $0x2700  }
0x76: {  	s26 =	sadd.s32 $0x1, s26;
	[sflag:s13] =	ssyncset.done $0x0  }
0x77: {  	p1 =	sne.s32 s26, s10;
	s0 =	simm.s32 @!p0 $0x3;
	[sflag:s13] =	ssyncadd.s32 $0xFFFFD900  }
0x78: {  	[hbm:s9], [sflag:s15] =	dma.local @!p0 [spmem:s17], $0x100  }
.Ltmp2:
0x79: {  	_ =	swait.ge @!p0 [sflag:s0], $0x100;
	(pc) =	sbr.rel @p1 .LBB2_1-.Ltmp2, $3  }
0x7a: {  	[sflag:s0] =	ssyncset.done @!p0 $0x0  }
0x7b: {  	[sflag:s0] =	ssyncadd.s32 @!p0 $0xFFFFFF00  }
0x7c: {  	[bflag:$0x0] =	sbarrier.arrive $0xFFFF;
	_ =	sdelay $0x1  }
0x7d: {  	_ =	sfence.sel $0x180000  }
0x7e: {  	[bflag:$0x0] =	sbarrier.arrive $0xFFFF  }
0x7f: {  	_ =	strace $0x90000050  }
0x80: {  	[bflag:$0x2] =	sbarrier.arrive $0xFFFF  }
0x81: {  	s0 =	rddreg [dreg:$0x2]  }
0x82: {  	s0 =	sadd.s32 @!p0 $0x100000, s0  }
0x83: {  	[sflag:s0] =	ssyncadd.tile.s32 @!p0 $0x1;
	_ =	shalt  }
.Lfunc_end2:
_tile_overlayer_lowered:
.L_overlay_start_2:
0x84: {  	(tag) =	ssettag $0x2  }
0x85: {  	s0 =	rddreg [dreg:$0x0];
	s2 =	stileid.u32  }
0x86: {  	s1 =	rddreg [dreg:$0x1];
	p0 =	sne.s32 s2, $0x0  }
0x87: {  	s3 =	rddreg [dreg:$0x2];
	[bflag:$0x3] =	sbarrier.arrive $0xFFFF;
	s2 =	simm.s32 @!p0 $0x1C03  }
0x88: {  	[timem:s3], [sflag:s2] =	dma.local @!p0 [hbm:s0], s1  }
0x89: {  	s0 =	simm.s32 @!p0 $0x3  }
0x8a: {  	_ =	swait.ge @!p0 [sflag:s0], s1  }
0x8b: {  	s1 =	ssub.s32 @!p0 $0x0, s1;
	[sflag:s0] =	ssyncset.done @!p0 $0x0  }
0x8c: {  	[sflag:s0] =	ssyncadd.s32 @!p0 s1  }
0x8d: {  	[bflag:$0x3] =	sbarrier.arrive $0xFFFF  }
0x8e: {  	_ =	shalt  }

// kernel: kernel.24.cloned.1.call-start
scs
__scs_entry_jumppad:
0x0: {  	(pc) =	sbr.rel $0x88, $3  }
0x1: {  	(tag) =	ssettag $0x0;
	lr =	simm.s32 $0x1  }
0x2: {  	[smem:$0x3F86] =	sst lr;
	_ =	strace $0xD0000000  }
0x3: {  	_ = 	snop  }
0x4: {  	_ = 	snop  }
0x5: {  	_ = 	snop  }
0x6: {  	_ = 	snop  }
0x7: {  	_ = 	snop  }
__scs_overlays_trampoline_lowered:
0x8: {  	[smem:$0x3F95] =	sst s0  }
0x9: {  	[smem:$0x3F96] =	sst s1  }
0xa: {  	[smem:$0x3F97] =	sst s2  }
0xb: {  	[smem:$0x3F98] =	sst s3  }
0xc: {  	[smem:$0x3F99] =	sst s4  }
0xd: {  	[smem:$0x3F9A] =	sst s5  }
0xe: {  	[smem:$0x3F9B] =	sst s6  }
0xf: {  	[smem:$0x3F9C] =	sst s7  }
0x10: {  	[smem:$0x3F9D] =	sst s8  }
0x11: {  	[smem:$0x3F9E] =	sst s9;
	s0 =	simm.s32 @!p0 $0x0  }
0x12: {  	s1 =	sld [smem:$0x3F84];
	s0 =	simm.s32 @p0 $0x1  }
0x13: {  	[smem:$0x3F9F] =	sst s0;
	s0 =	simm.s32 @!p1 $0x0  }
0x14: {  	s2 =	sld [smem:$0x3F83];
	s0 =	simm.s32 @p1 $0x1  }
0x15: {  	[smem:$0x3FA0] =	sst s0;
	s0 =	simm.s32 @!p2 $0x0  }
0x16: {  	s3 =	sld [smem:$0x3FDB];
	s0 =	simm.s32 @p2 $0x1  }
0x17: {  	s4 =	simm.s32 $0x1BF5;
	[smem:$0x3FA2] =	sst s0  }
0x18: {  	s0 =	sld [smem:$0x3F85];
	_ =	swait.ge [sflag:s4], $0x0  }
0x19: {  	s7 =	sld [smem:$0x3F86]  }
0x1a: {  	s8 =	sadd.s32 $0xFFFFE003, lr  }
0x1b: {  	s9 =	sadd.s32 $0xFFFFFEF7, lr;
	s5 =	simm.s32 $0xFFFFFFFF;
	p2 =	slt.u32 s8, $0xFFFFF086  }
0x1c: {  	p1 =	slt.u32 s9, $0xF7A;
	s5 =	simm.s32 @!p2 $0x0  }
0x1d: {  	s5 =	simm.s32 @p1 $0x1;
	p0 =	seq.s32 s7, s2  }
0x1e: {  	s7 =	smul.u32 @!p0 $0xF7A, s2;
	p2 =	seq.s32 @!p0 s5, $0x0  }
0x1f: {  	s9 =	smul.u32 $0xF7A, s1;
	s8 =	simm.s32 @!p0 $0x1BF5;
	p2 =	por !p2, p0  }
0x20: {  	[sflag:s8] =	ssyncset.s32 @!p0 $0xFFFFF086;
	s6 =	sadd.s32 @!p0 s3, s7;
	s7 =	simm.s32 @!p0 $0x108  }
0x21: {  	s3 =	sadd.s32 s3, s9;
	s6 =	sadd.s32 @!p0 $0x88, s6;
	s7 =	simm.s32 @p2 $0x1082  }
0x22: {  	[simem:s7], [sflag:s8] =	dma.local @!p0 [hbm:s6], $0xF7A  }
0x23: {  	s9 =	sor.u32 $0xD0000000, s2;
	s6 =	simm.s32 $0x108;
	_ =	swait.ge @!p0 [sflag:s8], $0x0  }
0x24: {  	s3 =	sadd.s32 $0x88, s3;
	s6 =	simm.s32 @!p1 $0x1082;
	[sflag:s4] =	ssyncset.s32 $0xFFFFF086  }
0x25: {  	[simem:s6], [sflag:s4] =	dma.local [hbm:s3], $0xF7A  }
0x26: {  	[smem:$0x3F86] =	sst s1;
	(tag) =	ssettag s2;
	_ =	strace s9  }
0x27: {  	s1 =	sld [smem:$0x3F96]  }
0x28: {  	s2 =	sld [smem:$0x3F97]  }
0x29: {  	s4 =	sld [smem:$0x3F99]  }
0x2a: {  	p0 =	seq.s32 s5, $0x0;
	s5 =	sld [smem:$0x3F9A]  }
0x2b: {  	s6 =	sld [smem:$0x3F9B]  }
0x2c: {  	s7 =	sld [smem:$0x3F9C]  }
0x2d: {  	s3 =	simm.s32 $0x108;
	s8 =	sld [smem:$0x3F9D]  }
0x2e: {  	s3 =	simm.s32 @!p0 $0x1082;
	s9 =	sld [smem:$0x3F9E]  }
0x2f: {  	lr =	sadd.s32 s0, s3;
	s0 =	sld [smem:$0x3F95]  }
0x30: {  	s3 =	sld [smem:$0x3F98]  }
0x31: {  	[smem:$0x3FA1] =	sst s10  }
0x32: {  	s10 =	sld [smem:$0x3F9F];
	_ =	sdelay $0x3  }
0x33: {  	p0 =	seq.s32 s10, $0x1;
	s10 =	sld [smem:$0x3FA1];
	_ =	sdelay $0x3  }
0x34: {  	[smem:$0x3FA1] =	sst s10  }
0x35: {  	s10 =	sld [smem:$0x3FA0];
	_ =	sdelay $0x3  }
0x36: {  	p1 =	seq.s32 s10, $0x1;
	s10 =	sld [smem:$0x3FA1];
	_ =	sdelay $0x3  }
0x37: {  	[smem:$0x3FA1] =	sst s10  }
0x38: {  	s10 =	sld [smem:$0x3FA2]  }
0x39: {  	_ = 	snop;
	(pc) =	sbr.ind lr, $3  }
0x3a: {  	_ = 	snop  }
0x3b: {  	_ = 	snop  }
0x3c: {  	p2 =	seq.s32 s10, $0x1;
	s10 =	sld [smem:$0x3FA1]  }
0x3d: {  	_ =	shalt  }
0x3e: {  	_ =	shalt  }
0x3f: {  	_ =	shalt  }
0x40: {  	_ =	shalt  }
0x41: {  	_ =	shalt  }
0x42: {  	_ =	shalt  }
0x43: {  	_ =	shalt  }
0x44: {  	_ =	shalt  }
0x45: {  	_ =	shalt  }
0x46: {  	_ =	shalt  }
0x47: {  	_ =	shalt  }
0x48: {  	_ =	shalt  }
0x49: {  	_ =	shalt  }
0x4a: {  	_ =	shalt  }
0x4b: {  	_ =	shalt  }
0x4c: {  	_ =	shalt  }
0x4d: {  	_ =	shalt  }
0x4e: {  	_ =	shalt  }
0x4f: {  	_ =	shalt  }
0x50: {  	_ =	shalt  }
0x51: {  	_ =	shalt  }
0x52: {  	_ =	shalt  }
0x53: {  	_ =	shalt  }
0x54: {  	_ =	shalt  }
0x55: {  	_ =	shalt  }
0x56: {  	_ =	shalt  }
0x57: {  	_ =	shalt  }
0x58: {  	_ =	shalt  }
0x59: {  	_ =	shalt  }
0x5a: {  	_ =	shalt  }
0x5b: {  	_ =	shalt  }
0x5c: {  	_ =	shalt  }
0x5d: {  	_ =	shalt  }
0x5e: {  	_ =	shalt  }
0x5f: {  	_ =	shalt  }
0x60: {  	_ =	shalt  }
0x61: {  	_ =	shalt  }
0x62: {  	_ =	shalt  }
0x63: {  	_ =	shalt  }
0x64: {  	_ =	shalt  }
0x65: {  	_ =	shalt  }
0x66: {  	_ =	shalt  }
0x67: {  	_ =	shalt  }
0x68: {  	_ =	shalt  }
0x69: {  	_ =	shalt  }
0x6a: {  	_ =	shalt  }
0x6b: {  	_ =	shalt  }
0x6c: {  	_ =	shalt  }
0x6d: {  	_ =	shalt  }
0x6e: {  	_ =	shalt  }
0x6f: {  	_ =	shalt  }
0x70: {  	_ =	shalt  }
0x71: {  	_ =	shalt  }
0x72: {  	_ =	shalt  }
0x73: {  	_ =	shalt  }
0x74: {  	_ =	shalt  }
0x75: {  	_ =	shalt  }
0x76: {  	_ =	shalt  }
0x77: {  	_ =	shalt  }
0x78: {  	_ =	shalt  }
0x79: {  	_ =	shalt  }
0x7a: {  	_ =	shalt  }
0x7b: {  	_ =	shalt  }
0x7c: {  	_ =	shalt  }
0x7d: {  	_ =	shalt  }
0x7e: {  	_ =	shalt  }
0x7f: {  	_ =	shalt  }
0x80: {  	_ =	shalt  }
0x81: {  	_ =	shalt  }
0x82: {  	_ =	shalt  }
0x83: {  	_ =	shalt  }
0x84: {  	_ =	shalt  }
0x85: {  	_ =	shalt  }
0x86: {  	_ =	shalt  }
0x87: {  	_ =	shalt  }
.Lfunc_end0:
.L_simem_size_0:
called_computation.4_lowered:
.L_overlay_start_0:
0x88: {  	s2 =	sld [smem:$0x3FD9]  }
0x89: {  	s3 =	sld [smem:$0x3FFE];
	_ =	sdelay $0x1  }
0x8a: {  	s1 =	srdreg.scid  }
0x8b: {  	s0 =	sand.u32 $0x1, s1  }
0x8c: {  	s14 =	sshll.u32 s0, $0xA;
	s2 =	sadd.s32 s3, s2  }
0x8d: {  	s2 =	sadd.s32 s2, s14  }
0x8e: {  	[smem:$0x3FAD] =	sst s2  }
0x8f: {  	_ = 	snop  }
0x90: {  	s2 =	sld [smem:$0x3FD0];
	_ =	sdelay $0x2  }
0x91: {  	s15 =	simm.s32 $0xA;
	s4 =	simm.s32 $0x10  }
0x92: {  	[smem:s4], [sflag:s15] =	dma.local [hbm:s2], $0x1  }
0x93: {  	_ =	swait.eq [sflag:s15], $0x1  }
0x94: {  	[sflag:s15] =	ssyncset.done $0x0  }
0x95: {  	[sflag:s15] =	ssyncadd.s32 $0xFFFFFFFF  }
0x96: {  	s16 =	sld [smem:$0x10];
	(tm) =	ssettm $0x1  }
0x97: {  	s17 =	sld [smem:$0x3FFB];
	_ =	sdelay $0x3  }
0x98: {  	_ =	strace s17  }
0x99: {  	s3 =	sld [smem:$0x3FFC];
	_ =	sdelay $0x3  }
0x9a: {  	_ =	strace s3  }
0x9b: {  	s3 =	sld [smem:$0x3FFD];
	_ =	sdelay $0x3  }
0x9c: {  	_ =	strace s3  }
0x9d: {  	_ =	strace $0x8FFFFFFF  }
0x9e: {  	s18 =	sld [smem:$0x3FDB];
	_ =	sdelay $0x1  }
0x9f: {  	s19 =	simm.s32 $_scs_section_size  }
0xa0: {  	s5 =	simm.s32 $_size__tile_overlayer_lowered;
	s6 =	simm.s32 $_tile_overlayer_lowered  }
0xa1: {  	s22 =	simm.s32 $0x1BFF;
	s21 =	sshll.u32 s6, $0x1;
	s3 =	sadd.s32 s19, s18  }
0xa2: {  	s7 =	simm.s32 $0x0;
	s20 =	sshll.u32 s5, $0x1;
	s5 =	sadd.s32 s21, s3  }
0xa3: {  	[timem:s7], [sflag:s22] =	dma.local [hbm:s5], s20  }
0xa4: {  	_ =	swait.ge [sflag:s22], s20  }
0xa5: {  	s4 =	ssub.s32 $0x0, s20;
	[sflag:s22] =	ssyncset.done $0x0  }
0xa6: {  	[sflag:s22] =	ssyncadd.s32 s4;
	_ =	sdelay $0x1  }
0xa7: {  	s23 =	simm.s32 $0x1B8B  }
0xa8: {  	_ =	swait.ge [sflag:s23], $0x1  }
0xa9: {  	[sflag:s23] =	ssyncset.done $0x0  }
0xaa: {  	s25 =	simm.s32 $0x1B8E;
	s24 =	sld [smem:$0x3FFE];
	[sflag:s23] =	ssyncadd.s32 $0xFFFFFFFF  }
0xab: {  	s26 =	simm.s32 $execute0_lowered;
	[smem:$0x3FD2] =	sst s25  }
0xac: {  	s5 =	sshll.u32 s26, $0x1;
	_ =	strace $0x80000052;
	[dreg:$0x1] =	wrdreg $0xFFFFFFFF  }
0xad: {  	s28 =	simm.s32 $_size_execute0_lowered;
	s3 =	sadd.s32 s3, s5;
	[dreg:$0x0] =	wrdreg $0x0  }
0xae: {  	s5 =	sshll.u32 s28, $0x1;
	[dreg:$0x2] =	wrdreg s3  }
0xaf: {  	[dreg:$0x3] =	wrdreg s5  }
0xb0: {  	[dreg:$0x4] =	wrdreg $0xC0  }
0xb1: {  	_ =	task [dreg:s7], $0x5FFFF  }
0xb2: {  	[dreg:$0x1] =	wrdreg $0xFFFFFFFF  }
0xb3: {  	[dreg:$0x0] =	wrdreg $0x60  }
0xb4: {  	[dreg:$0x2] =	wrdreg s24  }
0xb5: {  	[dreg:$0x3] =	wrdreg s16  }
0xb6: {  	[dreg:$0x4] =	wrdreg $0xC4000  }
0xb7: {  	[dreg:$0x5] =	wrdreg $0x9  }
0xb8: {  	_ =	task.clear_ibuf [dreg:s7], $0x6FFFF;
	_ =	strace $0x90000052  }
0xb9: {  	s29 =	simm.s32 $0x9;
	_ =	strace $0x80000054  }
0xba: {  	_ =	swait.ge [sflag:s29], $0x1  }
0xbb: {  	[sflag:s29] =	ssyncadd.s32 $0xFFFFFFFF  }
0xbc: {  	_ =	strace $0x90000054  }
0xbd: {  	_ =	sfence  }
0xbe: {  	s30 =	sld [smem:$0x0];
	_ =	sdelay $0x2  }
0xbf: {  	s31 =	sshll.u32 s1, $0xD;
	s1 =	sshrl.u32 s1, $0x2  }
0xc0: {  	s3 =	sand.u32 $0x4000, s31;
	s1 =	sadd.s32 s1, s30  }
0xc1: {  	s0 =	sor.u32 s3, s0;
	s1 =	sshll.u32 s1, $0x11  }
0xc2: {  	s0 =	sor.u32 s1, s0  }
0xc3: {  	s0 =	sadd.s32 $0x8F2B, s0  }
0xc4: {  	[sflag:s0] =	ssyncadd.remote.s32 $0x1  }
0xc5: {  	_ =	sfence.sel $0xFFFF  }
0xc6: {  	[dreg:$0x0] =	wrdreg $0xFFFFFFFF;
	(pc) =	sbr.abs _section_cstart, $3  }
0xc7: {  	[dreg:$0x1] =	wrdreg $0xFFFFFFFF  }
0xc8: {  	_ =	task.clear_ibuf [dreg:s7], $0x2FFFF;
	_ =	strace $0x9FFFFFFF  }
0xc9: {  	(tm) =	ssettm $0x7FFFFFFF  }
tec
execute0_lowered:
.L_overlay_start_1:
0x0: {  	(tag) =	ssettag $0x1  }
0x1: {  	s4 =	rddreg [dreg:$0x0]  }
0x2: {  	s1 =	rddreg [dreg:$0x1]  }
0x3: {  	s2 =	rddreg [dreg:$0x2];
	s15 =	stileid.u32  }
0x4: {  	s3 =	simm.s32 $0x0;
	s7 =	srdreg.scid;
	s13 =	simm.s32 $0x3  }
0x5: {  	s14 =	simm.s32 $0x2800;
	s18 =	simm.s32 $0x68;
	s19 =	simm.s32 $0x5C00  }
0x6: {  	s20 =	simm.s32 $0x9000;
	s21 =	simm.s32 $0x1;
	s22 =	simm.s32 $0x2  }
0x7: {  	s23 =	simm.s32 $0x2768;
	s25 =	simm.s32 $0x5880;
	s26 =	simm.s32 $0x0  }
0x8: {  	s5 =	sshrl.u32 s15, $0x3;
	s6 =	sshll.u32 s15, $0x7;
	s28 =	smul.u32 $0x680, s15  }
0x9: {  	[smem:$0x7FF] =	sst s3;
	s7 =	sand.u32 $0x1, s7;
	s8 =	smul.u32 $0x270, s15  }
0xa: {  	s10 =	smul.u32 $0x4E000, s15;
	s11 =	sadd.s32 $0xB8600, s4;
	s17 =	sadd.s32 $0x138000, s2  }
0xb: {  	p0 =	sne.s32 s15, $0x0;
	s15 =	sshll.u32 s15, $0x6;
	s5 =	smul.u32 $0x14000, s5  }
0xc: {  	s6 =	sand.u32 $0x380, s6;
	_ =	strace $0x80000053;
	s24 =	smul.u32 $0x2710, s7  }
0xd: {  	s9 =	ssub.s32 $0x2, s7;
	s7 =	smul.u32 $0x138800, s7;
	s15 =	sor.u32 $0x1C03, s15  }
0xe: {  	s17 =	sshrl.u32 @!p0 s17, $0x3;
	s29 =	sshrl.u32 s9, $0x1;
	s30 =	sshrl.u32 s10, $0x2  }
0xf: {  	s5 =	sor.u32 s6, s5;
	s6 =	sadd.s32 s28, s4;
	s12 =	ssub.s32 s9, s29  }
0x10: {  	s8 =	sadd.s32 s8, s24;
	s7 =	sshrl.u32 s7, $0x3;
	s16 =	sadd.s32 s30, s2  }
0x11: {  	v0 =	vmov s24;
	s24 =	simm.s32 $0x5800;
	s5 =	sshrl.u32 s5, $0x3;
	s8 =	sshll.u32 s8, $0x4  }
0x12: {  	s31 =	sadd.s32 $0x27000, s7;
	s10 =	smax.u32 s12, $0x1;
	s12 =	simm.s32 $0x400  }
0x13: {  	s16 =	sshrl.u32 s16, $0x3;
	s5 =	sadd.s32 s5, s4;
	s7 =	sadd.s32 s1, s31  }
0x14: {  	s9 =	sadd.s32 s11, s31;
	s4 =	sadd.s32 $0x65400, s5;
	s5 =	sadd.s32 $0x5EC00, s6  }
0x15: {  	s6 =	sadd.s32 s1, s8;
	s8 =	sadd.s32 s11, s8;
	s11 =	simm.s32 $0x80  }
.LBB2_1:
0x16: {  	[tilespmem:s3], [sflag:$0x3] =	stream.strided.gather [hbm4b:s4+s11], $0x2800, s12, s11, $0x38;
	[tilespmem:$0x1FD00] =	vst v63  }
0x17: {  	_ =	swait.ge [sflag:s13], $0x2800  }
0x18: {  	[sflag:s13] =	ssyncset.done $0x0  }
0x19: {  	[sflag:s13] =	ssyncadd.s32 $0xFFFFD800  }
0x1a: {  	[tilespmem:s14], [sflag:$0x3] =	stream.linear.gather [hbm4b:s5+s3], $0x3100, $0x38;
	[tilespmem:$0x1FD00] =	vst v63  }
0x1b: {  	_ =	swait.ge [sflag:s13], $0x3100  }
0x1c: {  	[sflag:s13] =	ssyncset.done $0x0  }
0x1d: {  	s28 =	simm.s32 $0x0;
	s29 =	simm.s32 $0x40;
	[sflag:s13] =	ssyncadd.s32 $0xFFFFCF00  }
.LBB2_2:
0x1e: {  	p1 =	sne.s32 s29, $0x9F00;
	v1 =	vld [tilespmem:s28+$0x0];
	_ =	sdelay $0x1  }
.Ltmp0:
0x1f: {  	(pc) =	sbr.rel @p1 .LBB2_2-.Ltmp0, $3  }
0x20: {  	_ =	sdelay $0x1  }
0x21: {  	v1 =	vadd.s32 v0, v1  }
0x22: {  	[tilespmem:s28+$0x0] =	vst v1;
	s28 =	sshra.s32 s29, $0x2;
	s29 =	sadd.s32 $0x40, s29  }
0x23: {  	v1 =	vld [tilespmem:s28+$0x0];
	_ =	sdelay $0x4  }
0x24: {  	v1 =	vadd.s32 v0, v1  }
0x25: {  	[tilespmem:s28+$0x0] =	vst v1  }
0x26: {  	[spmem:s16], [sflag:s15] =	dma.local [hbm:s6], $0x2700  }
0x27: {  	_ =	swait.ge [sflag:s13], $0x2700  }
0x28: {  	[sflag:s13] =	ssyncset.done $0x0  }
0x29: {  	s28 =	simm.s32 @!p0 $0x3;
	[sflag:s13] =	ssyncadd.s32 $0xFFFFD900  }
0x2a: {  	[spmem:s17], [sflag:s15] =	dma.local @!p0 [hbm:s7], $0x100  }
0x2b: {  	_ =	swait.ge @!p0 [sflag:s28], $0x100  }
0x2c: {  	[sflag:s28] =	ssyncset.done @!p0 $0x0  }
0x2d: {  	[sflag:s28] =	ssyncadd.s32 @!p0 $0xFFFFFF00  }
0x2e: {  	s28 =	simm.s32 $0x0;
	[bflag:$0x0] =	sbarrier.arrive $0xFFFF  }
0x2f: {  	[tilespmem:s19], [sflag:$0x1] =	stream.indirect.gather [hbm4b:s1+s18], $0x80, s28, s18, $0xb8;
	[tilespmem:$0x1FD00] =	vst v63  }
0x30: {  	s28 =	simm.s32 $0x68  }
0x31: {  	[tilespmem:s20], [sflag:$0x2] =	stream.indirect.gather [hbm4b:s1+s18], $0x80, s28, s18, $0xb8;
	[tilespmem:$0x1FD00] =	vst v63  }
0x32: {  	_ =	swait.ge [sflag:s21], $0x3400  }
0x33: {  	[sflag:s21] =	ssyncset.done $0x0  }
0x34: {  	s28 =	simm.s32 $0x2800;
	[sflag:s21] =	ssyncadd.s32 $0xFFFFCC00  }
0x35: {  	[spmem:s2] =	stream.indirect.scatter.add.f32 [tilespmem:s19], [sflag:$0x3], $0x80, s28, s18, $0xb8;
	[tilespmem:$0x1FD00] =	vst v63  }
0x36: {  	_ =	swait.ge [sflag:s13], $0x3400  }
0x37: {  	[sflag:s13] =	ssyncset.done $0x0  }
0x38: {  	s28 =	simm.s32 $0xD0;
	[sflag:s13] =	ssyncadd.s32 $0xFFFFCC00  }
0x39: {  	[tilespmem:s19], [sflag:$0x1] =	stream.indirect.gather [hbm4b:s1+s18], $0x80, s28, s18, $0xb8;
	[tilespmem:$0x1FD00] =	vst v63  }
0x3a: {  	_ =	swait.ge [sflag:s22], $0x3400  }
0x3b: {  	[sflag:s22] =	ssyncset.done $0x0  }
0x3c: {  	s28 =	simm.s32 $0x2880;
	[sflag:s22] =	ssyncadd.s32 $0xFFFFCC00  }
0x3d: {  	[spmem:s2] =	stream.indirect.scatter.add.f32 [tilespmem:s20], [sflag:$0x3], $0x80, s28, s18, $0xb8;
	[tilespmem:$0x1FD00] =	vst v63  }
0x3e: {  	s29 =	simm.s32 $0x400;
	_ =	swait.ge [sflag:s13], $0x3400  }
0x3f: {  	s30 =	simm.s32 $0x800;
	s28 =	simm.s32 $0x1A0;
	[sflag:s13] =	ssyncset.done $0x0  }
.LBB2_4:
0x40: {  	p1 =	sne.s32 s30, $0xBC00;
	s31 =	sadd.s32 $0xFFFFFF98, s28;
	[sflag:s13] =	ssyncadd.s32 $0xFFFFCC00  }
0x41: {  	[tilespmem:s20], [sflag:$0x2] =	stream.indirect.gather [hbm4b:s1+s18], $0x80, s31, s18, $0xb8;
	[tilespmem:$0x1FD00] =	vst v63  }
0x42: {  	s31 =	smov.u32 s30;
	s30 =	sadd.s32 $0x400, s30;
	_ =	swait.ge [sflag:s21], $0x3400  }
0x43: {  	s0 =	sshra.s32 s29, $0x2;
	s29 =	smov.u32 s31;
	[sflag:s21] =	ssyncset.done $0x0  }
0x44: {  	s31 =	sadd.s32 $0x2800, s0;
	[sflag:s21] =	ssyncadd.s32 $0xFFFFCC00  }
0x45: {  	[spmem:s2] =	stream.indirect.scatter.add.f32 [tilespmem:s19], [sflag:$0x3], $0x80, s31, s18, $0xb8;
	[tilespmem:$0x1FD00] =	vst v63  }
0x46: {  	_ =	swait.ge [sflag:s13], $0x3400  }
0x47: {  	[sflag:s13] =	ssyncset.done $0x0  }
0x48: {  	[sflag:s13] =	ssyncadd.s32 $0xFFFFCC00  }
0x49: {  	[tilespmem:s19], [sflag:$0x1] =	stream.indirect.gather [hbm4b:s1+s18], $0x80, s28, s18, $0xb8;
	[tilespmem:$0x1FD00] =	vst v63  }
0x4a: {  	_ =	swait.ge [sflag:s22], $0x3400  }
.Ltmp1:
0x4b: {  	[sflag:s22] =	ssyncset.done $0x0;
	(pc) =	sbr.rel @p1 .LBB2_4-.Ltmp1, $4  }
0x4c: {  	s0 =	sadd.s32 $0x2880, s0;
	[sflag:s22] =	ssyncadd.s32 $0xFFFFCC00  }
0x4d: {  	[spmem:s2] =	stream.indirect.scatter.add.f32 [tilespmem:s20], [sflag:$0x3], $0x80, s0, s18, $0xb8;
	[tilespmem:$0x1FD00] =	vst v63  }
0x4e: {  	_ =	swait.ge [sflag:s13], $0x3400  }
0x4f: {  	s28 =	sadd.s32 $0xD0, s28;
	[sflag:s13] =	ssyncset.done $0x0  }
0x50: {  	s0 =	sadd.s32 $0xFFFFFF98, s28;
	[sflag:s13] =	ssyncadd.s32 $0xFFFFCC00  }
0x51: {  	[tilespmem:s20], [sflag:$0x2] =	stream.indirect.gather [hbm4b:s1+s18], $0x80, s0, s18, $0xb8;
	[tilespmem:$0x1FD00] =	vst v63  }
0x52: {  	_ =	swait.ge [sflag:s21], $0x3400  }
0x53: {  	s31 =	sshra.s32 s29, $0x2;
	[sflag:s21] =	ssyncset.done $0x0  }
0x54: {  	s29 =	sadd.s32 $0x2800, s31;
	[sflag:s21] =	ssyncadd.s32 $0xFFFFCC00  }
0x55: {  	[spmem:s2] =	stream.indirect.scatter.add.f32 [tilespmem:s19], [sflag:$0x3], $0x80, s29, s18, $0xb8;
	[tilespmem:$0x1FD00] =	vst v63  }
0x56: {  	_ =	swait.ge [sflag:s13], $0x3400  }
0x57: {  	[sflag:s13] =	ssyncset.done $0x0  }
0x58: {  	[sflag:s13] =	ssyncadd.s32 $0xFFFFCC00  }
0x59: {  	[tilespmem:s19], [sflag:$0x1] =	stream.indirect.gather [hbm4b:s1+s18], $0x80, s28, s18, $0xb8;
	[tilespmem:$0x1FD00] =	vst v63  }
0x5a: {  	_ =	swait.ge [sflag:s22], $0x3400  }
0x5b: {  	[sflag:s22] =	ssyncset.done $0x0  }
0x5c: {  	s0 =	sadd.s32 $0x2880, s31;
	[sflag:s22] =	ssyncadd.s32 $0xFFFFCC00  }
0x5d: {  	[spmem:s2] =	stream.indirect.scatter.add.f32 [tilespmem:s20], [sflag:$0x3], $0x80, s0, s18, $0xb8;
	[tilespmem:$0x1FD00] =	vst v63  }
0x5e: {  	_ =	swait.ge [sflag:s13], $0x3400  }
0x5f: {  	[sflag:s13] =	ssyncset.done $0x0  }
0x60: {  	[sflag:s13] =	ssyncadd.s32 $0xFFFFCC00  }
0x61: {  	[tilespmem:s20], [sflag:$0x2] =	stream.indirect.gather [hbm4b:s1+s18], $0x80, s23, s18, $0xb8;
	[tilespmem:$0x1FD00] =	vst v63  }
0x62: {  	_ =	swait.ge [sflag:s21], $0x3400  }
0x63: {  	[sflag:s21] =	ssyncset.done $0x0  }
0x64: {  	[sflag:s21] =	ssyncadd.s32 $0xFFFFCC00  }
0x65: {  	[spmem:s2] =	stream.indirect.scatter.add.f32 [tilespmem:s19], [sflag:$0x3], $0x80, s24, s18, $0xb8;
	[tilespmem:$0x1FD00] =	vst v63  }
0x66: {  	_ =	swait.ge [sflag:s13], $0x3400  }
0x67: {  	[sflag:s13] =	ssyncset.done $0x0  }
0x68: {  	[sflag:s13] =	ssyncadd.s32 $0xFFFFCC00  }
0x69: {  	[tilespmem:s19], [sflag:$0x1] =	stream.indirect.gather [hbm4b:s1+s18], $0x80, s23, s18, $0xb8;
	[tilespmem:$0x1FD00] =	vst v63  }
0x6a: {  	_ =	swait.ge [sflag:s22], $0x3400  }
0x6b: {  	[sflag:s22] =	ssyncset.done $0x0  }
0x6c: {  	[sflag:s22] =	ssyncadd.s32 $0xFFFFCC00  }
0x6d: {  	[spmem:s2] =	stream.indirect.scatter.add.f32 [tilespmem:s20], [sflag:$0x3], $0x80, s25, s18, $0xb8;
	[tilespmem:$0x1FD00] =	vst v63  }
0x6e: {  	_ =	swait.ge [sflag:s13], $0x3400  }
0x6f: {  	[sflag:s13] =	ssyncset.done $0x0  }
0x70: {  	[sflag:s13] =	ssyncadd.s32 $0xFFFFCC00  }
0x71: {  	_ =	swait.ge [sflag:s21], $0x3400  }
0x72: {  	[sflag:s21] =	ssyncset.done $0x0  }
0x73: {  	[sflag:s21] =	ssyncadd.s32 $0xFFFFCC00  }
0x74: {  	[bflag:$0x0] =	sbarrier.arrive $0xFFFF  }
0x75: {  	[hbm:s8], [sflag:s15] =	dma.local [spmem:s16], $0x2700  }
0x76: {  	_ =	swait.ge [sflag:s13], $0x2700  }
0x77: {  	s26 =	sadd.s32 $0x1, s26;
	[sflag:s13] =	ssyncset.done $0x0  }
0x78: {  	p1 =	sne.s32 s26, s10;
	s0 =	simm.s32 @!p0 $0x3;
	[sflag:s13] =	ssyncadd.s32 $0xFFFFD900  }
0x79: {  	[hbm:s9], [sflag:s15] =	dma.local @!p0 [spmem:s17], $0x100  }
.Ltmp2:
0x7a: {  	_ =	swait.ge @!p0 [sflag:s0], $0x100;
	(pc) =	sbr.rel @p1 .LBB2_1-.Ltmp2, $3  }
0x7b: {  	[sflag:s0] =	ssyncset.done @!p0 $0x0  }
0x7c: {  	[sflag:s0] =	ssyncadd.s32 @!p0 $0xFFFFFF00  }
0x7d: {  	[bflag:$0x0] =	sbarrier.arrive $0xFFFF;
	_ =	sdelay $0x1  }
0x7e: {  	_ =	sfence.sel $0x180000  }
0x7f: {  	[bflag:$0x0] =	sbarrier.arrive $0xFFFF  }
0x80: {  	_ =	strace $0x90000053  }
0x81: {  	[bflag:$0x2] =	sbarrier.arrive $0xFFFF  }
0x82: {  	s0 =	rddreg [dreg:$0x3]  }
0x83: {  	s0 =	sadd.s32 @!p0 $0x100000, s0  }
0x84: {  	[sflag:s0] =	ssyncadd.tile.s32 @!p0 $0x1;
	_ =	shalt  }
.Lfunc_end2:
_tile_overlayer_lowered:
.L_overlay_start_2:
0x85: {  	(tag) =	ssettag $0x2  }
0x86: {  	s0 =	rddreg [dreg:$0x0];
	s2 =	stileid.u32  }
0x87: {  	s1 =	rddreg [dreg:$0x1];
	p0 =	sne.s32 s2, $0x0  }
0x88: {  	s3 =	rddreg [dreg:$0x2];
	[bflag:$0x3] =	sbarrier.arrive $0xFFFF;
	s2 =	simm.s32 @!p0 $0x1C03  }
0x89: {  	[timem:s3], [sflag:s2] =	dma.local @!p0 [hbm:s0], s1  }
0x8a: {  	s0 =	simm.s32 @!p0 $0x3  }
0x8b: {  	_ =	swait.ge @!p0 [sflag:s0], s1  }
0x8c: {  	s1 =	ssub.s32 @!p0 $0x0, s1;
	[sflag:s0] =	ssyncset.done @!p0 $0x0  }
0x8d: {  	[sflag:s0] =	ssyncadd.s32 @!p0 s1  }
0x8e: {  	[bflag:$0x3] =	sbarrier.arrive $0xFFFF  }
0x8f: {  	_ =	shalt  }

</sc_bundles>
